<compile_context>
chip_gen: v7x
topology: tpu7x:2x2x1
jax: 0.10.2.dev20260603
libtpu: 0.0.44.dev20260713+nightly
codegen_flags: <defaults>
</compile_context>

<pallas_src>
import functools

import jax
import jax.numpy as jnp
from jax import lax
from jax.experimental import pallas as pl
from jax.experimental.pallas import tpu as pltpu
from jax.experimental.pallas import tpu_sc as plsc

N = 10000
E = 320000
NC, NS = 2, 16
NW = NC * NS
EPT = E // NW
K128 = 40
NB128 = 5
K16 = 100
NB16 = 10
RPT = 624
RTAIL = N - NS * RPT

_MESH = plsc.VectorSubcoreMesh(
    core_axis_name="c", subcore_axis_name="s", num_cores=NC, num_subcores=NS
)


def _sc_edge_aggregate(D, with_gather, K, NB):
    NCH = EPT // K
    NOUTER = NCH // NB
    assert NCH * K == EPT and NOUTER * NB == NCH
    ZCOPIES = RPT // K
    ZREM = RPT % K
    scratch = [
        pltpu.VMEM((NCH, K), jnp.int32),
        pltpu.VMEM((NCH, K), jnp.int32),
        [pltpu.VMEM((K, D), jnp.float32) for _ in range(NB)],
        pltpu.VMEM_SHARED((N, D), jnp.float32),
        [pltpu.SemaphoreType.DMA for _ in range(NB)],
        [pltpu.SemaphoreType.DMA for _ in range(NB)],
    ]
    if D == 128:
        out_type = [
            jax.ShapeDtypeStruct((N, 128), jnp.float32),
            jax.ShapeDtypeStruct((N, 128), jnp.float32),
        ]
    else:
        out_type = [jax.ShapeDtypeStruct((N, 128), jnp.float32)]

    @functools.partial(
        pl.kernel, out_type=out_type, mesh=_MESH, scratch_types=scratch,
        compiler_params=pltpu.CompilerParams(use_tc_tiling_on_sc=False),
    )
    def k(edge_hbm, table_hbm, *rest):
        if D == 128:
            out0, out1 = rest[0], rest[1]
            src_all, dst_all, rows, acc_sh, sem_g, sem_s = rest[2:]
        else:
            out0 = rest[0]
            src_all, dst_all, rows, acc_sh, sem_g, sem_s = rest[1:]
        c = lax.axis_index("c")
        s = lax.axis_index("s")
        wid = s * NC + c

        zeros = jnp.zeros((16,), jnp.float32)

        def zrow(i, carry):
            for j in range(D // 16):
                rows[0][i, pl.ds(j * 16, 16)] = zeros
            return carry

        lax.fori_loop(0, K, zrow, 0)

        def zinit(j, n):
            return pltpu.make_async_copy(
                rows[0].at[pl.ds(0, n)],
                acc_sh.at[pl.ds(s * RPT + j * K, n)], sem_s[j % NB])

        for j in range(ZCOPIES):
            zinit(j, K).start()
        pltpu.sync_copy(rows[0].at[pl.ds(0, ZREM)],
                        acc_sh.at[pl.ds(s * RPT + ZCOPIES * K, ZREM)])

        @pl.when(s == NS - 1)
        def _():
            pltpu.sync_copy(rows[0].at[pl.ds(0, RTAIL)],
                            acc_sh.at[pl.ds(NS * RPT, RTAIL)])

        pltpu.sync_copy(edge_hbm.at[1, wid], dst_all)
        if with_gather:
            pltpu.sync_copy(edge_hbm.at[0, wid], src_all)
        for j in range(ZCOPIES):
            zinit(j, K).wait()

        if not with_gather:
            ones = jnp.ones((16,), jnp.float32)

            def orow(i, carry):
                for b in range(NB):
                    for j in range(D // 16):
                        rows[b][i, pl.ds(j * 16, 16)] = ones
                return carry

            lax.fori_loop(0, K, orow, 0)

        plsc.subcore_barrier()

        def gather_start(b, g):
            pltpu.async_copy(table_hbm.at[src_all.at[g]], rows[b], sem_g[b])

        def gather_wait(b, g):
            pltpu.make_async_copy(
                table_hbm.at[src_all.at[g]], rows[b], sem_g[b]).wait()

        def scatter_start(b, g):
            pltpu.async_copy(rows[b], acc_sh.at[dst_all.at[g]], sem_s[b],
                             add=True)

        def scatter_wait(b, g):
            pltpu.make_async_copy(
                rows[b], acc_sh.at[dst_all.at[g]], sem_s[b]).wait()

        if with_gather:
            for b in range(NB):
                gather_start(b, b)

            def body(t, carry):
                for b in range(NB):
                    g = t * NB + b
                    gather_wait(b, g)
                    scatter_start(b, g)

                    @pl.when(g + NB < NCH)
                    def _():
                        scatter_wait(b, g)
                        gather_start(b, g + NB)
                return carry

            lax.fori_loop(0, NOUTER, body, 0)
            for b in range(NB):
                scatter_wait(b, NCH - NB + b)
        else:
            def body(t, carry):
                for b in range(NB):
                    g = t * NB + b

                    @pl.when(t > 0)
                    def _():
                        scatter_wait(b, g)
                    scatter_start(b, g)
                return carry

            lax.fori_loop(0, NOUTER, body, 0)
            for b in range(NB):
                scatter_wait(b, NCH - NB + b)

        plsc.subcore_barrier()

        if D == 128:
            @pl.when(c == 0)
            def _():
                pltpu.sync_copy(acc_sh.at[pl.ds(s * RPT, RPT)],
                                out0.at[pl.ds(s * RPT, RPT)])

                @pl.when(s == NS - 1)
                def _():
                    pltpu.sync_copy(acc_sh.at[pl.ds(NS * RPT, RTAIL)],
                                    out0.at[pl.ds(NS * RPT, RTAIL)])

            @pl.when(c == 1)
            def _():
                pltpu.sync_copy(acc_sh.at[pl.ds(s * RPT, RPT)],
                                out1.at[pl.ds(s * RPT, RPT)])

                @pl.when(s == NS - 1)
                def _():
                    pltpu.sync_copy(acc_sh.at[pl.ds(NS * RPT, RTAIL)],
                                    out1.at[pl.ds(NS * RPT, RTAIL)])
        else:
            @pl.when(c == 0)
            def _():
                pltpu.sync_copy(acc_sh.at[pl.ds(s * RPT, RPT)],
                                out0.at[pl.ds(s * RPT, RPT), pl.ds(0, D)])

                @pl.when(s == NS - 1)
                def _():
                    pltpu.sync_copy(
                        acc_sh.at[pl.ds(NS * RPT, RTAIL)],
                        out0.at[pl.ds(NS * RPT, RTAIL), pl.ds(0, D)])

            @pl.when(c == 1)
            def _():
                pltpu.sync_copy(acc_sh.at[pl.ds(s * RPT, RPT)],
                                out0.at[pl.ds(s * RPT, RPT), pl.ds(D, D)])

                @pl.when(s == NS - 1)
                def _():
                    pltpu.sync_copy(
                        acc_sh.at[pl.ds(NS * RPT, RTAIL)],
                        out0.at[pl.ds(NS * RPT, RTAIL), pl.ds(D, D)])

    return k


_agg128 = _sc_edge_aggregate(128, True, K128, NB128)
_agg16 = _sc_edge_aggregate(16, True, K16, NB16)
_hist16 = _sc_edge_aggregate(16, False, K16, NB16)



_RB = 2000


def _tc_stage1(cnt, x, W1):
    def body(c_ref, x_ref, w_ref, hs_ref, dinv_ref):
        deg = c_ref[:, 0:1] + c_ref[:, 16:17] + 1.0
        dinv = lax.rsqrt(deg)
        h = jnp.dot(x_ref[...], w_ref[...], preferred_element_type=jnp.float32)
        hs_ref[...] = h * dinv
        dinv_ref[...] = dinv

    grid = (N // _RB,)
    return pl.pallas_call(
        body,
        grid=grid,
        in_specs=[
            pl.BlockSpec((_RB, 128), lambda i: (i, 0)),
            pl.BlockSpec((_RB, 128), lambda i: (i, 0)),
            pl.BlockSpec((128, 128), lambda i: (0, 0)),
        ],
        out_specs=[
            pl.BlockSpec((_RB, 128), lambda i: (i, 0)),
            pl.BlockSpec((_RB, 1), lambda i: (i, 0)),
        ],
        out_shape=[
            jax.ShapeDtypeStruct((N, 128), jnp.float32),
            jax.ShapeDtypeStruct((N, 1), jnp.float32),
        ],
    )(cnt, x, W1)


def _tc_stage2(p0, p1, hs1, dinv, b1, W2, Wc):
    def body(p0_ref, p1_ref, hs_ref, dinv_ref, b1_ref, w2_ref, wc_ref, out_ref):
        dinv = dinv_ref[...]
        y = (p0_ref[...] + p1_ref[...] + hs_ref[...]) * dinv + b1_ref[...]
        y = jnp.maximum(y, 0.0)
        h2 = jnp.dot(
            jnp.dot(y, w2_ref[...], preferred_element_type=jnp.float32),
            wc_ref[...], preferred_element_type=jnp.float32)
        hs2 = h2 * dinv
        out_ref[...] = jnp.pad(hs2, ((0, 0), (0, 14)))

    grid = (N // _RB,)
    return pl.pallas_call(
        body,
        grid=grid,
        in_specs=[
            pl.BlockSpec((_RB, 128), lambda i: (i, 0)),
            pl.BlockSpec((_RB, 128), lambda i: (i, 0)),
            pl.BlockSpec((_RB, 128), lambda i: (i, 0)),
            pl.BlockSpec((_RB, 1), lambda i: (i, 0)),
            pl.BlockSpec((1, 128), lambda i: (0, 0)),
            pl.BlockSpec((128, 64), lambda i: (0, 0)),
            pl.BlockSpec((64, 2), lambda i: (0, 0)),
        ],
        out_specs=pl.BlockSpec((_RB, 16), lambda i: (i, 0)),
        out_shape=jax.ShapeDtypeStruct((N, 16), jnp.float32),
    )(p0, p1, hs1, dinv, b1, W2, Wc)


def _tc_stage3(q, hs2p, dinv, b2, Wc, bc):
    def body(q_ref, hs_ref, dinv_ref, b2_ref, wc_ref, bc_ref, out_ref):
        agg = ((q_ref[:, 0:8] + q_ref[:, 16:24] + hs_ref[:, 0:8])
               * dinv_ref[...])
        b2c = jnp.dot(b2_ref[...], wc_ref[...],
                      preferred_element_type=jnp.float32) + bc_ref[...]
        out_ref[...] = agg[:, 0:2] + b2c

    grid = (N // _RB,)
    return pl.pallas_call(
        body,
        grid=grid,
        in_specs=[
            pl.BlockSpec((_RB, 128), lambda i: (i, 0)),
            pl.BlockSpec((_RB, 16), lambda i: (i, 0)),
            pl.BlockSpec((_RB, 1), lambda i: (i, 0)),
            pl.BlockSpec((1, 64), lambda i: (0, 0)),
            pl.BlockSpec((64, 2), lambda i: (0, 0)),
            pl.BlockSpec((1, 2), lambda i: (0, 0)),
        ],
        out_specs=pl.BlockSpec((_RB, 2), lambda i: (i, 0)),
        out_shape=jax.ShapeDtypeStruct((N, 2), jnp.float32),
    )(q, hs2p, dinv, b2, Wc, bc)


def _unwrap(res):
    return res[0] if isinstance(res, (list, tuple)) else res


def kernel(x, edge_index, W1, b1, W2, b2, Wc, bc):
    ei = edge_index.astype(jnp.int32)
    edge1 = ei.reshape(2, NW, EPT // K128, K128)
    edge2 = ei.reshape(2, NW, EPT // K16, K16)

    cnt = _unwrap(_hist16(edge2, x))

    hs1, dinv = _tc_stage1(cnt, x, W1)
    p0, p1 = _agg128(edge1, hs1)
    hs2p = _tc_stage2(p0, p1, hs1, dinv, b1.reshape(1, 128), W2, Wc)
    q = _unwrap(_agg16(edge2, hs2p))
    out = _tc_stage3(q, hs2p, dinv, b2.reshape(1, 64), Wc,
                     bc.reshape(1, 2))
    return out

# --- scband reference (transcript-rebuilt; emitter-appended) ---
"""Pipeline reference for scband-gnnmodel-78194174591377 (READ-ONLY COPY).

The authoritative reference and input builder live on the scoring server;
editing this copy changes nothing except your own understanding.
"""

import jax, jax.numpy as jnp
import numpy as np

N_NODES = 10000


def gcn_conv(x, edge_index, W, b, n_nodes):
    # PyG GCNConv semantics: add self-loops, symmetric normalization,
    # linear transform, scatter-add aggregation, bias.
    src = edge_index[0]
    dst = edge_index[1]
    loop = jnp.arange(n_nodes, dtype=src.dtype)
    src = jnp.concatenate([src, loop])
    dst = jnp.concatenate([dst, loop])
    deg = jax.ops.segment_sum(jnp.ones_like(dst, dtype=x.dtype), dst, num_segments=n_nodes)
    dinv = jnp.where(deg > 0, 1.0 / jnp.sqrt(deg), 0.0)
    norm = dinv[src] * dinv[dst]
    h = x @ W
    msg = h[src] * norm[:, None]
    out = jax.ops.segment_sum(msg, dst, num_segments=n_nodes)
    return out + b


def setup_inputs(seed: int = 0) -> dict:
    key = jax.random.key(seed)
    k1, k2, k3, k4, k5 = jax.random.split(key, 5)
    x = jax.random.normal(k1, (N_NODES, 128), dtype=jnp.float32)
    edge_index = jax.random.randint(k2, (2, 320000), 0, N_NODES, dtype=jnp.int64)
    W1 = jax.random.normal(k3, (128, 128), dtype=jnp.float32) * 0.05
    b1 = jnp.zeros((128,), dtype=jnp.float32)
    W2 = jax.random.normal(k4, (128, 64), dtype=jnp.float32) * 0.05
    b2 = jnp.zeros((64,), dtype=jnp.float32)
    Wc = jax.random.normal(k5, (64, 2), dtype=jnp.float32) * 0.05
    bc = jnp.zeros((2,), dtype=jnp.float32)
    return {"x": x, "edge_index": edge_index, "W1": W1, "b1": b1, "W2": W2, "b2": b2, "Wc": Wc, "bc": bc}


def reference(x, edge_index, W1, b1, W2, b2, Wc, bc):
    h = gcn_conv(x, edge_index, W1, b1, N_NODES)
    h = jax.nn.relu(h)
    # F.dropout(training=self.training) is identity in eval mode
    h = gcn_conv(h, edge_index, W2, b2, N_NODES)
    out = h @ Wc + bc
    return out

if __name__ == "__main__":
    import jax
    _d = setup_inputs()
    print(jax.jit(kernel)(*tuple(_d.values())))

</pallas_src>

<mosaic_0001>
#map = affine_map<(d0, d1) -> (0, 0, 0, 0)>
#map1 = affine_map<(d0, d1) -> (0, 0)>
module attributes {stable_mosaic.version = 14 : i64} {
  func.func @k(%arg0: i32, %arg1: i32, %arg2: memref<2x32x100x100xi32, #tpu.memory_space<hbm>>, %arg3: memref<10000x128xf32, #tpu.memory_space<hbm>>, %arg4: memref<10000x128xf32, #tpu.memory_space<hbm>>, %arg5: memref<100x100xi32, #tpu.memory_space<vmem>>, %arg6: memref<100x100xi32, #tpu.memory_space<vmem>>, %arg7: memref<100x16xf32, #tpu.memory_space<vmem>>, %arg8: memref<100x16xf32, #tpu.memory_space<vmem>>, %arg9: memref<100x16xf32, #tpu.memory_space<vmem>>, %arg10: memref<100x16xf32, #tpu.memory_space<vmem>>, %arg11: memref<100x16xf32, #tpu.memory_space<vmem>>, %arg12: memref<100x16xf32, #tpu.memory_space<vmem>>, %arg13: memref<100x16xf32, #tpu.memory_space<vmem>>, %arg14: memref<100x16xf32, #tpu.memory_space<vmem>>, %arg15: memref<100x16xf32, #tpu.memory_space<vmem>>, %arg16: memref<100x16xf32, #tpu.memory_space<vmem>>, %arg17: memref<10000x16xf32, #tpu.memory_space<vmem_shared>>, %arg18: memref<!tpu.dma_semaphore, #tpu.memory_space<semaphore_mem>>, %arg19: memref<!tpu.dma_semaphore, #tpu.memory_space<semaphore_mem>>, %arg20: memref<!tpu.dma_semaphore, #tpu.memory_space<semaphore_mem>>, %arg21: memref<!tpu.dma_semaphore, #tpu.memory_space<semaphore_mem>>, %arg22: memref<!tpu.dma_semaphore, #tpu.memory_space<semaphore_mem>>, %arg23: memref<!tpu.dma_semaphore, #tpu.memory_space<semaphore_mem>>, %arg24: memref<!tpu.dma_semaphore, #tpu.memory_space<semaphore_mem>>, %arg25: memref<!tpu.dma_semaphore, #tpu.memory_space<semaphore_mem>>, %arg26: memref<!tpu.dma_semaphore, #tpu.memory_space<semaphore_mem>>, %arg27: memref<!tpu.dma_semaphore, #tpu.memory_space<semaphore_mem>>, %arg28: memref<!tpu.dma_semaphore, #tpu.memory_space<semaphore_mem>>, %arg29: memref<!tpu.dma_semaphore, #tpu.memory_space<semaphore_mem>>, %arg30: memref<!tpu.dma_semaphore, #tpu.memory_space<semaphore_mem>>, %arg31: memref<!tpu.dma_semaphore, #tpu.memory_space<semaphore_mem>>, %arg32: memref<!tpu.dma_semaphore, #tpu.memory_space<semaphore_mem>>, %arg33: memref<!tpu.dma_semaphore, #tpu.memory_space<semaphore_mem>>, %arg34: memref<!tpu.dma_semaphore, #tpu.memory_space<semaphore_mem>>, %arg35: memref<!tpu.dma_semaphore, #tpu.memory_space<semaphore_mem>>, %arg36: memref<!tpu.dma_semaphore, #tpu.memory_space<semaphore_mem>>, %arg37: memref<!tpu.dma_semaphore, #tpu.memory_space<semaphore_mem>>) attributes {dimension_semantics = [#tpu.dimension_semantics<core_parallel>, #tpu.dimension_semantics<subcore_parallel>], iteration_bounds = array<i64: 2, 16>, scalar_prefetch = 0 : i64, scratch_operands = 33 : i64, tpu.core_type = #tpu.core_type<sc_vector_subcore>, window_params = [{transform_indices = #map}, {transform_indices = #map1}, {transform_indices = #map1}]} {
    %mul3A = arith.constant 2 : i32
    %mul3A_0 = arith.muli %arg1, %mul3A : i32
    %add3A = arith.addi %mul3A_0, %arg0 : i32
    %broadcast_in_dim3A = arith.constant 0.000000e+00 : f32
    %broadcast_in_dim3A_1 = vector.broadcast %broadcast_in_dim3A : f32 to vector<16xf32>
    %scan3A = arith.constant 0 : i32
    %scan3A_2 = arith.constant 0 : i32
    %scan3A_3 = arith.constant 100 : i32
    %scan3A_4 = arith.addi %scan3A_2, %scan3A_3 : i32
    %scan3A_5 = arith.constant 1 : i32
    scf.for %scan3A_274 = %scan3A_2 to %scan3A_4 step %scan3A_5  : i32 {
      %swap3A = arith.index_cast %scan3A_274 : i32 to index
      %swap3A_275 = arith.constant 0 : index
      %swap3A_276 = tpu.vector_load %arg7[%swap3A, %swap3A_275] {strides = array<i32>} : memref<100x16xf32, #tpu.memory_space<vmem>>, vector<1x16xf32>,
      %swap3A_277 = vector.shape_cast %swap3A_276 : vector<1x16xf32> to vector<16xf32>
      %swap3A_278 = vector.shape_cast %broadcast_in_dim3A_1 : vector<16xf32> to vector<1x16xf32>
      tpu.vector_store %arg7[%swap3A, %swap3A_275], %swap3A_278 {strides = array<i32>} : memref<100x16xf32, #tpu.memory_space<vmem>>, vector<1x16xf32>,
    }
    %scan3A_6 = arith.constant 100 : i32
    %mul3A_7 = arith.constant 624 : i32
    %mul3A_8 = arith.muli %arg1, %mul3A_7 : i32
    %add3A_9 = arith.constant 0 : i32
    %add3A_10 = arith.addi %mul3A_8, %add3A_9 : i32
    %dma_start3A = arith.constant 0 : i32
    %dma_start3A_11 = arith.constant 0 : i32
    %dma_start3A_12 = tpu.memref_slice %arg7[%dma_start3A, %dma_start3A_11] : memref<100x16xf32, #tpu.memory_space<vmem>> -> memref<100x16xf32, #tpu.memory_space<vmem>>
    %dma_start3A_13 = arith.constant 0 : i32
    %dma_start3A_14 = tpu.memref_slice %arg17[%add3A_10, %dma_start3A_13] : memref<10000x16xf32, #tpu.memory_space<vmem_shared>> -> memref<100x16xf32, #tpu.memory_space<vmem_shared>>
    %dma_start3A_15 = arith.constant 0 : i32
    %dma_start3A_16 = tpu.memref_slice %arg17[%add3A_10, %dma_start3A_15] : memref<10000x16xf32, #tpu.memory_space<vmem_shared>> -> memref<100x16xf32, #tpu.memory_space<vmem_shared>>
    %dma_start3A_17 = arith.constant 0 : i32
    %dma_start3A_18 = arith.constant 0 : i32
    %dma_start3A_19 = tpu.memref_slice %arg7[%dma_start3A_17, %dma_start3A_18] : memref<100x16xf32, #tpu.memory_space<vmem>> -> memref<100x16xf32, #tpu.memory_space<vmem>>
    tpu.enqueue_dma source(%dma_start3A_19 : memref<100x16xf32, #tpu.memory_space<vmem>>) target(%dma_start3A_16 : memref<100x16xf32, #tpu.memory_space<vmem_shared>>) target_semaphore(%arg28 : memref<!tpu.dma_semaphore, #tpu.memory_space<semaphore_mem>>)
    %mul3A_20 = arith.constant 624 : i32
    %mul3A_21 = arith.muli %arg1, %mul3A_20 : i32
    %add3A_22 = arith.constant 100 : i32
    %add3A_23 = arith.addi %mul3A_21, %add3A_22 : i32
    %dma_start3A_24 = arith.constant 0 : i32
    %dma_start3A_25 = arith.constant 0 : i32
    %dma_start3A_26 = tpu.memref_slice %arg7[%dma_start3A_24, %dma_start3A_25] : memref<100x16xf32, #tpu.memory_space<vmem>> -> memref<100x16xf32, #tpu.memory_space<vmem>>
    %dma_start3A_27 = arith.constant 0 : i32
    %dma_start3A_28 = tpu.memref_slice %arg17[%add3A_23, %dma_start3A_27] : memref<10000x16xf32, #tpu.memory_space<vmem_shared>> -> memref<100x16xf32, #tpu.memory_space<vmem_shared>>
    %dma_start3A_29 = arith.constant 0 : i32
    %dma_start3A_30 = tpu.memref_slice %arg17[%add3A_23, %dma_start3A_29] : memref<10000x16xf32, #tpu.memory_space<vmem_shared>> -> memref<100x16xf32, #tpu.memory_space<vmem_shared>>
    %dma_start3A_31 = arith.constant 0 : i32
    %dma_start3A_32 = arith.constant 0 : i32
    %dma_start3A_33 = tpu.memref_slice %arg7[%dma_start3A_31, %dma_start3A_32] : memref<100x16xf32, #tpu.memory_space<vmem>> -> memref<100x16xf32, #tpu.memory_space<vmem>>
    tpu.enqueue_dma source(%dma_start3A_33 : memref<100x16xf32, #tpu.memory_space<vmem>>) target(%dma_start3A_30 : memref<100x16xf32, #tpu.memory_space<vmem_shared>>) target_semaphore(%arg29 : memref<!tpu.dma_semaphore, #tpu.memory_space<semaphore_mem>>)
    %mul3A_34 = arith.constant 624 : i32
    %mul3A_35 = arith.muli %arg1, %mul3A_34 : i32
    %add3A_36 = arith.constant 200 : i32
    %add3A_37 = arith.addi %mul3A_35, %add3A_36 : i32
    %dma_start3A_38 = arith.constant 0 : i32
    %dma_start3A_39 = arith.constant 0 : i32
    %dma_start3A_40 = tpu.memref_slice %arg7[%dma_start3A_38, %dma_start3A_39] : memref<100x16xf32, #tpu.memory_space<vmem>> -> memref<100x16xf32, #tpu.memory_space<vmem>>
    %dma_start3A_41 = arith.constant 0 : i32
    %dma_start3A_42 = tpu.memref_slice %arg17[%add3A_37, %dma_start3A_41] : memref<10000x16xf32, #tpu.memory_space<vmem_shared>> -> memref<100x16xf32, #tpu.memory_space<vmem_shared>>
    %dma_start3A_43 = arith.constant 0 : i32
    %dma_start3A_44 = tpu.memref_slice %arg17[%add3A_37, %dma_start3A_43] : memref<10000x16xf32, #tpu.memory_space<vmem_shared>> -> memref<100x16xf32, #tpu.memory_space<vmem_shared>>
    %dma_start3A_45 = arith.constant 0 : i32
    %dma_start3A_46 = arith.constant 0 : i32
    %dma_start3A_47 = tpu.memref_slice %arg7[%dma_start3A_45, %dma_start3A_46] : memref<100x16xf32, #tpu.memory_space<vmem>> -> memref<100x16xf32, #tpu.memory_space<vmem>>
    tpu.enqueue_dma source(%dma_start3A_47 : memref<100x16xf32, #tpu.memory_space<vmem>>) target(%dma_start3A_44 : memref<100x16xf32, #tpu.memory_space<vmem_shared>>) target_semaphore(%arg30 : memref<!tpu.dma_semaphore, #tpu.memory_space<semaphore_mem>>)
    %mul3A_48 = arith.constant 624 : i32
    %mul3A_49 = arith.muli %arg1, %mul3A_48 : i32
    %add3A_50 = arith.constant 300 : i32
    %add3A_51 = arith.addi %mul3A_49, %add3A_50 : i32
    %dma_start3A_52 = arith.constant 0 : i32
    %dma_start3A_53 = arith.constant 0 : i32
    %dma_start3A_54 = tpu.memref_slice %arg7[%dma_start3A_52, %dma_start3A_53] : memref<100x16xf32, #tpu.memory_space<vmem>> -> memref<100x16xf32, #tpu.memory_space<vmem>>
    %dma_start3A_55 = arith.constant 0 : i32
    %dma_start3A_56 = tpu.memref_slice %arg17[%add3A_51, %dma_start3A_55] : memref<10000x16xf32, #tpu.memory_space<vmem_shared>> -> memref<100x16xf32, #tpu.memory_space<vmem_shared>>
    %dma_start3A_57 = arith.constant 0 : i32
    %dma_start3A_58 = tpu.memref_slice %arg17[%add3A_51, %dma_start3A_57] : memref<10000x16xf32, #tpu.memory_space<vmem_shared>> -> memref<100x16xf32, #tpu.memory_space<vmem_shared>>
    %dma_start3A_59 = arith.constant 0 : i32
    %dma_start3A_60 = arith.constant 0 : i32
    %dma_start3A_61 = tpu.memref_slice %arg7[%dma_start3A_59, %dma_start3A_60] : memref<100x16xf32, #tpu.memory_space<vmem>> -> memref<100x16xf32, #tpu.memory_space<vmem>>
    tpu.enqueue_dma source(%dma_start3A_61 : memref<100x16xf32, #tpu.memory_space<vmem>>) target(%dma_start3A_58 : memref<100x16xf32, #tpu.memory_space<vmem_shared>>) target_semaphore(%arg31 : memref<!tpu.dma_semaphore, #tpu.memory_space<semaphore_mem>>)
    %mul3A_62 = arith.constant 624 : i32
    %mul3A_63 = arith.muli %arg1, %mul3A_62 : i32
    %add3A_64 = arith.constant 400 : i32
    %add3A_65 = arith.addi %mul3A_63, %add3A_64 : i32
    %dma_start3A_66 = arith.constant 0 : i32
    %dma_start3A_67 = arith.constant 0 : i32
    %dma_start3A_68 = tpu.memref_slice %arg7[%dma_start3A_66, %dma_start3A_67] : memref<100x16xf32, #tpu.memory_space<vmem>> -> memref<100x16xf32, #tpu.memory_space<vmem>>
    %dma_start3A_69 = arith.constant 0 : i32
    %dma_start3A_70 = tpu.memref_slice %arg17[%add3A_65, %dma_start3A_69] : memref<10000x16xf32, #tpu.memory_space<vmem_shared>> -> memref<100x16xf32, #tpu.memory_space<vmem_shared>>
    %dma_start3A_71 = arith.constant 0 : i32
    %dma_start3A_72 = tpu.memref_slice %arg17[%add3A_65, %dma_start3A_71] : memref<10000x16xf32, #tpu.memory_space<vmem_shared>> -> memref<100x16xf32, #tpu.memory_space<vmem_shared>>
    %dma_start3A_73 = arith.constant 0 : i32
    %dma_start3A_74 = arith.constant 0 : i32
    %dma_start3A_75 = tpu.memref_slice %arg7[%dma_start3A_73, %dma_start3A_74] : memref<100x16xf32, #tpu.memory_space<vmem>> -> memref<100x16xf32, #tpu.memory_space<vmem>>
    tpu.enqueue_dma source(%dma_start3A_75 : memref<100x16xf32, #tpu.memory_space<vmem>>) target(%dma_start3A_72 : memref<100x16xf32, #tpu.memory_space<vmem_shared>>) target_semaphore(%arg32 : memref<!tpu.dma_semaphore, #tpu.memory_space<semaphore_mem>>)
    %mul3A_76 = arith.constant 624 : i32
    %mul3A_77 = arith.muli %arg1, %mul3A_76 : i32
    %add3A_78 = arith.constant 500 : i32
    %add3A_79 = arith.addi %mul3A_77, %add3A_78 : i32
    %dma_start3A_80 = arith.constant 0 : i32
    %dma_start3A_81 = arith.constant 0 : i32
    %dma_start3A_82 = tpu.memref_slice %arg7[%dma_start3A_80, %dma_start3A_81] : memref<100x16xf32, #tpu.memory_space<vmem>> -> memref<100x16xf32, #tpu.memory_space<vmem>>
    %dma_start3A_83 = arith.constant 0 : i32
    %dma_start3A_84 = tpu.memref_slice %arg17[%add3A_79, %dma_start3A_83] : memref<10000x16xf32, #tpu.memory_space<vmem_shared>> -> memref<100x16xf32, #tpu.memory_space<vmem_shared>>
    %dma_start3A_85 = arith.constant 0 : i32
    %dma_start3A_86 = tpu.memref_slice %arg17[%add3A_79, %dma_start3A_85] : memref<10000x16xf32, #tpu.memory_space<vmem_shared>> -> memref<100x16xf32, #tpu.memory_space<vmem_shared>>
    %dma_start3A_87 = arith.constant 0 : i32
    %dma_start3A_88 = arith.constant 0 : i32
    %dma_start3A_89 = tpu.memref_slice %arg7[%dma_start3A_87, %dma_start3A_88] : memref<100x16xf32, #tpu.memory_space<vmem>> -> memref<100x16xf32, #tpu.memory_space<vmem>>
    tpu.enqueue_dma source(%dma_start3A_89 : memref<100x16xf32, #tpu.memory_space<vmem>>) target(%dma_start3A_86 : memref<100x16xf32, #tpu.memory_space<vmem_shared>>) target_semaphore(%arg33 : memref<!tpu.dma_semaphore, #tpu.memory_space<semaphore_mem>>)
    %mul3A_90 = arith.constant 624 : i32
    %mul3A_91 = arith.muli %arg1, %mul3A_90 : i32
    %add3A_92 = arith.constant 600 : i32
    %add3A_93 = arith.addi %mul3A_91, %add3A_92 : i32
    "tpu.region"() ({
      %run_scoped3A_274 = tpu.sem_alloc : memref<!tpu.dma_semaphore, #tpu.memory_space<semaphore_mem>>
      %dma_start3A_275 = arith.constant 0 : i32
      %dma_start3A_276 = arith.constant 0 : i32
      %dma_start3A_277 = tpu.memref_slice %arg7[%dma_start3A_275, %dma_start3A_276] : memref<100x16xf32, #tpu.memory_space<vmem>> -> memref<24x16xf32, #tpu.memory_space<vmem>>
      %dma_start3A_278 = arith.constant 0 : i32
      %dma_start3A_279 = tpu.memref_slice %arg17[%add3A_93, %dma_start3A_278] : memref<10000x16xf32, #tpu.memory_space<vmem_shared>> -> memref<24x16xf32, #tpu.memory_space<vmem_shared>>
      %dma_start3A_280 = arith.constant 0 : i32
      %dma_start3A_281 = tpu.memref_slice %arg17[%add3A_93, %dma_start3A_280] : memref<10000x16xf32, #tpu.memory_space<vmem_shared>> -> memref<24x16xf32, #tpu.memory_space<vmem_shared>>
      %dma_start3A_282 = arith.constant 0 : i32
      %dma_start3A_283 = arith.constant 0 : i32
      %dma_start3A_284 = tpu.memref_slice %arg7[%dma_start3A_282, %dma_start3A_283] : memref<100x16xf32, #tpu.memory_space<vmem>> -> memref<24x16xf32, #tpu.memory_space<vmem>>
      tpu.enqueue_dma source(%dma_start3A_284 : memref<24x16xf32, #tpu.memory_space<vmem>>) target(%dma_start3A_281 : memref<24x16xf32, #tpu.memory_space<vmem_shared>>) target_semaphore(%run_scoped3A_274 : memref<!tpu.dma_semaphore, #tpu.memory_space<semaphore_mem>>)
      %dma_wait3A_285 = arith.constant 0 : i32
      %dma_wait3A_286 = arith.constant 0 : i32
      %dma_wait3A_287 = tpu.memref_slice %arg7[%dma_wait3A_285, %dma_wait3A_286] : memref<100x16xf32, #tpu.memory_space<vmem>> -> memref<24x16xf32, #tpu.memory_space<vmem>>
      %dma_wait3A_288 = arith.constant 0 : i32
      %dma_wait3A_289 = tpu.memref_slice %arg17[%add3A_93, %dma_wait3A_288] : memref<10000x16xf32, #tpu.memory_space<vmem_shared>> -> memref<24x16xf32, #tpu.memory_space<vmem_shared>>
      %dma_wait3A_290 = arith.constant 0 : i32
      %dma_wait3A_291 = tpu.memref_slice %arg17[%add3A_93, %dma_wait3A_290] : memref<10000x16xf32, #tpu.memory_space<vmem_shared>> -> memref<24x16xf32, #tpu.memory_space<vmem_shared>>
      %dma_wait3A_292 = arith.constant 0 : i32
      %dma_wait3A_293 = arith.constant 0 : i32
      %dma_wait3A_294 = tpu.memref_slice %arg7[%dma_wait3A_292, %dma_wait3A_293] : memref<100x16xf32, #tpu.memory_space<vmem>> -> memref<24x16xf32, #tpu.memory_space<vmem>>
      tpu.wait_dma2 semaphore(%run_scoped3A_274 : memref<!tpu.dma_semaphore, #tpu.memory_space<semaphore_mem>>) src(%dma_wait3A_294 : memref<24x16xf32, #tpu.memory_space<vmem>>) dst(%dma_wait3A_291 : memref<24x16xf32, #tpu.memory_space<vmem_shared>>)
      tpu.yield
    }) : () -> ()
    %eq3A = arith.constant 15 : i32
    %eq3A_94 = arith.cmpi eq, %arg1, %eq3A : i32
    %convert_element_type3A = arith.extui %eq3A_94 : i1 to i32
    %cond3A = arith.constant 0 : i32
    %cond3A_95 = arith.cmpi ne, %convert_element_type3A, %cond3A : i32
    scf.if %cond3A_95 {
      "tpu.region"() ({
        %run_scoped3A_274 = tpu.sem_alloc : memref<!tpu.dma_semaphore, #tpu.memory_space<semaphore_mem>>
        %dma_start3A_275 = arith.constant 0 : i32
        %dma_start3A_276 = arith.constant 0 : i32
        %dma_start3A_277 = tpu.memref_slice %arg7[%dma_start3A_275, %dma_start3A_276] : memref<100x16xf32, #tpu.memory_space<vmem>> -> memref<16x16xf32, #tpu.memory_space<vmem>>
        %dma_start3A_278 = arith.constant 9984 : i32
        %dma_start3A_279 = arith.constant 0 : i32
        %dma_start3A_280 = tpu.memref_slice %arg17[%dma_start3A_278, %dma_start3A_279] : memref<10000x16xf32, #tpu.memory_space<vmem_shared>> -> memref<16x16xf32, #tpu.memory_space<vmem_shared>>
        %dma_start3A_281 = arith.constant 9984 : i32
        %dma_start3A_282 = arith.constant 0 : i32
        %dma_start3A_283 = tpu.memref_slice %arg17[%dma_start3A_281, %dma_start3A_282] : memref<10000x16xf32, #tpu.memory_space<vmem_shared>> -> memref<16x16xf32, #tpu.memory_space<vmem_shared>>
        %dma_start3A_284 = arith.constant 0 : i32
        %dma_start3A_285 = arith.constant 0 : i32
        %dma_start3A_286 = tpu.memref_slice %arg7[%dma_start3A_284, %dma_start3A_285] : memref<100x16xf32, #tpu.memory_space<vmem>> -> memref<16x16xf32, #tpu.memory_space<vmem>>
        tpu.enqueue_dma source(%dma_start3A_286 : memref<16x16xf32, #tpu.memory_space<vmem>>) target(%dma_start3A_283 : memref<16x16xf32, #tpu.memory_space<vmem_shared>>) target_semaphore(%run_scoped3A_274 : memref<!tpu.dma_semaphore, #tpu.memory_space<semaphore_mem>>)
        %dma_wait3A_287 = arith.constant 0 : i32
        %dma_wait3A_288 = arith.constant 0 : i32
        %dma_wait3A_289 = tpu.memref_slice %arg7[%dma_wait3A_287, %dma_wait3A_288] : memref<100x16xf32, #tpu.memory_space<vmem>> -> memref<16x16xf32, #tpu.memory_space<vmem>>
        %dma_wait3A_290 = arith.constant 9984 : i32
        %dma_wait3A_291 = arith.constant 0 : i32
        %dma_wait3A_292 = tpu.memref_slice %arg17[%dma_wait3A_290, %dma_wait3A_291] : memref<10000x16xf32, #tpu.memory_space<vmem_shared>> -> memref<16x16xf32, #tpu.memory_space<vmem_shared>>
        %dma_wait3A_293 = arith.constant 9984 : i32
        %dma_wait3A_294 = arith.constant 0 : i32
        %dma_wait3A_295 = tpu.memref_slice %arg17[%dma_wait3A_293, %dma_wait3A_294] : memref<10000x16xf32, #tpu.memory_space<vmem_shared>> -> memref<16x16xf32, #tpu.memory_space<vmem_shared>>
        %dma_wait3A_296 = arith.constant 0 : i32
        %dma_wait3A_297 = arith.constant 0 : i32
        %dma_wait3A_298 = tpu.memref_slice %arg7[%dma_wait3A_296, %dma_wait3A_297] : memref<100x16xf32, #tpu.memory_space<vmem>> -> memref<16x16xf32, #tpu.memory_space<vmem>>
        tpu.wait_dma2 semaphore(%run_scoped3A_274 : memref<!tpu.dma_semaphore, #tpu.memory_space<semaphore_mem>>) src(%dma_wait3A_298 : memref<16x16xf32, #tpu.memory_space<vmem>>) dst(%dma_wait3A_295 : memref<16x16xf32, #tpu.memory_space<vmem_shared>>)
        tpu.yield
      }) : () -> ()
    } else {
    }
    %run_scoped3A = arith.constant 1 : i32
    "tpu.region"() ({
      %run_scoped3A_274 = tpu.sem_alloc : memref<!tpu.dma_semaphore, #tpu.memory_space<semaphore_mem>>
      %dma_start3A_275 = arith.constant 0 : i32
      %dma_start3A_276 = arith.constant 0 : i32
      %dma_start3A_277 = tpu.memref_slice %arg2[%run_scoped3A, %add3A, %dma_start3A_275, %dma_start3A_276] : memref<2x32x100x100xi32, #tpu.memory_space<hbm>> -> memref<1x1x100x100xi32, #tpu.memory_space<hbm>>
      %dma_start3A_278 = tpu.memref_squeeze %dma_start3A_277 : memref<1x1x100x100xi32, #tpu.memory_space<hbm>> -> memref<100x100xi32, #tpu.memory_space<hbm>>
      %dma_start3A_279 = arith.constant 0 : i32
      %dma_start3A_280 = arith.constant 0 : i32
      %dma_start3A_281 = tpu.memref_slice %arg2[%run_scoped3A, %add3A, %dma_start3A_279, %dma_start3A_280] : memref<2x32x100x100xi32, #tpu.memory_space<hbm>> -> memref<1x1x100x100xi32, #tpu.memory_space<hbm>>
      %dma_start3A_282 = tpu.memref_squeeze %dma_start3A_281 : memref<1x1x100x100xi32, #tpu.memory_space<hbm>> -> memref<100x100xi32, #tpu.memory_space<hbm>>
      tpu.enqueue_dma source(%dma_start3A_282 : memref<100x100xi32, #tpu.memory_space<hbm>>) target(%arg6 : memref<100x100xi32, #tpu.memory_space<vmem>>) target_semaphore(%run_scoped3A_274 : memref<!tpu.dma_semaphore, #tpu.memory_space<semaphore_mem>>)
      %dma_wait3A_283 = arith.constant 0 : i32
      %dma_wait3A_284 = arith.constant 0 : i32
      %dma_wait3A_285 = tpu.memref_slice %arg2[%run_scoped3A, %add3A, %dma_wait3A_283, %dma_wait3A_284] : memref<2x32x100x100xi32, #tpu.memory_space<hbm>> -> memref<1x1x100x100xi32, #tpu.memory_space<hbm>>
      %dma_wait3A_286 = tpu.memref_squeeze %dma_wait3A_285 : memref<1x1x100x100xi32, #tpu.memory_space<hbm>> -> memref<100x100xi32, #tpu.memory_space<hbm>>
      %dma_wait3A_287 = arith.constant 0 : i32
      %dma_wait3A_288 = arith.constant 0 : i32
      %dma_wait3A_289 = tpu.memref_slice %arg2[%run_scoped3A, %add3A, %dma_wait3A_287, %dma_wait3A_288] : memref<2x32x100x100xi32, #tpu.memory_space<hbm>> -> memref<1x1x100x100xi32, #tpu.memory_space<hbm>>
      %dma_wait3A_290 = tpu.memref_squeeze %dma_wait3A_289 : memref<1x1x100x100xi32, #tpu.memory_space<hbm>> -> memref<100x100xi32, #tpu.memory_space<hbm>>
      tpu.wait_dma2 semaphore(%run_scoped3A_274 : memref<!tpu.dma_semaphore, #tpu.memory_space<semaphore_mem>>) src(%dma_wait3A_290 : memref<100x100xi32, #tpu.memory_space<hbm>>) dst(%arg6 : memref<100x100xi32, #tpu.memory_space<vmem>>)
      tpu.yield
    }) : () -> ()
    %mul3A_96 = arith.constant 624 : i32
    %mul3A_97 = arith.muli %arg1, %mul3A_96 : i32
    %add3A_98 = arith.constant 0 : i32
    %add3A_99 = arith.addi %mul3A_97, %add3A_98 : i32
    %dma_wait3A = arith.constant 0 : i32
    %dma_wait3A_100 = arith.constant 0 : i32
    %dma_wait3A_101 = tpu.memref_slice %arg7[%dma_wait3A, %dma_wait3A_100] : memref<100x16xf32, #tpu.memory_space<vmem>> -> memref<100x16xf32, #tpu.memory_space<vmem>>
    %dma_wait3A_102 = arith.constant 0 : i32
    %dma_wait3A_103 = tpu.memref_slice %arg17[%add3A_99, %dma_wait3A_102] : memref<10000x16xf32, #tpu.memory_space<vmem_shared>> -> memref<100x16xf32, #tpu.memory_space<vmem_shared>>
    %dma_wait3A_104 = arith.constant 0 : i32
    %dma_wait3A_105 = tpu.memref_slice %arg17[%add3A_99, %dma_wait3A_104] : memref<10000x16xf32, #tpu.memory_space<vmem_shared>> -> memref<100x16xf32, #tpu.memory_space<vmem_shared>>
    %dma_wait3A_106 = arith.constant 0 : i32
    %dma_wait3A_107 = arith.constant 0 : i32
    %dma_wait3A_108 = tpu.memref_slice %arg7[%dma_wait3A_106, %dma_wait3A_107] : memref<100x16xf32, #tpu.memory_space<vmem>> -> memref<100x16xf32, #tpu.memory_space<vmem>>
    tpu.wait_dma2 semaphore(%arg28 : memref<!tpu.dma_semaphore, #tpu.memory_space<semaphore_mem>>) src(%dma_wait3A_108 : memref<100x16xf32, #tpu.memory_space<vmem>>) dst(%dma_wait3A_105 : memref<100x16xf32, #tpu.memory_space<vmem_shared>>)
    %mul3A_109 = arith.constant 624 : i32
    %mul3A_110 = arith.muli %arg1, %mul3A_109 : i32
    %add3A_111 = arith.constant 100 : i32
    %add3A_112 = arith.addi %mul3A_110, %add3A_111 : i32
    %dma_wait3A_113 = arith.constant 0 : i32
    %dma_wait3A_114 = arith.constant 0 : i32
    %dma_wait3A_115 = tpu.memref_slice %arg7[%dma_wait3A_113, %dma_wait3A_114] : memref<100x16xf32, #tpu.memory_space<vmem>> -> memref<100x16xf32, #tpu.memory_space<vmem>>
    %dma_wait3A_116 = arith.constant 0 : i32
    %dma_wait3A_117 = tpu.memref_slice %arg17[%add3A_112, %dma_wait3A_116] : memref<10000x16xf32, #tpu.memory_space<vmem_shared>> -> memref<100x16xf32, #tpu.memory_space<vmem_shared>>
    %dma_wait3A_118 = arith.constant 0 : i32
    %dma_wait3A_119 = tpu.memref_slice %arg17[%add3A_112, %dma_wait3A_118] : memref<10000x16xf32, #tpu.memory_space<vmem_shared>> -> memref<100x16xf32, #tpu.memory_space<vmem_shared>>
    %dma_wait3A_120 = arith.constant 0 : i32
    %dma_wait3A_121 = arith.constant 0 : i32
    %dma_wait3A_122 = tpu.memref_slice %arg7[%dma_wait3A_120, %dma_wait3A_121] : memref<100x16xf32, #tpu.memory_space<vmem>> -> memref<100x16xf32, #tpu.memory_space<vmem>>
    tpu.wait_dma2 semaphore(%arg29 : memref<!tpu.dma_semaphore, #tpu.memory_space<semaphore_mem>>) src(%dma_wait3A_122 : memref<100x16xf32, #tpu.memory_space<vmem>>) dst(%dma_wait3A_119 : memref<100x16xf32, #tpu.memory_space<vmem_shared>>)
    %mul3A_123 = arith.constant 624 : i32
    %mul3A_124 = arith.muli %arg1, %mul3A_123 : i32
    %add3A_125 = arith.constant 200 : i32
    %add3A_126 = arith.addi %mul3A_124, %add3A_125 : i32
    %dma_wait3A_127 = arith.constant 0 : i32
    %dma_wait3A_128 = arith.constant 0 : i32
    %dma_wait3A_129 = tpu.memref_slice %arg7[%dma_wait3A_127, %dma_wait3A_128] : memref<100x16xf32, #tpu.memory_space<vmem>> -> memref<100x16xf32, #tpu.memory_space<vmem>>
    %dma_wait3A_130 = arith.constant 0 : i32
    %dma_wait3A_131 = tpu.memref_slice %arg17[%add3A_126, %dma_wait3A_130] : memref<10000x16xf32, #tpu.memory_space<vmem_shared>> -> memref<100x16xf32, #tpu.memory_space<vmem_shared>>
    %dma_wait3A_132 = arith.constant 0 : i32
    %dma_wait3A_133 = tpu.memref_slice %arg17[%add3A_126, %dma_wait3A_132] : memref<10000x16xf32, #tpu.memory_space<vmem_shared>> -> memref<100x16xf32, #tpu.memory_space<vmem_shared>>
    %dma_wait3A_134 = arith.constant 0 : i32
    %dma_wait3A_135 = arith.constant 0 : i32
    %dma_wait3A_136 = tpu.memref_slice %arg7[%dma_wait3A_134, %dma_wait3A_135] : memref<100x16xf32, #tpu.memory_space<vmem>> -> memref<100x16xf32, #tpu.memory_space<vmem>>
    tpu.wait_dma2 semaphore(%arg30 : memref<!tpu.dma_semaphore, #tpu.memory_space<semaphore_mem>>) src(%dma_wait3A_136 : memref<100x16xf32, #tpu.memory_space<vmem>>) dst(%dma_wait3A_133 : memref<100x16xf32, #tpu.memory_space<vmem_shared>>)
    %mul3A_137 = arith.constant 624 : i32
    %mul3A_138 = arith.muli %arg1, %mul3A_137 : i32
    %add3A_139 = arith.constant 300 : i32
    %add3A_140 = arith.addi %mul3A_138, %add3A_139 : i32
    %dma_wait3A_141 = arith.constant 0 : i32
    %dma_wait3A_142 = arith.constant 0 : i32
    %dma_wait3A_143 = tpu.memref_slice %arg7[%dma_wait3A_141, %dma_wait3A_142] : memref<100x16xf32, #tpu.memory_space<vmem>> -> memref<100x16xf32, #tpu.memory_space<vmem>>
    %dma_wait3A_144 = arith.constant 0 : i32
    %dma_wait3A_145 = tpu.memref_slice %arg17[%add3A_140, %dma_wait3A_144] : memref<10000x16xf32, #tpu.memory_space<vmem_shared>> -> memref<100x16xf32, #tpu.memory_space<vmem_shared>>
    %dma_wait3A_146 = arith.constant 0 : i32
    %dma_wait3A_147 = tpu.memref_slice %arg17[%add3A_140, %dma_wait3A_146] : memref<10000x16xf32, #tpu.memory_space<vmem_shared>> -> memref<100x16xf32, #tpu.memory_space<vmem_shared>>
    %dma_wait3A_148 = arith.constant 0 : i32
    %dma_wait3A_149 = arith.constant 0 : i32
    %dma_wait3A_150 = tpu.memref_slice %arg7[%dma_wait3A_148, %dma_wait3A_149] : memref<100x16xf32, #tpu.memory_space<vmem>> -> memref<100x16xf32, #tpu.memory_space<vmem>>
    tpu.wait_dma2 semaphore(%arg31 : memref<!tpu.dma_semaphore, #tpu.memory_space<semaphore_mem>>) src(%dma_wait3A_150 : memref<100x16xf32, #tpu.memory_space<vmem>>) dst(%dma_wait3A_147 : memref<100x16xf32, #tpu.memory_space<vmem_shared>>)
    %mul3A_151 = arith.constant 624 : i32
    %mul3A_152 = arith.muli %arg1, %mul3A_151 : i32
    %add3A_153 = arith.constant 400 : i32
    %add3A_154 = arith.addi %mul3A_152, %add3A_153 : i32
    %dma_wait3A_155 = arith.constant 0 : i32
    %dma_wait3A_156 = arith.constant 0 : i32
    %dma_wait3A_157 = tpu.memref_slice %arg7[%dma_wait3A_155, %dma_wait3A_156] : memref<100x16xf32, #tpu.memory_space<vmem>> -> memref<100x16xf32, #tpu.memory_space<vmem>>
    %dma_wait3A_158 = arith.constant 0 : i32
    %dma_wait3A_159 = tpu.memref_slice %arg17[%add3A_154, %dma_wait3A_158] : memref<10000x16xf32, #tpu.memory_space<vmem_shared>> -> memref<100x16xf32, #tpu.memory_space<vmem_shared>>
    %dma_wait3A_160 = arith.constant 0 : i32
    %dma_wait3A_161 = tpu.memref_slice %arg17[%add3A_154, %dma_wait3A_160] : memref<10000x16xf32, #tpu.memory_space<vmem_shared>> -> memref<100x16xf32, #tpu.memory_space<vmem_shared>>
    %dma_wait3A_162 = arith.constant 0 : i32
    %dma_wait3A_163 = arith.constant 0 : i32
    %dma_wait3A_164 = tpu.memref_slice %arg7[%dma_wait3A_162, %dma_wait3A_163] : memref<100x16xf32, #tpu.memory_space<vmem>> -> memref<100x16xf32, #tpu.memory_space<vmem>>
    tpu.wait_dma2 semaphore(%arg32 : memref<!tpu.dma_semaphore, #tpu.memory_space<semaphore_mem>>) src(%dma_wait3A_164 : memref<100x16xf32, #tpu.memory_space<vmem>>) dst(%dma_wait3A_161 : memref<100x16xf32, #tpu.memory_space<vmem_shared>>)
    %mul3A_165 = arith.constant 624 : i32
    %mul3A_166 = arith.muli %arg1, %mul3A_165 : i32
    %add3A_167 = arith.constant 500 : i32
    %add3A_168 = arith.addi %mul3A_166, %add3A_167 : i32
    %dma_wait3A_169 = arith.constant 0 : i32
    %dma_wait3A_170 = arith.constant 0 : i32
    %dma_wait3A_171 = tpu.memref_slice %arg7[%dma_wait3A_169, %dma_wait3A_170] : memref<100x16xf32, #tpu.memory_space<vmem>> -> memref<100x16xf32, #tpu.memory_space<vmem>>
    %dma_wait3A_172 = arith.constant 0 : i32
    %dma_wait3A_173 = tpu.memref_slice %arg17[%add3A_168, %dma_wait3A_172] : memref<10000x16xf32, #tpu.memory_space<vmem_shared>> -> memref<100x16xf32, #tpu.memory_space<vmem_shared>>
    %dma_wait3A_174 = arith.constant 0 : i32
    %dma_wait3A_175 = tpu.memref_slice %arg17[%add3A_168, %dma_wait3A_174] : memref<10000x16xf32, #tpu.memory_space<vmem_shared>> -> memref<100x16xf32, #tpu.memory_space<vmem_shared>>
    %dma_wait3A_176 = arith.constant 0 : i32
    %dma_wait3A_177 = arith.constant 0 : i32
    %dma_wait3A_178 = tpu.memref_slice %arg7[%dma_wait3A_176, %dma_wait3A_177] : memref<100x16xf32, #tpu.memory_space<vmem>> -> memref<100x16xf32, #tpu.memory_space<vmem>>
    tpu.wait_dma2 semaphore(%arg33 : memref<!tpu.dma_semaphore, #tpu.memory_space<semaphore_mem>>) src(%dma_wait3A_178 : memref<100x16xf32, #tpu.memory_space<vmem>>) dst(%dma_wait3A_175 : memref<100x16xf32, #tpu.memory_space<vmem_shared>>)
    %broadcast_in_dim3A_179 = arith.constant 1.000000e+00 : f32
    %broadcast_in_dim3A_180 = vector.broadcast %broadcast_in_dim3A_179 : f32 to vector<16xf32>
    %scan3A_181 = arith.constant 0 : i32
    %scan3A_182 = arith.constant 0 : i32
    %scan3A_183 = arith.constant 100 : i32
    %scan3A_184 = arith.addi %scan3A_182, %scan3A_183 : i32
    %scan3A_185 = arith.constant 1 : i32
    scf.for %scan3A_274 = %scan3A_182 to %scan3A_184 step %scan3A_185  : i32 {
      %swap3A = arith.index_cast %scan3A_274 : i32 to index
      %swap3A_275 = arith.constant 0 : index
      %swap3A_276 = tpu.vector_load %arg7[%swap3A, %swap3A_275] {strides = array<i32>} : memref<100x16xf32, #tpu.memory_space<vmem>>, vector<1x16xf32>,
      %swap3A_277 = vector.shape_cast %swap3A_276 : vector<1x16xf32> to vector<16xf32>
      %swap3A_278 = vector.shape_cast %broadcast_in_dim3A_180 : vector<16xf32> to vector<1x16xf32>
      tpu.vector_store %arg7[%swap3A, %swap3A_275], %swap3A_278 {strides = array<i32>} : memref<100x16xf32, #tpu.memory_space<vmem>>, vector<1x16xf32>,
      %swap3A_279 = arith.index_cast %scan3A_274 : i32 to index
      %swap3A_280 = arith.constant 0 : index
      %swap3A_281 = tpu.vector_load %arg8[%swap3A_279, %swap3A_280] {strides = array<i32>} : memref<100x16xf32, #tpu.memory_space<vmem>>, vector<1x16xf32>,
      %swap3A_282 = vector.shape_cast %swap3A_281 : vector<1x16xf32> to vector<16xf32>
      %swap3A_283 = vector.shape_cast %broadcast_in_dim3A_180 : vector<16xf32> to vector<1x16xf32>
      tpu.vector_store %arg8[%swap3A_279, %swap3A_280], %swap3A_283 {strides = array<i32>} : memref<100x16xf32, #tpu.memory_space<vmem>>, vector<1x16xf32>,
      %swap3A_284 = arith.index_cast %scan3A_274 : i32 to index
      %swap3A_285 = arith.constant 0 : index
      %swap3A_286 = tpu.vector_load %arg9[%swap3A_284, %swap3A_285] {strides = array<i32>} : memref<100x16xf32, #tpu.memory_space<vmem>>, vector<1x16xf32>,
      %swap3A_287 = vector.shape_cast %swap3A_286 : vector<1x16xf32> to vector<16xf32>
      %swap3A_288 = vector.shape_cast %broadcast_in_dim3A_180 : vector<16xf32> to vector<1x16xf32>
      tpu.vector_store %arg9[%swap3A_284, %swap3A_285], %swap3A_288 {strides = array<i32>} : memref<100x16xf32, #tpu.memory_space<vmem>>, vector<1x16xf32>,
      %swap3A_289 = arith.index_cast %scan3A_274 : i32 to index
      %swap3A_290 = arith.constant 0 : index
      %swap3A_291 = tpu.vector_load %arg10[%swap3A_289, %swap3A_290] {strides = array<i32>} : memref<100x16xf32, #tpu.memory_space<vmem>>, vector<1x16xf32>,
      %swap3A_292 = vector.shape_cast %swap3A_291 : vector<1x16xf32> to vector<16xf32>
      %swap3A_293 = vector.shape_cast %broadcast_in_dim3A_180 : vector<16xf32> to vector<1x16xf32>
      tpu.vector_store %arg10[%swap3A_289, %swap3A_290], %swap3A_293 {strides = array<i32>} : memref<100x16xf32, #tpu.memory_space<vmem>>, vector<1x16xf32>,
      %swap3A_294 = arith.index_cast %scan3A_274 : i32 to index
      %swap3A_295 = arith.constant 0 : index
      %swap3A_296 = tpu.vector_load %arg11[%swap3A_294, %swap3A_295] {strides = array<i32>} : memref<100x16xf32, #tpu.memory_space<vmem>>, vector<1x16xf32>,
      %swap3A_297 = vector.shape_cast %swap3A_296 : vector<1x16xf32> to vector<16xf32>
      %swap3A_298 = vector.shape_cast %broadcast_in_dim3A_180 : vector<16xf32> to vector<1x16xf32>
      tpu.vector_store %arg11[%swap3A_294, %swap3A_295], %swap3A_298 {strides = array<i32>} : memref<100x16xf32, #tpu.memory_space<vmem>>, vector<1x16xf32>,
      %swap3A_299 = arith.index_cast %scan3A_274 : i32 to index
      %swap3A_300 = arith.constant 0 : index
      %swap3A_301 = tpu.vector_load %arg12[%swap3A_299, %swap3A_300] {strides = array<i32>} : memref<100x16xf32, #tpu.memory_space<vmem>>, vector<1x16xf32>,
      %swap3A_302 = vector.shape_cast %swap3A_301 : vector<1x16xf32> to vector<16xf32>
      %swap3A_303 = vector.shape_cast %broadcast_in_dim3A_180 : vector<16xf32> to vector<1x16xf32>
      tpu.vector_store %arg12[%swap3A_299, %swap3A_300], %swap3A_303 {strides = array<i32>} : memref<100x16xf32, #tpu.memory_space<vmem>>, vector<1x16xf32>,
      %swap3A_304 = arith.index_cast %scan3A_274 : i32 to index
      %swap3A_305 = arith.constant 0 : index
      %swap3A_306 = tpu.vector_load %arg13[%swap3A_304, %swap3A_305] {strides = array<i32>} : memref<100x16xf32, #tpu.memory_space<vmem>>, vector<1x16xf32>,
      %swap3A_307 = vector.shape_cast %swap3A_306 : vector<1x16xf32> to vector<16xf32>
      %swap3A_308 = vector.shape_cast %broadcast_in_dim3A_180 : vector<16xf32> to vector<1x16xf32>
      tpu.vector_store %arg13[%swap3A_304, %swap3A_305], %swap3A_308 {strides = array<i32>} : memref<100x16xf32, #tpu.memory_space<vmem>>, vector<1x16xf32>,
      %swap3A_309 = arith.index_cast %scan3A_274 : i32 to index
      %swap3A_310 = arith.constant 0 : index
      %swap3A_311 = tpu.vector_load %arg14[%swap3A_309, %swap3A_310] {strides = array<i32>} : memref<100x16xf32, #tpu.memory_space<vmem>>, vector<1x16xf32>,
      %swap3A_312 = vector.shape_cast %swap3A_311 : vector<1x16xf32> to vector<16xf32>
      %swap3A_313 = vector.shape_cast %broadcast_in_dim3A_180 : vector<16xf32> to vector<1x16xf32>
      tpu.vector_store %arg14[%swap3A_309, %swap3A_310], %swap3A_313 {strides = array<i32>} : memref<100x16xf32, #tpu.memory_space<vmem>>, vector<1x16xf32>,
      %swap3A_314 = arith.index_cast %scan3A_274 : i32 to index
      %swap3A_315 = arith.constant 0 : index
      %swap3A_316 = tpu.vector_load %arg15[%swap3A_314, %swap3A_315] {strides = array<i32>} : memref<100x16xf32, #tpu.memory_space<vmem>>, vector<1x16xf32>,
      %swap3A_317 = vector.shape_cast %swap3A_316 : vector<1x16xf32> to vector<16xf32>
      %swap3A_318 = vector.shape_cast %broadcast_in_dim3A_180 : vector<16xf32> to vector<1x16xf32>
      tpu.vector_store %arg15[%swap3A_314, %swap3A_315], %swap3A_318 {strides = array<i32>} : memref<100x16xf32, #tpu.memory_space<vmem>>, vector<1x16xf32>,
      %swap3A_319 = arith.index_cast %scan3A_274 : i32 to index
      %swap3A_320 = arith.constant 0 : index
      %swap3A_321 = tpu.vector_load %arg16[%swap3A_319, %swap3A_320] {strides = array<i32>} : memref<100x16xf32, #tpu.memory_space<vmem>>, vector<1x16xf32>,
      %swap3A_322 = vector.shape_cast %swap3A_321 : vector<1x16xf32> to vector<16xf32>
      %swap3A_323 = vector.shape_cast %broadcast_in_dim3A_180 : vector<16xf32> to vector<1x16xf32>
      tpu.vector_store %arg16[%swap3A_319, %swap3A_320], %swap3A_323 {strides = array<i32>} : memref<100x16xf32, #tpu.memory_space<vmem>>, vector<1x16xf32>,
    }
    %scan3A_186 = arith.constant 100 : i32
    %barrier3A = arith.constant 0 : index
    tpu.barrier barrier_id(%barrier3A)
    %scan3A_187 = arith.constant 0 : i32
    %scan3A_188 = arith.constant 0 : i32
    %scan3A_189 = arith.constant 10 : i32
    %scan3A_190 = arith.addi %scan3A_188, %scan3A_189 : i32
    %scan3A_191 = arith.constant 1 : i32
    scf.for %scan3A_274 = %scan3A_188 to %scan3A_190 step %scan3A_191  : i32 {
      %mul3A_275 = arith.constant 10 : i32
      %mul3A_276 = arith.muli %scan3A_274, %mul3A_275 : i32
      %add3A_277 = arith.constant 0 : i32
      %add3A_278 = arith.addi %mul3A_276, %add3A_277 : i32
      %gt3A = arith.constant 0 : i32
      %gt3A_279 = arith.cmpi sgt, %scan3A_274, %gt3A : i32
      %convert_element_type3A_280 = arith.extui %gt3A_279 : i1 to i32
      %cond3A_281 = arith.constant 0 : i32
      %cond3A_282 = arith.cmpi ne, %convert_element_type3A_280, %cond3A_281 : i32
      scf.if %cond3A_282 {
        %dma_wait3A_424 = arith.constant 0 : i32
        %dma_wait3A_425 = tpu.memref_slice %arg6[%add3A_278, %dma_wait3A_424] : memref<100x100xi32, #tpu.memory_space<vmem>> -> memref<1x100xi32, #tpu.memory_space<vmem>>
        %dma_wait3A_426 = tpu.memref_squeeze %dma_wait3A_425 : memref<1x100xi32, #tpu.memory_space<vmem>> -> memref<100xi32, #tpu.memory_space<vmem>>
        %dma_wait3A_427 = arith.constant 0 : i32
        %dma_wait3A_428 = arith.constant 0 : i32
        %dma_wait3A_429 = tpu.memref_slice %arg17[%dma_wait3A_427, %dma_wait3A_428] : memref<10000x16xf32, #tpu.memory_space<vmem_shared>> -> memref<10000x16xf32, #tpu.memory_space<vmem_shared>>
        tpu.wait_indirect_dma semaphore(%arg28 : memref<!tpu.dma_semaphore, #tpu.memory_space<semaphore_mem>>) src(%arg7 : memref<100x16xf32, #tpu.memory_space<vmem>>) dst(%dma_wait3A_429 : memref<10000x16xf32, #tpu.memory_space<vmem_shared>>)
      } else {
      }
      %dma_start3A_283 = arith.constant 0 : i32
      %dma_start3A_284 = tpu.memref_slice %arg6[%add3A_278, %dma_start3A_283] : memref<100x100xi32, #tpu.memory_space<vmem>> -> memref<1x100xi32, #tpu.memory_space<vmem>>
      %dma_start3A_285 = tpu.memref_squeeze %dma_start3A_284 : memref<1x100xi32, #tpu.memory_space<vmem>> -> memref<100xi32, #tpu.memory_space<vmem>>
      %dma_start3A_286 = arith.constant 0 : i32
      %dma_start3A_287 = arith.constant 0 : i32
      %dma_start3A_288 = tpu.memref_slice %arg17[%dma_start3A_286, %dma_start3A_287] : memref<10000x16xf32, #tpu.memory_space<vmem_shared>> -> memref<10000x16xf32, #tpu.memory_space<vmem_shared>>
      tpu.enqueue_indirect_dma source(%arg7 : memref<100x16xf32, #tpu.memory_space<vmem>>) target(%dma_start3A_288 : memref<10000x16xf32, #tpu.memory_space<vmem_shared>>) offsets(%dma_start3A_285 : memref<100xi32, #tpu.memory_space<vmem>>) semaphore(%arg28 : memref<!tpu.dma_semaphore, #tpu.memory_space<semaphore_mem>>) {add = true}
      %mul3A_289 = arith.constant 10 : i32
      %mul3A_290 = arith.muli %scan3A_274, %mul3A_289 : i32
      %add3A_291 = arith.constant 1 : i32
      %add3A_292 = arith.addi %mul3A_290, %add3A_291 : i32
      %gt3A_293 = arith.constant 0 : i32
      %gt3A_294 = arith.cmpi sgt, %scan3A_274, %gt3A_293 : i32
      %convert_element_type3A_295 = arith.extui %gt3A_294 : i1 to i32
      %cond3A_296 = arith.constant 0 : i32
      %cond3A_297 = arith.cmpi ne, %convert_element_type3A_295, %cond3A_296 : i32
      scf.if %cond3A_297 {
        %dma_wait3A_424 = arith.constant 0 : i32
        %dma_wait3A_425 = tpu.memref_slice %arg6[%add3A_292, %dma_wait3A_424] : memref<100x100xi32, #tpu.memory_space<vmem>> -> memref<1x100xi32, #tpu.memory_space<vmem>>
        %dma_wait3A_426 = tpu.memref_squeeze %dma_wait3A_425 : memref<1x100xi32, #tpu.memory_space<vmem>> -> memref<100xi32, #tpu.memory_space<vmem>>
        %dma_wait3A_427 = arith.constant 0 : i32
        %dma_wait3A_428 = arith.constant 0 : i32
        %dma_wait3A_429 = tpu.memref_slice %arg17[%dma_wait3A_427, %dma_wait3A_428] : memref<10000x16xf32, #tpu.memory_space<vmem_shared>> -> memref<10000x16xf32, #tpu.memory_space<vmem_shared>>
        tpu.wait_indirect_dma semaphore(%arg29 : memref<!tpu.dma_semaphore, #tpu.memory_space<semaphore_mem>>) src(%arg8 : memref<100x16xf32, #tpu.memory_space<vmem>>) dst(%dma_wait3A_429 : memref<10000x16xf32, #tpu.memory_space<vmem_shared>>)
      } else {
      }
      %dma_start3A_298 = arith.constant 0 : i32
      %dma_start3A_299 = tpu.memref_slice %arg6[%add3A_292, %dma_start3A_298] : memref<100x100xi32, #tpu.memory_space<vmem>> -> memref<1x100xi32, #tpu.memory_space<vmem>>
      %dma_start3A_300 = tpu.memref_squeeze %dma_start3A_299 : memref<1x100xi32, #tpu.memory_space<vmem>> -> memref<100xi32, #tpu.memory_space<vmem>>
      %dma_start3A_301 = arith.constant 0 : i32
      %dma_start3A_302 = arith.constant 0 : i32
      %dma_start3A_303 = tpu.memref_slice %arg17[%dma_start3A_301, %dma_start3A_302] : memref<10000x16xf32, #tpu.memory_space<vmem_shared>> -> memref<10000x16xf32, #tpu.memory_space<vmem_shared>>
      tpu.enqueue_indirect_dma source(%arg8 : memref<100x16xf32, #tpu.memory_space<vmem>>) target(%dma_start3A_303 : memref<10000x16xf32, #tpu.memory_space<vmem_shared>>) offsets(%dma_start3A_300 : memref<100xi32, #tpu.memory_space<vmem>>) semaphore(%arg29 : memref<!tpu.dma_semaphore, #tpu.memory_space<semaphore_mem>>) {add = true}
      %mul3A_304 = arith.constant 10 : i32
      %mul3A_305 = arith.muli %scan3A_274, %mul3A_304 : i32
      %add3A_306 = arith.constant 2 : i32
      %add3A_307 = arith.addi %mul3A_305, %add3A_306 : i32
      %gt3A_308 = arith.constant 0 : i32
      %gt3A_309 = arith.cmpi sgt, %scan3A_274, %gt3A_308 : i32
      %convert_element_type3A_310 = arith.extui %gt3A_309 : i1 to i32
      %cond3A_311 = arith.constant 0 : i32
      %cond3A_312 = arith.cmpi ne, %convert_element_type3A_310, %cond3A_311 : i32
      scf.if %cond3A_312 {
        %dma_wait3A_424 = arith.constant 0 : i32
        %dma_wait3A_425 = tpu.memref_slice %arg6[%add3A_307, %dma_wait3A_424] : memref<100x100xi32, #tpu.memory_space<vmem>> -> memref<1x100xi32, #tpu.memory_space<vmem>>
        %dma_wait3A_426 = tpu.memref_squeeze %dma_wait3A_425 : memref<1x100xi32, #tpu.memory_space<vmem>> -> memref<100xi32, #tpu.memory_space<vmem>>
        %dma_wait3A_427 = arith.constant 0 : i32
        %dma_wait3A_428 = arith.constant 0 : i32
        %dma_wait3A_429 = tpu.memref_slice %arg17[%dma_wait3A_427, %dma_wait3A_428] : memref<10000x16xf32, #tpu.memory_space<vmem_shared>> -> memref<10000x16xf32, #tpu.memory_space<vmem_shared>>
        tpu.wait_indirect_dma semaphore(%arg30 : memref<!tpu.dma_semaphore, #tpu.memory_space<semaphore_mem>>) src(%arg9 : memref<100x16xf32, #tpu.memory_space<vmem>>) dst(%dma_wait3A_429 : memref<10000x16xf32, #tpu.memory_space<vmem_shared>>)
      } else {
      }
      %dma_start3A_313 = arith.constant 0 : i32
      %dma_start3A_314 = tpu.memref_slice %arg6[%add3A_307, %dma_start3A_313] : memref<100x100xi32, #tpu.memory_space<vmem>> -> memref<1x100xi32, #tpu.memory_space<vmem>>
      %dma_start3A_315 = tpu.memref_squeeze %dma_start3A_314 : memref<1x100xi32, #tpu.memory_space<vmem>> -> memref<100xi32, #tpu.memory_space<vmem>>
      %dma_start3A_316 = arith.constant 0 : i32
      %dma_start3A_317 = arith.constant 0 : i32
      %dma_start3A_318 = tpu.memref_slice %arg17[%dma_start3A_316, %dma_start3A_317] : memref<10000x16xf32, #tpu.memory_space<vmem_shared>> -> memref<10000x16xf32, #tpu.memory_space<vmem_shared>>
      tpu.enqueue_indirect_dma source(%arg9 : memref<100x16xf32, #tpu.memory_space<vmem>>) target(%dma_start3A_318 : memref<10000x16xf32, #tpu.memory_space<vmem_shared>>) offsets(%dma_start3A_315 : memref<100xi32, #tpu.memory_space<vmem>>) semaphore(%arg30 : memref<!tpu.dma_semaphore, #tpu.memory_space<semaphore_mem>>) {add = true}
      %mul3A_319 = arith.constant 10 : i32
      %mul3A_320 = arith.muli %scan3A_274, %mul3A_319 : i32
      %add3A_321 = arith.constant 3 : i32
      %add3A_322 = arith.addi %mul3A_320, %add3A_321 : i32
      %gt3A_323 = arith.constant 0 : i32
      %gt3A_324 = arith.cmpi sgt, %scan3A_274, %gt3A_323 : i32
      %convert_element_type3A_325 = arith.extui %gt3A_324 : i1 to i32
      %cond3A_326 = arith.constant 0 : i32
      %cond3A_327 = arith.cmpi ne, %convert_element_type3A_325, %cond3A_326 : i32
      scf.if %cond3A_327 {
        %dma_wait3A_424 = arith.constant 0 : i32
        %dma_wait3A_425 = tpu.memref_slice %arg6[%add3A_322, %dma_wait3A_424] : memref<100x100xi32, #tpu.memory_space<vmem>> -> memref<1x100xi32, #tpu.memory_space<vmem>>
        %dma_wait3A_426 = tpu.memref_squeeze %dma_wait3A_425 : memref<1x100xi32, #tpu.memory_space<vmem>> -> memref<100xi32, #tpu.memory_space<vmem>>
        %dma_wait3A_427 = arith.constant 0 : i32
        %dma_wait3A_428 = arith.constant 0 : i32
        %dma_wait3A_429 = tpu.memref_slice %arg17[%dma_wait3A_427, %dma_wait3A_428] : memref<10000x16xf32, #tpu.memory_space<vmem_shared>> -> memref<10000x16xf32, #tpu.memory_space<vmem_shared>>
        tpu.wait_indirect_dma semaphore(%arg31 : memref<!tpu.dma_semaphore, #tpu.memory_space<semaphore_mem>>) src(%arg10 : memref<100x16xf32, #tpu.memory_space<vmem>>) dst(%dma_wait3A_429 : memref<10000x16xf32, #tpu.memory_space<vmem_shared>>)
      } else {
      }
      %dma_start3A_328 = arith.constant 0 : i32
      %dma_start3A_329 = tpu.memref_slice %arg6[%add3A_322, %dma_start3A_328] : memref<100x100xi32, #tpu.memory_space<vmem>> -> memref<1x100xi32, #tpu.memory_space<vmem>>
      %dma_start3A_330 = tpu.memref_squeeze %dma_start3A_329 : memref<1x100xi32, #tpu.memory_space<vmem>> -> memref<100xi32, #tpu.memory_space<vmem>>
      %dma_start3A_331 = arith.constant 0 : i32
      %dma_start3A_332 = arith.constant 0 : i32
      %dma_start3A_333 = tpu.memref_slice %arg17[%dma_start3A_331, %dma_start3A_332] : memref<10000x16xf32, #tpu.memory_space<vmem_shared>> -> memref<10000x16xf32, #tpu.memory_space<vmem_shared>>
      tpu.enqueue_indirect_dma source(%arg10 : memref<100x16xf32, #tpu.memory_space<vmem>>) target(%dma_start3A_333 : memref<10000x16xf32, #tpu.memory_space<vmem_shared>>) offsets(%dma_start3A_330 : memref<100xi32, #tpu.memory_space<vmem>>) semaphore(%arg31 : memref<!tpu.dma_semaphore, #tpu.memory_space<semaphore_mem>>) {add = true}
      %mul3A_334 = arith.constant 10 : i32
      %mul3A_335 = arith.muli %scan3A_274, %mul3A_334 : i32
      %add3A_336 = arith.constant 4 : i32
      %add3A_337 = arith.addi %mul3A_335, %add3A_336 : i32
      %gt3A_338 = arith.constant 0 : i32
      %gt3A_339 = arith.cmpi sgt, %scan3A_274, %gt3A_338 : i32
      %convert_element_type3A_340 = arith.extui %gt3A_339 : i1 to i32
      %cond3A_341 = arith.constant 0 : i32
      %cond3A_342 = arith.cmpi ne, %convert_element_type3A_340, %cond3A_341 : i32
      scf.if %cond3A_342 {
        %dma_wait3A_424 = arith.constant 0 : i32
        %dma_wait3A_425 = tpu.memref_slice %arg6[%add3A_337, %dma_wait3A_424] : memref<100x100xi32, #tpu.memory_space<vmem>> -> memref<1x100xi32, #tpu.memory_space<vmem>>
        %dma_wait3A_426 = tpu.memref_squeeze %dma_wait3A_425 : memref<1x100xi32, #tpu.memory_space<vmem>> -> memref<100xi32, #tpu.memory_space<vmem>>
        %dma_wait3A_427 = arith.constant 0 : i32
        %dma_wait3A_428 = arith.constant 0 : i32
        %dma_wait3A_429 = tpu.memref_slice %arg17[%dma_wait3A_427, %dma_wait3A_428] : memref<10000x16xf32, #tpu.memory_space<vmem_shared>> -> memref<10000x16xf32, #tpu.memory_space<vmem_shared>>
        tpu.wait_indirect_dma semaphore(%arg32 : memref<!tpu.dma_semaphore, #tpu.memory_space<semaphore_mem>>) src(%arg11 : memref<100x16xf32, #tpu.memory_space<vmem>>) dst(%dma_wait3A_429 : memref<10000x16xf32, #tpu.memory_space<vmem_shared>>)
      } else {
      }
      %dma_start3A_343 = arith.constant 0 : i32
      %dma_start3A_344 = tpu.memref_slice %arg6[%add3A_337, %dma_start3A_343] : memref<100x100xi32, #tpu.memory_space<vmem>> -> memref<1x100xi32, #tpu.memory_space<vmem>>
      %dma_start3A_345 = tpu.memref_squeeze %dma_start3A_344 : memref<1x100xi32, #tpu.memory_space<vmem>> -> memref<100xi32, #tpu.memory_space<vmem>>
      %dma_start3A_346 = arith.constant 0 : i32
      %dma_start3A_347 = arith.constant 0 : i32
      %dma_start3A_348 = tpu.memref_slice %arg17[%dma_start3A_346, %dma_start3A_347] : memref<10000x16xf32, #tpu.memory_space<vmem_shared>> -> memref<10000x16xf32, #tpu.memory_space<vmem_shared>>
      tpu.enqueue_indirect_dma source(%arg11 : memref<100x16xf32, #tpu.memory_space<vmem>>) target(%dma_start3A_348 : memref<10000x16xf32, #tpu.memory_space<vmem_shared>>) offsets(%dma_start3A_345 : memref<100xi32, #tpu.memory_space<vmem>>) semaphore(%arg32 : memref<!tpu.dma_semaphore, #tpu.memory_space<semaphore_mem>>) {add = true}
      %mul3A_349 = arith.constant 10 : i32
      %mul3A_350 = arith.muli %scan3A_274, %mul3A_349 : i32
      %add3A_351 = arith.constant 5 : i32
      %add3A_352 = arith.addi %mul3A_350, %add3A_351 : i32
      %gt3A_353 = arith.constant 0 : i32
      %gt3A_354 = arith.cmpi sgt, %scan3A_274, %gt3A_353 : i32
      %convert_element_type3A_355 = arith.extui %gt3A_354 : i1 to i32
      %cond3A_356 = arith.constant 0 : i32
      %cond3A_357 = arith.cmpi ne, %convert_element_type3A_355, %cond3A_356 : i32
      scf.if %cond3A_357 {
        %dma_wait3A_424 = arith.constant 0 : i32
        %dma_wait3A_425 = tpu.memref_slice %arg6[%add3A_352, %dma_wait3A_424] : memref<100x100xi32, #tpu.memory_space<vmem>> -> memref<1x100xi32, #tpu.memory_space<vmem>>
        %dma_wait3A_426 = tpu.memref_squeeze %dma_wait3A_425 : memref<1x100xi32, #tpu.memory_space<vmem>> -> memref<100xi32, #tpu.memory_space<vmem>>
        %dma_wait3A_427 = arith.constant 0 : i32
        %dma_wait3A_428 = arith.constant 0 : i32
        %dma_wait3A_429 = tpu.memref_slice %arg17[%dma_wait3A_427, %dma_wait3A_428] : memref<10000x16xf32, #tpu.memory_space<vmem_shared>> -> memref<10000x16xf32, #tpu.memory_space<vmem_shared>>
        tpu.wait_indirect_dma semaphore(%arg33 : memref<!tpu.dma_semaphore, #tpu.memory_space<semaphore_mem>>) src(%arg12 : memref<100x16xf32, #tpu.memory_space<vmem>>) dst(%dma_wait3A_429 : memref<10000x16xf32, #tpu.memory_space<vmem_shared>>)
      } else {
      }
      %dma_start3A_358 = arith.constant 0 : i32
      %dma_start3A_359 = tpu.memref_slice %arg6[%add3A_352, %dma_start3A_358] : memref<100x100xi32, #tpu.memory_space<vmem>> -> memref<1x100xi32, #tpu.memory_space<vmem>>
      %dma_start3A_360 = tpu.memref_squeeze %dma_start3A_359 : memref<1x100xi32, #tpu.memory_space<vmem>> -> memref<100xi32, #tpu.memory_space<vmem>>
      %dma_start3A_361 = arith.constant 0 : i32
      %dma_start3A_362 = arith.constant 0 : i32
      %dma_start3A_363 = tpu.memref_slice %arg17[%dma_start3A_361, %dma_start3A_362] : memref<10000x16xf32, #tpu.memory_space<vmem_shared>> -> memref<10000x16xf32, #tpu.memory_space<vmem_shared>>
      tpu.enqueue_indirect_dma source(%arg12 : memref<100x16xf32, #tpu.memory_space<vmem>>) target(%dma_start3A_363 : memref<10000x16xf32, #tpu.memory_space<vmem_shared>>) offsets(%dma_start3A_360 : memref<100xi32, #tpu.memory_space<vmem>>) semaphore(%arg33 : memref<!tpu.dma_semaphore, #tpu.memory_space<semaphore_mem>>) {add = true}
      %mul3A_364 = arith.constant 10 : i32
      %mul3A_365 = arith.muli %scan3A_274, %mul3A_364 : i32
      %add3A_366 = arith.constant 6 : i32
      %add3A_367 = arith.addi %mul3A_365, %add3A_366 : i32
      %gt3A_368 = arith.constant 0 : i32
      %gt3A_369 = arith.cmpi sgt, %scan3A_274, %gt3A_368 : i32
      %convert_element_type3A_370 = arith.extui %gt3A_369 : i1 to i32
      %cond3A_371 = arith.constant 0 : i32
      %cond3A_372 = arith.cmpi ne, %convert_element_type3A_370, %cond3A_371 : i32
      scf.if %cond3A_372 {
        %dma_wait3A_424 = arith.constant 0 : i32
        %dma_wait3A_425 = tpu.memref_slice %arg6[%add3A_367, %dma_wait3A_424] : memref<100x100xi32, #tpu.memory_space<vmem>> -> memref<1x100xi32, #tpu.memory_space<vmem>>
        %dma_wait3A_426 = tpu.memref_squeeze %dma_wait3A_425 : memref<1x100xi32, #tpu.memory_space<vmem>> -> memref<100xi32, #tpu.memory_space<vmem>>
        %dma_wait3A_427 = arith.constant 0 : i32
        %dma_wait3A_428 = arith.constant 0 : i32
        %dma_wait3A_429 = tpu.memref_slice %arg17[%dma_wait3A_427, %dma_wait3A_428] : memref<10000x16xf32, #tpu.memory_space<vmem_shared>> -> memref<10000x16xf32, #tpu.memory_space<vmem_shared>>
        tpu.wait_indirect_dma semaphore(%arg34 : memref<!tpu.dma_semaphore, #tpu.memory_space<semaphore_mem>>) src(%arg13 : memref<100x16xf32, #tpu.memory_space<vmem>>) dst(%dma_wait3A_429 : memref<10000x16xf32, #tpu.memory_space<vmem_shared>>)
      } else {
      }
      %dma_start3A_373 = arith.constant 0 : i32
      %dma_start3A_374 = tpu.memref_slice %arg6[%add3A_367, %dma_start3A_373] : memref<100x100xi32, #tpu.memory_space<vmem>> -> memref<1x100xi32, #tpu.memory_space<vmem>>
      %dma_start3A_375 = tpu.memref_squeeze %dma_start3A_374 : memref<1x100xi32, #tpu.memory_space<vmem>> -> memref<100xi32, #tpu.memory_space<vmem>>
      %dma_start3A_376 = arith.constant 0 : i32
      %dma_start3A_377 = arith.constant 0 : i32
      %dma_start3A_378 = tpu.memref_slice %arg17[%dma_start3A_376, %dma_start3A_377] : memref<10000x16xf32, #tpu.memory_space<vmem_shared>> -> memref<10000x16xf32, #tpu.memory_space<vmem_shared>>
      tpu.enqueue_indirect_dma source(%arg13 : memref<100x16xf32, #tpu.memory_space<vmem>>) target(%dma_start3A_378 : memref<10000x16xf32, #tpu.memory_space<vmem_shared>>) offsets(%dma_start3A_375 : memref<100xi32, #tpu.memory_space<vmem>>) semaphore(%arg34 : memref<!tpu.dma_semaphore, #tpu.memory_space<semaphore_mem>>) {add = true}
      %mul3A_379 = arith.constant 10 : i32
      %mul3A_380 = arith.muli %scan3A_274, %mul3A_379 : i32
      %add3A_381 = arith.constant 7 : i32
      %add3A_382 = arith.addi %mul3A_380, %add3A_381 : i32
      %gt3A_383 = arith.constant 0 : i32
      %gt3A_384 = arith.cmpi sgt, %scan3A_274, %gt3A_383 : i32
      %convert_element_type3A_385 = arith.extui %gt3A_384 : i1 to i32
      %cond3A_386 = arith.constant 0 : i32
      %cond3A_387 = arith.cmpi ne, %convert_element_type3A_385, %cond3A_386 : i32
      scf.if %cond3A_387 {
        %dma_wait3A_424 = arith.constant 0 : i32
        %dma_wait3A_425 = tpu.memref_slice %arg6[%add3A_382, %dma_wait3A_424] : memref<100x100xi32, #tpu.memory_space<vmem>> -> memref<1x100xi32, #tpu.memory_space<vmem>>
        %dma_wait3A_426 = tpu.memref_squeeze %dma_wait3A_425 : memref<1x100xi32, #tpu.memory_space<vmem>> -> memref<100xi32, #tpu.memory_space<vmem>>
        %dma_wait3A_427 = arith.constant 0 : i32
        %dma_wait3A_428 = arith.constant 0 : i32
        %dma_wait3A_429 = tpu.memref_slice %arg17[%dma_wait3A_427, %dma_wait3A_428] : memref<10000x16xf32, #tpu.memory_space<vmem_shared>> -> memref<10000x16xf32, #tpu.memory_space<vmem_shared>>
        tpu.wait_indirect_dma semaphore(%arg35 : memref<!tpu.dma_semaphore, #tpu.memory_space<semaphore_mem>>) src(%arg14 : memref<100x16xf32, #tpu.memory_space<vmem>>) dst(%dma_wait3A_429 : memref<10000x16xf32, #tpu.memory_space<vmem_shared>>)
      } else {
      }
      %dma_start3A_388 = arith.constant 0 : i32
      %dma_start3A_389 = tpu.memref_slice %arg6[%add3A_382, %dma_start3A_388] : memref<100x100xi32, #tpu.memory_space<vmem>> -> memref<1x100xi32, #tpu.memory_space<vmem>>
      %dma_start3A_390 = tpu.memref_squeeze %dma_start3A_389 : memref<1x100xi32, #tpu.memory_space<vmem>> -> memref<100xi32, #tpu.memory_space<vmem>>
      %dma_start3A_391 = arith.constant 0 : i32
      %dma_start3A_392 = arith.constant 0 : i32
      %dma_start3A_393 = tpu.memref_slice %arg17[%dma_start3A_391, %dma_start3A_392] : memref<10000x16xf32, #tpu.memory_space<vmem_shared>> -> memref<10000x16xf32, #tpu.memory_space<vmem_shared>>
      tpu.enqueue_indirect_dma source(%arg14 : memref<100x16xf32, #tpu.memory_space<vmem>>) target(%dma_start3A_393 : memref<10000x16xf32, #tpu.memory_space<vmem_shared>>) offsets(%dma_start3A_390 : memref<100xi32, #tpu.memory_space<vmem>>) semaphore(%arg35 : memref<!tpu.dma_semaphore, #tpu.memory_space<semaphore_mem>>) {add = true}
      %mul3A_394 = arith.constant 10 : i32
      %mul3A_395 = arith.muli %scan3A_274, %mul3A_394 : i32
      %add3A_396 = arith.constant 8 : i32
      %add3A_397 = arith.addi %mul3A_395, %add3A_396 : i32
      %gt3A_398 = arith.constant 0 : i32
      %gt3A_399 = arith.cmpi sgt, %scan3A_274, %gt3A_398 : i32
      %convert_element_type3A_400 = arith.extui %gt3A_399 : i1 to i32
      %cond3A_401 = arith.constant 0 : i32
      %cond3A_402 = arith.cmpi ne, %convert_element_type3A_400, %cond3A_401 : i32
      scf.if %cond3A_402 {
        %dma_wait3A_424 = arith.constant 0 : i32
        %dma_wait3A_425 = tpu.memref_slice %arg6[%add3A_397, %dma_wait3A_424] : memref<100x100xi32, #tpu.memory_space<vmem>> -> memref<1x100xi32, #tpu.memory_space<vmem>>
        %dma_wait3A_426 = tpu.memref_squeeze %dma_wait3A_425 : memref<1x100xi32, #tpu.memory_space<vmem>> -> memref<100xi32, #tpu.memory_space<vmem>>
        %dma_wait3A_427 = arith.constant 0 : i32
        %dma_wait3A_428 = arith.constant 0 : i32
        %dma_wait3A_429 = tpu.memref_slice %arg17[%dma_wait3A_427, %dma_wait3A_428] : memref<10000x16xf32, #tpu.memory_space<vmem_shared>> -> memref<10000x16xf32, #tpu.memory_space<vmem_shared>>
        tpu.wait_indirect_dma semaphore(%arg36 : memref<!tpu.dma_semaphore, #tpu.memory_space<semaphore_mem>>) src(%arg15 : memref<100x16xf32, #tpu.memory_space<vmem>>) dst(%dma_wait3A_429 : memref<10000x16xf32, #tpu.memory_space<vmem_shared>>)
      } else {
      }
      %dma_start3A_403 = arith.constant 0 : i32
      %dma_start3A_404 = tpu.memref_slice %arg6[%add3A_397, %dma_start3A_403] : memref<100x100xi32, #tpu.memory_space<vmem>> -> memref<1x100xi32, #tpu.memory_space<vmem>>
      %dma_start3A_405 = tpu.memref_squeeze %dma_start3A_404 : memref<1x100xi32, #tpu.memory_space<vmem>> -> memref<100xi32, #tpu.memory_space<vmem>>
      %dma_start3A_406 = arith.constant 0 : i32
      %dma_start3A_407 = arith.constant 0 : i32
      %dma_start3A_408 = tpu.memref_slice %arg17[%dma_start3A_406, %dma_start3A_407] : memref<10000x16xf32, #tpu.memory_space<vmem_shared>> -> memref<10000x16xf32, #tpu.memory_space<vmem_shared>>
      tpu.enqueue_indirect_dma source(%arg15 : memref<100x16xf32, #tpu.memory_space<vmem>>) target(%dma_start3A_408 : memref<10000x16xf32, #tpu.memory_space<vmem_shared>>) offsets(%dma_start3A_405 : memref<100xi32, #tpu.memory_space<vmem>>) semaphore(%arg36 : memref<!tpu.dma_semaphore, #tpu.memory_space<semaphore_mem>>) {add = true}
      %mul3A_409 = arith.constant 10 : i32
      %mul3A_410 = arith.muli %scan3A_274, %mul3A_409 : i32
      %add3A_411 = arith.constant 9 : i32
      %add3A_412 = arith.addi %mul3A_410, %add3A_411 : i32
      %gt3A_413 = arith.constant 0 : i32
      %gt3A_414 = arith.cmpi sgt, %scan3A_274, %gt3A_413 : i32
      %convert_element_type3A_415 = arith.extui %gt3A_414 : i1 to i32
      %cond3A_416 = arith.constant 0 : i32
      %cond3A_417 = arith.cmpi ne, %convert_element_type3A_415, %cond3A_416 : i32
      scf.if %cond3A_417 {
        %dma_wait3A_424 = arith.constant 0 : i32
        %dma_wait3A_425 = tpu.memref_slice %arg6[%add3A_412, %dma_wait3A_424] : memref<100x100xi32, #tpu.memory_space<vmem>> -> memref<1x100xi32, #tpu.memory_space<vmem>>
        %dma_wait3A_426 = tpu.memref_squeeze %dma_wait3A_425 : memref<1x100xi32, #tpu.memory_space<vmem>> -> memref<100xi32, #tpu.memory_space<vmem>>
        %dma_wait3A_427 = arith.constant 0 : i32
        %dma_wait3A_428 = arith.constant 0 : i32
        %dma_wait3A_429 = tpu.memref_slice %arg17[%dma_wait3A_427, %dma_wait3A_428] : memref<10000x16xf32, #tpu.memory_space<vmem_shared>> -> memref<10000x16xf32, #tpu.memory_space<vmem_shared>>
        tpu.wait_indirect_dma semaphore(%arg37 : memref<!tpu.dma_semaphore, #tpu.memory_space<semaphore_mem>>) src(%arg16 : memref<100x16xf32, #tpu.memory_space<vmem>>) dst(%dma_wait3A_429 : memref<10000x16xf32, #tpu.memory_space<vmem_shared>>)
      } else {
      }
      %dma_start3A_418 = arith.constant 0 : i32
      %dma_start3A_419 = tpu.memref_slice %arg6[%add3A_412, %dma_start3A_418] : memref<100x100xi32, #tpu.memory_space<vmem>> -> memref<1x100xi32, #tpu.memory_space<vmem>>
      %dma_start3A_420 = tpu.memref_squeeze %dma_start3A_419 : memref<1x100xi32, #tpu.memory_space<vmem>> -> memref<100xi32, #tpu.memory_space<vmem>>
      %dma_start3A_421 = arith.constant 0 : i32
      %dma_start3A_422 = arith.constant 0 : i32
      %dma_start3A_423 = tpu.memref_slice %arg17[%dma_start3A_421, %dma_start3A_422] : memref<10000x16xf32, #tpu.memory_space<vmem_shared>> -> memref<10000x16xf32, #tpu.memory_space<vmem_shared>>
      tpu.enqueue_indirect_dma source(%arg16 : memref<100x16xf32, #tpu.memory_space<vmem>>) target(%dma_start3A_423 : memref<10000x16xf32, #tpu.memory_space<vmem_shared>>) offsets(%dma_start3A_420 : memref<100xi32, #tpu.memory_space<vmem>>) semaphore(%arg37 : memref<!tpu.dma_semaphore, #tpu.memory_space<semaphore_mem>>) {add = true}
    }
    %scan3A_192 = arith.constant 10 : i32
    %dma_wait3A_193 = arith.constant 90 : i32
    %dma_wait3A_194 = arith.constant 0 : i32
    %dma_wait3A_195 = tpu.memref_slice %arg6[%dma_wait3A_193, %dma_wait3A_194] : memref<100x100xi32, #tpu.memory_space<vmem>> -> memref<1x100xi32, #tpu.memory_space<vmem>>
    %dma_wait3A_196 = tpu.memref_squeeze %dma_wait3A_195 : memref<1x100xi32, #tpu.memory_space<vmem>> -> memref<100xi32, #tpu.memory_space<vmem>>
    %dma_wait3A_197 = arith.constant 0 : i32
    %dma_wait3A_198 = arith.constant 0 : i32
    %dma_wait3A_199 = tpu.memref_slice %arg17[%dma_wait3A_197, %dma_wait3A_198] : memref<10000x16xf32, #tpu.memory_space<vmem_shared>> -> memref<10000x16xf32, #tpu.memory_space<vmem_shared>>
    tpu.wait_indirect_dma semaphore(%arg28 : memref<!tpu.dma_semaphore, #tpu.memory_space<semaphore_mem>>) src(%arg7 : memref<100x16xf32, #tpu.memory_space<vmem>>) dst(%dma_wait3A_199 : memref<10000x16xf32, #tpu.memory_space<vmem_shared>>)
    %dma_wait3A_200 = arith.constant 91 : i32
    %dma_wait3A_201 = arith.constant 0 : i32
    %dma_wait3A_202 = tpu.memref_slice %arg6[%dma_wait3A_200, %dma_wait3A_201] : memref<100x100xi32, #tpu.memory_space<vmem>> -> memref<1x100xi32, #tpu.memory_space<vmem>>
    %dma_wait3A_203 = tpu.memref_squeeze %dma_wait3A_202 : memref<1x100xi32, #tpu.memory_space<vmem>> -> memref<100xi32, #tpu.memory_space<vmem>>
    %dma_wait3A_204 = arith.constant 0 : i32
    %dma_wait3A_205 = arith.constant 0 : i32
    %dma_wait3A_206 = tpu.memref_slice %arg17[%dma_wait3A_204, %dma_wait3A_205] : memref<10000x16xf32, #tpu.memory_space<vmem_shared>> -> memref<10000x16xf32, #tpu.memory_space<vmem_shared>>
    tpu.wait_indirect_dma semaphore(%arg29 : memref<!tpu.dma_semaphore, #tpu.memory_space<semaphore_mem>>) src(%arg8 : memref<100x16xf32, #tpu.memory_space<vmem>>) dst(%dma_wait3A_206 : memref<10000x16xf32, #tpu.memory_space<vmem_shared>>)
    %dma_wait3A_207 = arith.constant 92 : i32
    %dma_wait3A_208 = arith.constant 0 : i32
    %dma_wait3A_209 = tpu.memref_slice %arg6[%dma_wait3A_207, %dma_wait3A_208] : memref<100x100xi32, #tpu.memory_space<vmem>> -> memref<1x100xi32, #tpu.memory_space<vmem>>
    %dma_wait3A_210 = tpu.memref_squeeze %dma_wait3A_209 : memref<1x100xi32, #tpu.memory_space<vmem>> -> memref<100xi32, #tpu.memory_space<vmem>>
    %dma_wait3A_211 = arith.constant 0 : i32
    %dma_wait3A_212 = arith.constant 0 : i32
    %dma_wait3A_213 = tpu.memref_slice %arg17[%dma_wait3A_211, %dma_wait3A_212] : memref<10000x16xf32, #tpu.memory_space<vmem_shared>> -> memref<10000x16xf32, #tpu.memory_space<vmem_shared>>
    tpu.wait_indirect_dma semaphore(%arg30 : memref<!tpu.dma_semaphore, #tpu.memory_space<semaphore_mem>>) src(%arg9 : memref<100x16xf32, #tpu.memory_space<vmem>>) dst(%dma_wait3A_213 : memref<10000x16xf32, #tpu.memory_space<vmem_shared>>)
    %dma_wait3A_214 = arith.constant 93 : i32
    %dma_wait3A_215 = arith.constant 0 : i32
    %dma_wait3A_216 = tpu.memref_slice %arg6[%dma_wait3A_214, %dma_wait3A_215] : memref<100x100xi32, #tpu.memory_space<vmem>> -> memref<1x100xi32, #tpu.memory_space<vmem>>
    %dma_wait3A_217 = tpu.memref_squeeze %dma_wait3A_216 : memref<1x100xi32, #tpu.memory_space<vmem>> -> memref<100xi32, #tpu.memory_space<vmem>>
    %dma_wait3A_218 = arith.constant 0 : i32
    %dma_wait3A_219 = arith.constant 0 : i32
    %dma_wait3A_220 = tpu.memref_slice %arg17[%dma_wait3A_218, %dma_wait3A_219] : memref<10000x16xf32, #tpu.memory_space<vmem_shared>> -> memref<10000x16xf32, #tpu.memory_space<vmem_shared>>
    tpu.wait_indirect_dma semaphore(%arg31 : memref<!tpu.dma_semaphore, #tpu.memory_space<semaphore_mem>>) src(%arg10 : memref<100x16xf32, #tpu.memory_space<vmem>>) dst(%dma_wait3A_220 : memref<10000x16xf32, #tpu.memory_space<vmem_shared>>)
    %dma_wait3A_221 = arith.constant 94 : i32
    %dma_wait3A_222 = arith.constant 0 : i32
    %dma_wait3A_223 = tpu.memref_slice %arg6[%dma_wait3A_221, %dma_wait3A_222] : memref<100x100xi32, #tpu.memory_space<vmem>> -> memref<1x100xi32, #tpu.memory_space<vmem>>
    %dma_wait3A_224 = tpu.memref_squeeze %dma_wait3A_223 : memref<1x100xi32, #tpu.memory_space<vmem>> -> memref<100xi32, #tpu.memory_space<vmem>>
    %dma_wait3A_225 = arith.constant 0 : i32
    %dma_wait3A_226 = arith.constant 0 : i32
    %dma_wait3A_227 = tpu.memref_slice %arg17[%dma_wait3A_225, %dma_wait3A_226] : memref<10000x16xf32, #tpu.memory_space<vmem_shared>> -> memref<10000x16xf32, #tpu.memory_space<vmem_shared>>
    tpu.wait_indirect_dma semaphore(%arg32 : memref<!tpu.dma_semaphore, #tpu.memory_space<semaphore_mem>>) src(%arg11 : memref<100x16xf32, #tpu.memory_space<vmem>>) dst(%dma_wait3A_227 : memref<10000x16xf32, #tpu.memory_space<vmem_shared>>)
    %dma_wait3A_228 = arith.constant 95 : i32
    %dma_wait3A_229 = arith.constant 0 : i32
    %dma_wait3A_230 = tpu.memref_slice %arg6[%dma_wait3A_228, %dma_wait3A_229] : memref<100x100xi32, #tpu.memory_space<vmem>> -> memref<1x100xi32, #tpu.memory_space<vmem>>
    %dma_wait3A_231 = tpu.memref_squeeze %dma_wait3A_230 : memref<1x100xi32, #tpu.memory_space<vmem>> -> memref<100xi32, #tpu.memory_space<vmem>>
    %dma_wait3A_232 = arith.constant 0 : i32
    %dma_wait3A_233 = arith.constant 0 : i32
    %dma_wait3A_234 = tpu.memref_slice %arg17[%dma_wait3A_232, %dma_wait3A_233] : memref<10000x16xf32, #tpu.memory_space<vmem_shared>> -> memref<10000x16xf32, #tpu.memory_space<vmem_shared>>
    tpu.wait_indirect_dma semaphore(%arg33 : memref<!tpu.dma_semaphore, #tpu.memory_space<semaphore_mem>>) src(%arg12 : memref<100x16xf32, #tpu.memory_space<vmem>>) dst(%dma_wait3A_234 : memref<10000x16xf32, #tpu.memory_space<vmem_shared>>)
    %dma_wait3A_235 = arith.constant 96 : i32
    %dma_wait3A_236 = arith.constant 0 : i32
    %dma_wait3A_237 = tpu.memref_slice %arg6[%dma_wait3A_235, %dma_wait3A_236] : memref<100x100xi32, #tpu.memory_space<vmem>> -> memref<1x100xi32, #tpu.memory_space<vmem>>
    %dma_wait3A_238 = tpu.memref_squeeze %dma_wait3A_237 : memref<1x100xi32, #tpu.memory_space<vmem>> -> memref<100xi32, #tpu.memory_space<vmem>>
    %dma_wait3A_239 = arith.constant 0 : i32
    %dma_wait3A_240 = arith.constant 0 : i32
    %dma_wait3A_241 = tpu.memref_slice %arg17[%dma_wait3A_239, %dma_wait3A_240] : memref<10000x16xf32, #tpu.memory_space<vmem_shared>> -> memref<10000x16xf32, #tpu.memory_space<vmem_shared>>
    tpu.wait_indirect_dma semaphore(%arg34 : memref<!tpu.dma_semaphore, #tpu.memory_space<semaphore_mem>>) src(%arg13 : memref<100x16xf32, #tpu.memory_space<vmem>>) dst(%dma_wait3A_241 : memref<10000x16xf32, #tpu.memory_space<vmem_shared>>)
    %dma_wait3A_242 = arith.constant 97 : i32
    %dma_wait3A_243 = arith.constant 0 : i32
    %dma_wait3A_244 = tpu.memref_slice %arg6[%dma_wait3A_242, %dma_wait3A_243] : memref<100x100xi32, #tpu.memory_space<vmem>> -> memref<1x100xi32, #tpu.memory_space<vmem>>
    %dma_wait3A_245 = tpu.memref_squeeze %dma_wait3A_244 : memref<1x100xi32, #tpu.memory_space<vmem>> -> memref<100xi32, #tpu.memory_space<vmem>>
    %dma_wait3A_246 = arith.constant 0 : i32
    %dma_wait3A_247 = arith.constant 0 : i32
    %dma_wait3A_248 = tpu.memref_slice %arg17[%dma_wait3A_246, %dma_wait3A_247] : memref<10000x16xf32, #tpu.memory_space<vmem_shared>> -> memref<10000x16xf32, #tpu.memory_space<vmem_shared>>
    tpu.wait_indirect_dma semaphore(%arg35 : memref<!tpu.dma_semaphore, #tpu.memory_space<semaphore_mem>>) src(%arg14 : memref<100x16xf32, #tpu.memory_space<vmem>>) dst(%dma_wait3A_248 : memref<10000x16xf32, #tpu.memory_space<vmem_shared>>)
    %dma_wait3A_249 = arith.constant 98 : i32
    %dma_wait3A_250 = arith.constant 0 : i32
    %dma_wait3A_251 = tpu.memref_slice %arg6[%dma_wait3A_249, %dma_wait3A_250] : memref<100x100xi32, #tpu.memory_space<vmem>> -> memref<1x100xi32, #tpu.memory_space<vmem>>
    %dma_wait3A_252 = tpu.memref_squeeze %dma_wait3A_251 : memref<1x100xi32, #tpu.memory_space<vmem>> -> memref<100xi32, #tpu.memory_space<vmem>>
    %dma_wait3A_253 = arith.constant 0 : i32
    %dma_wait3A_254 = arith.constant 0 : i32
    %dma_wait3A_255 = tpu.memref_slice %arg17[%dma_wait3A_253, %dma_wait3A_254] : memref<10000x16xf32, #tpu.memory_space<vmem_shared>> -> memref<10000x16xf32, #tpu.memory_space<vmem_shared>>
    tpu.wait_indirect_dma semaphore(%arg36 : memref<!tpu.dma_semaphore, #tpu.memory_space<semaphore_mem>>) src(%arg15 : memref<100x16xf32, #tpu.memory_space<vmem>>) dst(%dma_wait3A_255 : memref<10000x16xf32, #tpu.memory_space<vmem_shared>>)
    %dma_wait3A_256 = arith.constant 99 : i32
    %dma_wait3A_257 = arith.constant 0 : i32
    %dma_wait3A_258 = tpu.memref_slice %arg6[%dma_wait3A_256, %dma_wait3A_257] : memref<100x100xi32, #tpu.memory_space<vmem>> -> memref<1x100xi32, #tpu.memory_space<vmem>>
    %dma_wait3A_259 = tpu.memref_squeeze %dma_wait3A_258 : memref<1x100xi32, #tpu.memory_space<vmem>> -> memref<100xi32, #tpu.memory_space<vmem>>
    %dma_wait3A_260 = arith.constant 0 : i32
    %dma_wait3A_261 = arith.constant 0 : i32
    %dma_wait3A_262 = tpu.memref_slice %arg17[%dma_wait3A_260, %dma_wait3A_261] : memref<10000x16xf32, #tpu.memory_space<vmem_shared>> -> memref<10000x16xf32, #tpu.memory_space<vmem_shared>>
    tpu.wait_indirect_dma semaphore(%arg37 : memref<!tpu.dma_semaphore, #tpu.memory_space<semaphore_mem>>) src(%arg16 : memref<100x16xf32, #tpu.memory_space<vmem>>) dst(%dma_wait3A_262 : memref<10000x16xf32, #tpu.memory_space<vmem_shared>>)
    %barrier3A_263 = arith.constant 0 : index
    tpu.barrier barrier_id(%barrier3A_263)
    %eq3A_264 = arith.constant 0 : i32
    %eq3A_265 = arith.cmpi eq, %arg0, %eq3A_264 : i32
    %convert_element_type3A_266 = arith.extui %eq3A_265 : i1 to i32
    %cond3A_267 = arith.constant 0 : i32
    %cond3A_268 = arith.cmpi ne, %convert_element_type3A_266, %cond3A_267 : i32
    scf.if %cond3A_268 {
      %mul3A_274 = arith.constant 624 : i32
      %mul3A_275 = arith.muli %arg1, %mul3A_274 : i32
      %mul3A_276 = arith.constant 624 : i32
      %mul3A_277 = arith.muli %arg1, %mul3A_276 : i32
      "tpu.region"() ({
        %run_scoped3A_283 = tpu.sem_alloc : memref<!tpu.dma_semaphore, #tpu.memory_space<semaphore_mem>>
        %dma_start3A_284 = arith.constant 0 : i32
        %dma_start3A_285 = tpu.memref_slice %arg4[%mul3A_277, %dma_start3A_284] : memref<10000x128xf32, #tpu.memory_space<hbm>> -> memref<624x16xf32, #tpu.memory_space<hbm>>
        %dma_start3A_286 = arith.constant 0 : i32
        %dma_start3A_287 = tpu.memref_slice %arg17[%mul3A_275, %dma_start3A_286] : memref<10000x16xf32, #tpu.memory_space<vmem_shared>> -> memref<624x16xf32, #tpu.memory_space<vmem_shared>>
        tpu.enqueue_dma source(%dma_start3A_287 : memref<624x16xf32, #tpu.memory_space<vmem_shared>>) target(%dma_start3A_285 : memref<624x16xf32, #tpu.memory_space<hbm>>) target_semaphore(%run_scoped3A_283 : memref<!tpu.dma_semaphore, #tpu.memory_space<semaphore_mem>>)
        %dma_wait3A_288 = arith.constant 0 : i32
        %dma_wait3A_289 = tpu.memref_slice %arg4[%mul3A_277, %dma_wait3A_288] : memref<10000x128xf32, #tpu.memory_space<hbm>> -> memref<624x16xf32, #tpu.memory_space<hbm>>
        %dma_wait3A_290 = arith.constant 0 : i32
        %dma_wait3A_291 = tpu.memref_slice %arg17[%mul3A_275, %dma_wait3A_290] : memref<10000x16xf32, #tpu.memory_space<vmem_shared>> -> memref<624x16xf32, #tpu.memory_space<vmem_shared>>
        tpu.wait_dma2 semaphore(%run_scoped3A_283 : memref<!tpu.dma_semaphore, #tpu.memory_space<semaphore_mem>>) src(%dma_wait3A_291 : memref<624x16xf32, #tpu.memory_space<vmem_shared>>) dst(%dma_wait3A_289 : memref<624x16xf32, #tpu.memory_space<hbm>>)
        tpu.yield
      }) : () -> ()
      %eq3A_278 = arith.constant 15 : i32
      %eq3A_279 = arith.cmpi eq, %arg1, %eq3A_278 : i32
      %convert_element_type3A_280 = arith.extui %eq3A_279 : i1 to i32
      %cond3A_281 = arith.constant 0 : i32
      %cond3A_282 = arith.cmpi ne, %convert_element_type3A_280, %cond3A_281 : i32
      scf.if %cond3A_282 {
        "tpu.region"() ({
          %run_scoped3A_283 = tpu.sem_alloc : memref<!tpu.dma_semaphore, #tpu.memory_space<semaphore_mem>>
          %dma_start3A_284 = arith.constant 9984 : i32
          %dma_start3A_285 = arith.constant 0 : i32
          %dma_start3A_286 = tpu.memref_slice %arg4[%dma_start3A_284, %dma_start3A_285] : memref<10000x128xf32, #tpu.memory_space<hbm>> -> memref<16x16xf32, #tpu.memory_space<hbm>>
          %dma_start3A_287 = arith.constant 9984 : i32
          %dma_start3A_288 = arith.constant 0 : i32
          %dma_start3A_289 = tpu.memref_slice %arg17[%dma_start3A_287, %dma_start3A_288] : memref<10000x16xf32, #tpu.memory_space<vmem_shared>> -> memref<16x16xf32, #tpu.memory_space<vmem_shared>>
          tpu.enqueue_dma source(%dma_start3A_289 : memref<16x16xf32, #tpu.memory_space<vmem_shared>>) target(%dma_start3A_286 : memref<16x16xf32, #tpu.memory_space<hbm>>) target_semaphore(%run_scoped3A_283 : memref<!tpu.dma_semaphore, #tpu.memory_space<semaphore_mem>>)
          %dma_wait3A_290 = arith.constant 9984 : i32
          %dma_wait3A_291 = arith.constant 0 : i32
          %dma_wait3A_292 = tpu.memref_slice %arg4[%dma_wait3A_290, %dma_wait3A_291] : memref<10000x128xf32, #tpu.memory_space<hbm>> -> memref<16x16xf32, #tpu.memory_space<hbm>>
          %dma_wait3A_293 = arith.constant 9984 : i32
          %dma_wait3A_294 = arith.constant 0 : i32
          %dma_wait3A_295 = tpu.memref_slice %arg17[%dma_wait3A_293, %dma_wait3A_294] : memref<10000x16xf32, #tpu.memory_space<vmem_shared>> -> memref<16x16xf32, #tpu.memory_space<vmem_shared>>
          tpu.wait_dma2 semaphore(%run_scoped3A_283 : memref<!tpu.dma_semaphore, #tpu.memory_space<semaphore_mem>>) src(%dma_wait3A_295 : memref<16x16xf32, #tpu.memory_space<vmem_shared>>) dst(%dma_wait3A_292 : memref<16x16xf32, #tpu.memory_space<hbm>>)
          tpu.yield
        }) : () -> ()
      } else {
      }
    } else {
    }
    %eq3A_269 = arith.constant 1 : i32
    %eq3A_270 = arith.cmpi eq, %arg0, %eq3A_269 : i32
    %convert_element_type3A_271 = arith.extui %eq3A_270 : i1 to i32
    %cond3A_272 = arith.constant 0 : i32
    %cond3A_273 = arith.cmpi ne, %convert_element_type3A_271, %cond3A_272 : i32
    scf.if %cond3A_273 {
      %mul3A_274 = arith.constant 624 : i32
      %mul3A_275 = arith.muli %arg1, %mul3A_274 : i32
      %mul3A_276 = arith.constant 624 : i32
      %mul3A_277 = arith.muli %arg1, %mul3A_276 : i32
      "tpu.region"() ({
        %run_scoped3A_283 = tpu.sem_alloc : memref<!tpu.dma_semaphore, #tpu.memory_space<semaphore_mem>>
        %dma_start3A_284 = arith.constant 16 : i32
        %dma_start3A_285 = tpu.memref_slice %arg4[%mul3A_277, %dma_start3A_284] : memref<10000x128xf32, #tpu.memory_space<hbm>> -> memref<624x16xf32, #tpu.memory_space<hbm>>
        %dma_start3A_286 = arith.constant 0 : i32
        %dma_start3A_287 = tpu.memref_slice %arg17[%mul3A_275, %dma_start3A_286] : memref<10000x16xf32, #tpu.memory_space<vmem_shared>> -> memref<624x16xf32, #tpu.memory_space<vmem_shared>>
        tpu.enqueue_dma source(%dma_start3A_287 : memref<624x16xf32, #tpu.memory_space<vmem_shared>>) target(%dma_start3A_285 : memref<624x16xf32, #tpu.memory_space<hbm>>) target_semaphore(%run_scoped3A_283 : memref<!tpu.dma_semaphore, #tpu.memory_space<semaphore_mem>>)
        %dma_wait3A_288 = arith.constant 16 : i32
        %dma_wait3A_289 = tpu.memref_slice %arg4[%mul3A_277, %dma_wait3A_288] : memref<10000x128xf32, #tpu.memory_space<hbm>> -> memref<624x16xf32, #tpu.memory_space<hbm>>
        %dma_wait3A_290 = arith.constant 0 : i32
        %dma_wait3A_291 = tpu.memref_slice %arg17[%mul3A_275, %dma_wait3A_290] : memref<10000x16xf32, #tpu.memory_space<vmem_shared>> -> memref<624x16xf32, #tpu.memory_space<vmem_shared>>
        tpu.wait_dma2 semaphore(%run_scoped3A_283 : memref<!tpu.dma_semaphore, #tpu.memory_space<semaphore_mem>>) src(%dma_wait3A_291 : memref<624x16xf32, #tpu.memory_space<vmem_shared>>) dst(%dma_wait3A_289 : memref<624x16xf32, #tpu.memory_space<hbm>>)
        tpu.yield
      }) : () -> ()
      %eq3A_278 = arith.constant 15 : i32
      %eq3A_279 = arith.cmpi eq, %arg1, %eq3A_278 : i32
      %convert_element_type3A_280 = arith.extui %eq3A_279 : i1 to i32
      %cond3A_281 = arith.constant 0 : i32
      %cond3A_282 = arith.cmpi ne, %convert_element_type3A_280, %cond3A_281 : i32
      scf.if %cond3A_282 {
        "tpu.region"() ({
          %run_scoped3A_283 = tpu.sem_alloc : memref<!tpu.dma_semaphore, #tpu.memory_space<semaphore_mem>>
          %dma_start3A_284 = arith.constant 9984 : i32
          %dma_start3A_285 = arith.constant 16 : i32
          %dma_start3A_286 = tpu.memref_slice %arg4[%dma_start3A_284, %dma_start3A_285] : memref<10000x128xf32, #tpu.memory_space<hbm>> -> memref<16x16xf32, #tpu.memory_space<hbm>>
          %dma_start3A_287 = arith.constant 9984 : i32
          %dma_start3A_288 = arith.constant 0 : i32
          %dma_start3A_289 = tpu.memref_slice %arg17[%dma_start3A_287, %dma_start3A_288] : memref<10000x16xf32, #tpu.memory_space<vmem_shared>> -> memref<16x16xf32, #tpu.memory_space<vmem_shared>>
          tpu.enqueue_dma source(%dma_start3A_289 : memref<16x16xf32, #tpu.memory_space<vmem_shared>>) target(%dma_start3A_286 : memref<16x16xf32, #tpu.memory_space<hbm>>) target_semaphore(%run_scoped3A_283 : memref<!tpu.dma_semaphore, #tpu.memory_space<semaphore_mem>>)
          %dma_wait3A_290 = arith.constant 9984 : i32
          %dma_wait3A_291 = arith.constant 16 : i32
          %dma_wait3A_292 = tpu.memref_slice %arg4[%dma_wait3A_290, %dma_wait3A_291] : memref<10000x128xf32, #tpu.memory_space<hbm>> -> memref<16x16xf32, #tpu.memory_space<hbm>>
          %dma_wait3A_293 = arith.constant 9984 : i32
          %dma_wait3A_294 = arith.constant 0 : i32
          %dma_wait3A_295 = tpu.memref_slice %arg17[%dma_wait3A_293, %dma_wait3A_294] : memref<10000x16xf32, #tpu.memory_space<vmem_shared>> -> memref<16x16xf32, #tpu.memory_space<vmem_shared>>
          tpu.wait_dma2 semaphore(%run_scoped3A_283 : memref<!tpu.dma_semaphore, #tpu.memory_space<semaphore_mem>>) src(%dma_wait3A_295 : memref<16x16xf32, #tpu.memory_space<vmem_shared>>) dst(%dma_wait3A_292 : memref<16x16xf32, #tpu.memory_space<hbm>>)
          tpu.yield
        }) : () -> ()
      } else {
      }
    } else {
    }
    return
  }
}

#map = affine_map<(d0, d1) -> (0, 0, 0, 0)>
#map1 = affine_map<(d0, d1) -> (0, 0)>
module attributes {stable_mosaic.version = 14 : i64} {
  func.func @k(%arg0: i32, %arg1: i32, %arg2: memref<2x32x250x40xi32, #tpu.memory_space<hbm>>, %arg3: memref<10000x128xf32, #tpu.memory_space<hbm>>, %arg4: memref<10000x128xf32, #tpu.memory_space<hbm>>, %arg5: memref<10000x128xf32, #tpu.memory_space<hbm>>, %arg6: memref<250x40xi32, #tpu.memory_space<vmem>>, %arg7: memref<250x40xi32, #tpu.memory_space<vmem>>, %arg8: memref<40x128xf32, #tpu.memory_space<vmem>>, %arg9: memref<40x128xf32, #tpu.memory_space<vmem>>, %arg10: memref<40x128xf32, #tpu.memory_space<vmem>>, %arg11: memref<40x128xf32, #tpu.memory_space<vmem>>, %arg12: memref<40x128xf32, #tpu.memory_space<vmem>>, %arg13: memref<10000x128xf32, #tpu.memory_space<vmem_shared>>, %arg14: memref<!tpu.dma_semaphore, #tpu.memory_space<semaphore_mem>>, %arg15: memref<!tpu.dma_semaphore, #tpu.memory_space<semaphore_mem>>, %arg16: memref<!tpu.dma_semaphore, #tpu.memory_space<semaphore_mem>>, %arg17: memref<!tpu.dma_semaphore, #tpu.memory_space<semaphore_mem>>, %arg18: memref<!tpu.dma_semaphore, #tpu.memory_space<semaphore_mem>>, %arg19: memref<!tpu.dma_semaphore, #tpu.memory_space<semaphore_mem>>, %arg20: memref<!tpu.dma_semaphore, #tpu.memory_space<semaphore_mem>>, %arg21: memref<!tpu.dma_semaphore, #tpu.memory_space<semaphore_mem>>, %arg22: memref<!tpu.dma_semaphore, #tpu.memory_space<semaphore_mem>>, %arg23: memref<!tpu.dma_semaphore, #tpu.memory_space<semaphore_mem>>) attributes {dimension_semantics = [#tpu.dimension_semantics<core_parallel>, #tpu.dimension_semantics<subcore_parallel>], iteration_bounds = array<i64: 2, 16>, scalar_prefetch = 0 : i64, scratch_operands = 18 : i64, tpu.core_type = #tpu.core_type<sc_vector_subcore>, window_params = [{transform_indices = #map}, {transform_indices = #map1}, {transform_indices = #map1}, {transform_indices = #map1}]} {
    %mul3A = arith.constant 2 : i32
    %mul3A_0 = arith.muli %arg1, %mul3A : i32
    %add3A = arith.addi %mul3A_0, %arg0 : i32
    %broadcast_in_dim3A = arith.constant 0.000000e+00 : f32
    %broadcast_in_dim3A_1 = vector.broadcast %broadcast_in_dim3A : f32 to vector<16xf32>
    %scan3A = arith.constant 0 : i32
    %scan3A_2 = arith.constant 0 : i32
    %scan3A_3 = arith.constant 40 : i32
    %scan3A_4 = arith.addi %scan3A_2, %scan3A_3 : i32
    %scan3A_5 = arith.constant 1 : i32
    scf.for %scan3A_519 = %scan3A_2 to %scan3A_4 step %scan3A_5  : i32 {
      %swap3A = arith.index_cast %scan3A_519 : i32 to index
      %swap3A_520 = arith.constant 0 : index
      %swap3A_521 = tpu.vector_load %arg8[%swap3A, %swap3A_520] {strides = array<i32>} : memref<40x128xf32, #tpu.memory_space<vmem>>, vector<1x16xf32>,
      %swap3A_522 = vector.shape_cast %swap3A_521 : vector<1x16xf32> to vector<16xf32>
      %swap3A_523 = vector.shape_cast %broadcast_in_dim3A_1 : vector<16xf32> to vector<1x16xf32>
      tpu.vector_store %arg8[%swap3A, %swap3A_520], %swap3A_523 {strides = array<i32>} : memref<40x128xf32, #tpu.memory_space<vmem>>, vector<1x16xf32>,
      %swap3A_524 = arith.index_cast %scan3A_519 : i32 to index
      %swap3A_525 = arith.constant 16 : index
      %swap3A_526 = tpu.vector_load %arg8[%swap3A_524, %swap3A_525] {strides = array<i32>} : memref<40x128xf32, #tpu.memory_space<vmem>>, vector<1x16xf32>,
      %swap3A_527 = vector.shape_cast %swap3A_526 : vector<1x16xf32> to vector<16xf32>
      %swap3A_528 = vector.shape_cast %broadcast_in_dim3A_1 : vector<16xf32> to vector<1x16xf32>
      tpu.vector_store %arg8[%swap3A_524, %swap3A_525], %swap3A_528 {strides = array<i32>} : memref<40x128xf32, #tpu.memory_space<vmem>>, vector<1x16xf32>,
      %swap3A_529 = arith.index_cast %scan3A_519 : i32 to index
      %swap3A_530 = arith.constant 32 : index
      %swap3A_531 = tpu.vector_load %arg8[%swap3A_529, %swap3A_530] {strides = array<i32>} : memref<40x128xf32, #tpu.memory_space<vmem>>, vector<1x16xf32>,
      %swap3A_532 = vector.shape_cast %swap3A_531 : vector<1x16xf32> to vector<16xf32>
      %swap3A_533 = vector.shape_cast %broadcast_in_dim3A_1 : vector<16xf32> to vector<1x16xf32>
      tpu.vector_store %arg8[%swap3A_529, %swap3A_530], %swap3A_533 {strides = array<i32>} : memref<40x128xf32, #tpu.memory_space<vmem>>, vector<1x16xf32>,
      %swap3A_534 = arith.index_cast %scan3A_519 : i32 to index
      %swap3A_535 = arith.constant 48 : index
      %swap3A_536 = tpu.vector_load %arg8[%swap3A_534, %swap3A_535] {strides = array<i32>} : memref<40x128xf32, #tpu.memory_space<vmem>>, vector<1x16xf32>,
      %swap3A_537 = vector.shape_cast %swap3A_536 : vector<1x16xf32> to vector<16xf32>
      %swap3A_538 = vector.shape_cast %broadcast_in_dim3A_1 : vector<16xf32> to vector<1x16xf32>
      tpu.vector_store %arg8[%swap3A_534, %swap3A_535], %swap3A_538 {strides = array<i32>} : memref<40x128xf32, #tpu.memory_space<vmem>>, vector<1x16xf32>,
      %swap3A_539 = arith.index_cast %scan3A_519 : i32 to index
      %swap3A_540 = arith.constant 64 : index
      %swap3A_541 = tpu.vector_load %arg8[%swap3A_539, %swap3A_540] {strides = array<i32>} : memref<40x128xf32, #tpu.memory_space<vmem>>, vector<1x16xf32>,
      %swap3A_542 = vector.shape_cast %swap3A_541 : vector<1x16xf32> to vector<16xf32>
      %swap3A_543 = vector.shape_cast %broadcast_in_dim3A_1 : vector<16xf32> to vector<1x16xf32>
      tpu.vector_store %arg8[%swap3A_539, %swap3A_540], %swap3A_543 {strides = array<i32>} : memref<40x128xf32, #tpu.memory_space<vmem>>, vector<1x16xf32>,
      %swap3A_544 = arith.index_cast %scan3A_519 : i32 to index
      %swap3A_545 = arith.constant 80 : index
      %swap3A_546 = tpu.vector_load %arg8[%swap3A_544, %swap3A_545] {strides = array<i32>} : memref<40x128xf32, #tpu.memory_space<vmem>>, vector<1x16xf32>,
      %swap3A_547 = vector.shape_cast %swap3A_546 : vector<1x16xf32> to vector<16xf32>
      %swap3A_548 = vector.shape_cast %broadcast_in_dim3A_1 : vector<16xf32> to vector<1x16xf32>
      tpu.vector_store %arg8[%swap3A_544, %swap3A_545], %swap3A_548 {strides = array<i32>} : memref<40x128xf32, #tpu.memory_space<vmem>>, vector<1x16xf32>,
      %swap3A_549 = arith.index_cast %scan3A_519 : i32 to index
      %swap3A_550 = arith.constant 96 : index
      %swap3A_551 = tpu.vector_load %arg8[%swap3A_549, %swap3A_550] {strides = array<i32>} : memref<40x128xf32, #tpu.memory_space<vmem>>, vector<1x16xf32>,
      %swap3A_552 = vector.shape_cast %swap3A_551 : vector<1x16xf32> to vector<16xf32>
      %swap3A_553 = vector.shape_cast %broadcast_in_dim3A_1 : vector<16xf32> to vector<1x16xf32>
      tpu.vector_store %arg8[%swap3A_549, %swap3A_550], %swap3A_553 {strides = array<i32>} : memref<40x128xf32, #tpu.memory_space<vmem>>, vector<1x16xf32>,
      %swap3A_554 = arith.index_cast %scan3A_519 : i32 to index
      %swap3A_555 = arith.constant 112 : index
      %swap3A_556 = tpu.vector_load %arg8[%swap3A_554, %swap3A_555] {strides = array<i32>} : memref<40x128xf32, #tpu.memory_space<vmem>>, vector<1x16xf32>,
      %swap3A_557 = vector.shape_cast %swap3A_556 : vector<1x16xf32> to vector<16xf32>
      %swap3A_558 = vector.shape_cast %broadcast_in_dim3A_1 : vector<16xf32> to vector<1x16xf32>
      tpu.vector_store %arg8[%swap3A_554, %swap3A_555], %swap3A_558 {strides = array<i32>} : memref<40x128xf32, #tpu.memory_space<vmem>>, vector<1x16xf32>,
    }
    %scan3A_6 = arith.constant 40 : i32
    %mul3A_7 = arith.constant 624 : i32
    %mul3A_8 = arith.muli %arg1, %mul3A_7 : i32
    %add3A_9 = arith.constant 0 : i32
    %add3A_10 = arith.addi %mul3A_8, %add3A_9 : i32
    %dma_start3A = arith.constant 0 : i32
    %dma_start3A_11 = arith.constant 0 : i32
    %dma_start3A_12 = tpu.memref_slice %arg8[%dma_start3A, %dma_start3A_11] : memref<40x128xf32, #tpu.memory_space<vmem>> -> memref<40x128xf32, #tpu.memory_space<vmem>>
    %dma_start3A_13 = arith.constant 0 : i32
    %dma_start3A_14 = tpu.memref_slice %arg13[%add3A_10, %dma_start3A_13] : memref<10000x128xf32, #tpu.memory_space<vmem_shared>> -> memref<40x128xf32, #tpu.memory_space<vmem_shared>>
    %dma_start3A_15 = arith.constant 0 : i32
    %dma_start3A_16 = tpu.memref_slice %arg13[%add3A_10, %dma_start3A_15] : memref<10000x128xf32, #tpu.memory_space<vmem_shared>> -> memref<40x128xf32, #tpu.memory_space<vmem_shared>>
    %dma_start3A_17 = arith.constant 0 : i32
    %dma_start3A_18 = arith.constant 0 : i32
    %dma_start3A_19 = tpu.memref_slice %arg8[%dma_start3A_17, %dma_start3A_18] : memref<40x128xf32, #tpu.memory_space<vmem>> -> memref<40x128xf32, #tpu.memory_space<vmem>>
    tpu.enqueue_dma source(%dma_start3A_19 : memref<40x128xf32, #tpu.memory_space<vmem>>) target(%dma_start3A_16 : memref<40x128xf32, #tpu.memory_space<vmem_shared>>) target_semaphore(%arg19 : memref<!tpu.dma_semaphore, #tpu.memory_space<semaphore_mem>>)
    %mul3A_20 = arith.constant 624 : i32
    %mul3A_21 = arith.muli %arg1, %mul3A_20 : i32
    %add3A_22 = arith.constant 40 : i32
    %add3A_23 = arith.addi %mul3A_21, %add3A_22 : i32
    %dma_start3A_24 = arith.constant 0 : i32
    %dma_start3A_25 = arith.constant 0 : i32
    %dma_start3A_26 = tpu.memref_slice %arg8[%dma_start3A_24, %dma_start3A_25] : memref<40x128xf32, #tpu.memory_space<vmem>> -> memref<40x128xf32, #tpu.memory_space<vmem>>
    %dma_start3A_27 = arith.constant 0 : i32
    %dma_start3A_28 = tpu.memref_slice %arg13[%add3A_23, %dma_start3A_27] : memref<10000x128xf32, #tpu.memory_space<vmem_shared>> -> memref<40x128xf32, #tpu.memory_space<vmem_shared>>
    %dma_start3A_29 = arith.constant 0 : i32
    %dma_start3A_30 = tpu.memref_slice %arg13[%add3A_23, %dma_start3A_29] : memref<10000x128xf32, #tpu.memory_space<vmem_shared>> -> memref<40x128xf32, #tpu.memory_space<vmem_shared>>
    %dma_start3A_31 = arith.constant 0 : i32
    %dma_start3A_32 = arith.constant 0 : i32
    %dma_start3A_33 = tpu.memref_slice %arg8[%dma_start3A_31, %dma_start3A_32] : memref<40x128xf32, #tpu.memory_space<vmem>> -> memref<40x128xf32, #tpu.memory_space<vmem>>
    tpu.enqueue_dma source(%dma_start3A_33 : memref<40x128xf32, #tpu.memory_space<vmem>>) target(%dma_start3A_30 : memref<40x128xf32, #tpu.memory_space<vmem_shared>>) target_semaphore(%arg20 : memref<!tpu.dma_semaphore, #tpu.memory_space<semaphore_mem>>)
    %mul3A_34 = arith.constant 624 : i32
    %mul3A_35 = arith.muli %arg1, %mul3A_34 : i32
    %add3A_36 = arith.constant 80 : i32
    %add3A_37 = arith.addi %mul3A_35, %add3A_36 : i32
    %dma_start3A_38 = arith.constant 0 : i32
    %dma_start3A_39 = arith.constant 0 : i32
    %dma_start3A_40 = tpu.memref_slice %arg8[%dma_start3A_38, %dma_start3A_39] : memref<40x128xf32, #tpu.memory_space<vmem>> -> memref<40x128xf32, #tpu.memory_space<vmem>>
    %dma_start3A_41 = arith.constant 0 : i32
    %dma_start3A_42 = tpu.memref_slice %arg13[%add3A_37, %dma_start3A_41] : memref<10000x128xf32, #tpu.memory_space<vmem_shared>> -> memref<40x128xf32, #tpu.memory_space<vmem_shared>>
    %dma_start3A_43 = arith.constant 0 : i32
    %dma_start3A_44 = tpu.memref_slice %arg13[%add3A_37, %dma_start3A_43] : memref<10000x128xf32, #tpu.memory_space<vmem_shared>> -> memref<40x128xf32, #tpu.memory_space<vmem_shared>>
    %dma_start3A_45 = arith.constant 0 : i32
    %dma_start3A_46 = arith.constant 0 : i32
    %dma_start3A_47 = tpu.memref_slice %arg8[%dma_start3A_45, %dma_start3A_46] : memref<40x128xf32, #tpu.memory_space<vmem>> -> memref<40x128xf32, #tpu.memory_space<vmem>>
    tpu.enqueue_dma source(%dma_start3A_47 : memref<40x128xf32, #tpu.memory_space<vmem>>) target(%dma_start3A_44 : memref<40x128xf32, #tpu.memory_space<vmem_shared>>) target_semaphore(%arg21 : memref<!tpu.dma_semaphore, #tpu.memory_space<semaphore_mem>>)
    %mul3A_48 = arith.constant 624 : i32
    %mul3A_49 = arith.muli %arg1, %mul3A_48 : i32
    %add3A_50 = arith.constant 120 : i32
    %add3A_51 = arith.addi %mul3A_49, %add3A_50 : i32
    %dma_start3A_52 = arith.constant 0 : i32
    %dma_start3A_53 = arith.constant 0 : i32
    %dma_start3A_54 = tpu.memref_slice %arg8[%dma_start3A_52, %dma_start3A_53] : memref<40x128xf32, #tpu.memory_space<vmem>> -> memref<40x128xf32, #tpu.memory_space<vmem>>
    %dma_start3A_55 = arith.constant 0 : i32
    %dma_start3A_56 = tpu.memref_slice %arg13[%add3A_51, %dma_start3A_55] : memref<10000x128xf32, #tpu.memory_space<vmem_shared>> -> memref<40x128xf32, #tpu.memory_space<vmem_shared>>
    %dma_start3A_57 = arith.constant 0 : i32
    %dma_start3A_58 = tpu.memref_slice %arg13[%add3A_51, %dma_start3A_57] : memref<10000x128xf32, #tpu.memory_space<vmem_shared>> -> memref<40x128xf32, #tpu.memory_space<vmem_shared>>
    %dma_start3A_59 = arith.constant 0 : i32
    %dma_start3A_60 = arith.constant 0 : i32
    %dma_start3A_61 = tpu.memref_slice %arg8[%dma_start3A_59, %dma_start3A_60] : memref<40x128xf32, #tpu.memory_space<vmem>> -> memref<40x128xf32, #tpu.memory_space<vmem>>
    tpu.enqueue_dma source(%dma_start3A_61 : memref<40x128xf32, #tpu.memory_space<vmem>>) target(%dma_start3A_58 : memref<40x128xf32, #tpu.memory_space<vmem_shared>>) target_semaphore(%arg22 : memref<!tpu.dma_semaphore, #tpu.memory_space<semaphore_mem>>)
    %mul3A_62 = arith.constant 624 : i32
    %mul3A_63 = arith.muli %arg1, %mul3A_62 : i32
    %add3A_64 = arith.constant 160 : i32
    %add3A_65 = arith.addi %mul3A_63, %add3A_64 : i32
    %dma_start3A_66 = arith.constant 0 : i32
    %dma_start3A_67 = arith.constant 0 : i32
    %dma_start3A_68 = tpu.memref_slice %arg8[%dma_start3A_66, %dma_start3A_67] : memref<40x128xf32, #tpu.memory_space<vmem>> -> memref<40x128xf32, #tpu.memory_space<vmem>>
    %dma_start3A_69 = arith.constant 0 : i32
    %dma_start3A_70 = tpu.memref_slice %arg13[%add3A_65, %dma_start3A_69] : memref<10000x128xf32, #tpu.memory_space<vmem_shared>> -> memref<40x128xf32, #tpu.memory_space<vmem_shared>>
    %dma_start3A_71 = arith.constant 0 : i32
    %dma_start3A_72 = tpu.memref_slice %arg13[%add3A_65, %dma_start3A_71] : memref<10000x128xf32, #tpu.memory_space<vmem_shared>> -> memref<40x128xf32, #tpu.memory_space<vmem_shared>>
    %dma_start3A_73 = arith.constant 0 : i32
    %dma_start3A_74 = arith.constant 0 : i32
    %dma_start3A_75 = tpu.memref_slice %arg8[%dma_start3A_73, %dma_start3A_74] : memref<40x128xf32, #tpu.memory_space<vmem>> -> memref<40x128xf32, #tpu.memory_space<vmem>>
    tpu.enqueue_dma source(%dma_start3A_75 : memref<40x128xf32, #tpu.memory_space<vmem>>) target(%dma_start3A_72 : memref<40x128xf32, #tpu.memory_space<vmem_shared>>) target_semaphore(%arg23 : memref<!tpu.dma_semaphore, #tpu.memory_space<semaphore_mem>>)
    %mul3A_76 = arith.constant 624 : i32
    %mul3A_77 = arith.muli %arg1, %mul3A_76 : i32
    %add3A_78 = arith.constant 200 : i32
    %add3A_79 = arith.addi %mul3A_77, %add3A_78 : i32
    %dma_start3A_80 = arith.constant 0 : i32
    %dma_start3A_81 = arith.constant 0 : i32
    %dma_start3A_82 = tpu.memref_slice %arg8[%dma_start3A_80, %dma_start3A_81] : memref<40x128xf32, #tpu.memory_space<vmem>> -> memref<40x128xf32, #tpu.memory_space<vmem>>
    %dma_start3A_83 = arith.constant 0 : i32
    %dma_start3A_84 = tpu.memref_slice %arg13[%add3A_79, %dma_start3A_83] : memref<10000x128xf32, #tpu.memory_space<vmem_shared>> -> memref<40x128xf32, #tpu.memory_space<vmem_shared>>
    %dma_start3A_85 = arith.constant 0 : i32
    %dma_start3A_86 = tpu.memref_slice %arg13[%add3A_79, %dma_start3A_85] : memref<10000x128xf32, #tpu.memory_space<vmem_shared>> -> memref<40x128xf32, #tpu.memory_space<vmem_shared>>
    %dma_start3A_87 = arith.constant 0 : i32
    %dma_start3A_88 = arith.constant 0 : i32
    %dma_start3A_89 = tpu.memref_slice %arg8[%dma_start3A_87, %dma_start3A_88] : memref<40x128xf32, #tpu.memory_space<vmem>> -> memref<40x128xf32, #tpu.memory_space<vmem>>
    tpu.enqueue_dma source(%dma_start3A_89 : memref<40x128xf32, #tpu.memory_space<vmem>>) target(%dma_start3A_86 : memref<40x128xf32, #tpu.memory_space<vmem_shared>>) target_semaphore(%arg19 : memref<!tpu.dma_semaphore, #tpu.memory_space<semaphore_mem>>)
    %mul3A_90 = arith.constant 624 : i32
    %mul3A_91 = arith.muli %arg1, %mul3A_90 : i32
    %add3A_92 = arith.constant 240 : i32
    %add3A_93 = arith.addi %mul3A_91, %add3A_92 : i32
    %dma_start3A_94 = arith.constant 0 : i32
    %dma_start3A_95 = arith.constant 0 : i32
    %dma_start3A_96 = tpu.memref_slice %arg8[%dma_start3A_94, %dma_start3A_95] : memref<40x128xf32, #tpu.memory_space<vmem>> -> memref<40x128xf32, #tpu.memory_space<vmem>>
    %dma_start3A_97 = arith.constant 0 : i32
    %dma_start3A_98 = tpu.memref_slice %arg13[%add3A_93, %dma_start3A_97] : memref<10000x128xf32, #tpu.memory_space<vmem_shared>> -> memref<40x128xf32, #tpu.memory_space<vmem_shared>>
    %dma_start3A_99 = arith.constant 0 : i32
    %dma_start3A_100 = tpu.memref_slice %arg13[%add3A_93, %dma_start3A_99] : memref<10000x128xf32, #tpu.memory_space<vmem_shared>> -> memref<40x128xf32, #tpu.memory_space<vmem_shared>>
    %dma_start3A_101 = arith.constant 0 : i32
    %dma_start3A_102 = arith.constant 0 : i32
    %dma_start3A_103 = tpu.memref_slice %arg8[%dma_start3A_101, %dma_start3A_102] : memref<40x128xf32, #tpu.memory_space<vmem>> -> memref<40x128xf32, #tpu.memory_space<vmem>>
    tpu.enqueue_dma source(%dma_start3A_103 : memref<40x128xf32, #tpu.memory_space<vmem>>) target(%dma_start3A_100 : memref<40x128xf32, #tpu.memory_space<vmem_shared>>) target_semaphore(%arg20 : memref<!tpu.dma_semaphore, #tpu.memory_space<semaphore_mem>>)
    %mul3A_104 = arith.constant 624 : i32
    %mul3A_105 = arith.muli %arg1, %mul3A_104 : i32
    %add3A_106 = arith.constant 280 : i32
    %add3A_107 = arith.addi %mul3A_105, %add3A_106 : i32
    %dma_start3A_108 = arith.constant 0 : i32
    %dma_start3A_109 = arith.constant 0 : i32
    %dma_start3A_110 = tpu.memref_slice %arg8[%dma_start3A_108, %dma_start3A_109] : memref<40x128xf32, #tpu.memory_space<vmem>> -> memref<40x128xf32, #tpu.memory_space<vmem>>
    %dma_start3A_111 = arith.constant 0 : i32
    %dma_start3A_112 = tpu.memref_slice %arg13[%add3A_107, %dma_start3A_111] : memref<10000x128xf32, #tpu.memory_space<vmem_shared>> -> memref<40x128xf32, #tpu.memory_space<vmem_shared>>
    %dma_start3A_113 = arith.constant 0 : i32
    %dma_start3A_114 = tpu.memref_slice %arg13[%add3A_107, %dma_start3A_113] : memref<10000x128xf32, #tpu.memory_space<vmem_shared>> -> memref<40x128xf32, #tpu.memory_space<vmem_shared>>
    %dma_start3A_115 = arith.constant 0 : i32
    %dma_start3A_116 = arith.constant 0 : i32
    %dma_start3A_117 = tpu.memref_slice %arg8[%dma_start3A_115, %dma_start3A_116] : memref<40x128xf32, #tpu.memory_space<vmem>> -> memref<40x128xf32, #tpu.memory_space<vmem>>
    tpu.enqueue_dma source(%dma_start3A_117 : memref<40x128xf32, #tpu.memory_space<vmem>>) target(%dma_start3A_114 : memref<40x128xf32, #tpu.memory_space<vmem_shared>>) target_semaphore(%arg21 : memref<!tpu.dma_semaphore, #tpu.memory_space<semaphore_mem>>)
    %mul3A_118 = arith.constant 624 : i32
    %mul3A_119 = arith.muli %arg1, %mul3A_118 : i32
    %add3A_120 = arith.constant 320 : i32
    %add3A_121 = arith.addi %mul3A_119, %add3A_120 : i32
    %dma_start3A_122 = arith.constant 0 : i32
    %dma_start3A_123 = arith.constant 0 : i32
    %dma_start3A_124 = tpu.memref_slice %arg8[%dma_start3A_122, %dma_start3A_123] : memref<40x128xf32, #tpu.memory_space<vmem>> -> memref<40x128xf32, #tpu.memory_space<vmem>>
    %dma_start3A_125 = arith.constant 0 : i32
    %dma_start3A_126 = tpu.memref_slice %arg13[%add3A_121, %dma_start3A_125] : memref<10000x128xf32, #tpu.memory_space<vmem_shared>> -> memref<40x128xf32, #tpu.memory_space<vmem_shared>>
    %dma_start3A_127 = arith.constant 0 : i32
    %dma_start3A_128 = tpu.memref_slice %arg13[%add3A_121, %dma_start3A_127] : memref<10000x128xf32, #tpu.memory_space<vmem_shared>> -> memref<40x128xf32, #tpu.memory_space<vmem_shared>>
    %dma_start3A_129 = arith.constant 0 : i32
    %dma_start3A_130 = arith.constant 0 : i32
    %dma_start3A_131 = tpu.memref_slice %arg8[%dma_start3A_129, %dma_start3A_130] : memref<40x128xf32, #tpu.memory_space<vmem>> -> memref<40x128xf32, #tpu.memory_space<vmem>>
    tpu.enqueue_dma source(%dma_start3A_131 : memref<40x128xf32, #tpu.memory_space<vmem>>) target(%dma_start3A_128 : memref<40x128xf32, #tpu.memory_space<vmem_shared>>) target_semaphore(%arg22 : memref<!tpu.dma_semaphore, #tpu.memory_space<semaphore_mem>>)
    %mul3A_132 = arith.constant 624 : i32
    %mul3A_133 = arith.muli %arg1, %mul3A_132 : i32
    %add3A_134 = arith.constant 360 : i32
    %add3A_135 = arith.addi %mul3A_133, %add3A_134 : i32
    %dma_start3A_136 = arith.constant 0 : i32
    %dma_start3A_137 = arith.constant 0 : i32
    %dma_start3A_138 = tpu.memref_slice %arg8[%dma_start3A_136, %dma_start3A_137] : memref<40x128xf32, #tpu.memory_space<vmem>> -> memref<40x128xf32, #tpu.memory_space<vmem>>
    %dma_start3A_139 = arith.constant 0 : i32
    %dma_start3A_140 = tpu.memref_slice %arg13[%add3A_135, %dma_start3A_139] : memref<10000x128xf32, #tpu.memory_space<vmem_shared>> -> memref<40x128xf32, #tpu.memory_space<vmem_shared>>
    %dma_start3A_141 = arith.constant 0 : i32
    %dma_start3A_142 = tpu.memref_slice %arg13[%add3A_135, %dma_start3A_141] : memref<10000x128xf32, #tpu.memory_space<vmem_shared>> -> memref<40x128xf32, #tpu.memory_space<vmem_shared>>
    %dma_start3A_143 = arith.constant 0 : i32
    %dma_start3A_144 = arith.constant 0 : i32
    %dma_start3A_145 = tpu.memref_slice %arg8[%dma_start3A_143, %dma_start3A_144] : memref<40x128xf32, #tpu.memory_space<vmem>> -> memref<40x128xf32, #tpu.memory_space<vmem>>
    tpu.enqueue_dma source(%dma_start3A_145 : memref<40x128xf32, #tpu.memory_space<vmem>>) target(%dma_start3A_142 : memref<40x128xf32, #tpu.memory_space<vmem_shared>>) target_semaphore(%arg23 : memref<!tpu.dma_semaphore, #tpu.memory_space<semaphore_mem>>)
    %mul3A_146 = arith.constant 624 : i32
    %mul3A_147 = arith.muli %arg1, %mul3A_146 : i32
    %add3A_148 = arith.constant 400 : i32
    %add3A_149 = arith.addi %mul3A_147, %add3A_148 : i32
    %dma_start3A_150 = arith.constant 0 : i32
    %dma_start3A_151 = arith.constant 0 : i32
    %dma_start3A_152 = tpu.memref_slice %arg8[%dma_start3A_150, %dma_start3A_151] : memref<40x128xf32, #tpu.memory_space<vmem>> -> memref<40x128xf32, #tpu.memory_space<vmem>>
    %dma_start3A_153 = arith.constant 0 : i32
    %dma_start3A_154 = tpu.memref_slice %arg13[%add3A_149, %dma_start3A_153] : memref<10000x128xf32, #tpu.memory_space<vmem_shared>> -> memref<40x128xf32, #tpu.memory_space<vmem_shared>>
    %dma_start3A_155 = arith.constant 0 : i32
    %dma_start3A_156 = tpu.memref_slice %arg13[%add3A_149, %dma_start3A_155] : memref<10000x128xf32, #tpu.memory_space<vmem_shared>> -> memref<40x128xf32, #tpu.memory_space<vmem_shared>>
    %dma_start3A_157 = arith.constant 0 : i32
    %dma_start3A_158 = arith.constant 0 : i32
    %dma_start3A_159 = tpu.memref_slice %arg8[%dma_start3A_157, %dma_start3A_158] : memref<40x128xf32, #tpu.memory_space<vmem>> -> memref<40x128xf32, #tpu.memory_space<vmem>>
    tpu.enqueue_dma source(%dma_start3A_159 : memref<40x128xf32, #tpu.memory_space<vmem>>) target(%dma_start3A_156 : memref<40x128xf32, #tpu.memory_space<vmem_shared>>) target_semaphore(%arg19 : memref<!tpu.dma_semaphore, #tpu.memory_space<semaphore_mem>>)
    %mul3A_160 = arith.constant 624 : i32
    %mul3A_161 = arith.muli %arg1, %mul3A_160 : i32
    %add3A_162 = arith.constant 440 : i32
    %add3A_163 = arith.addi %mul3A_161, %add3A_162 : i32
    %dma_start3A_164 = arith.constant 0 : i32
    %dma_start3A_165 = arith.constant 0 : i32
    %dma_start3A_166 = tpu.memref_slice %arg8[%dma_start3A_164, %dma_start3A_165] : memref<40x128xf32, #tpu.memory_space<vmem>> -> memref<40x128xf32, #tpu.memory_space<vmem>>
    %dma_start3A_167 = arith.constant 0 : i32
    %dma_start3A_168 = tpu.memref_slice %arg13[%add3A_163, %dma_start3A_167] : memref<10000x128xf32, #tpu.memory_space<vmem_shared>> -> memref<40x128xf32, #tpu.memory_space<vmem_shared>>
    %dma_start3A_169 = arith.constant 0 : i32
    %dma_start3A_170 = tpu.memref_slice %arg13[%add3A_163, %dma_start3A_169] : memref<10000x128xf32, #tpu.memory_space<vmem_shared>> -> memref<40x128xf32, #tpu.memory_space<vmem_shared>>
    %dma_start3A_171 = arith.constant 0 : i32
    %dma_start3A_172 = arith.constant 0 : i32
    %dma_start3A_173 = tpu.memref_slice %arg8[%dma_start3A_171, %dma_start3A_172] : memref<40x128xf32, #tpu.memory_space<vmem>> -> memref<40x128xf32, #tpu.memory_space<vmem>>
    tpu.enqueue_dma source(%dma_start3A_173 : memref<40x128xf32, #tpu.memory_space<vmem>>) target(%dma_start3A_170 : memref<40x128xf32, #tpu.memory_space<vmem_shared>>) target_semaphore(%arg20 : memref<!tpu.dma_semaphore, #tpu.memory_space<semaphore_mem>>)
    %mul3A_174 = arith.constant 624 : i32
    %mul3A_175 = arith.muli %arg1, %mul3A_174 : i32
    %add3A_176 = arith.constant 480 : i32
    %add3A_177 = arith.addi %mul3A_175, %add3A_176 : i32
    %dma_start3A_178 = arith.constant 0 : i32
    %dma_start3A_179 = arith.constant 0 : i32
    %dma_start3A_180 = tpu.memref_slice %arg8[%dma_start3A_178, %dma_start3A_179] : memref<40x128xf32, #tpu.memory_space<vmem>> -> memref<40x128xf32, #tpu.memory_space<vmem>>
    %dma_start3A_181 = arith.constant 0 : i32
    %dma_start3A_182 = tpu.memref_slice %arg13[%add3A_177, %dma_start3A_181] : memref<10000x128xf32, #tpu.memory_space<vmem_shared>> -> memref<40x128xf32, #tpu.memory_space<vmem_shared>>
    %dma_start3A_183 = arith.constant 0 : i32
    %dma_start3A_184 = tpu.memref_slice %arg13[%add3A_177, %dma_start3A_183] : memref<10000x128xf32, #tpu.memory_space<vmem_shared>> -> memref<40x128xf32, #tpu.memory_space<vmem_shared>>
    %dma_start3A_185 = arith.constant 0 : i32
    %dma_start3A_186 = arith.constant 0 : i32
    %dma_start3A_187 = tpu.memref_slice %arg8[%dma_start3A_185, %dma_start3A_186] : memref<40x128xf32, #tpu.memory_space<vmem>> -> memref<40x128xf32, #tpu.memory_space<vmem>>
    tpu.enqueue_dma source(%dma_start3A_187 : memref<40x128xf32, #tpu.memory_space<vmem>>) target(%dma_start3A_184 : memref<40x128xf32, #tpu.memory_space<vmem_shared>>) target_semaphore(%arg21 : memref<!tpu.dma_semaphore, #tpu.memory_space<semaphore_mem>>)
    %mul3A_188 = arith.constant 624 : i32
    %mul3A_189 = arith.muli %arg1, %mul3A_188 : i32
    %add3A_190 = arith.constant 520 : i32
    %add3A_191 = arith.addi %mul3A_189, %add3A_190 : i32
    %dma_start3A_192 = arith.constant 0 : i32
    %dma_start3A_193 = arith.constant 0 : i32
    %dma_start3A_194 = tpu.memref_slice %arg8[%dma_start3A_192, %dma_start3A_193] : memref<40x128xf32, #tpu.memory_space<vmem>> -> memref<40x128xf32, #tpu.memory_space<vmem>>
    %dma_start3A_195 = arith.constant 0 : i32
    %dma_start3A_196 = tpu.memref_slice %arg13[%add3A_191, %dma_start3A_195] : memref<10000x128xf32, #tpu.memory_space<vmem_shared>> -> memref<40x128xf32, #tpu.memory_space<vmem_shared>>
    %dma_start3A_197 = arith.constant 0 : i32
    %dma_start3A_198 = tpu.memref_slice %arg13[%add3A_191, %dma_start3A_197] : memref<10000x128xf32, #tpu.memory_space<vmem_shared>> -> memref<40x128xf32, #tpu.memory_space<vmem_shared>>
    %dma_start3A_199 = arith.constant 0 : i32
    %dma_start3A_200 = arith.constant 0 : i32
    %dma_start3A_201 = tpu.memref_slice %arg8[%dma_start3A_199, %dma_start3A_200] : memref<40x128xf32, #tpu.memory_space<vmem>> -> memref<40x128xf32, #tpu.memory_space<vmem>>
    tpu.enqueue_dma source(%dma_start3A_201 : memref<40x128xf32, #tpu.memory_space<vmem>>) target(%dma_start3A_198 : memref<40x128xf32, #tpu.memory_space<vmem_shared>>) target_semaphore(%arg22 : memref<!tpu.dma_semaphore, #tpu.memory_space<semaphore_mem>>)
    %mul3A_202 = arith.constant 624 : i32
    %mul3A_203 = arith.muli %arg1, %mul3A_202 : i32
    %add3A_204 = arith.constant 560 : i32
    %add3A_205 = arith.addi %mul3A_203, %add3A_204 : i32
    %dma_start3A_206 = arith.constant 0 : i32
    %dma_start3A_207 = arith.constant 0 : i32
    %dma_start3A_208 = tpu.memref_slice %arg8[%dma_start3A_206, %dma_start3A_207] : memref<40x128xf32, #tpu.memory_space<vmem>> -> memref<40x128xf32, #tpu.memory_space<vmem>>
    %dma_start3A_209 = arith.constant 0 : i32
    %dma_start3A_210 = tpu.memref_slice %arg13[%add3A_205, %dma_start3A_209] : memref<10000x128xf32, #tpu.memory_space<vmem_shared>> -> memref<40x128xf32, #tpu.memory_space<vmem_shared>>
    %dma_start3A_211 = arith.constant 0 : i32
    %dma_start3A_212 = tpu.memref_slice %arg13[%add3A_205, %dma_start3A_211] : memref<10000x128xf32, #tpu.memory_space<vmem_shared>> -> memref<40x128xf32, #tpu.memory_space<vmem_shared>>
    %dma_start3A_213 = arith.constant 0 : i32
    %dma_start3A_214 = arith.constant 0 : i32
    %dma_start3A_215 = tpu.memref_slice %arg8[%dma_start3A_213, %dma_start3A_214] : memref<40x128xf32, #tpu.memory_space<vmem>> -> memref<40x128xf32, #tpu.memory_space<vmem>>
    tpu.enqueue_dma source(%dma_start3A_215 : memref<40x128xf32, #tpu.memory_space<vmem>>) target(%dma_start3A_212 : memref<40x128xf32, #tpu.memory_space<vmem_shared>>) target_semaphore(%arg23 : memref<!tpu.dma_semaphore, #tpu.memory_space<semaphore_mem>>)
    %mul3A_216 = arith.constant 624 : i32
    %mul3A_217 = arith.muli %arg1, %mul3A_216 : i32
    %add3A_218 = arith.constant 600 : i32
    %add3A_219 = arith.addi %mul3A_217, %add3A_218 : i32
    "tpu.region"() ({
      %run_scoped3A_519 = tpu.sem_alloc : memref<!tpu.dma_semaphore, #tpu.memory_space<semaphore_mem>>
      %dma_start3A_520 = arith.constant 0 : i32
      %dma_start3A_521 = arith.constant 0 : i32
      %dma_start3A_522 = tpu.memref_slice %arg8[%dma_start3A_520, %dma_start3A_521] : memref<40x128xf32, #tpu.memory_space<vmem>> -> memref<24x128xf32, #tpu.memory_space<vmem>>
      %dma_start3A_523 = arith.constant 0 : i32
      %dma_start3A_524 = tpu.memref_slice %arg13[%add3A_219, %dma_start3A_523] : memref<10000x128xf32, #tpu.memory_space<vmem_shared>> -> memref<24x128xf32, #tpu.memory_space<vmem_shared>>
      %dma_start3A_525 = arith.constant 0 : i32
      %dma_start3A_526 = tpu.memref_slice %arg13[%add3A_219, %dma_start3A_525] : memref<10000x128xf32, #tpu.memory_space<vmem_shared>> -> memref<24x128xf32, #tpu.memory_space<vmem_shared>>
      %dma_start3A_527 = arith.constant 0 : i32
      %dma_start3A_528 = arith.constant 0 : i32
      %dma_start3A_529 = tpu.memref_slice %arg8[%dma_start3A_527, %dma_start3A_528] : memref<40x128xf32, #tpu.memory_space<vmem>> -> memref<24x128xf32, #tpu.memory_space<vmem>>
      tpu.enqueue_dma source(%dma_start3A_529 : memref<24x128xf32, #tpu.memory_space<vmem>>) target(%dma_start3A_526 : memref<24x128xf32, #tpu.memory_space<vmem_shared>>) target_semaphore(%run_scoped3A_519 : memref<!tpu.dma_semaphore, #tpu.memory_space<semaphore_mem>>)
      %dma_wait3A_530 = arith.constant 0 : i32
      %dma_wait3A_531 = arith.constant 0 : i32
      %dma_wait3A_532 = tpu.memref_slice %arg8[%dma_wait3A_530, %dma_wait3A_531] : memref<40x128xf32, #tpu.memory_space<vmem>> -> memref<24x128xf32, #tpu.memory_space<vmem>>
      %dma_wait3A_533 = arith.constant 0 : i32
      %dma_wait3A_534 = tpu.memref_slice %arg13[%add3A_219, %dma_wait3A_533] : memref<10000x128xf32, #tpu.memory_space<vmem_shared>> -> memref<24x128xf32, #tpu.memory_space<vmem_shared>>
      %dma_wait3A_535 = arith.constant 0 : i32
      %dma_wait3A_536 = tpu.memref_slice %arg13[%add3A_219, %dma_wait3A_535] : memref<10000x128xf32, #tpu.memory_space<vmem_shared>> -> memref<24x128xf32, #tpu.memory_space<vmem_shared>>
      %dma_wait3A_537 = arith.constant 0 : i32
      %dma_wait3A_538 = arith.constant 0 : i32
      %dma_wait3A_539 = tpu.memref_slice %arg8[%dma_wait3A_537, %dma_wait3A_538] : memref<40x128xf32, #tpu.memory_space<vmem>> -> memref<24x128xf32, #tpu.memory_space<vmem>>
      tpu.wait_dma2 semaphore(%run_scoped3A_519 : memref<!tpu.dma_semaphore, #tpu.memory_space<semaphore_mem>>) src(%dma_wait3A_539 : memref<24x128xf32, #tpu.memory_space<vmem>>) dst(%dma_wait3A_536 : memref<24x128xf32, #tpu.memory_space<vmem_shared>>)
      tpu.yield
    }) : () -> ()
    %eq3A = arith.constant 15 : i32
    %eq3A_220 = arith.cmpi eq, %arg1, %eq3A : i32
    %convert_element_type3A = arith.extui %eq3A_220 : i1 to i32
    %cond3A = arith.constant 0 : i32
    %cond3A_221 = arith.cmpi ne, %convert_element_type3A, %cond3A : i32
    scf.if %cond3A_221 {
      "tpu.region"() ({
        %run_scoped3A_519 = tpu.sem_alloc : memref<!tpu.dma_semaphore, #tpu.memory_space<semaphore_mem>>
        %dma_start3A_520 = arith.constant 0 : i32
        %dma_start3A_521 = arith.constant 0 : i32
        %dma_start3A_522 = tpu.memref_slice %arg8[%dma_start3A_520, %dma_start3A_521] : memref<40x128xf32, #tpu.memory_space<vmem>> -> memref<16x128xf32, #tpu.memory_space<vmem>>
        %dma_start3A_523 = arith.constant 9984 : i32
        %dma_start3A_524 = arith.constant 0 : i32
        %dma_start3A_525 = tpu.memref_slice %arg13[%dma_start3A_523, %dma_start3A_524] : memref<10000x128xf32, #tpu.memory_space<vmem_shared>> -> memref<16x128xf32, #tpu.memory_space<vmem_shared>>
        %dma_start3A_526 = arith.constant 9984 : i32
        %dma_start3A_527 = arith.constant 0 : i32
        %dma_start3A_528 = tpu.memref_slice %arg13[%dma_start3A_526, %dma_start3A_527] : memref<10000x128xf32, #tpu.memory_space<vmem_shared>> -> memref<16x128xf32, #tpu.memory_space<vmem_shared>>
        %dma_start3A_529 = arith.constant 0 : i32
        %dma_start3A_530 = arith.constant 0 : i32
        %dma_start3A_531 = tpu.memref_slice %arg8[%dma_start3A_529, %dma_start3A_530] : memref<40x128xf32, #tpu.memory_space<vmem>> -> memref<16x128xf32, #tpu.memory_space<vmem>>
        tpu.enqueue_dma source(%dma_start3A_531 : memref<16x128xf32, #tpu.memory_space<vmem>>) target(%dma_start3A_528 : memref<16x128xf32, #tpu.memory_space<vmem_shared>>) target_semaphore(%run_scoped3A_519 : memref<!tpu.dma_semaphore, #tpu.memory_space<semaphore_mem>>)
        %dma_wait3A_532 = arith.constant 0 : i32
        %dma_wait3A_533 = arith.constant 0 : i32
        %dma_wait3A_534 = tpu.memref_slice %arg8[%dma_wait3A_532, %dma_wait3A_533] : memref<40x128xf32, #tpu.memory_space<vmem>> -> memref<16x128xf32, #tpu.memory_space<vmem>>
        %dma_wait3A_535 = arith.constant 9984 : i32
        %dma_wait3A_536 = arith.constant 0 : i32
        %dma_wait3A_537 = tpu.memref_slice %arg13[%dma_wait3A_535, %dma_wait3A_536] : memref<10000x128xf32, #tpu.memory_space<vmem_shared>> -> memref<16x128xf32, #tpu.memory_space<vmem_shared>>
        %dma_wait3A_538 = arith.constant 9984 : i32
        %dma_wait3A_539 = arith.constant 0 : i32
        %dma_wait3A_540 = tpu.memref_slice %arg13[%dma_wait3A_538, %dma_wait3A_539] : memref<10000x128xf32, #tpu.memory_space<vmem_shared>> -> memref<16x128xf32, #tpu.memory_space<vmem_shared>>
        %dma_wait3A_541 = arith.constant 0 : i32
        %dma_wait3A_542 = arith.constant 0 : i32
        %dma_wait3A_543 = tpu.memref_slice %arg8[%dma_wait3A_541, %dma_wait3A_542] : memref<40x128xf32, #tpu.memory_space<vmem>> -> memref<16x128xf32, #tpu.memory_space<vmem>>
        tpu.wait_dma2 semaphore(%run_scoped3A_519 : memref<!tpu.dma_semaphore, #tpu.memory_space<semaphore_mem>>) src(%dma_wait3A_543 : memref<16x128xf32, #tpu.memory_space<vmem>>) dst(%dma_wait3A_540 : memref<16x128xf32, #tpu.memory_space<vmem_shared>>)
        tpu.yield
      }) : () -> ()
    } else {
    }
    %run_scoped3A = arith.constant 1 : i32
    "tpu.region"() ({
      %run_scoped3A_519 = tpu.sem_alloc : memref<!tpu.dma_semaphore, #tpu.memory_space<semaphore_mem>>
      %dma_start3A_520 = arith.constant 0 : i32
      %dma_start3A_521 = arith.constant 0 : i32
      %dma_start3A_522 = tpu.memref_slice %arg2[%run_scoped3A, %add3A, %dma_start3A_520, %dma_start3A_521] : memref<2x32x250x40xi32, #tpu.memory_space<hbm>> -> memref<1x1x250x40xi32, #tpu.memory_space<hbm>>
      %dma_start3A_523 = tpu.memref_squeeze %dma_start3A_522 : memref<1x1x250x40xi32, #tpu.memory_space<hbm>> -> memref<250x40xi32, #tpu.memory_space<hbm>>
      %dma_start3A_524 = arith.constant 0 : i32
      %dma_start3A_525 = arith.constant 0 : i32
      %dma_start3A_526 = tpu.memref_slice %arg2[%run_scoped3A, %add3A, %dma_start3A_524, %dma_start3A_525] : memref<2x32x250x40xi32, #tpu.memory_space<hbm>> -> memref<1x1x250x40xi32, #tpu.memory_space<hbm>>
      %dma_start3A_527 = tpu.memref_squeeze %dma_start3A_526 : memref<1x1x250x40xi32, #tpu.memory_space<hbm>> -> memref<250x40xi32, #tpu.memory_space<hbm>>
      tpu.enqueue_dma source(%dma_start3A_527 : memref<250x40xi32, #tpu.memory_space<hbm>>) target(%arg7 : memref<250x40xi32, #tpu.memory_space<vmem>>) target_semaphore(%run_scoped3A_519 : memref<!tpu.dma_semaphore, #tpu.memory_space<semaphore_mem>>)
      %dma_wait3A_528 = arith.constant 0 : i32
      %dma_wait3A_529 = arith.constant 0 : i32
      %dma_wait3A_530 = tpu.memref_slice %arg2[%run_scoped3A, %add3A, %dma_wait3A_528, %dma_wait3A_529] : memref<2x32x250x40xi32, #tpu.memory_space<hbm>> -> memref<1x1x250x40xi32, #tpu.memory_space<hbm>>
      %dma_wait3A_531 = tpu.memref_squeeze %dma_wait3A_530 : memref<1x1x250x40xi32, #tpu.memory_space<hbm>> -> memref<250x40xi32, #tpu.memory_space<hbm>>
      %dma_wait3A_532 = arith.constant 0 : i32
      %dma_wait3A_533 = arith.constant 0 : i32
      %dma_wait3A_534 = tpu.memref_slice %arg2[%run_scoped3A, %add3A, %dma_wait3A_532, %dma_wait3A_533] : memref<2x32x250x40xi32, #tpu.memory_space<hbm>> -> memref<1x1x250x40xi32, #tpu.memory_space<hbm>>
      %dma_wait3A_535 = tpu.memref_squeeze %dma_wait3A_534 : memref<1x1x250x40xi32, #tpu.memory_space<hbm>> -> memref<250x40xi32, #tpu.memory_space<hbm>>
      tpu.wait_dma2 semaphore(%run_scoped3A_519 : memref<!tpu.dma_semaphore, #tpu.memory_space<semaphore_mem>>) src(%dma_wait3A_535 : memref<250x40xi32, #tpu.memory_space<hbm>>) dst(%arg7 : memref<250x40xi32, #tpu.memory_space<vmem>>)
      tpu.yield
    }) : () -> ()
    %run_scoped3A_222 = arith.constant 0 : i32
    "tpu.region"() ({
      %run_scoped3A_519 = tpu.sem_alloc : memref<!tpu.dma_semaphore, #tpu.memory_space<semaphore_mem>>
      %dma_start3A_520 = arith.constant 0 : i32
      %dma_start3A_521 = arith.constant 0 : i32
      %dma_start3A_522 = tpu.memref_slice %arg2[%run_scoped3A_222, %add3A, %dma_start3A_520, %dma_start3A_521] : memref<2x32x250x40xi32, #tpu.memory_space<hbm>> -> memref<1x1x250x40xi32, #tpu.memory_space<hbm>>
      %dma_start3A_523 = tpu.memref_squeeze %dma_start3A_522 : memref<1x1x250x40xi32, #tpu.memory_space<hbm>> -> memref<250x40xi32, #tpu.memory_space<hbm>>
      %dma_start3A_524 = arith.constant 0 : i32
      %dma_start3A_525 = arith.constant 0 : i32
      %dma_start3A_526 = tpu.memref_slice %arg2[%run_scoped3A_222, %add3A, %dma_start3A_524, %dma_start3A_525] : memref<2x32x250x40xi32, #tpu.memory_space<hbm>> -> memref<1x1x250x40xi32, #tpu.memory_space<hbm>>
      %dma_start3A_527 = tpu.memref_squeeze %dma_start3A_526 : memref<1x1x250x40xi32, #tpu.memory_space<hbm>> -> memref<250x40xi32, #tpu.memory_space<hbm>>
      tpu.enqueue_dma source(%dma_start3A_527 : memref<250x40xi32, #tpu.memory_space<hbm>>) target(%arg6 : memref<250x40xi32, #tpu.memory_space<vmem>>) target_semaphore(%run_scoped3A_519 : memref<!tpu.dma_semaphore, #tpu.memory_space<semaphore_mem>>)
      %dma_wait3A_528 = arith.constant 0 : i32
      %dma_wait3A_529 = arith.constant 0 : i32
      %dma_wait3A_530 = tpu.memref_slice %arg2[%run_scoped3A_222, %add3A, %dma_wait3A_528, %dma_wait3A_529] : memref<2x32x250x40xi32, #tpu.memory_space<hbm>> -> memref<1x1x250x40xi32, #tpu.memory_space<hbm>>
      %dma_wait3A_531 = tpu.memref_squeeze %dma_wait3A_530 : memref<1x1x250x40xi32, #tpu.memory_space<hbm>> -> memref<250x40xi32, #tpu.memory_space<hbm>>
      %dma_wait3A_532 = arith.constant 0 : i32
      %dma_wait3A_533 = arith.constant 0 : i32
      %dma_wait3A_534 = tpu.memref_slice %arg2[%run_scoped3A_222, %add3A, %dma_wait3A_532, %dma_wait3A_533] : memref<2x32x250x40xi32, #tpu.memory_space<hbm>> -> memref<1x1x250x40xi32, #tpu.memory_space<hbm>>
      %dma_wait3A_535 = tpu.memref_squeeze %dma_wait3A_534 : memref<1x1x250x40xi32, #tpu.memory_space<hbm>> -> memref<250x40xi32, #tpu.memory_space<hbm>>
      tpu.wait_dma2 semaphore(%run_scoped3A_519 : memref<!tpu.dma_semaphore, #tpu.memory_space<semaphore_mem>>) src(%dma_wait3A_535 : memref<250x40xi32, #tpu.memory_space<hbm>>) dst(%arg6 : memref<250x40xi32, #tpu.memory_space<vmem>>)
      tpu.yield
    }) : () -> ()
    %mul3A_223 = arith.constant 624 : i32
    %mul3A_224 = arith.muli %arg1, %mul3A_223 : i32
    %add3A_225 = arith.constant 0 : i32
    %add3A_226 = arith.addi %mul3A_224, %add3A_225 : i32
    %dma_wait3A = arith.constant 0 : i32
    %dma_wait3A_227 = arith.constant 0 : i32
    %dma_wait3A_228 = tpu.memref_slice %arg8[%dma_wait3A, %dma_wait3A_227] : memref<40x128xf32, #tpu.memory_space<vmem>> -> memref<40x128xf32, #tpu.memory_space<vmem>>
    %dma_wait3A_229 = arith.constant 0 : i32
    %dma_wait3A_230 = tpu.memref_slice %arg13[%add3A_226, %dma_wait3A_229] : memref<10000x128xf32, #tpu.memory_space<vmem_shared>> -> memref<40x128xf32, #tpu.memory_space<vmem_shared>>
    %dma_wait3A_231 = arith.constant 0 : i32
    %dma_wait3A_232 = tpu.memref_slice %arg13[%add3A_226, %dma_wait3A_231] : memref<10000x128xf32, #tpu.memory_space<vmem_shared>> -> memref<40x128xf32, #tpu.memory_space<vmem_shared>>
    %dma_wait3A_233 = arith.constant 0 : i32
    %dma_wait3A_234 = arith.constant 0 : i32
    %dma_wait3A_235 = tpu.memref_slice %arg8[%dma_wait3A_233, %dma_wait3A_234] : memref<40x128xf32, #tpu.memory_space<vmem>> -> memref<40x128xf32, #tpu.memory_space<vmem>>
    tpu.wait_dma2 semaphore(%arg19 : memref<!tpu.dma_semaphore, #tpu.memory_space<semaphore_mem>>) src(%dma_wait3A_235 : memref<40x128xf32, #tpu.memory_space<vmem>>) dst(%dma_wait3A_232 : memref<40x128xf32, #tpu.memory_space<vmem_shared>>)
    %mul3A_236 = arith.constant 624 : i32
    %mul3A_237 = arith.muli %arg1, %mul3A_236 : i32
    %add3A_238 = arith.constant 40 : i32
    %add3A_239 = arith.addi %mul3A_237, %add3A_238 : i32
    %dma_wait3A_240 = arith.constant 0 : i32
    %dma_wait3A_241 = arith.constant 0 : i32
    %dma_wait3A_242 = tpu.memref_slice %arg8[%dma_wait3A_240, %dma_wait3A_241] : memref<40x128xf32, #tpu.memory_space<vmem>> -> memref<40x128xf32, #tpu.memory_space<vmem>>
    %dma_wait3A_243 = arith.constant 0 : i32
    %dma_wait3A_244 = tpu.memref_slice %arg13[%add3A_239, %dma_wait3A_243] : memref<10000x128xf32, #tpu.memory_space<vmem_shared>> -> memref<40x128xf32, #tpu.memory_space<vmem_shared>>
    %dma_wait3A_245 = arith.constant 0 : i32
    %dma_wait3A_246 = tpu.memref_slice %arg13[%add3A_239, %dma_wait3A_245] : memref<10000x128xf32, #tpu.memory_space<vmem_shared>> -> memref<40x128xf32, #tpu.memory_space<vmem_shared>>
    %dma_wait3A_247 = arith.constant 0 : i32
    %dma_wait3A_248 = arith.constant 0 : i32
    %dma_wait3A_249 = tpu.memref_slice %arg8[%dma_wait3A_247, %dma_wait3A_248] : memref<40x128xf32, #tpu.memory_space<vmem>> -> memref<40x128xf32, #tpu.memory_space<vmem>>
    tpu.wait_dma2 semaphore(%arg20 : memref<!tpu.dma_semaphore, #tpu.memory_space<semaphore_mem>>) src(%dma_wait3A_249 : memref<40x128xf32, #tpu.memory_space<vmem>>) dst(%dma_wait3A_246 : memref<40x128xf32, #tpu.memory_space<vmem_shared>>)
    %mul3A_250 = arith.constant 624 : i32
    %mul3A_251 = arith.muli %arg1, %mul3A_250 : i32
    %add3A_252 = arith.constant 80 : i32
    %add3A_253 = arith.addi %mul3A_251, %add3A_252 : i32
    %dma_wait3A_254 = arith.constant 0 : i32
    %dma_wait3A_255 = arith.constant 0 : i32
    %dma_wait3A_256 = tpu.memref_slice %arg8[%dma_wait3A_254, %dma_wait3A_255] : memref<40x128xf32, #tpu.memory_space<vmem>> -> memref<40x128xf32, #tpu.memory_space<vmem>>
    %dma_wait3A_257 = arith.constant 0 : i32
    %dma_wait3A_258 = tpu.memref_slice %arg13[%add3A_253, %dma_wait3A_257] : memref<10000x128xf32, #tpu.memory_space<vmem_shared>> -> memref<40x128xf32, #tpu.memory_space<vmem_shared>>
    %dma_wait3A_259 = arith.constant 0 : i32
    %dma_wait3A_260 = tpu.memref_slice %arg13[%add3A_253, %dma_wait3A_259] : memref<10000x128xf32, #tpu.memory_space<vmem_shared>> -> memref<40x128xf32, #tpu.memory_space<vmem_shared>>
    %dma_wait3A_261 = arith.constant 0 : i32
    %dma_wait3A_262 = arith.constant 0 : i32
    %dma_wait3A_263 = tpu.memref_slice %arg8[%dma_wait3A_261, %dma_wait3A_262] : memref<40x128xf32, #tpu.memory_space<vmem>> -> memref<40x128xf32, #tpu.memory_space<vmem>>
    tpu.wait_dma2 semaphore(%arg21 : memref<!tpu.dma_semaphore, #tpu.memory_space<semaphore_mem>>) src(%dma_wait3A_263 : memref<40x128xf32, #tpu.memory_space<vmem>>) dst(%dma_wait3A_260 : memref<40x128xf32, #tpu.memory_space<vmem_shared>>)
    %mul3A_264 = arith.constant 624 : i32
    %mul3A_265 = arith.muli %arg1, %mul3A_264 : i32
    %add3A_266 = arith.constant 120 : i32
    %add3A_267 = arith.addi %mul3A_265, %add3A_266 : i32
    %dma_wait3A_268 = arith.constant 0 : i32
    %dma_wait3A_269 = arith.constant 0 : i32
    %dma_wait3A_270 = tpu.memref_slice %arg8[%dma_wait3A_268, %dma_wait3A_269] : memref<40x128xf32, #tpu.memory_space<vmem>> -> memref<40x128xf32, #tpu.memory_space<vmem>>
    %dma_wait3A_271 = arith.constant 0 : i32
    %dma_wait3A_272 = tpu.memref_slice %arg13[%add3A_267, %dma_wait3A_271] : memref<10000x128xf32, #tpu.memory_space<vmem_shared>> -> memref<40x128xf32, #tpu.memory_space<vmem_shared>>
    %dma_wait3A_273 = arith.constant 0 : i32
    %dma_wait3A_274 = tpu.memref_slice %arg13[%add3A_267, %dma_wait3A_273] : memref<10000x128xf32, #tpu.memory_space<vmem_shared>> -> memref<40x128xf32, #tpu.memory_space<vmem_shared>>
    %dma_wait3A_275 = arith.constant 0 : i32
    %dma_wait3A_276 = arith.constant 0 : i32
    %dma_wait3A_277 = tpu.memref_slice %arg8[%dma_wait3A_275, %dma_wait3A_276] : memref<40x128xf32, #tpu.memory_space<vmem>> -> memref<40x128xf32, #tpu.memory_space<vmem>>
    tpu.wait_dma2 semaphore(%arg22 : memref<!tpu.dma_semaphore, #tpu.memory_space<semaphore_mem>>) src(%dma_wait3A_277 : memref<40x128xf32, #tpu.memory_space<vmem>>) dst(%dma_wait3A_274 : memref<40x128xf32, #tpu.memory_space<vmem_shared>>)
    %mul3A_278 = arith.constant 624 : i32
    %mul3A_279 = arith.muli %arg1, %mul3A_278 : i32
    %add3A_280 = arith.constant 160 : i32
    %add3A_281 = arith.addi %mul3A_279, %add3A_280 : i32
    %dma_wait3A_282 = arith.constant 0 : i32
    %dma_wait3A_283 = arith.constant 0 : i32
    %dma_wait3A_284 = tpu.memref_slice %arg8[%dma_wait3A_282, %dma_wait3A_283] : memref<40x128xf32, #tpu.memory_space<vmem>> -> memref<40x128xf32, #tpu.memory_space<vmem>>
    %dma_wait3A_285 = arith.constant 0 : i32
    %dma_wait3A_286 = tpu.memref_slice %arg13[%add3A_281, %dma_wait3A_285] : memref<10000x128xf32, #tpu.memory_space<vmem_shared>> -> memref<40x128xf32, #tpu.memory_space<vmem_shared>>
    %dma_wait3A_287 = arith.constant 0 : i32
    %dma_wait3A_288 = tpu.memref_slice %arg13[%add3A_281, %dma_wait3A_287] : memref<10000x128xf32, #tpu.memory_space<vmem_shared>> -> memref<40x128xf32, #tpu.memory_space<vmem_shared>>
    %dma_wait3A_289 = arith.constant 0 : i32
    %dma_wait3A_290 = arith.constant 0 : i32
    %dma_wait3A_291 = tpu.memref_slice %arg8[%dma_wait3A_289, %dma_wait3A_290] : memref<40x128xf32, #tpu.memory_space<vmem>> -> memref<40x128xf32, #tpu.memory_space<vmem>>
    tpu.wait_dma2 semaphore(%arg23 : memref<!tpu.dma_semaphore, #tpu.memory_space<semaphore_mem>>) src(%dma_wait3A_291 : memref<40x128xf32, #tpu.memory_space<vmem>>) dst(%dma_wait3A_288 : memref<40x128xf32, #tpu.memory_space<vmem_shared>>)
    %mul3A_292 = arith.constant 624 : i32
    %mul3A_293 = arith.muli %arg1, %mul3A_292 : i32
    %add3A_294 = arith.constant 200 : i32
    %add3A_295 = arith.addi %mul3A_293, %add3A_294 : i32
    %dma_wait3A_296 = arith.constant 0 : i32
    %dma_wait3A_297 = arith.constant 0 : i32
    %dma_wait3A_298 = tpu.memref_slice %arg8[%dma_wait3A_296, %dma_wait3A_297] : memref<40x128xf32, #tpu.memory_space<vmem>> -> memref<40x128xf32, #tpu.memory_space<vmem>>
    %dma_wait3A_299 = arith.constant 0 : i32
    %dma_wait3A_300 = tpu.memref_slice %arg13[%add3A_295, %dma_wait3A_299] : memref<10000x128xf32, #tpu.memory_space<vmem_shared>> -> memref<40x128xf32, #tpu.memory_space<vmem_shared>>
    %dma_wait3A_301 = arith.constant 0 : i32
    %dma_wait3A_302 = tpu.memref_slice %arg13[%add3A_295, %dma_wait3A_301] : memref<10000x128xf32, #tpu.memory_space<vmem_shared>> -> memref<40x128xf32, #tpu.memory_space<vmem_shared>>
    %dma_wait3A_303 = arith.constant 0 : i32
    %dma_wait3A_304 = arith.constant 0 : i32
    %dma_wait3A_305 = tpu.memref_slice %arg8[%dma_wait3A_303, %dma_wait3A_304] : memref<40x128xf32, #tpu.memory_space<vmem>> -> memref<40x128xf32, #tpu.memory_space<vmem>>
    tpu.wait_dma2 semaphore(%arg19 : memref<!tpu.dma_semaphore, #tpu.memory_space<semaphore_mem>>) src(%dma_wait3A_305 : memref<40x128xf32, #tpu.memory_space<vmem>>) dst(%dma_wait3A_302 : memref<40x128xf32, #tpu.memory_space<vmem_shared>>)
    %mul3A_306 = arith.constant 624 : i32
    %mul3A_307 = arith.muli %arg1, %mul3A_306 : i32
    %add3A_308 = arith.constant 240 : i32
    %add3A_309 = arith.addi %mul3A_307, %add3A_308 : i32
    %dma_wait3A_310 = arith.constant 0 : i32
    %dma_wait3A_311 = arith.constant 0 : i32
    %dma_wait3A_312 = tpu.memref_slice %arg8[%dma_wait3A_310, %dma_wait3A_311] : memref<40x128xf32, #tpu.memory_space<vmem>> -> memref<40x128xf32, #tpu.memory_space<vmem>>
    %dma_wait3A_313 = arith.constant 0 : i32
    %dma_wait3A_314 = tpu.memref_slice %arg13[%add3A_309, %dma_wait3A_313] : memref<10000x128xf32, #tpu.memory_space<vmem_shared>> -> memref<40x128xf32, #tpu.memory_space<vmem_shared>>
    %dma_wait3A_315 = arith.constant 0 : i32
    %dma_wait3A_316 = tpu.memref_slice %arg13[%add3A_309, %dma_wait3A_315] : memref<10000x128xf32, #tpu.memory_space<vmem_shared>> -> memref<40x128xf32, #tpu.memory_space<vmem_shared>>
    %dma_wait3A_317 = arith.constant 0 : i32
    %dma_wait3A_318 = arith.constant 0 : i32
    %dma_wait3A_319 = tpu.memref_slice %arg8[%dma_wait3A_317, %dma_wait3A_318] : memref<40x128xf32, #tpu.memory_space<vmem>> -> memref<40x128xf32, #tpu.memory_space<vmem>>
    tpu.wait_dma2 semaphore(%arg20 : memref<!tpu.dma_semaphore, #tpu.memory_space<semaphore_mem>>) src(%dma_wait3A_319 : memref<40x128xf32, #tpu.memory_space<vmem>>) dst(%dma_wait3A_316 : memref<40x128xf32, #tpu.memory_space<vmem_shared>>)
    %mul3A_320 = arith.constant 624 : i32
    %mul3A_321 = arith.muli %arg1, %mul3A_320 : i32
    %add3A_322 = arith.constant 280 : i32
    %add3A_323 = arith.addi %mul3A_321, %add3A_322 : i32
    %dma_wait3A_324 = arith.constant 0 : i32
    %dma_wait3A_325 = arith.constant 0 : i32
    %dma_wait3A_326 = tpu.memref_slice %arg8[%dma_wait3A_324, %dma_wait3A_325] : memref<40x128xf32, #tpu.memory_space<vmem>> -> memref<40x128xf32, #tpu.memory_space<vmem>>
    %dma_wait3A_327 = arith.constant 0 : i32
    %dma_wait3A_328 = tpu.memref_slice %arg13[%add3A_323, %dma_wait3A_327] : memref<10000x128xf32, #tpu.memory_space<vmem_shared>> -> memref<40x128xf32, #tpu.memory_space<vmem_shared>>
    %dma_wait3A_329 = arith.constant 0 : i32
    %dma_wait3A_330 = tpu.memref_slice %arg13[%add3A_323, %dma_wait3A_329] : memref<10000x128xf32, #tpu.memory_space<vmem_shared>> -> memref<40x128xf32, #tpu.memory_space<vmem_shared>>
    %dma_wait3A_331 = arith.constant 0 : i32
    %dma_wait3A_332 = arith.constant 0 : i32
    %dma_wait3A_333 = tpu.memref_slice %arg8[%dma_wait3A_331, %dma_wait3A_332] : memref<40x128xf32, #tpu.memory_space<vmem>> -> memref<40x128xf32, #tpu.memory_space<vmem>>
    tpu.wait_dma2 semaphore(%arg21 : memref<!tpu.dma_semaphore, #tpu.memory_space<semaphore_mem>>) src(%dma_wait3A_333 : memref<40x128xf32, #tpu.memory_space<vmem>>) dst(%dma_wait3A_330 : memref<40x128xf32, #tpu.memory_space<vmem_shared>>)
    %mul3A_334 = arith.constant 624 : i32
    %mul3A_335 = arith.muli %arg1, %mul3A_334 : i32
    %add3A_336 = arith.constant 320 : i32
    %add3A_337 = arith.addi %mul3A_335, %add3A_336 : i32
    %dma_wait3A_338 = arith.constant 0 : i32
    %dma_wait3A_339 = arith.constant 0 : i32
    %dma_wait3A_340 = tpu.memref_slice %arg8[%dma_wait3A_338, %dma_wait3A_339] : memref<40x128xf32, #tpu.memory_space<vmem>> -> memref<40x128xf32, #tpu.memory_space<vmem>>
    %dma_wait3A_341 = arith.constant 0 : i32
    %dma_wait3A_342 = tpu.memref_slice %arg13[%add3A_337, %dma_wait3A_341] : memref<10000x128xf32, #tpu.memory_space<vmem_shared>> -> memref<40x128xf32, #tpu.memory_space<vmem_shared>>
    %dma_wait3A_343 = arith.constant 0 : i32
    %dma_wait3A_344 = tpu.memref_slice %arg13[%add3A_337, %dma_wait3A_343] : memref<10000x128xf32, #tpu.memory_space<vmem_shared>> -> memref<40x128xf32, #tpu.memory_space<vmem_shared>>
    %dma_wait3A_345 = arith.constant 0 : i32
    %dma_wait3A_346 = arith.constant 0 : i32
    %dma_wait3A_347 = tpu.memref_slice %arg8[%dma_wait3A_345, %dma_wait3A_346] : memref<40x128xf32, #tpu.memory_space<vmem>> -> memref<40x128xf32, #tpu.memory_space<vmem>>
    tpu.wait_dma2 semaphore(%arg22 : memref<!tpu.dma_semaphore, #tpu.memory_space<semaphore_mem>>) src(%dma_wait3A_347 : memref<40x128xf32, #tpu.memory_space<vmem>>) dst(%dma_wait3A_344 : memref<40x128xf32, #tpu.memory_space<vmem_shared>>)
    %mul3A_348 = arith.constant 624 : i32
    %mul3A_349 = arith.muli %arg1, %mul3A_348 : i32
    %add3A_350 = arith.constant 360 : i32
    %add3A_351 = arith.addi %mul3A_349, %add3A_350 : i32
    %dma_wait3A_352 = arith.constant 0 : i32
    %dma_wait3A_353 = arith.constant 0 : i32
    %dma_wait3A_354 = tpu.memref_slice %arg8[%dma_wait3A_352, %dma_wait3A_353] : memref<40x128xf32, #tpu.memory_space<vmem>> -> memref<40x128xf32, #tpu.memory_space<vmem>>
    %dma_wait3A_355 = arith.constant 0 : i32
    %dma_wait3A_356 = tpu.memref_slice %arg13[%add3A_351, %dma_wait3A_355] : memref<10000x128xf32, #tpu.memory_space<vmem_shared>> -> memref<40x128xf32, #tpu.memory_space<vmem_shared>>
    %dma_wait3A_357 = arith.constant 0 : i32
    %dma_wait3A_358 = tpu.memref_slice %arg13[%add3A_351, %dma_wait3A_357] : memref<10000x128xf32, #tpu.memory_space<vmem_shared>> -> memref<40x128xf32, #tpu.memory_space<vmem_shared>>
    %dma_wait3A_359 = arith.constant 0 : i32
    %dma_wait3A_360 = arith.constant 0 : i32
    %dma_wait3A_361 = tpu.memref_slice %arg8[%dma_wait3A_359, %dma_wait3A_360] : memref<40x128xf32, #tpu.memory_space<vmem>> -> memref<40x128xf32, #tpu.memory_space<vmem>>
    tpu.wait_dma2 semaphore(%arg23 : memref<!tpu.dma_semaphore, #tpu.memory_space<semaphore_mem>>) src(%dma_wait3A_361 : memref<40x128xf32, #tpu.memory_space<vmem>>) dst(%dma_wait3A_358 : memref<40x128xf32, #tpu.memory_space<vmem_shared>>)
    %mul3A_362 = arith.constant 624 : i32
    %mul3A_363 = arith.muli %arg1, %mul3A_362 : i32
    %add3A_364 = arith.constant 400 : i32
    %add3A_365 = arith.addi %mul3A_363, %add3A_364 : i32
    %dma_wait3A_366 = arith.constant 0 : i32
    %dma_wait3A_367 = arith.constant 0 : i32
    %dma_wait3A_368 = tpu.memref_slice %arg8[%dma_wait3A_366, %dma_wait3A_367] : memref<40x128xf32, #tpu.memory_space<vmem>> -> memref<40x128xf32, #tpu.memory_space<vmem>>
    %dma_wait3A_369 = arith.constant 0 : i32
    %dma_wait3A_370 = tpu.memref_slice %arg13[%add3A_365, %dma_wait3A_369] : memref<10000x128xf32, #tpu.memory_space<vmem_shared>> -> memref<40x128xf32, #tpu.memory_space<vmem_shared>>
    %dma_wait3A_371 = arith.constant 0 : i32
    %dma_wait3A_372 = tpu.memref_slice %arg13[%add3A_365, %dma_wait3A_371] : memref<10000x128xf32, #tpu.memory_space<vmem_shared>> -> memref<40x128xf32, #tpu.memory_space<vmem_shared>>
    %dma_wait3A_373 = arith.constant 0 : i32
    %dma_wait3A_374 = arith.constant 0 : i32
    %dma_wait3A_375 = tpu.memref_slice %arg8[%dma_wait3A_373, %dma_wait3A_374] : memref<40x128xf32, #tpu.memory_space<vmem>> -> memref<40x128xf32, #tpu.memory_space<vmem>>
    tpu.wait_dma2 semaphore(%arg19 : memref<!tpu.dma_semaphore, #tpu.memory_space<semaphore_mem>>) src(%dma_wait3A_375 : memref<40x128xf32, #tpu.memory_space<vmem>>) dst(%dma_wait3A_372 : memref<40x128xf32, #tpu.memory_space<vmem_shared>>)
    %mul3A_376 = arith.constant 624 : i32
    %mul3A_377 = arith.muli %arg1, %mul3A_376 : i32
    %add3A_378 = arith.constant 440 : i32
    %add3A_379 = arith.addi %mul3A_377, %add3A_378 : i32
    %dma_wait3A_380 = arith.constant 0 : i32
    %dma_wait3A_381 = arith.constant 0 : i32
    %dma_wait3A_382 = tpu.memref_slice %arg8[%dma_wait3A_380, %dma_wait3A_381] : memref<40x128xf32, #tpu.memory_space<vmem>> -> memref<40x128xf32, #tpu.memory_space<vmem>>
    %dma_wait3A_383 = arith.constant 0 : i32
    %dma_wait3A_384 = tpu.memref_slice %arg13[%add3A_379, %dma_wait3A_383] : memref<10000x128xf32, #tpu.memory_space<vmem_shared>> -> memref<40x128xf32, #tpu.memory_space<vmem_shared>>
    %dma_wait3A_385 = arith.constant 0 : i32
    %dma_wait3A_386 = tpu.memref_slice %arg13[%add3A_379, %dma_wait3A_385] : memref<10000x128xf32, #tpu.memory_space<vmem_shared>> -> memref<40x128xf32, #tpu.memory_space<vmem_shared>>
    %dma_wait3A_387 = arith.constant 0 : i32
    %dma_wait3A_388 = arith.constant 0 : i32
    %dma_wait3A_389 = tpu.memref_slice %arg8[%dma_wait3A_387, %dma_wait3A_388] : memref<40x128xf32, #tpu.memory_space<vmem>> -> memref<40x128xf32, #tpu.memory_space<vmem>>
    tpu.wait_dma2 semaphore(%arg20 : memref<!tpu.dma_semaphore, #tpu.memory_space<semaphore_mem>>) src(%dma_wait3A_389 : memref<40x128xf32, #tpu.memory_space<vmem>>) dst(%dma_wait3A_386 : memref<40x128xf32, #tpu.memory_space<vmem_shared>>)
    %mul3A_390 = arith.constant 624 : i32
    %mul3A_391 = arith.muli %arg1, %mul3A_390 : i32
    %add3A_392 = arith.constant 480 : i32
    %add3A_393 = arith.addi %mul3A_391, %add3A_392 : i32
    %dma_wait3A_394 = arith.constant 0 : i32
    %dma_wait3A_395 = arith.constant 0 : i32
    %dma_wait3A_396 = tpu.memref_slice %arg8[%dma_wait3A_394, %dma_wait3A_395] : memref<40x128xf32, #tpu.memory_space<vmem>> -> memref<40x128xf32, #tpu.memory_space<vmem>>
    %dma_wait3A_397 = arith.constant 0 : i32
    %dma_wait3A_398 = tpu.memref_slice %arg13[%add3A_393, %dma_wait3A_397] : memref<10000x128xf32, #tpu.memory_space<vmem_shared>> -> memref<40x128xf32, #tpu.memory_space<vmem_shared>>
    %dma_wait3A_399 = arith.constant 0 : i32
    %dma_wait3A_400 = tpu.memref_slice %arg13[%add3A_393, %dma_wait3A_399] : memref<10000x128xf32, #tpu.memory_space<vmem_shared>> -> memref<40x128xf32, #tpu.memory_space<vmem_shared>>
    %dma_wait3A_401 = arith.constant 0 : i32
    %dma_wait3A_402 = arith.constant 0 : i32
    %dma_wait3A_403 = tpu.memref_slice %arg8[%dma_wait3A_401, %dma_wait3A_402] : memref<40x128xf32, #tpu.memory_space<vmem>> -> memref<40x128xf32, #tpu.memory_space<vmem>>
    tpu.wait_dma2 semaphore(%arg21 : memref<!tpu.dma_semaphore, #tpu.memory_space<semaphore_mem>>) src(%dma_wait3A_403 : memref<40x128xf32, #tpu.memory_space<vmem>>) dst(%dma_wait3A_400 : memref<40x128xf32, #tpu.memory_space<vmem_shared>>)
    %mul3A_404 = arith.constant 624 : i32
    %mul3A_405 = arith.muli %arg1, %mul3A_404 : i32
    %add3A_406 = arith.constant 520 : i32
    %add3A_407 = arith.addi %mul3A_405, %add3A_406 : i32
    %dma_wait3A_408 = arith.constant 0 : i32
    %dma_wait3A_409 = arith.constant 0 : i32
    %dma_wait3A_410 = tpu.memref_slice %arg8[%dma_wait3A_408, %dma_wait3A_409] : memref<40x128xf32, #tpu.memory_space<vmem>> -> memref<40x128xf32, #tpu.memory_space<vmem>>
    %dma_wait3A_411 = arith.constant 0 : i32
    %dma_wait3A_412 = tpu.memref_slice %arg13[%add3A_407, %dma_wait3A_411] : memref<10000x128xf32, #tpu.memory_space<vmem_shared>> -> memref<40x128xf32, #tpu.memory_space<vmem_shared>>
    %dma_wait3A_413 = arith.constant 0 : i32
    %dma_wait3A_414 = tpu.memref_slice %arg13[%add3A_407, %dma_wait3A_413] : memref<10000x128xf32, #tpu.memory_space<vmem_shared>> -> memref<40x128xf32, #tpu.memory_space<vmem_shared>>
    %dma_wait3A_415 = arith.constant 0 : i32
    %dma_wait3A_416 = arith.constant 0 : i32
    %dma_wait3A_417 = tpu.memref_slice %arg8[%dma_wait3A_415, %dma_wait3A_416] : memref<40x128xf32, #tpu.memory_space<vmem>> -> memref<40x128xf32, #tpu.memory_space<vmem>>
    tpu.wait_dma2 semaphore(%arg22 : memref<!tpu.dma_semaphore, #tpu.memory_space<semaphore_mem>>) src(%dma_wait3A_417 : memref<40x128xf32, #tpu.memory_space<vmem>>) dst(%dma_wait3A_414 : memref<40x128xf32, #tpu.memory_space<vmem_shared>>)
    %mul3A_418 = arith.constant 624 : i32
    %mul3A_419 = arith.muli %arg1, %mul3A_418 : i32
    %add3A_420 = arith.constant 560 : i32
    %add3A_421 = arith.addi %mul3A_419, %add3A_420 : i32
    %dma_wait3A_422 = arith.constant 0 : i32
    %dma_wait3A_423 = arith.constant 0 : i32
    %dma_wait3A_424 = tpu.memref_slice %arg8[%dma_wait3A_422, %dma_wait3A_423] : memref<40x128xf32, #tpu.memory_space<vmem>> -> memref<40x128xf32, #tpu.memory_space<vmem>>
    %dma_wait3A_425 = arith.constant 0 : i32
    %dma_wait3A_426 = tpu.memref_slice %arg13[%add3A_421, %dma_wait3A_425] : memref<10000x128xf32, #tpu.memory_space<vmem_shared>> -> memref<40x128xf32, #tpu.memory_space<vmem_shared>>
    %dma_wait3A_427 = arith.constant 0 : i32
    %dma_wait3A_428 = tpu.memref_slice %arg13[%add3A_421, %dma_wait3A_427] : memref<10000x128xf32, #tpu.memory_space<vmem_shared>> -> memref<40x128xf32, #tpu.memory_space<vmem_shared>>
    %dma_wait3A_429 = arith.constant 0 : i32
    %dma_wait3A_430 = arith.constant 0 : i32
    %dma_wait3A_431 = tpu.memref_slice %arg8[%dma_wait3A_429, %dma_wait3A_430] : memref<40x128xf32, #tpu.memory_space<vmem>> -> memref<40x128xf32, #tpu.memory_space<vmem>>
    tpu.wait_dma2 semaphore(%arg23 : memref<!tpu.dma_semaphore, #tpu.memory_space<semaphore_mem>>) src(%dma_wait3A_431 : memref<40x128xf32, #tpu.memory_space<vmem>>) dst(%dma_wait3A_428 : memref<40x128xf32, #tpu.memory_space<vmem_shared>>)
    %barrier3A = arith.constant 0 : index
    tpu.barrier barrier_id(%barrier3A)
    %dma_start3A_432 = arith.constant 0 : i32
    %dma_start3A_433 = arith.constant 0 : i32
    %dma_start3A_434 = tpu.memref_slice %arg6[%dma_start3A_432, %dma_start3A_433] : memref<250x40xi32, #tpu.memory_space<vmem>> -> memref<1x40xi32, #tpu.memory_space<vmem>>
    %dma_start3A_435 = tpu.memref_squeeze %dma_start3A_434 : memref<1x40xi32, #tpu.memory_space<vmem>> -> memref<40xi32, #tpu.memory_space<vmem>>
    %dma_start3A_436 = arith.constant 0 : i32
    %dma_start3A_437 = arith.constant 0 : i32
    %dma_start3A_438 = tpu.memref_slice %arg3[%dma_start3A_436, %dma_start3A_437] : memref<10000x128xf32, #tpu.memory_space<hbm>> -> memref<10000x128xf32, #tpu.memory_space<hbm>>
    tpu.enqueue_indirect_dma source(%dma_start3A_438 : memref<10000x128xf32, #tpu.memory_space<hbm>>) target(%arg8 : memref<40x128xf32, #tpu.memory_space<vmem>>) offsets(%dma_start3A_435 : memref<40xi32, #tpu.memory_space<vmem>>) semaphore(%arg14 : memref<!tpu.dma_semaphore, #tpu.memory_space<semaphore_mem>>)
    %dma_start3A_439 = arith.constant 1 : i32
    %dma_start3A_440 = arith.constant 0 : i32
    %dma_start3A_441 = tpu.memref_slice %arg6[%dma_start3A_439, %dma_start3A_440] : memref<250x40xi32, #tpu.memory_space<vmem>> -> memref<1x40xi32, #tpu.memory_space<vmem>>
    %dma_start3A_442 = tpu.memref_squeeze %dma_start3A_441 : memref<1x40xi32, #tpu.memory_space<vmem>> -> memref<40xi32, #tpu.memory_space<vmem>>
    %dma_start3A_443 = arith.constant 0 : i32
    %dma_start3A_444 = arith.constant 0 : i32
    %dma_start3A_445 = tpu.memref_slice %arg3[%dma_start3A_443, %dma_start3A_444] : memref<10000x128xf32, #tpu.memory_space<hbm>> -> memref<10000x128xf32, #tpu.memory_space<hbm>>
    tpu.enqueue_indirect_dma source(%dma_start3A_445 : memref<10000x128xf32, #tpu.memory_space<hbm>>) target(%arg9 : memref<40x128xf32, #tpu.memory_space<vmem>>) offsets(%dma_start3A_442 : memref<40xi32, #tpu.memory_space<vmem>>) semaphore(%arg15 : memref<!tpu.dma_semaphore, #tpu.memory_space<semaphore_mem>>)
    %dma_start3A_446 = arith.constant 2 : i32
    %dma_start3A_447 = arith.constant 0 : i32
    %dma_start3A_448 = tpu.memref_slice %arg6[%dma_start3A_446, %dma_start3A_447] : memref<250x40xi32, #tpu.memory_space<vmem>> -> memref<1x40xi32, #tpu.memory_space<vmem>>
    %dma_start3A_449 = tpu.memref_squeeze %dma_start3A_448 : memref<1x40xi32, #tpu.memory_space<vmem>> -> memref<40xi32, #tpu.memory_space<vmem>>
    %dma_start3A_450 = arith.constant 0 : i32
    %dma_start3A_451 = arith.constant 0 : i32
    %dma_start3A_452 = tpu.memref_slice %arg3[%dma_start3A_450, %dma_start3A_451] : memref<10000x128xf32, #tpu.memory_space<hbm>> -> memref<10000x128xf32, #tpu.memory_space<hbm>>
    tpu.enqueue_indirect_dma source(%dma_start3A_452 : memref<10000x128xf32, #tpu.memory_space<hbm>>) target(%arg10 : memref<40x128xf32, #tpu.memory_space<vmem>>) offsets(%dma_start3A_449 : memref<40xi32, #tpu.memory_space<vmem>>) semaphore(%arg16 : memref<!tpu.dma_semaphore, #tpu.memory_space<semaphore_mem>>)
    %dma_start3A_453 = arith.constant 3 : i32
    %dma_start3A_454 = arith.constant 0 : i32
    %dma_start3A_455 = tpu.memref_slice %arg6[%dma_start3A_453, %dma_start3A_454] : memref<250x40xi32, #tpu.memory_space<vmem>> -> memref<1x40xi32, #tpu.memory_space<vmem>>
    %dma_start3A_456 = tpu.memref_squeeze %dma_start3A_455 : memref<1x40xi32, #tpu.memory_space<vmem>> -> memref<40xi32, #tpu.memory_space<vmem>>
    %dma_start3A_457 = arith.constant 0 : i32
    %dma_start3A_458 = arith.constant 0 : i32
    %dma_start3A_459 = tpu.memref_slice %arg3[%dma_start3A_457, %dma_start3A_458] : memref<10000x128xf32, #tpu.memory_space<hbm>> -> memref<10000x128xf32, #tpu.memory_space<hbm>>
    tpu.enqueue_indirect_dma source(%dma_start3A_459 : memref<10000x128xf32, #tpu.memory_space<hbm>>) target(%arg11 : memref<40x128xf32, #tpu.memory_space<vmem>>) offsets(%dma_start3A_456 : memref<40xi32, #tpu.memory_space<vmem>>) semaphore(%arg17 : memref<!tpu.dma_semaphore, #tpu.memory_space<semaphore_mem>>)
    %dma_start3A_460 = arith.constant 4 : i32
    %dma_start3A_461 = arith.constant 0 : i32
    %dma_start3A_462 = tpu.memref_slice %arg6[%dma_start3A_460, %dma_start3A_461] : memref<250x40xi32, #tpu.memory_space<vmem>> -> memref<1x40xi32, #tpu.memory_space<vmem>>
    %dma_start3A_463 = tpu.memref_squeeze %dma_start3A_462 : memref<1x40xi32, #tpu.memory_space<vmem>> -> memref<40xi32, #tpu.memory_space<vmem>>
    %dma_start3A_464 = arith.constant 0 : i32
    %dma_start3A_465 = arith.constant 0 : i32
    %dma_start3A_466 = tpu.memref_slice %arg3[%dma_start3A_464, %dma_start3A_465] : memref<10000x128xf32, #tpu.memory_space<hbm>> -> memref<10000x128xf32, #tpu.memory_space<hbm>>
    tpu.enqueue_indirect_dma source(%dma_start3A_466 : memref<10000x128xf32, #tpu.memory_space<hbm>>) target(%arg12 : memref<40x128xf32, #tpu.memory_space<vmem>>) offsets(%dma_start3A_463 : memref<40xi32, #tpu.memory_space<vmem>>) semaphore(%arg18 : memref<!tpu.dma_semaphore, #tpu.memory_space<semaphore_mem>>)
    %scan3A_467 = arith.constant 0 : i32
    %scan3A_468 = arith.constant 0 : i32
    %scan3A_469 = arith.constant 50 : i32
    %scan3A_470 = arith.addi %scan3A_468, %scan3A_469 : i32
    %scan3A_471 = arith.constant 1 : i32
    scf.for %scan3A_519 = %scan3A_468 to %scan3A_470 step %scan3A_471  : i32 {
      %mul3A_520 = arith.constant 5 : i32
      %mul3A_521 = arith.muli %scan3A_519, %mul3A_520 : i32
      %add3A_522 = arith.constant 0 : i32
      %add3A_523 = arith.addi %mul3A_521, %add3A_522 : i32
      %dma_wait3A_524 = arith.constant 0 : i32
      %dma_wait3A_525 = tpu.memref_slice %arg6[%add3A_523, %dma_wait3A_524] : memref<250x40xi32, #tpu.memory_space<vmem>> -> memref<1x40xi32, #tpu.memory_space<vmem>>
      %dma_wait3A_526 = tpu.memref_squeeze %dma_wait3A_525 : memref<1x40xi32, #tpu.memory_space<vmem>> -> memref<40xi32, #tpu.memory_space<vmem>>
      %dma_wait3A_527 = arith.constant 0 : i32
      %dma_wait3A_528 = arith.constant 0 : i32
      %dma_wait3A_529 = tpu.memref_slice %arg3[%dma_wait3A_527, %dma_wait3A_528] : memref<10000x128xf32, #tpu.memory_space<hbm>> -> memref<10000x128xf32, #tpu.memory_space<hbm>>
      tpu.wait_indirect_dma semaphore(%arg14 : memref<!tpu.dma_semaphore, #tpu.memory_space<semaphore_mem>>) src(%dma_wait3A_529 : memref<10000x128xf32, #tpu.memory_space<hbm>>) dst(%arg8 : memref<40x128xf32, #tpu.memory_space<vmem>>)
      %dma_start3A_530 = arith.constant 0 : i32
      %dma_start3A_531 = tpu.memref_slice %arg7[%add3A_523, %dma_start3A_530] : memref<250x40xi32, #tpu.memory_space<vmem>> -> memref<1x40xi32, #tpu.memory_space<vmem>>
      %dma_start3A_532 = tpu.memref_squeeze %dma_start3A_531 : memref<1x40xi32, #tpu.memory_space<vmem>> -> memref<40xi32, #tpu.memory_space<vmem>>
      %dma_start3A_533 = arith.constant 0 : i32
      %dma_start3A_534 = arith.constant 0 : i32
      %dma_start3A_535 = tpu.memref_slice %arg13[%dma_start3A_533, %dma_start3A_534] : memref<10000x128xf32, #tpu.memory_space<vmem_shared>> -> memref<10000x128xf32, #tpu.memory_space<vmem_shared>>
      tpu.enqueue_indirect_dma source(%arg8 : memref<40x128xf32, #tpu.memory_space<vmem>>) target(%dma_start3A_535 : memref<10000x128xf32, #tpu.memory_space<vmem_shared>>) offsets(%dma_start3A_532 : memref<40xi32, #tpu.memory_space<vmem>>) semaphore(%arg19 : memref<!tpu.dma_semaphore, #tpu.memory_space<semaphore_mem>>) {add = true}
      %add3A_536 = arith.constant 5 : i32
      %add3A_537 = arith.addi %add3A_523, %add3A_536 : i32
      %lt3A = arith.constant 250 : i32
      %lt3A_538 = arith.cmpi slt, %add3A_537, %lt3A : i32
      %convert_element_type3A_539 = arith.extui %lt3A_538 : i1 to i32
      %cond3A_540 = arith.constant 0 : i32
      %cond3A_541 = arith.cmpi ne, %convert_element_type3A_539, %cond3A_540 : i32
      scf.if %cond3A_541 {
        %dma_wait3A_634 = arith.constant 0 : i32
        %dma_wait3A_635 = tpu.memref_slice %arg7[%add3A_523, %dma_wait3A_634] : memref<250x40xi32, #tpu.memory_space<vmem>> -> memref<1x40xi32, #tpu.memory_space<vmem>>
        %dma_wait3A_636 = tpu.memref_squeeze %dma_wait3A_635 : memref<1x40xi32, #tpu.memory_space<vmem>> -> memref<40xi32, #tpu.memory_space<vmem>>
        %dma_wait3A_637 = arith.constant 0 : i32
        %dma_wait3A_638 = arith.constant 0 : i32
        %dma_wait3A_639 = tpu.memref_slice %arg13[%dma_wait3A_637, %dma_wait3A_638] : memref<10000x128xf32, #tpu.memory_space<vmem_shared>> -> memref<10000x128xf32, #tpu.memory_space<vmem_shared>>
        tpu.wait_indirect_dma semaphore(%arg19 : memref<!tpu.dma_semaphore, #tpu.memory_space<semaphore_mem>>) src(%arg8 : memref<40x128xf32, #tpu.memory_space<vmem>>) dst(%dma_wait3A_639 : memref<10000x128xf32, #tpu.memory_space<vmem_shared>>)
        %add3A_640 = arith.constant 5 : i32
        %add3A_641 = arith.addi %add3A_523, %add3A_640 : i32
        %dma_start3A_642 = arith.constant 0 : i32
        %dma_start3A_643 = tpu.memref_slice %arg6[%add3A_641, %dma_start3A_642] : memref<250x40xi32, #tpu.memory_space<vmem>> -> memref<1x40xi32, #tpu.memory_space<vmem>>
        %dma_start3A_644 = tpu.memref_squeeze %dma_start3A_643 : memref<1x40xi32, #tpu.memory_space<vmem>> -> memref<40xi32, #tpu.memory_space<vmem>>
        %dma_start3A_645 = arith.constant 0 : i32
        %dma_start3A_646 = arith.constant 0 : i32
        %dma_start3A_647 = tpu.memref_slice %arg3[%dma_start3A_645, %dma_start3A_646] : memref<10000x128xf32, #tpu.memory_space<hbm>> -> memref<10000x128xf32, #tpu.memory_space<hbm>>
        tpu.enqueue_indirect_dma source(%dma_start3A_647 : memref<10000x128xf32, #tpu.memory_space<hbm>>) target(%arg8 : memref<40x128xf32, #tpu.memory_space<vmem>>) offsets(%dma_start3A_644 : memref<40xi32, #tpu.memory_space<vmem>>) semaphore(%arg14 : memref<!tpu.dma_semaphore, #tpu.memory_space<semaphore_mem>>)
      } else {
      }
      %mul3A_542 = arith.constant 5 : i32
      %mul3A_543 = arith.muli %scan3A_519, %mul3A_542 : i32
      %add3A_544 = arith.constant 1 : i32
      %add3A_545 = arith.addi %mul3A_543, %add3A_544 : i32
      %dma_wait3A_546 = arith.constant 0 : i32
      %dma_wait3A_547 = tpu.memref_slice %arg6[%add3A_545, %dma_wait3A_546] : memref<250x40xi32, #tpu.memory_space<vmem>> -> memref<1x40xi32, #tpu.memory_space<vmem>>
      %dma_wait3A_548 = tpu.memref_squeeze %dma_wait3A_547 : memref<1x40xi32, #tpu.memory_space<vmem>> -> memref<40xi32, #tpu.memory_space<vmem>>
      %dma_wait3A_549 = arith.constant 0 : i32
      %dma_wait3A_550 = arith.constant 0 : i32
      %dma_wait3A_551 = tpu.memref_slice %arg3[%dma_wait3A_549, %dma_wait3A_550] : memref<10000x128xf32, #tpu.memory_space<hbm>> -> memref<10000x128xf32, #tpu.memory_space<hbm>>
      tpu.wait_indirect_dma semaphore(%arg15 : memref<!tpu.dma_semaphore, #tpu.memory_space<semaphore_mem>>) src(%dma_wait3A_551 : memref<10000x128xf32, #tpu.memory_space<hbm>>) dst(%arg9 : memref<40x128xf32, #tpu.memory_space<vmem>>)
      %dma_start3A_552 = arith.constant 0 : i32
      %dma_start3A_553 = tpu.memref_slice %arg7[%add3A_545, %dma_start3A_552] : memref<250x40xi32, #tpu.memory_space<vmem>> -> memref<1x40xi32, #tpu.memory_space<vmem>>
      %dma_start3A_554 = tpu.memref_squeeze %dma_start3A_553 : memref<1x40xi32, #tpu.memory_space<vmem>> -> memref<40xi32, #tpu.memory_space<vmem>>
      %dma_start3A_555 = arith.constant 0 : i32
      %dma_start3A_556 = arith.constant 0 : i32
      %dma_start3A_557 = tpu.memref_slice %arg13[%dma_start3A_555, %dma_start3A_556] : memref<10000x128xf32, #tpu.memory_space<vmem_shared>> -> memref<10000x128xf32, #tpu.memory_space<vmem_shared>>
      tpu.enqueue_indirect_dma source(%arg9 : memref<40x128xf32, #tpu.memory_space<vmem>>) target(%dma_start3A_557 : memref<10000x128xf32, #tpu.memory_space<vmem_shared>>) offsets(%dma_start3A_554 : memref<40xi32, #tpu.memory_space<vmem>>) semaphore(%arg20 : memref<!tpu.dma_semaphore, #tpu.memory_space<semaphore_mem>>) {add = true}
      %add3A_558 = arith.constant 5 : i32
      %add3A_559 = arith.addi %add3A_545, %add3A_558 : i32
      %lt3A_560 = arith.constant 250 : i32
      %lt3A_561 = arith.cmpi slt, %add3A_559, %lt3A_560 : i32
      %convert_element_type3A_562 = arith.extui %lt3A_561 : i1 to i32
      %cond3A_563 = arith.constant 0 : i32
      %cond3A_564 = arith.cmpi ne, %convert_element_type3A_562, %cond3A_563 : i32
      scf.if %cond3A_564 {
        %dma_wait3A_634 = arith.constant 0 : i32
        %dma_wait3A_635 = tpu.memref_slice %arg7[%add3A_545, %dma_wait3A_634] : memref<250x40xi32, #tpu.memory_space<vmem>> -> memref<1x40xi32, #tpu.memory_space<vmem>>
        %dma_wait3A_636 = tpu.memref_squeeze %dma_wait3A_635 : memref<1x40xi32, #tpu.memory_space<vmem>> -> memref<40xi32, #tpu.memory_space<vmem>>
        %dma_wait3A_637 = arith.constant 0 : i32
        %dma_wait3A_638 = arith.constant 0 : i32
        %dma_wait3A_639 = tpu.memref_slice %arg13[%dma_wait3A_637, %dma_wait3A_638] : memref<10000x128xf32, #tpu.memory_space<vmem_shared>> -> memref<10000x128xf32, #tpu.memory_space<vmem_shared>>
        tpu.wait_indirect_dma semaphore(%arg20 : memref<!tpu.dma_semaphore, #tpu.memory_space<semaphore_mem>>) src(%arg9 : memref<40x128xf32, #tpu.memory_space<vmem>>) dst(%dma_wait3A_639 : memref<10000x128xf32, #tpu.memory_space<vmem_shared>>)
        %add3A_640 = arith.constant 5 : i32
        %add3A_641 = arith.addi %add3A_545, %add3A_640 : i32
        %dma_start3A_642 = arith.constant 0 : i32
        %dma_start3A_643 = tpu.memref_slice %arg6[%add3A_641, %dma_start3A_642] : memref<250x40xi32, #tpu.memory_space<vmem>> -> memref<1x40xi32, #tpu.memory_space<vmem>>
        %dma_start3A_644 = tpu.memref_squeeze %dma_start3A_643 : memref<1x40xi32, #tpu.memory_space<vmem>> -> memref<40xi32, #tpu.memory_space<vmem>>
        %dma_start3A_645 = arith.constant 0 : i32
        %dma_start3A_646 = arith.constant 0 : i32
        %dma_start3A_647 = tpu.memref_slice %arg3[%dma_start3A_645, %dma_start3A_646] : memref<10000x128xf32, #tpu.memory_space<hbm>> -> memref<10000x128xf32, #tpu.memory_space<hbm>>
        tpu.enqueue_indirect_dma source(%dma_start3A_647 : memref<10000x128xf32, #tpu.memory_space<hbm>>) target(%arg9 : memref<40x128xf32, #tpu.memory_space<vmem>>) offsets(%dma_start3A_644 : memref<40xi32, #tpu.memory_space<vmem>>) semaphore(%arg15 : memref<!tpu.dma_semaphore, #tpu.memory_space<semaphore_mem>>)
      } else {
      }
      %mul3A_565 = arith.constant 5 : i32
      %mul3A_566 = arith.muli %scan3A_519, %mul3A_565 : i32
      %add3A_567 = arith.constant 2 : i32
      %add3A_568 = arith.addi %mul3A_566, %add3A_567 : i32
      %dma_wait3A_569 = arith.constant 0 : i32
      %dma_wait3A_570 = tpu.memref_slice %arg6[%add3A_568, %dma_wait3A_569] : memref<250x40xi32, #tpu.memory_space<vmem>> -> memref<1x40xi32, #tpu.memory_space<vmem>>
      %dma_wait3A_571 = tpu.memref_squeeze %dma_wait3A_570 : memref<1x40xi32, #tpu.memory_space<vmem>> -> memref<40xi32, #tpu.memory_space<vmem>>
      %dma_wait3A_572 = arith.constant 0 : i32
      %dma_wait3A_573 = arith.constant 0 : i32
      %dma_wait3A_574 = tpu.memref_slice %arg3[%dma_wait3A_572, %dma_wait3A_573] : memref<10000x128xf32, #tpu.memory_space<hbm>> -> memref<10000x128xf32, #tpu.memory_space<hbm>>
      tpu.wait_indirect_dma semaphore(%arg16 : memref<!tpu.dma_semaphore, #tpu.memory_space<semaphore_mem>>) src(%dma_wait3A_574 : memref<10000x128xf32, #tpu.memory_space<hbm>>) dst(%arg10 : memref<40x128xf32, #tpu.memory_space<vmem>>)
      %dma_start3A_575 = arith.constant 0 : i32
      %dma_start3A_576 = tpu.memref_slice %arg7[%add3A_568, %dma_start3A_575] : memref<250x40xi32, #tpu.memory_space<vmem>> -> memref<1x40xi32, #tpu.memory_space<vmem>>
      %dma_start3A_577 = tpu.memref_squeeze %dma_start3A_576 : memref<1x40xi32, #tpu.memory_space<vmem>> -> memref<40xi32, #tpu.memory_space<vmem>>
      %dma_start3A_578 = arith.constant 0 : i32
      %dma_start3A_579 = arith.constant 0 : i32
      %dma_start3A_580 = tpu.memref_slice %arg13[%dma_start3A_578, %dma_start3A_579] : memref<10000x128xf32, #tpu.memory_space<vmem_shared>> -> memref<10000x128xf32, #tpu.memory_space<vmem_shared>>
      tpu.enqueue_indirect_dma source(%arg10 : memref<40x128xf32, #tpu.memory_space<vmem>>) target(%dma_start3A_580 : memref<10000x128xf32, #tpu.memory_space<vmem_shared>>) offsets(%dma_start3A_577 : memref<40xi32, #tpu.memory_space<vmem>>) semaphore(%arg21 : memref<!tpu.dma_semaphore, #tpu.memory_space<semaphore_mem>>) {add = true}
      %add3A_581 = arith.constant 5 : i32
      %add3A_582 = arith.addi %add3A_568, %add3A_581 : i32
      %lt3A_583 = arith.constant 250 : i32
      %lt3A_584 = arith.cmpi slt, %add3A_582, %lt3A_583 : i32
      %convert_element_type3A_585 = arith.extui %lt3A_584 : i1 to i32
      %cond3A_586 = arith.constant 0 : i32
      %cond3A_587 = arith.cmpi ne, %convert_element_type3A_585, %cond3A_586 : i32
      scf.if %cond3A_587 {
        %dma_wait3A_634 = arith.constant 0 : i32
        %dma_wait3A_635 = tpu.memref_slice %arg7[%add3A_568, %dma_wait3A_634] : memref<250x40xi32, #tpu.memory_space<vmem>> -> memref<1x40xi32, #tpu.memory_space<vmem>>
        %dma_wait3A_636 = tpu.memref_squeeze %dma_wait3A_635 : memref<1x40xi32, #tpu.memory_space<vmem>> -> memref<40xi32, #tpu.memory_space<vmem>>
        %dma_wait3A_637 = arith.constant 0 : i32
        %dma_wait3A_638 = arith.constant 0 : i32
        %dma_wait3A_639 = tpu.memref_slice %arg13[%dma_wait3A_637, %dma_wait3A_638] : memref<10000x128xf32, #tpu.memory_space<vmem_shared>> -> memref<10000x128xf32, #tpu.memory_space<vmem_shared>>
        tpu.wait_indirect_dma semaphore(%arg21 : memref<!tpu.dma_semaphore, #tpu.memory_space<semaphore_mem>>) src(%arg10 : memref<40x128xf32, #tpu.memory_space<vmem>>) dst(%dma_wait3A_639 : memref<10000x128xf32, #tpu.memory_space<vmem_shared>>)
        %add3A_640 = arith.constant 5 : i32
        %add3A_641 = arith.addi %add3A_568, %add3A_640 : i32
        %dma_start3A_642 = arith.constant 0 : i32
        %dma_start3A_643 = tpu.memref_slice %arg6[%add3A_641, %dma_start3A_642] : memref<250x40xi32, #tpu.memory_space<vmem>> -> memref<1x40xi32, #tpu.memory_space<vmem>>
        %dma_start3A_644 = tpu.memref_squeeze %dma_start3A_643 : memref<1x40xi32, #tpu.memory_space<vmem>> -> memref<40xi32, #tpu.memory_space<vmem>>
        %dma_start3A_645 = arith.constant 0 : i32
        %dma_start3A_646 = arith.constant 0 : i32
        %dma_start3A_647 = tpu.memref_slice %arg3[%dma_start3A_645, %dma_start3A_646] : memref<10000x128xf32, #tpu.memory_space<hbm>> -> memref<10000x128xf32, #tpu.memory_space<hbm>>
        tpu.enqueue_indirect_dma source(%dma_start3A_647 : memref<10000x128xf32, #tpu.memory_space<hbm>>) target(%arg10 : memref<40x128xf32, #tpu.memory_space<vmem>>) offsets(%dma_start3A_644 : memref<40xi32, #tpu.memory_space<vmem>>) semaphore(%arg16 : memref<!tpu.dma_semaphore, #tpu.memory_space<semaphore_mem>>)
      } else {
      }
      %mul3A_588 = arith.constant 5 : i32
      %mul3A_589 = arith.muli %scan3A_519, %mul3A_588 : i32
      %add3A_590 = arith.constant 3 : i32
      %add3A_591 = arith.addi %mul3A_589, %add3A_590 : i32
      %dma_wait3A_592 = arith.constant 0 : i32
      %dma_wait3A_593 = tpu.memref_slice %arg6[%add3A_591, %dma_wait3A_592] : memref<250x40xi32, #tpu.memory_space<vmem>> -> memref<1x40xi32, #tpu.memory_space<vmem>>
      %dma_wait3A_594 = tpu.memref_squeeze %dma_wait3A_593 : memref<1x40xi32, #tpu.memory_space<vmem>> -> memref<40xi32, #tpu.memory_space<vmem>>
      %dma_wait3A_595 = arith.constant 0 : i32
      %dma_wait3A_596 = arith.constant 0 : i32
      %dma_wait3A_597 = tpu.memref_slice %arg3[%dma_wait3A_595, %dma_wait3A_596] : memref<10000x128xf32, #tpu.memory_space<hbm>> -> memref<10000x128xf32, #tpu.memory_space<hbm>>
      tpu.wait_indirect_dma semaphore(%arg17 : memref<!tpu.dma_semaphore, #tpu.memory_space<semaphore_mem>>) src(%dma_wait3A_597 : memref<10000x128xf32, #tpu.memory_space<hbm>>) dst(%arg11 : memref<40x128xf32, #tpu.memory_space<vmem>>)
      %dma_start3A_598 = arith.constant 0 : i32
      %dma_start3A_599 = tpu.memref_slice %arg7[%add3A_591, %dma_start3A_598] : memref<250x40xi32, #tpu.memory_space<vmem>> -> memref<1x40xi32, #tpu.memory_space<vmem>>
      %dma_start3A_600 = tpu.memref_squeeze %dma_start3A_599 : memref<1x40xi32, #tpu.memory_space<vmem>> -> memref<40xi32, #tpu.memory_space<vmem>>
      %dma_start3A_601 = arith.constant 0 : i32
      %dma_start3A_602 = arith.constant 0 : i32
      %dma_start3A_603 = tpu.memref_slice %arg13[%dma_start3A_601, %dma_start3A_602] : memref<10000x128xf32, #tpu.memory_space<vmem_shared>> -> memref<10000x128xf32, #tpu.memory_space<vmem_shared>>
      tpu.enqueue_indirect_dma source(%arg11 : memref<40x128xf32, #tpu.memory_space<vmem>>) target(%dma_start3A_603 : memref<10000x128xf32, #tpu.memory_space<vmem_shared>>) offsets(%dma_start3A_600 : memref<40xi32, #tpu.memory_space<vmem>>) semaphore(%arg22 : memref<!tpu.dma_semaphore, #tpu.memory_space<semaphore_mem>>) {add = true}
      %add3A_604 = arith.constant 5 : i32
      %add3A_605 = arith.addi %add3A_591, %add3A_604 : i32
      %lt3A_606 = arith.constant 250 : i32
      %lt3A_607 = arith.cmpi slt, %add3A_605, %lt3A_606 : i32
      %convert_element_type3A_608 = arith.extui %lt3A_607 : i1 to i32
      %cond3A_609 = arith.constant 0 : i32
      %cond3A_610 = arith.cmpi ne, %convert_element_type3A_608, %cond3A_609 : i32
      scf.if %cond3A_610 {
        %dma_wait3A_634 = arith.constant 0 : i32
        %dma_wait3A_635 = tpu.memref_slice %arg7[%add3A_591, %dma_wait3A_634] : memref<250x40xi32, #tpu.memory_space<vmem>> -> memref<1x40xi32, #tpu.memory_space<vmem>>
        %dma_wait3A_636 = tpu.memref_squeeze %dma_wait3A_635 : memref<1x40xi32, #tpu.memory_space<vmem>> -> memref<40xi32, #tpu.memory_space<vmem>>
        %dma_wait3A_637 = arith.constant 0 : i32
        %dma_wait3A_638 = arith.constant 0 : i32
        %dma_wait3A_639 = tpu.memref_slice %arg13[%dma_wait3A_637, %dma_wait3A_638] : memref<10000x128xf32, #tpu.memory_space<vmem_shared>> -> memref<10000x128xf32, #tpu.memory_space<vmem_shared>>
        tpu.wait_indirect_dma semaphore(%arg22 : memref<!tpu.dma_semaphore, #tpu.memory_space<semaphore_mem>>) src(%arg11 : memref<40x128xf32, #tpu.memory_space<vmem>>) dst(%dma_wait3A_639 : memref<10000x128xf32, #tpu.memory_space<vmem_shared>>)
        %add3A_640 = arith.constant 5 : i32
        %add3A_641 = arith.addi %add3A_591, %add3A_640 : i32
        %dma_start3A_642 = arith.constant 0 : i32
        %dma_start3A_643 = tpu.memref_slice %arg6[%add3A_641, %dma_start3A_642] : memref<250x40xi32, #tpu.memory_space<vmem>> -> memref<1x40xi32, #tpu.memory_space<vmem>>
        %dma_start3A_644 = tpu.memref_squeeze %dma_start3A_643 : memref<1x40xi32, #tpu.memory_space<vmem>> -> memref<40xi32, #tpu.memory_space<vmem>>
        %dma_start3A_645 = arith.constant 0 : i32
        %dma_start3A_646 = arith.constant 0 : i32
        %dma_start3A_647 = tpu.memref_slice %arg3[%dma_start3A_645, %dma_start3A_646] : memref<10000x128xf32, #tpu.memory_space<hbm>> -> memref<10000x128xf32, #tpu.memory_space<hbm>>
        tpu.enqueue_indirect_dma source(%dma_start3A_647 : memref<10000x128xf32, #tpu.memory_space<hbm>>) target(%arg11 : memref<40x128xf32, #tpu.memory_space<vmem>>) offsets(%dma_start3A_644 : memref<40xi32, #tpu.memory_space<vmem>>) semaphore(%arg17 : memref<!tpu.dma_semaphore, #tpu.memory_space<semaphore_mem>>)
      } else {
      }
      %mul3A_611 = arith.constant 5 : i32
      %mul3A_612 = arith.muli %scan3A_519, %mul3A_611 : i32
      %add3A_613 = arith.constant 4 : i32
      %add3A_614 = arith.addi %mul3A_612, %add3A_613 : i32
      %dma_wait3A_615 = arith.constant 0 : i32
      %dma_wait3A_616 = tpu.memref_slice %arg6[%add3A_614, %dma_wait3A_615] : memref<250x40xi32, #tpu.memory_space<vmem>> -> memref<1x40xi32, #tpu.memory_space<vmem>>
      %dma_wait3A_617 = tpu.memref_squeeze %dma_wait3A_616 : memref<1x40xi32, #tpu.memory_space<vmem>> -> memref<40xi32, #tpu.memory_space<vmem>>
      %dma_wait3A_618 = arith.constant 0 : i32
      %dma_wait3A_619 = arith.constant 0 : i32
      %dma_wait3A_620 = tpu.memref_slice %arg3[%dma_wait3A_618, %dma_wait3A_619] : memref<10000x128xf32, #tpu.memory_space<hbm>> -> memref<10000x128xf32, #tpu.memory_space<hbm>>
      tpu.wait_indirect_dma semaphore(%arg18 : memref<!tpu.dma_semaphore, #tpu.memory_space<semaphore_mem>>) src(%dma_wait3A_620 : memref<10000x128xf32, #tpu.memory_space<hbm>>) dst(%arg12 : memref<40x128xf32, #tpu.memory_space<vmem>>)
      %dma_start3A_621 = arith.constant 0 : i32
      %dma_start3A_622 = tpu.memref_slice %arg7[%add3A_614, %dma_start3A_621] : memref<250x40xi32, #tpu.memory_space<vmem>> -> memref<1x40xi32, #tpu.memory_space<vmem>>
      %dma_start3A_623 = tpu.memref_squeeze %dma_start3A_622 : memref<1x40xi32, #tpu.memory_space<vmem>> -> memref<40xi32, #tpu.memory_space<vmem>>
      %dma_start3A_624 = arith.constant 0 : i32
      %dma_start3A_625 = arith.constant 0 : i32
      %dma_start3A_626 = tpu.memref_slice %arg13[%dma_start3A_624, %dma_start3A_625] : memref<10000x128xf32, #tpu.memory_space<vmem_shared>> -> memref<10000x128xf32, #tpu.memory_space<vmem_shared>>
      tpu.enqueue_indirect_dma source(%arg12 : memref<40x128xf32, #tpu.memory_space<vmem>>) target(%dma_start3A_626 : memref<10000x128xf32, #tpu.memory_space<vmem_shared>>) offsets(%dma_start3A_623 : memref<40xi32, #tpu.memory_space<vmem>>) semaphore(%arg23 : memref<!tpu.dma_semaphore, #tpu.memory_space<semaphore_mem>>) {add = true}
      %add3A_627 = arith.constant 5 : i32
      %add3A_628 = arith.addi %add3A_614, %add3A_627 : i32
      %lt3A_629 = arith.constant 250 : i32
      %lt3A_630 = arith.cmpi slt, %add3A_628, %lt3A_629 : i32
      %convert_element_type3A_631 = arith.extui %lt3A_630 : i1 to i32
      %cond3A_632 = arith.constant 0 : i32
      %cond3A_633 = arith.cmpi ne, %convert_element_type3A_631, %cond3A_632 : i32
      scf.if %cond3A_633 {
        %dma_wait3A_634 = arith.constant 0 : i32
        %dma_wait3A_635 = tpu.memref_slice %arg7[%add3A_614, %dma_wait3A_634] : memref<250x40xi32, #tpu.memory_space<vmem>> -> memref<1x40xi32, #tpu.memory_space<vmem>>
        %dma_wait3A_636 = tpu.memref_squeeze %dma_wait3A_635 : memref<1x40xi32, #tpu.memory_space<vmem>> -> memref<40xi32, #tpu.memory_space<vmem>>
        %dma_wait3A_637 = arith.constant 0 : i32
        %dma_wait3A_638 = arith.constant 0 : i32
        %dma_wait3A_639 = tpu.memref_slice %arg13[%dma_wait3A_637, %dma_wait3A_638] : memref<10000x128xf32, #tpu.memory_space<vmem_shared>> -> memref<10000x128xf32, #tpu.memory_space<vmem_shared>>
        tpu.wait_indirect_dma semaphore(%arg23 : memref<!tpu.dma_semaphore, #tpu.memory_space<semaphore_mem>>) src(%arg12 : memref<40x128xf32, #tpu.memory_space<vmem>>) dst(%dma_wait3A_639 : memref<10000x128xf32, #tpu.memory_space<vmem_shared>>)
        %add3A_640 = arith.constant 5 : i32
        %add3A_641 = arith.addi %add3A_614, %add3A_640 : i32
        %dma_start3A_642 = arith.constant 0 : i32
        %dma_start3A_643 = tpu.memref_slice %arg6[%add3A_641, %dma_start3A_642] : memref<250x40xi32, #tpu.memory_space<vmem>> -> memref<1x40xi32, #tpu.memory_space<vmem>>
        %dma_start3A_644 = tpu.memref_squeeze %dma_start3A_643 : memref<1x40xi32, #tpu.memory_space<vmem>> -> memref<40xi32, #tpu.memory_space<vmem>>
        %dma_start3A_645 = arith.constant 0 : i32
        %dma_start3A_646 = arith.constant 0 : i32
        %dma_start3A_647 = tpu.memref_slice %arg3[%dma_start3A_645, %dma_start3A_646] : memref<10000x128xf32, #tpu.memory_space<hbm>> -> memref<10000x128xf32, #tpu.memory_space<hbm>>
        tpu.enqueue_indirect_dma source(%dma_start3A_647 : memref<10000x128xf32, #tpu.memory_space<hbm>>) target(%arg12 : memref<40x128xf32, #tpu.memory_space<vmem>>) offsets(%dma_start3A_644 : memref<40xi32, #tpu.memory_space<vmem>>) semaphore(%arg18 : memref<!tpu.dma_semaphore, #tpu.memory_space<semaphore_mem>>)
      } else {
      }
    }
    %scan3A_472 = arith.constant 50 : i32
    %dma_wait3A_473 = arith.constant 245 : i32
    %dma_wait3A_474 = arith.constant 0 : i32
    %dma_wait3A_475 = tpu.memref_slice %arg7[%dma_wait3A_473, %dma_wait3A_474] : memref<250x40xi32, #tpu.memory_space<vmem>> -> memref<1x40xi32, #tpu.memory_space<vmem>>
    %dma_wait3A_476 = tpu.memref_squeeze %dma_wait3A_475 : memref<1x40xi32, #tpu.memory_space<vmem>> -> memref<40xi32, #tpu.memory_space<vmem>>
    %dma_wait3A_477 = arith.constant 0 : i32
    %dma_wait3A_478 = arith.constant 0 : i32
    %dma_wait3A_479 = tpu.memref_slice %arg13[%dma_wait3A_477, %dma_wait3A_478] : memref<10000x128xf32, #tpu.memory_space<vmem_shared>> -> memref<10000x128xf32, #tpu.memory_space<vmem_shared>>
    tpu.wait_indirect_dma semaphore(%arg19 : memref<!tpu.dma_semaphore, #tpu.memory_space<semaphore_mem>>) src(%arg8 : memref<40x128xf32, #tpu.memory_space<vmem>>) dst(%dma_wait3A_479 : memref<10000x128xf32, #tpu.memory_space<vmem_shared>>)
    %dma_wait3A_480 = arith.constant 246 : i32
    %dma_wait3A_481 = arith.constant 0 : i32
    %dma_wait3A_482 = tpu.memref_slice %arg7[%dma_wait3A_480, %dma_wait3A_481] : memref<250x40xi32, #tpu.memory_space<vmem>> -> memref<1x40xi32, #tpu.memory_space<vmem>>
    %dma_wait3A_483 = tpu.memref_squeeze %dma_wait3A_482 : memref<1x40xi32, #tpu.memory_space<vmem>> -> memref<40xi32, #tpu.memory_space<vmem>>
    %dma_wait3A_484 = arith.constant 0 : i32
    %dma_wait3A_485 = arith.constant 0 : i32
    %dma_wait3A_486 = tpu.memref_slice %arg13[%dma_wait3A_484, %dma_wait3A_485] : memref<10000x128xf32, #tpu.memory_space<vmem_shared>> -> memref<10000x128xf32, #tpu.memory_space<vmem_shared>>
    tpu.wait_indirect_dma semaphore(%arg20 : memref<!tpu.dma_semaphore, #tpu.memory_space<semaphore_mem>>) src(%arg9 : memref<40x128xf32, #tpu.memory_space<vmem>>) dst(%dma_wait3A_486 : memref<10000x128xf32, #tpu.memory_space<vmem_shared>>)
    %dma_wait3A_487 = arith.constant 247 : i32
    %dma_wait3A_488 = arith.constant 0 : i32
    %dma_wait3A_489 = tpu.memref_slice %arg7[%dma_wait3A_487, %dma_wait3A_488] : memref<250x40xi32, #tpu.memory_space<vmem>> -> memref<1x40xi32, #tpu.memory_space<vmem>>
    %dma_wait3A_490 = tpu.memref_squeeze %dma_wait3A_489 : memref<1x40xi32, #tpu.memory_space<vmem>> -> memref<40xi32, #tpu.memory_space<vmem>>
    %dma_wait3A_491 = arith.constant 0 : i32
    %dma_wait3A_492 = arith.constant 0 : i32
    %dma_wait3A_493 = tpu.memref_slice %arg13[%dma_wait3A_491, %dma_wait3A_492] : memref<10000x128xf32, #tpu.memory_space<vmem_shared>> -> memref<10000x128xf32, #tpu.memory_space<vmem_shared>>
    tpu.wait_indirect_dma semaphore(%arg21 : memref<!tpu.dma_semaphore, #tpu.memory_space<semaphore_mem>>) src(%arg10 : memref<40x128xf32, #tpu.memory_space<vmem>>) dst(%dma_wait3A_493 : memref<10000x128xf32, #tpu.memory_space<vmem_shared>>)
    %dma_wait3A_494 = arith.constant 248 : i32
    %dma_wait3A_495 = arith.constant 0 : i32
    %dma_wait3A_496 = tpu.memref_slice %arg7[%dma_wait3A_494, %dma_wait3A_495] : memref<250x40xi32, #tpu.memory_space<vmem>> -> memref<1x40xi32, #tpu.memory_space<vmem>>
    %dma_wait3A_497 = tpu.memref_squeeze %dma_wait3A_496 : memref<1x40xi32, #tpu.memory_space<vmem>> -> memref<40xi32, #tpu.memory_space<vmem>>
    %dma_wait3A_498 = arith.constant 0 : i32
    %dma_wait3A_499 = arith.constant 0 : i32
    %dma_wait3A_500 = tpu.memref_slice %arg13[%dma_wait3A_498, %dma_wait3A_499] : memref<10000x128xf32, #tpu.memory_space<vmem_shared>> -> memref<10000x128xf32, #tpu.memory_space<vmem_shared>>
    tpu.wait_indirect_dma semaphore(%arg22 : memref<!tpu.dma_semaphore, #tpu.memory_space<semaphore_mem>>) src(%arg11 : memref<40x128xf32, #tpu.memory_space<vmem>>) dst(%dma_wait3A_500 : memref<10000x128xf32, #tpu.memory_space<vmem_shared>>)
    %dma_wait3A_501 = arith.constant 249 : i32
    %dma_wait3A_502 = arith.constant 0 : i32
    %dma_wait3A_503 = tpu.memref_slice %arg7[%dma_wait3A_501, %dma_wait3A_502] : memref<250x40xi32, #tpu.memory_space<vmem>> -> memref<1x40xi32, #tpu.memory_space<vmem>>
    %dma_wait3A_504 = tpu.memref_squeeze %dma_wait3A_503 : memref<1x40xi32, #tpu.memory_space<vmem>> -> memref<40xi32, #tpu.memory_space<vmem>>
    %dma_wait3A_505 = arith.constant 0 : i32
    %dma_wait3A_506 = arith.constant 0 : i32
    %dma_wait3A_507 = tpu.memref_slice %arg13[%dma_wait3A_505, %dma_wait3A_506] : memref<10000x128xf32, #tpu.memory_space<vmem_shared>> -> memref<10000x128xf32, #tpu.memory_space<vmem_shared>>
    tpu.wait_indirect_dma semaphore(%arg23 : memref<!tpu.dma_semaphore, #tpu.memory_space<semaphore_mem>>) src(%arg12 : memref<40x128xf32, #tpu.memory_space<vmem>>) dst(%dma_wait3A_507 : memref<10000x128xf32, #tpu.memory_space<vmem_shared>>)
    %barrier3A_508 = arith.constant 0 : index
    tpu.barrier barrier_id(%barrier3A_508)
    %eq3A_509 = arith.constant 0 : i32
    %eq3A_510 = arith.cmpi eq, %arg0, %eq3A_509 : i32
    %convert_element_type3A_511 = arith.extui %eq3A_510 : i1 to i32
    %cond3A_512 = arith.constant 0 : i32
    %cond3A_513 = arith.cmpi ne, %convert_element_type3A_511, %cond3A_512 : i32
    scf.if %cond3A_513 {
      %mul3A_519 = arith.constant 624 : i32
      %mul3A_520 = arith.muli %arg1, %mul3A_519 : i32
      %mul3A_521 = arith.constant 624 : i32
      %mul3A_522 = arith.muli %arg1, %mul3A_521 : i32
      "tpu.region"() ({
        %run_scoped3A_528 = tpu.sem_alloc : memref<!tpu.dma_semaphore, #tpu.memory_space<semaphore_mem>>
        %dma_start3A_529 = arith.constant 0 : i32
        %dma_start3A_530 = tpu.memref_slice %arg4[%mul3A_522, %dma_start3A_529] : memref<10000x128xf32, #tpu.memory_space<hbm>> -> memref<624x128xf32, #tpu.memory_space<hbm>>
        %dma_start3A_531 = arith.constant 0 : i32
        %dma_start3A_532 = tpu.memref_slice %arg13[%mul3A_520, %dma_start3A_531] : memref<10000x128xf32, #tpu.memory_space<vmem_shared>> -> memref<624x128xf32, #tpu.memory_space<vmem_shared>>
        tpu.enqueue_dma source(%dma_start3A_532 : memref<624x128xf32, #tpu.memory_space<vmem_shared>>) target(%dma_start3A_530 : memref<624x128xf32, #tpu.memory_space<hbm>>) target_semaphore(%run_scoped3A_528 : memref<!tpu.dma_semaphore, #tpu.memory_space<semaphore_mem>>)
        %dma_wait3A_533 = arith.constant 0 : i32
        %dma_wait3A_534 = tpu.memref_slice %arg4[%mul3A_522, %dma_wait3A_533] : memref<10000x128xf32, #tpu.memory_space<hbm>> -> memref<624x128xf32, #tpu.memory_space<hbm>>
        %dma_wait3A_535 = arith.constant 0 : i32
        %dma_wait3A_536 = tpu.memref_slice %arg13[%mul3A_520, %dma_wait3A_535] : memref<10000x128xf32, #tpu.memory_space<vmem_shared>> -> memref<624x128xf32, #tpu.memory_space<vmem_shared>>
        tpu.wait_dma2 semaphore(%run_scoped3A_528 : memref<!tpu.dma_semaphore, #tpu.memory_space<semaphore_mem>>) src(%dma_wait3A_536 : memref<624x128xf32, #tpu.memory_space<vmem_shared>>) dst(%dma_wait3A_534 : memref<624x128xf32, #tpu.memory_space<hbm>>)
        tpu.yield
      }) : () -> ()
      %eq3A_523 = arith.constant 15 : i32
      %eq3A_524 = arith.cmpi eq, %arg1, %eq3A_523 : i32
      %convert_element_type3A_525 = arith.extui %eq3A_524 : i1 to i32
      %cond3A_526 = arith.constant 0 : i32
      %cond3A_527 = arith.cmpi ne, %convert_element_type3A_525, %cond3A_526 : i32
      scf.if %cond3A_527 {
        "tpu.region"() ({
          %run_scoped3A_528 = tpu.sem_alloc : memref<!tpu.dma_semaphore, #tpu.memory_space<semaphore_mem>>
          %dma_start3A_529 = arith.constant 9984 : i32
          %dma_start3A_530 = arith.constant 0 : i32
          %dma_start3A_531 = tpu.memref_slice %arg4[%dma_start3A_529, %dma_start3A_530] : memref<10000x128xf32, #tpu.memory_space<hbm>> -> memref<16x128xf32, #tpu.memory_space<hbm>>
          %dma_start3A_532 = arith.constant 9984 : i32
          %dma_start3A_533 = arith.constant 0 : i32
          %dma_start3A_534 = tpu.memref_slice %arg13[%dma_start3A_532, %dma_start3A_533] : memref<10000x128xf32, #tpu.memory_space<vmem_shared>> -> memref<16x128xf32, #tpu.memory_space<vmem_shared>>
          tpu.enqueue_dma source(%dma_start3A_534 : memref<16x128xf32, #tpu.memory_space<vmem_shared>>) target(%dma_start3A_531 : memref<16x128xf32, #tpu.memory_space<hbm>>) target_semaphore(%run_scoped3A_528 : memref<!tpu.dma_semaphore, #tpu.memory_space<semaphore_mem>>)
          %dma_wait3A_535 = arith.constant 9984 : i32
          %dma_wait3A_536 = arith.constant 0 : i32
          %dma_wait3A_537 = tpu.memref_slice %arg4[%dma_wait3A_535, %dma_wait3A_536] : memref<10000x128xf32, #tpu.memory_space<hbm>> -> memref<16x128xf32, #tpu.memory_space<hbm>>
          %dma_wait3A_538 = arith.constant 9984 : i32
          %dma_wait3A_539 = arith.constant 0 : i32
          %dma_wait3A_540 = tpu.memref_slice %arg13[%dma_wait3A_538, %dma_wait3A_539] : memref<10000x128xf32, #tpu.memory_space<vmem_shared>> -> memref<16x128xf32, #tpu.memory_space<vmem_shared>>
          tpu.wait_dma2 semaphore(%run_scoped3A_528 : memref<!tpu.dma_semaphore, #tpu.memory_space<semaphore_mem>>) src(%dma_wait3A_540 : memref<16x128xf32, #tpu.memory_space<vmem_shared>>) dst(%dma_wait3A_537 : memref<16x128xf32, #tpu.memory_space<hbm>>)
          tpu.yield
        }) : () -> ()
      } else {
      }
    } else {
    }
    %eq3A_514 = arith.constant 1 : i32
    %eq3A_515 = arith.cmpi eq, %arg0, %eq3A_514 : i32
    %convert_element_type3A_516 = arith.extui %eq3A_515 : i1 to i32
    %cond3A_517 = arith.constant 0 : i32
    %cond3A_518 = arith.cmpi ne, %convert_element_type3A_516, %cond3A_517 : i32
    scf.if %cond3A_518 {
      %mul3A_519 = arith.constant 624 : i32
      %mul3A_520 = arith.muli %arg1, %mul3A_519 : i32
      %mul3A_521 = arith.constant 624 : i32
      %mul3A_522 = arith.muli %arg1, %mul3A_521 : i32
      "tpu.region"() ({
        %run_scoped3A_528 = tpu.sem_alloc : memref<!tpu.dma_semaphore, #tpu.memory_space<semaphore_mem>>
        %dma_start3A_529 = arith.constant 0 : i32
        %dma_start3A_530 = tpu.memref_slice %arg5[%mul3A_522, %dma_start3A_529] : memref<10000x128xf32, #tpu.memory_space<hbm>> -> memref<624x128xf32, #tpu.memory_space<hbm>>
        %dma_start3A_531 = arith.constant 0 : i32
        %dma_start3A_532 = tpu.memref_slice %arg13[%mul3A_520, %dma_start3A_531] : memref<10000x128xf32, #tpu.memory_space<vmem_shared>> -> memref<624x128xf32, #tpu.memory_space<vmem_shared>>
        tpu.enqueue_dma source(%dma_start3A_532 : memref<624x128xf32, #tpu.memory_space<vmem_shared>>) target(%dma_start3A_530 : memref<624x128xf32, #tpu.memory_space<hbm>>) target_semaphore(%run_scoped3A_528 : memref<!tpu.dma_semaphore, #tpu.memory_space<semaphore_mem>>)
        %dma_wait3A_533 = arith.constant 0 : i32
        %dma_wait3A_534 = tpu.memref_slice %arg5[%mul3A_522, %dma_wait3A_533] : memref<10000x128xf32, #tpu.memory_space<hbm>> -> memref<624x128xf32, #tpu.memory_space<hbm>>
        %dma_wait3A_535 = arith.constant 0 : i32
        %dma_wait3A_536 = tpu.memref_slice %arg13[%mul3A_520, %dma_wait3A_535] : memref<10000x128xf32, #tpu.memory_space<vmem_shared>> -> memref<624x128xf32, #tpu.memory_space<vmem_shared>>
        tpu.wait_dma2 semaphore(%run_scoped3A_528 : memref<!tpu.dma_semaphore, #tpu.memory_space<semaphore_mem>>) src(%dma_wait3A_536 : memref<624x128xf32, #tpu.memory_space<vmem_shared>>) dst(%dma_wait3A_534 : memref<624x128xf32, #tpu.memory_space<hbm>>)
        tpu.yield
      }) : () -> ()
      %eq3A_523 = arith.constant 15 : i32
      %eq3A_524 = arith.cmpi eq, %arg1, %eq3A_523 : i32
      %convert_element_type3A_525 = arith.extui %eq3A_524 : i1 to i32
      %cond3A_526 = arith.constant 0 : i32
      %cond3A_527 = arith.cmpi ne, %convert_element_type3A_525, %cond3A_526 : i32
      scf.if %cond3A_527 {
        "tpu.region"() ({
          %run_scoped3A_528 = tpu.sem_alloc : memref<!tpu.dma_semaphore, #tpu.memory_space<semaphore_mem>>
          %dma_start3A_529 = arith.constant 9984 : i32
          %dma_start3A_530 = arith.constant 0 : i32
          %dma_start3A_531 = tpu.memref_slice %arg5[%dma_start3A_529, %dma_start3A_530] : memref<10000x128xf32, #tpu.memory_space<hbm>> -> memref<16x128xf32, #tpu.memory_space<hbm>>
          %dma_start3A_532 = arith.constant 9984 : i32
          %dma_start3A_533 = arith.constant 0 : i32
          %dma_start3A_534 = tpu.memref_slice %arg13[%dma_start3A_532, %dma_start3A_533] : memref<10000x128xf32, #tpu.memory_space<vmem_shared>> -> memref<16x128xf32, #tpu.memory_space<vmem_shared>>
          tpu.enqueue_dma source(%dma_start3A_534 : memref<16x128xf32, #tpu.memory_space<vmem_shared>>) target(%dma_start3A_531 : memref<16x128xf32, #tpu.memory_space<hbm>>) target_semaphore(%run_scoped3A_528 : memref<!tpu.dma_semaphore, #tpu.memory_space<semaphore_mem>>)
          %dma_wait3A_535 = arith.constant 9984 : i32
          %dma_wait3A_536 = arith.constant 0 : i32
          %dma_wait3A_537 = tpu.memref_slice %arg5[%dma_wait3A_535, %dma_wait3A_536] : memref<10000x128xf32, #tpu.memory_space<hbm>> -> memref<16x128xf32, #tpu.memory_space<hbm>>
          %dma_wait3A_538 = arith.constant 9984 : i32
          %dma_wait3A_539 = arith.constant 0 : i32
          %dma_wait3A_540 = tpu.memref_slice %arg13[%dma_wait3A_538, %dma_wait3A_539] : memref<10000x128xf32, #tpu.memory_space<vmem_shared>> -> memref<16x128xf32, #tpu.memory_space<vmem_shared>>
          tpu.wait_dma2 semaphore(%run_scoped3A_528 : memref<!tpu.dma_semaphore, #tpu.memory_space<semaphore_mem>>) src(%dma_wait3A_540 : memref<16x128xf32, #tpu.memory_space<vmem_shared>>) dst(%dma_wait3A_537 : memref<16x128xf32, #tpu.memory_space<hbm>>)
          tpu.yield
        }) : () -> ()
      } else {
      }
    } else {
    }
    return
  }
}

#map = affine_map<(d0, d1) -> (0, 0, 0, 0)>
#map1 = affine_map<(d0, d1) -> (0, 0)>
module attributes {stable_mosaic.version = 14 : i64} {
  func.func @k(%arg0: i32, %arg1: i32, %arg2: memref<2x32x100x100xi32, #tpu.memory_space<hbm>>, %arg3: memref<10000x16xf32, #tpu.memory_space<hbm>>, %arg4: memref<10000x128xf32, #tpu.memory_space<hbm>>, %arg5: memref<100x100xi32, #tpu.memory_space<vmem>>, %arg6: memref<100x100xi32, #tpu.memory_space<vmem>>, %arg7: memref<100x16xf32, #tpu.memory_space<vmem>>, %arg8: memref<100x16xf32, #tpu.memory_space<vmem>>, %arg9: memref<100x16xf32, #tpu.memory_space<vmem>>, %arg10: memref<100x16xf32, #tpu.memory_space<vmem>>, %arg11: memref<100x16xf32, #tpu.memory_space<vmem>>, %arg12: memref<100x16xf32, #tpu.memory_space<vmem>>, %arg13: memref<100x16xf32, #tpu.memory_space<vmem>>, %arg14: memref<100x16xf32, #tpu.memory_space<vmem>>, %arg15: memref<100x16xf32, #tpu.memory_space<vmem>>, %arg16: memref<100x16xf32, #tpu.memory_space<vmem>>, %arg17: memref<10000x16xf32, #tpu.memory_space<vmem_shared>>, %arg18: memref<!tpu.dma_semaphore, #tpu.memory_space<semaphore_mem>>, %arg19: memref<!tpu.dma_semaphore, #tpu.memory_space<semaphore_mem>>, %arg20: memref<!tpu.dma_semaphore, #tpu.memory_space<semaphore_mem>>, %arg21: memref<!tpu.dma_semaphore, #tpu.memory_space<semaphore_mem>>, %arg22: memref<!tpu.dma_semaphore, #tpu.memory_space<semaphore_mem>>, %arg23: memref<!tpu.dma_semaphore, #tpu.memory_space<semaphore_mem>>, %arg24: memref<!tpu.dma_semaphore, #tpu.memory_space<semaphore_mem>>, %arg25: memref<!tpu.dma_semaphore, #tpu.memory_space<semaphore_mem>>, %arg26: memref<!tpu.dma_semaphore, #tpu.memory_space<semaphore_mem>>, %arg27: memref<!tpu.dma_semaphore, #tpu.memory_space<semaphore_mem>>, %arg28: memref<!tpu.dma_semaphore, #tpu.memory_space<semaphore_mem>>, %arg29: memref<!tpu.dma_semaphore, #tpu.memory_space<semaphore_mem>>, %arg30: memref<!tpu.dma_semaphore, #tpu.memory_space<semaphore_mem>>, %arg31: memref<!tpu.dma_semaphore, #tpu.memory_space<semaphore_mem>>, %arg32: memref<!tpu.dma_semaphore, #tpu.memory_space<semaphore_mem>>, %arg33: memref<!tpu.dma_semaphore, #tpu.memory_space<semaphore_mem>>, %arg34: memref<!tpu.dma_semaphore, #tpu.memory_space<semaphore_mem>>, %arg35: memref<!tpu.dma_semaphore, #tpu.memory_space<semaphore_mem>>, %arg36: memref<!tpu.dma_semaphore, #tpu.memory_space<semaphore_mem>>, %arg37: memref<!tpu.dma_semaphore, #tpu.memory_space<semaphore_mem>>) attributes {dimension_semantics = [#tpu.dimension_semantics<core_parallel>, #tpu.dimension_semantics<subcore_parallel>], iteration_bounds = array<i64: 2, 16>, scalar_prefetch = 0 : i64, scratch_operands = 33 : i64, tpu.core_type = #tpu.core_type<sc_vector_subcore>, window_params = [{transform_indices = #map}, {transform_indices = #map1}, {transform_indices = #map1}]} {
    %mul3A = arith.constant 2 : i32
    %mul3A_0 = arith.muli %arg1, %mul3A : i32
    %add3A = arith.addi %mul3A_0, %arg0 : i32
    %broadcast_in_dim3A = arith.constant 0.000000e+00 : f32
    %broadcast_in_dim3A_1 = vector.broadcast %broadcast_in_dim3A : f32 to vector<16xf32>
    %scan3A = arith.constant 0 : i32
    %scan3A_2 = arith.constant 0 : i32
    %scan3A_3 = arith.constant 100 : i32
    %scan3A_4 = arith.addi %scan3A_2, %scan3A_3 : i32
    %scan3A_5 = arith.constant 1 : i32
    scf.for %scan3A_337 = %scan3A_2 to %scan3A_4 step %scan3A_5  : i32 {
      %swap3A = arith.index_cast %scan3A_337 : i32 to index
      %swap3A_338 = arith.constant 0 : index
      %swap3A_339 = tpu.vector_load %arg7[%swap3A, %swap3A_338] {strides = array<i32>} : memref<100x16xf32, #tpu.memory_space<vmem>>, vector<1x16xf32>,
      %swap3A_340 = vector.shape_cast %swap3A_339 : vector<1x16xf32> to vector<16xf32>
      %swap3A_341 = vector.shape_cast %broadcast_in_dim3A_1 : vector<16xf32> to vector<1x16xf32>
      tpu.vector_store %arg7[%swap3A, %swap3A_338], %swap3A_341 {strides = array<i32>} : memref<100x16xf32, #tpu.memory_space<vmem>>, vector<1x16xf32>,
    }
    %scan3A_6 = arith.constant 100 : i32
    %mul3A_7 = arith.constant 624 : i32
    %mul3A_8 = arith.muli %arg1, %mul3A_7 : i32
    %add3A_9 = arith.constant 0 : i32
    %add3A_10 = arith.addi %mul3A_8, %add3A_9 : i32
    %dma_start3A = arith.constant 0 : i32
    %dma_start3A_11 = arith.constant 0 : i32
    %dma_start3A_12 = tpu.memref_slice %arg7[%dma_start3A, %dma_start3A_11] : memref<100x16xf32, #tpu.memory_space<vmem>> -> memref<100x16xf32, #tpu.memory_space<vmem>>
    %dma_start3A_13 = arith.constant 0 : i32
    %dma_start3A_14 = tpu.memref_slice %arg17[%add3A_10, %dma_start3A_13] : memref<10000x16xf32, #tpu.memory_space<vmem_shared>> -> memref<100x16xf32, #tpu.memory_space<vmem_shared>>
    %dma_start3A_15 = arith.constant 0 : i32
    %dma_start3A_16 = tpu.memref_slice %arg17[%add3A_10, %dma_start3A_15] : memref<10000x16xf32, #tpu.memory_space<vmem_shared>> -> memref<100x16xf32, #tpu.memory_space<vmem_shared>>
    %dma_start3A_17 = arith.constant 0 : i32
    %dma_start3A_18 = arith.constant 0 : i32
    %dma_start3A_19 = tpu.memref_slice %arg7[%dma_start3A_17, %dma_start3A_18] : memref<100x16xf32, #tpu.memory_space<vmem>> -> memref<100x16xf32, #tpu.memory_space<vmem>>
    tpu.enqueue_dma source(%dma_start3A_19 : memref<100x16xf32, #tpu.memory_space<vmem>>) target(%dma_start3A_16 : memref<100x16xf32, #tpu.memory_space<vmem_shared>>) target_semaphore(%arg28 : memref<!tpu.dma_semaphore, #tpu.memory_space<semaphore_mem>>)
    %mul3A_20 = arith.constant 624 : i32
    %mul3A_21 = arith.muli %arg1, %mul3A_20 : i32
    %add3A_22 = arith.constant 100 : i32
    %add3A_23 = arith.addi %mul3A_21, %add3A_22 : i32
    %dma_start3A_24 = arith.constant 0 : i32
    %dma_start3A_25 = arith.constant 0 : i32
    %dma_start3A_26 = tpu.memref_slice %arg7[%dma_start3A_24, %dma_start3A_25] : memref<100x16xf32, #tpu.memory_space<vmem>> -> memref<100x16xf32, #tpu.memory_space<vmem>>
    %dma_start3A_27 = arith.constant 0 : i32
    %dma_start3A_28 = tpu.memref_slice %arg17[%add3A_23, %dma_start3A_27] : memref<10000x16xf32, #tpu.memory_space<vmem_shared>> -> memref<100x16xf32, #tpu.memory_space<vmem_shared>>
    %dma_start3A_29 = arith.constant 0 : i32
    %dma_start3A_30 = tpu.memref_slice %arg17[%add3A_23, %dma_start3A_29] : memref<10000x16xf32, #tpu.memory_space<vmem_shared>> -> memref<100x16xf32, #tpu.memory_space<vmem_shared>>
    %dma_start3A_31 = arith.constant 0 : i32
    %dma_start3A_32 = arith.constant 0 : i32
    %dma_start3A_33 = tpu.memref_slice %arg7[%dma_start3A_31, %dma_start3A_32] : memref<100x16xf32, #tpu.memory_space<vmem>> -> memref<100x16xf32, #tpu.memory_space<vmem>>
    tpu.enqueue_dma source(%dma_start3A_33 : memref<100x16xf32, #tpu.memory_space<vmem>>) target(%dma_start3A_30 : memref<100x16xf32, #tpu.memory_space<vmem_shared>>) target_semaphore(%arg29 : memref<!tpu.dma_semaphore, #tpu.memory_space<semaphore_mem>>)
    %mul3A_34 = arith.constant 624 : i32
    %mul3A_35 = arith.muli %arg1, %mul3A_34 : i32
    %add3A_36 = arith.constant 200 : i32
    %add3A_37 = arith.addi %mul3A_35, %add3A_36 : i32
    %dma_start3A_38 = arith.constant 0 : i32
    %dma_start3A_39 = arith.constant 0 : i32
    %dma_start3A_40 = tpu.memref_slice %arg7[%dma_start3A_38, %dma_start3A_39] : memref<100x16xf32, #tpu.memory_space<vmem>> -> memref<100x16xf32, #tpu.memory_space<vmem>>
    %dma_start3A_41 = arith.constant 0 : i32
    %dma_start3A_42 = tpu.memref_slice %arg17[%add3A_37, %dma_start3A_41] : memref<10000x16xf32, #tpu.memory_space<vmem_shared>> -> memref<100x16xf32, #tpu.memory_space<vmem_shared>>
    %dma_start3A_43 = arith.constant 0 : i32
    %dma_start3A_44 = tpu.memref_slice %arg17[%add3A_37, %dma_start3A_43] : memref<10000x16xf32, #tpu.memory_space<vmem_shared>> -> memref<100x16xf32, #tpu.memory_space<vmem_shared>>
    %dma_start3A_45 = arith.constant 0 : i32
    %dma_start3A_46 = arith.constant 0 : i32
    %dma_start3A_47 = tpu.memref_slice %arg7[%dma_start3A_45, %dma_start3A_46] : memref<100x16xf32, #tpu.memory_space<vmem>> -> memref<100x16xf32, #tpu.memory_space<vmem>>
    tpu.enqueue_dma source(%dma_start3A_47 : memref<100x16xf32, #tpu.memory_space<vmem>>) target(%dma_start3A_44 : memref<100x16xf32, #tpu.memory_space<vmem_shared>>) target_semaphore(%arg30 : memref<!tpu.dma_semaphore, #tpu.memory_space<semaphore_mem>>)
    %mul3A_48 = arith.constant 624 : i32
    %mul3A_49 = arith.muli %arg1, %mul3A_48 : i32
    %add3A_50 = arith.constant 300 : i32
    %add3A_51 = arith.addi %mul3A_49, %add3A_50 : i32
    %dma_start3A_52 = arith.constant 0 : i32
    %dma_start3A_53 = arith.constant 0 : i32
    %dma_start3A_54 = tpu.memref_slice %arg7[%dma_start3A_52, %dma_start3A_53] : memref<100x16xf32, #tpu.memory_space<vmem>> -> memref<100x16xf32, #tpu.memory_space<vmem>>
    %dma_start3A_55 = arith.constant 0 : i32
    %dma_start3A_56 = tpu.memref_slice %arg17[%add3A_51, %dma_start3A_55] : memref<10000x16xf32, #tpu.memory_space<vmem_shared>> -> memref<100x16xf32, #tpu.memory_space<vmem_shared>>
    %dma_start3A_57 = arith.constant 0 : i32
    %dma_start3A_58 = tpu.memref_slice %arg17[%add3A_51, %dma_start3A_57] : memref<10000x16xf32, #tpu.memory_space<vmem_shared>> -> memref<100x16xf32, #tpu.memory_space<vmem_shared>>
    %dma_start3A_59 = arith.constant 0 : i32
    %dma_start3A_60 = arith.constant 0 : i32
    %dma_start3A_61 = tpu.memref_slice %arg7[%dma_start3A_59, %dma_start3A_60] : memref<100x16xf32, #tpu.memory_space<vmem>> -> memref<100x16xf32, #tpu.memory_space<vmem>>
    tpu.enqueue_dma source(%dma_start3A_61 : memref<100x16xf32, #tpu.memory_space<vmem>>) target(%dma_start3A_58 : memref<100x16xf32, #tpu.memory_space<vmem_shared>>) target_semaphore(%arg31 : memref<!tpu.dma_semaphore, #tpu.memory_space<semaphore_mem>>)
    %mul3A_62 = arith.constant 624 : i32
    %mul3A_63 = arith.muli %arg1, %mul3A_62 : i32
    %add3A_64 = arith.constant 400 : i32
    %add3A_65 = arith.addi %mul3A_63, %add3A_64 : i32
    %dma_start3A_66 = arith.constant 0 : i32
    %dma_start3A_67 = arith.constant 0 : i32
    %dma_start3A_68 = tpu.memref_slice %arg7[%dma_start3A_66, %dma_start3A_67] : memref<100x16xf32, #tpu.memory_space<vmem>> -> memref<100x16xf32, #tpu.memory_space<vmem>>
    %dma_start3A_69 = arith.constant 0 : i32
    %dma_start3A_70 = tpu.memref_slice %arg17[%add3A_65, %dma_start3A_69] : memref<10000x16xf32, #tpu.memory_space<vmem_shared>> -> memref<100x16xf32, #tpu.memory_space<vmem_shared>>
    %dma_start3A_71 = arith.constant 0 : i32
    %dma_start3A_72 = tpu.memref_slice %arg17[%add3A_65, %dma_start3A_71] : memref<10000x16xf32, #tpu.memory_space<vmem_shared>> -> memref<100x16xf32, #tpu.memory_space<vmem_shared>>
    %dma_start3A_73 = arith.constant 0 : i32
    %dma_start3A_74 = arith.constant 0 : i32
    %dma_start3A_75 = tpu.memref_slice %arg7[%dma_start3A_73, %dma_start3A_74] : memref<100x16xf32, #tpu.memory_space<vmem>> -> memref<100x16xf32, #tpu.memory_space<vmem>>
    tpu.enqueue_dma source(%dma_start3A_75 : memref<100x16xf32, #tpu.memory_space<vmem>>) target(%dma_start3A_72 : memref<100x16xf32, #tpu.memory_space<vmem_shared>>) target_semaphore(%arg32 : memref<!tpu.dma_semaphore, #tpu.memory_space<semaphore_mem>>)
    %mul3A_76 = arith.constant 624 : i32
    %mul3A_77 = arith.muli %arg1, %mul3A_76 : i32
    %add3A_78 = arith.constant 500 : i32
    %add3A_79 = arith.addi %mul3A_77, %add3A_78 : i32
    %dma_start3A_80 = arith.constant 0 : i32
    %dma_start3A_81 = arith.constant 0 : i32
    %dma_start3A_82 = tpu.memref_slice %arg7[%dma_start3A_80, %dma_start3A_81] : memref<100x16xf32, #tpu.memory_space<vmem>> -> memref<100x16xf32, #tpu.memory_space<vmem>>
    %dma_start3A_83 = arith.constant 0 : i32
    %dma_start3A_84 = tpu.memref_slice %arg17[%add3A_79, %dma_start3A_83] : memref<10000x16xf32, #tpu.memory_space<vmem_shared>> -> memref<100x16xf32, #tpu.memory_space<vmem_shared>>
    %dma_start3A_85 = arith.constant 0 : i32
    %dma_start3A_86 = tpu.memref_slice %arg17[%add3A_79, %dma_start3A_85] : memref<10000x16xf32, #tpu.memory_space<vmem_shared>> -> memref<100x16xf32, #tpu.memory_space<vmem_shared>>
    %dma_start3A_87 = arith.constant 0 : i32
    %dma_start3A_88 = arith.constant 0 : i32
    %dma_start3A_89 = tpu.memref_slice %arg7[%dma_start3A_87, %dma_start3A_88] : memref<100x16xf32, #tpu.memory_space<vmem>> -> memref<100x16xf32, #tpu.memory_space<vmem>>
    tpu.enqueue_dma source(%dma_start3A_89 : memref<100x16xf32, #tpu.memory_space<vmem>>) target(%dma_start3A_86 : memref<100x16xf32, #tpu.memory_space<vmem_shared>>) target_semaphore(%arg33 : memref<!tpu.dma_semaphore, #tpu.memory_space<semaphore_mem>>)
    %mul3A_90 = arith.constant 624 : i32
    %mul3A_91 = arith.muli %arg1, %mul3A_90 : i32
    %add3A_92 = arith.constant 600 : i32
    %add3A_93 = arith.addi %mul3A_91, %add3A_92 : i32
    "tpu.region"() ({
      %run_scoped3A_337 = tpu.sem_alloc : memref<!tpu.dma_semaphore, #tpu.memory_space<semaphore_mem>>
      %dma_start3A_338 = arith.constant 0 : i32
      %dma_start3A_339 = arith.constant 0 : i32
      %dma_start3A_340 = tpu.memref_slice %arg7[%dma_start3A_338, %dma_start3A_339] : memref<100x16xf32, #tpu.memory_space<vmem>> -> memref<24x16xf32, #tpu.memory_space<vmem>>
      %dma_start3A_341 = arith.constant 0 : i32
      %dma_start3A_342 = tpu.memref_slice %arg17[%add3A_93, %dma_start3A_341] : memref<10000x16xf32, #tpu.memory_space<vmem_shared>> -> memref<24x16xf32, #tpu.memory_space<vmem_shared>>
      %dma_start3A_343 = arith.constant 0 : i32
      %dma_start3A_344 = tpu.memref_slice %arg17[%add3A_93, %dma_start3A_343] : memref<10000x16xf32, #tpu.memory_space<vmem_shared>> -> memref<24x16xf32, #tpu.memory_space<vmem_shared>>
      %dma_start3A_345 = arith.constant 0 : i32
      %dma_start3A_346 = arith.constant 0 : i32
      %dma_start3A_347 = tpu.memref_slice %arg7[%dma_start3A_345, %dma_start3A_346] : memref<100x16xf32, #tpu.memory_space<vmem>> -> memref<24x16xf32, #tpu.memory_space<vmem>>
      tpu.enqueue_dma source(%dma_start3A_347 : memref<24x16xf32, #tpu.memory_space<vmem>>) target(%dma_start3A_344 : memref<24x16xf32, #tpu.memory_space<vmem_shared>>) target_semaphore(%run_scoped3A_337 : memref<!tpu.dma_semaphore, #tpu.memory_space<semaphore_mem>>)
      %dma_wait3A_348 = arith.constant 0 : i32
      %dma_wait3A_349 = arith.constant 0 : i32
      %dma_wait3A_350 = tpu.memref_slice %arg7[%dma_wait3A_348, %dma_wait3A_349] : memref<100x16xf32, #tpu.memory_space<vmem>> -> memref<24x16xf32, #tpu.memory_space<vmem>>
      %dma_wait3A_351 = arith.constant 0 : i32
      %dma_wait3A_352 = tpu.memref_slice %arg17[%add3A_93, %dma_wait3A_351] : memref<10000x16xf32, #tpu.memory_space<vmem_shared>> -> memref<24x16xf32, #tpu.memory_space<vmem_shared>>
      %dma_wait3A_353 = arith.constant 0 : i32
      %dma_wait3A_354 = tpu.memref_slice %arg17[%add3A_93, %dma_wait3A_353] : memref<10000x16xf32, #tpu.memory_space<vmem_shared>> -> memref<24x16xf32, #tpu.memory_space<vmem_shared>>
      %dma_wait3A_355 = arith.constant 0 : i32
      %dma_wait3A_356 = arith.constant 0 : i32
      %dma_wait3A_357 = tpu.memref_slice %arg7[%dma_wait3A_355, %dma_wait3A_356] : memref<100x16xf32, #tpu.memory_space<vmem>> -> memref<24x16xf32, #tpu.memory_space<vmem>>
      tpu.wait_dma2 semaphore(%run_scoped3A_337 : memref<!tpu.dma_semaphore, #tpu.memory_space<semaphore_mem>>) src(%dma_wait3A_357 : memref<24x16xf32, #tpu.memory_space<vmem>>) dst(%dma_wait3A_354 : memref<24x16xf32, #tpu.memory_space<vmem_shared>>)
      tpu.yield
    }) : () -> ()
    %eq3A = arith.constant 15 : i32
    %eq3A_94 = arith.cmpi eq, %arg1, %eq3A : i32
    %convert_element_type3A = arith.extui %eq3A_94 : i1 to i32
    %cond3A = arith.constant 0 : i32
    %cond3A_95 = arith.cmpi ne, %convert_element_type3A, %cond3A : i32
    scf.if %cond3A_95 {
      "tpu.region"() ({
        %run_scoped3A_337 = tpu.sem_alloc : memref<!tpu.dma_semaphore, #tpu.memory_space<semaphore_mem>>
        %dma_start3A_338 = arith.constant 0 : i32
        %dma_start3A_339 = arith.constant 0 : i32
        %dma_start3A_340 = tpu.memref_slice %arg7[%dma_start3A_338, %dma_start3A_339] : memref<100x16xf32, #tpu.memory_space<vmem>> -> memref<16x16xf32, #tpu.memory_space<vmem>>
        %dma_start3A_341 = arith.constant 9984 : i32
        %dma_start3A_342 = arith.constant 0 : i32
        %dma_start3A_343 = tpu.memref_slice %arg17[%dma_start3A_341, %dma_start3A_342] : memref<10000x16xf32, #tpu.memory_space<vmem_shared>> -> memref<16x16xf32, #tpu.memory_space<vmem_shared>>
        %dma_start3A_344 = arith.constant 9984 : i32
        %dma_start3A_345 = arith.constant 0 : i32
        %dma_start3A_346 = tpu.memref_slice %arg17[%dma_start3A_344, %dma_start3A_345] : memref<10000x16xf32, #tpu.memory_space<vmem_shared>> -> memref<16x16xf32, #tpu.memory_space<vmem_shared>>
        %dma_start3A_347 = arith.constant 0 : i32
        %dma_start3A_348 = arith.constant 0 : i32
        %dma_start3A_349 = tpu.memref_slice %arg7[%dma_start3A_347, %dma_start3A_348] : memref<100x16xf32, #tpu.memory_space<vmem>> -> memref<16x16xf32, #tpu.memory_space<vmem>>
        tpu.enqueue_dma source(%dma_start3A_349 : memref<16x16xf32, #tpu.memory_space<vmem>>) target(%dma_start3A_346 : memref<16x16xf32, #tpu.memory_space<vmem_shared>>) target_semaphore(%run_scoped3A_337 : memref<!tpu.dma_semaphore, #tpu.memory_space<semaphore_mem>>)
        %dma_wait3A_350 = arith.constant 0 : i32
        %dma_wait3A_351 = arith.constant 0 : i32
        %dma_wait3A_352 = tpu.memref_slice %arg7[%dma_wait3A_350, %dma_wait3A_351] : memref<100x16xf32, #tpu.memory_space<vmem>> -> memref<16x16xf32, #tpu.memory_space<vmem>>
        %dma_wait3A_353 = arith.constant 9984 : i32
        %dma_wait3A_354 = arith.constant 0 : i32
        %dma_wait3A_355 = tpu.memref_slice %arg17[%dma_wait3A_353, %dma_wait3A_354] : memref<10000x16xf32, #tpu.memory_space<vmem_shared>> -> memref<16x16xf32, #tpu.memory_space<vmem_shared>>
        %dma_wait3A_356 = arith.constant 9984 : i32
        %dma_wait3A_357 = arith.constant 0 : i32
        %dma_wait3A_358 = tpu.memref_slice %arg17[%dma_wait3A_356, %dma_wait3A_357] : memref<10000x16xf32, #tpu.memory_space<vmem_shared>> -> memref<16x16xf32, #tpu.memory_space<vmem_shared>>
        %dma_wait3A_359 = arith.constant 0 : i32
        %dma_wait3A_360 = arith.constant 0 : i32
        %dma_wait3A_361 = tpu.memref_slice %arg7[%dma_wait3A_359, %dma_wait3A_360] : memref<100x16xf32, #tpu.memory_space<vmem>> -> memref<16x16xf32, #tpu.memory_space<vmem>>
        tpu.wait_dma2 semaphore(%run_scoped3A_337 : memref<!tpu.dma_semaphore, #tpu.memory_space<semaphore_mem>>) src(%dma_wait3A_361 : memref<16x16xf32, #tpu.memory_space<vmem>>) dst(%dma_wait3A_358 : memref<16x16xf32, #tpu.memory_space<vmem_shared>>)
        tpu.yield
      }) : () -> ()
    } else {
    }
    %run_scoped3A = arith.constant 1 : i32
    "tpu.region"() ({
      %run_scoped3A_337 = tpu.sem_alloc : memref<!tpu.dma_semaphore, #tpu.memory_space<semaphore_mem>>
      %dma_start3A_338 = arith.constant 0 : i32
      %dma_start3A_339 = arith.constant 0 : i32
      %dma_start3A_340 = tpu.memref_slice %arg2[%run_scoped3A, %add3A, %dma_start3A_338, %dma_start3A_339] : memref<2x32x100x100xi32, #tpu.memory_space<hbm>> -> memref<1x1x100x100xi32, #tpu.memory_space<hbm>>
      %dma_start3A_341 = tpu.memref_squeeze %dma_start3A_340 : memref<1x1x100x100xi32, #tpu.memory_space<hbm>> -> memref<100x100xi32, #tpu.memory_space<hbm>>
      %dma_start3A_342 = arith.constant 0 : i32
      %dma_start3A_343 = arith.constant 0 : i32
      %dma_start3A_344 = tpu.memref_slice %arg2[%run_scoped3A, %add3A, %dma_start3A_342, %dma_start3A_343] : memref<2x32x100x100xi32, #tpu.memory_space<hbm>> -> memref<1x1x100x100xi32, #tpu.memory_space<hbm>>
      %dma_start3A_345 = tpu.memref_squeeze %dma_start3A_344 : memref<1x1x100x100xi32, #tpu.memory_space<hbm>> -> memref<100x100xi32, #tpu.memory_space<hbm>>
      tpu.enqueue_dma source(%dma_start3A_345 : memref<100x100xi32, #tpu.memory_space<hbm>>) target(%arg6 : memref<100x100xi32, #tpu.memory_space<vmem>>) target_semaphore(%run_scoped3A_337 : memref<!tpu.dma_semaphore, #tpu.memory_space<semaphore_mem>>)
      %dma_wait3A_346 = arith.constant 0 : i32
      %dma_wait3A_347 = arith.constant 0 : i32
      %dma_wait3A_348 = tpu.memref_slice %arg2[%run_scoped3A, %add3A, %dma_wait3A_346, %dma_wait3A_347] : memref<2x32x100x100xi32, #tpu.memory_space<hbm>> -> memref<1x1x100x100xi32, #tpu.memory_space<hbm>>
      %dma_wait3A_349 = tpu.memref_squeeze %dma_wait3A_348 : memref<1x1x100x100xi32, #tpu.memory_space<hbm>> -> memref<100x100xi32, #tpu.memory_space<hbm>>
      %dma_wait3A_350 = arith.constant 0 : i32
      %dma_wait3A_351 = arith.constant 0 : i32
      %dma_wait3A_352 = tpu.memref_slice %arg2[%run_scoped3A, %add3A, %dma_wait3A_350, %dma_wait3A_351] : memref<2x32x100x100xi32, #tpu.memory_space<hbm>> -> memref<1x1x100x100xi32, #tpu.memory_space<hbm>>
      %dma_wait3A_353 = tpu.memref_squeeze %dma_wait3A_352 : memref<1x1x100x100xi32, #tpu.memory_space<hbm>> -> memref<100x100xi32, #tpu.memory_space<hbm>>
      tpu.wait_dma2 semaphore(%run_scoped3A_337 : memref<!tpu.dma_semaphore, #tpu.memory_space<semaphore_mem>>) src(%dma_wait3A_353 : memref<100x100xi32, #tpu.memory_space<hbm>>) dst(%arg6 : memref<100x100xi32, #tpu.memory_space<vmem>>)
      tpu.yield
    }) : () -> ()
    %run_scoped3A_96 = arith.constant 0 : i32
    "tpu.region"() ({
      %run_scoped3A_337 = tpu.sem_alloc : memref<!tpu.dma_semaphore, #tpu.memory_space<semaphore_mem>>
      %dma_start3A_338 = arith.constant 0 : i32
      %dma_start3A_339 = arith.constant 0 : i32
      %dma_start3A_340 = tpu.memref_slice %arg2[%run_scoped3A_96, %add3A, %dma_start3A_338, %dma_start3A_339] : memref<2x32x100x100xi32, #tpu.memory_space<hbm>> -> memref<1x1x100x100xi32, #tpu.memory_space<hbm>>
      %dma_start3A_341 = tpu.memref_squeeze %dma_start3A_340 : memref<1x1x100x100xi32, #tpu.memory_space<hbm>> -> memref<100x100xi32, #tpu.memory_space<hbm>>
      %dma_start3A_342 = arith.constant 0 : i32
      %dma_start3A_343 = arith.constant 0 : i32
      %dma_start3A_344 = tpu.memref_slice %arg2[%run_scoped3A_96, %add3A, %dma_start3A_342, %dma_start3A_343] : memref<2x32x100x100xi32, #tpu.memory_space<hbm>> -> memref<1x1x100x100xi32, #tpu.memory_space<hbm>>
      %dma_start3A_345 = tpu.memref_squeeze %dma_start3A_344 : memref<1x1x100x100xi32, #tpu.memory_space<hbm>> -> memref<100x100xi32, #tpu.memory_space<hbm>>
      tpu.enqueue_dma source(%dma_start3A_345 : memref<100x100xi32, #tpu.memory_space<hbm>>) target(%arg5 : memref<100x100xi32, #tpu.memory_space<vmem>>) target_semaphore(%run_scoped3A_337 : memref<!tpu.dma_semaphore, #tpu.memory_space<semaphore_mem>>)
      %dma_wait3A_346 = arith.constant 0 : i32
      %dma_wait3A_347 = arith.constant 0 : i32
      %dma_wait3A_348 = tpu.memref_slice %arg2[%run_scoped3A_96, %add3A, %dma_wait3A_346, %dma_wait3A_347] : memref<2x32x100x100xi32, #tpu.memory_space<hbm>> -> memref<1x1x100x100xi32, #tpu.memory_space<hbm>>
      %dma_wait3A_349 = tpu.memref_squeeze %dma_wait3A_348 : memref<1x1x100x100xi32, #tpu.memory_space<hbm>> -> memref<100x100xi32, #tpu.memory_space<hbm>>
      %dma_wait3A_350 = arith.constant 0 : i32
      %dma_wait3A_351 = arith.constant 0 : i32
      %dma_wait3A_352 = tpu.memref_slice %arg2[%run_scoped3A_96, %add3A, %dma_wait3A_350, %dma_wait3A_351] : memref<2x32x100x100xi32, #tpu.memory_space<hbm>> -> memref<1x1x100x100xi32, #tpu.memory_space<hbm>>
      %dma_wait3A_353 = tpu.memref_squeeze %dma_wait3A_352 : memref<1x1x100x100xi32, #tpu.memory_space<hbm>> -> memref<100x100xi32, #tpu.memory_space<hbm>>
      tpu.wait_dma2 semaphore(%run_scoped3A_337 : memref<!tpu.dma_semaphore, #tpu.memory_space<semaphore_mem>>) src(%dma_wait3A_353 : memref<100x100xi32, #tpu.memory_space<hbm>>) dst(%arg5 : memref<100x100xi32, #tpu.memory_space<vmem>>)
      tpu.yield
    }) : () -> ()
    %mul3A_97 = arith.constant 624 : i32
    %mul3A_98 = arith.muli %arg1, %mul3A_97 : i32
    %add3A_99 = arith.constant 0 : i32
    %add3A_100 = arith.addi %mul3A_98, %add3A_99 : i32
    %dma_wait3A = arith.constant 0 : i32
    %dma_wait3A_101 = arith.constant 0 : i32
    %dma_wait3A_102 = tpu.memref_slice %arg7[%dma_wait3A, %dma_wait3A_101] : memref<100x16xf32, #tpu.memory_space<vmem>> -> memref<100x16xf32, #tpu.memory_space<vmem>>
    %dma_wait3A_103 = arith.constant 0 : i32
    %dma_wait3A_104 = tpu.memref_slice %arg17[%add3A_100, %dma_wait3A_103] : memref<10000x16xf32, #tpu.memory_space<vmem_shared>> -> memref<100x16xf32, #tpu.memory_space<vmem_shared>>
    %dma_wait3A_105 = arith.constant 0 : i32
    %dma_wait3A_106 = tpu.memref_slice %arg17[%add3A_100, %dma_wait3A_105] : memref<10000x16xf32, #tpu.memory_space<vmem_shared>> -> memref<100x16xf32, #tpu.memory_space<vmem_shared>>
    %dma_wait3A_107 = arith.constant 0 : i32
    %dma_wait3A_108 = arith.constant 0 : i32
    %dma_wait3A_109 = tpu.memref_slice %arg7[%dma_wait3A_107, %dma_wait3A_108] : memref<100x16xf32, #tpu.memory_space<vmem>> -> memref<100x16xf32, #tpu.memory_space<vmem>>
    tpu.wait_dma2 semaphore(%arg28 : memref<!tpu.dma_semaphore, #tpu.memory_space<semaphore_mem>>) src(%dma_wait3A_109 : memref<100x16xf32, #tpu.memory_space<vmem>>) dst(%dma_wait3A_106 : memref<100x16xf32, #tpu.memory_space<vmem_shared>>)
    %mul3A_110 = arith.constant 624 : i32
    %mul3A_111 = arith.muli %arg1, %mul3A_110 : i32
    %add3A_112 = arith.constant 100 : i32
    %add3A_113 = arith.addi %mul3A_111, %add3A_112 : i32
    %dma_wait3A_114 = arith.constant 0 : i32
    %dma_wait3A_115 = arith.constant 0 : i32
    %dma_wait3A_116 = tpu.memref_slice %arg7[%dma_wait3A_114, %dma_wait3A_115] : memref<100x16xf32, #tpu.memory_space<vmem>> -> memref<100x16xf32, #tpu.memory_space<vmem>>
    %dma_wait3A_117 = arith.constant 0 : i32
    %dma_wait3A_118 = tpu.memref_slice %arg17[%add3A_113, %dma_wait3A_117] : memref<10000x16xf32, #tpu.memory_space<vmem_shared>> -> memref<100x16xf32, #tpu.memory_space<vmem_shared>>
    %dma_wait3A_119 = arith.constant 0 : i32
    %dma_wait3A_120 = tpu.memref_slice %arg17[%add3A_113, %dma_wait3A_119] : memref<10000x16xf32, #tpu.memory_space<vmem_shared>> -> memref<100x16xf32, #tpu.memory_space<vmem_shared>>
    %dma_wait3A_121 = arith.constant 0 : i32
    %dma_wait3A_122 = arith.constant 0 : i32
    %dma_wait3A_123 = tpu.memref_slice %arg7[%dma_wait3A_121, %dma_wait3A_122] : memref<100x16xf32, #tpu.memory_space<vmem>> -> memref<100x16xf32, #tpu.memory_space<vmem>>
    tpu.wait_dma2 semaphore(%arg29 : memref<!tpu.dma_semaphore, #tpu.memory_space<semaphore_mem>>) src(%dma_wait3A_123 : memref<100x16xf32, #tpu.memory_space<vmem>>) dst(%dma_wait3A_120 : memref<100x16xf32, #tpu.memory_space<vmem_shared>>)
    %mul3A_124 = arith.constant 624 : i32
    %mul3A_125 = arith.muli %arg1, %mul3A_124 : i32
    %add3A_126 = arith.constant 200 : i32
    %add3A_127 = arith.addi %mul3A_125, %add3A_126 : i32
    %dma_wait3A_128 = arith.constant 0 : i32
    %dma_wait3A_129 = arith.constant 0 : i32
    %dma_wait3A_130 = tpu.memref_slice %arg7[%dma_wait3A_128, %dma_wait3A_129] : memref<100x16xf32, #tpu.memory_space<vmem>> -> memref<100x16xf32, #tpu.memory_space<vmem>>
    %dma_wait3A_131 = arith.constant 0 : i32
    %dma_wait3A_132 = tpu.memref_slice %arg17[%add3A_127, %dma_wait3A_131] : memref<10000x16xf32, #tpu.memory_space<vmem_shared>> -> memref<100x16xf32, #tpu.memory_space<vmem_shared>>
    %dma_wait3A_133 = arith.constant 0 : i32
    %dma_wait3A_134 = tpu.memref_slice %arg17[%add3A_127, %dma_wait3A_133] : memref<10000x16xf32, #tpu.memory_space<vmem_shared>> -> memref<100x16xf32, #tpu.memory_space<vmem_shared>>
    %dma_wait3A_135 = arith.constant 0 : i32
    %dma_wait3A_136 = arith.constant 0 : i32
    %dma_wait3A_137 = tpu.memref_slice %arg7[%dma_wait3A_135, %dma_wait3A_136] : memref<100x16xf32, #tpu.memory_space<vmem>> -> memref<100x16xf32, #tpu.memory_space<vmem>>
    tpu.wait_dma2 semaphore(%arg30 : memref<!tpu.dma_semaphore, #tpu.memory_space<semaphore_mem>>) src(%dma_wait3A_137 : memref<100x16xf32, #tpu.memory_space<vmem>>) dst(%dma_wait3A_134 : memref<100x16xf32, #tpu.memory_space<vmem_shared>>)
    %mul3A_138 = arith.constant 624 : i32
    %mul3A_139 = arith.muli %arg1, %mul3A_138 : i32
    %add3A_140 = arith.constant 300 : i32
    %add3A_141 = arith.addi %mul3A_139, %add3A_140 : i32
    %dma_wait3A_142 = arith.constant 0 : i32
    %dma_wait3A_143 = arith.constant 0 : i32
    %dma_wait3A_144 = tpu.memref_slice %arg7[%dma_wait3A_142, %dma_wait3A_143] : memref<100x16xf32, #tpu.memory_space<vmem>> -> memref<100x16xf32, #tpu.memory_space<vmem>>
    %dma_wait3A_145 = arith.constant 0 : i32
    %dma_wait3A_146 = tpu.memref_slice %arg17[%add3A_141, %dma_wait3A_145] : memref<10000x16xf32, #tpu.memory_space<vmem_shared>> -> memref<100x16xf32, #tpu.memory_space<vmem_shared>>
    %dma_wait3A_147 = arith.constant 0 : i32
    %dma_wait3A_148 = tpu.memref_slice %arg17[%add3A_141, %dma_wait3A_147] : memref<10000x16xf32, #tpu.memory_space<vmem_shared>> -> memref<100x16xf32, #tpu.memory_space<vmem_shared>>
    %dma_wait3A_149 = arith.constant 0 : i32
    %dma_wait3A_150 = arith.constant 0 : i32
    %dma_wait3A_151 = tpu.memref_slice %arg7[%dma_wait3A_149, %dma_wait3A_150] : memref<100x16xf32, #tpu.memory_space<vmem>> -> memref<100x16xf32, #tpu.memory_space<vmem>>
    tpu.wait_dma2 semaphore(%arg31 : memref<!tpu.dma_semaphore, #tpu.memory_space<semaphore_mem>>) src(%dma_wait3A_151 : memref<100x16xf32, #tpu.memory_space<vmem>>) dst(%dma_wait3A_148 : memref<100x16xf32, #tpu.memory_space<vmem_shared>>)
    %mul3A_152 = arith.constant 624 : i32
    %mul3A_153 = arith.muli %arg1, %mul3A_152 : i32
    %add3A_154 = arith.constant 400 : i32
    %add3A_155 = arith.addi %mul3A_153, %add3A_154 : i32
    %dma_wait3A_156 = arith.constant 0 : i32
    %dma_wait3A_157 = arith.constant 0 : i32
    %dma_wait3A_158 = tpu.memref_slice %arg7[%dma_wait3A_156, %dma_wait3A_157] : memref<100x16xf32, #tpu.memory_space<vmem>> -> memref<100x16xf32, #tpu.memory_space<vmem>>
    %dma_wait3A_159 = arith.constant 0 : i32
    %dma_wait3A_160 = tpu.memref_slice %arg17[%add3A_155, %dma_wait3A_159] : memref<10000x16xf32, #tpu.memory_space<vmem_shared>> -> memref<100x16xf32, #tpu.memory_space<vmem_shared>>
    %dma_wait3A_161 = arith.constant 0 : i32
    %dma_wait3A_162 = tpu.memref_slice %arg17[%add3A_155, %dma_wait3A_161] : memref<10000x16xf32, #tpu.memory_space<vmem_shared>> -> memref<100x16xf32, #tpu.memory_space<vmem_shared>>
    %dma_wait3A_163 = arith.constant 0 : i32
    %dma_wait3A_164 = arith.constant 0 : i32
    %dma_wait3A_165 = tpu.memref_slice %arg7[%dma_wait3A_163, %dma_wait3A_164] : memref<100x16xf32, #tpu.memory_space<vmem>> -> memref<100x16xf32, #tpu.memory_space<vmem>>
    tpu.wait_dma2 semaphore(%arg32 : memref<!tpu.dma_semaphore, #tpu.memory_space<semaphore_mem>>) src(%dma_wait3A_165 : memref<100x16xf32, #tpu.memory_space<vmem>>) dst(%dma_wait3A_162 : memref<100x16xf32, #tpu.memory_space<vmem_shared>>)
    %mul3A_166 = arith.constant 624 : i32
    %mul3A_167 = arith.muli %arg1, %mul3A_166 : i32
    %add3A_168 = arith.constant 500 : i32
    %add3A_169 = arith.addi %mul3A_167, %add3A_168 : i32
    %dma_wait3A_170 = arith.constant 0 : i32
    %dma_wait3A_171 = arith.constant 0 : i32
    %dma_wait3A_172 = tpu.memref_slice %arg7[%dma_wait3A_170, %dma_wait3A_171] : memref<100x16xf32, #tpu.memory_space<vmem>> -> memref<100x16xf32, #tpu.memory_space<vmem>>
    %dma_wait3A_173 = arith.constant 0 : i32
    %dma_wait3A_174 = tpu.memref_slice %arg17[%add3A_169, %dma_wait3A_173] : memref<10000x16xf32, #tpu.memory_space<vmem_shared>> -> memref<100x16xf32, #tpu.memory_space<vmem_shared>>
    %dma_wait3A_175 = arith.constant 0 : i32
    %dma_wait3A_176 = tpu.memref_slice %arg17[%add3A_169, %dma_wait3A_175] : memref<10000x16xf32, #tpu.memory_space<vmem_shared>> -> memref<100x16xf32, #tpu.memory_space<vmem_shared>>
    %dma_wait3A_177 = arith.constant 0 : i32
    %dma_wait3A_178 = arith.constant 0 : i32
    %dma_wait3A_179 = tpu.memref_slice %arg7[%dma_wait3A_177, %dma_wait3A_178] : memref<100x16xf32, #tpu.memory_space<vmem>> -> memref<100x16xf32, #tpu.memory_space<vmem>>
    tpu.wait_dma2 semaphore(%arg33 : memref<!tpu.dma_semaphore, #tpu.memory_space<semaphore_mem>>) src(%dma_wait3A_179 : memref<100x16xf32, #tpu.memory_space<vmem>>) dst(%dma_wait3A_176 : memref<100x16xf32, #tpu.memory_space<vmem_shared>>)
    %barrier3A = arith.constant 0 : index
    tpu.barrier barrier_id(%barrier3A)
    %dma_start3A_180 = arith.constant 0 : i32
    %dma_start3A_181 = arith.constant 0 : i32
    %dma_start3A_182 = tpu.memref_slice %arg5[%dma_start3A_180, %dma_start3A_181] : memref<100x100xi32, #tpu.memory_space<vmem>> -> memref<1x100xi32, #tpu.memory_space<vmem>>
    %dma_start3A_183 = tpu.memref_squeeze %dma_start3A_182 : memref<1x100xi32, #tpu.memory_space<vmem>> -> memref<100xi32, #tpu.memory_space<vmem>>
    %dma_start3A_184 = arith.constant 0 : i32
    %dma_start3A_185 = arith.constant 0 : i32
    %dma_start3A_186 = tpu.memref_slice %arg3[%dma_start3A_184, %dma_start3A_185] : memref<10000x16xf32, #tpu.memory_space<hbm>> -> memref<10000x16xf32, #tpu.memory_space<hbm>>
    tpu.enqueue_indirect_dma source(%dma_start3A_186 : memref<10000x16xf32, #tpu.memory_space<hbm>>) target(%arg7 : memref<100x16xf32, #tpu.memory_space<vmem>>) offsets(%dma_start3A_183 : memref<100xi32, #tpu.memory_space<vmem>>) semaphore(%arg18 : memref<!tpu.dma_semaphore, #tpu.memory_space<semaphore_mem>>)
    %dma_start3A_187 = arith.constant 1 : i32
    %dma_start3A_188 = arith.constant 0 : i32
    %dma_start3A_189 = tpu.memref_slice %arg5[%dma_start3A_187, %dma_start3A_188] : memref<100x100xi32, #tpu.memory_space<vmem>> -> memref<1x100xi32, #tpu.memory_space<vmem>>
    %dma_start3A_190 = tpu.memref_squeeze %dma_start3A_189 : memref<1x100xi32, #tpu.memory_space<vmem>> -> memref<100xi32, #tpu.memory_space<vmem>>
    %dma_start3A_191 = arith.constant 0 : i32
    %dma_start3A_192 = arith.constant 0 : i32
    %dma_start3A_193 = tpu.memref_slice %arg3[%dma_start3A_191, %dma_start3A_192] : memref<10000x16xf32, #tpu.memory_space<hbm>> -> memref<10000x16xf32, #tpu.memory_space<hbm>>
    tpu.enqueue_indirect_dma source(%dma_start3A_193 : memref<10000x16xf32, #tpu.memory_space<hbm>>) target(%arg8 : memref<100x16xf32, #tpu.memory_space<vmem>>) offsets(%dma_start3A_190 : memref<100xi32, #tpu.memory_space<vmem>>) semaphore(%arg19 : memref<!tpu.dma_semaphore, #tpu.memory_space<semaphore_mem>>)
    %dma_start3A_194 = arith.constant 2 : i32
    %dma_start3A_195 = arith.constant 0 : i32
    %dma_start3A_196 = tpu.memref_slice %arg5[%dma_start3A_194, %dma_start3A_195] : memref<100x100xi32, #tpu.memory_space<vmem>> -> memref<1x100xi32, #tpu.memory_space<vmem>>
    %dma_start3A_197 = tpu.memref_squeeze %dma_start3A_196 : memref<1x100xi32, #tpu.memory_space<vmem>> -> memref<100xi32, #tpu.memory_space<vmem>>
    %dma_start3A_198 = arith.constant 0 : i32
    %dma_start3A_199 = arith.constant 0 : i32
    %dma_start3A_200 = tpu.memref_slice %arg3[%dma_start3A_198, %dma_start3A_199] : memref<10000x16xf32, #tpu.memory_space<hbm>> -> memref<10000x16xf32, #tpu.memory_space<hbm>>
    tpu.enqueue_indirect_dma source(%dma_start3A_200 : memref<10000x16xf32, #tpu.memory_space<hbm>>) target(%arg9 : memref<100x16xf32, #tpu.memory_space<vmem>>) offsets(%dma_start3A_197 : memref<100xi32, #tpu.memory_space<vmem>>) semaphore(%arg20 : memref<!tpu.dma_semaphore, #tpu.memory_space<semaphore_mem>>)
    %dma_start3A_201 = arith.constant 3 : i32
    %dma_start3A_202 = arith.constant 0 : i32
    %dma_start3A_203 = tpu.memref_slice %arg5[%dma_start3A_201, %dma_start3A_202] : memref<100x100xi32, #tpu.memory_space<vmem>> -> memref<1x100xi32, #tpu.memory_space<vmem>>
    %dma_start3A_204 = tpu.memref_squeeze %dma_start3A_203 : memref<1x100xi32, #tpu.memory_space<vmem>> -> memref<100xi32, #tpu.memory_space<vmem>>
    %dma_start3A_205 = arith.constant 0 : i32
    %dma_start3A_206 = arith.constant 0 : i32
    %dma_start3A_207 = tpu.memref_slice %arg3[%dma_start3A_205, %dma_start3A_206] : memref<10000x16xf32, #tpu.memory_space<hbm>> -> memref<10000x16xf32, #tpu.memory_space<hbm>>
    tpu.enqueue_indirect_dma source(%dma_start3A_207 : memref<10000x16xf32, #tpu.memory_space<hbm>>) target(%arg10 : memref<100x16xf32, #tpu.memory_space<vmem>>) offsets(%dma_start3A_204 : memref<100xi32, #tpu.memory_space<vmem>>) semaphore(%arg21 : memref<!tpu.dma_semaphore, #tpu.memory_space<semaphore_mem>>)
    %dma_start3A_208 = arith.constant 4 : i32
    %dma_start3A_209 = arith.constant 0 : i32
    %dma_start3A_210 = tpu.memref_slice %arg5[%dma_start3A_208, %dma_start3A_209] : memref<100x100xi32, #tpu.memory_space<vmem>> -> memref<1x100xi32, #tpu.memory_space<vmem>>
    %dma_start3A_211 = tpu.memref_squeeze %dma_start3A_210 : memref<1x100xi32, #tpu.memory_space<vmem>> -> memref<100xi32, #tpu.memory_space<vmem>>
    %dma_start3A_212 = arith.constant 0 : i32
    %dma_start3A_213 = arith.constant 0 : i32
    %dma_start3A_214 = tpu.memref_slice %arg3[%dma_start3A_212, %dma_start3A_213] : memref<10000x16xf32, #tpu.memory_space<hbm>> -> memref<10000x16xf32, #tpu.memory_space<hbm>>
    tpu.enqueue_indirect_dma source(%dma_start3A_214 : memref<10000x16xf32, #tpu.memory_space<hbm>>) target(%arg11 : memref<100x16xf32, #tpu.memory_space<vmem>>) offsets(%dma_start3A_211 : memref<100xi32, #tpu.memory_space<vmem>>) semaphore(%arg22 : memref<!tpu.dma_semaphore, #tpu.memory_space<semaphore_mem>>)
    %dma_start3A_215 = arith.constant 5 : i32
    %dma_start3A_216 = arith.constant 0 : i32
    %dma_start3A_217 = tpu.memref_slice %arg5[%dma_start3A_215, %dma_start3A_216] : memref<100x100xi32, #tpu.memory_space<vmem>> -> memref<1x100xi32, #tpu.memory_space<vmem>>
    %dma_start3A_218 = tpu.memref_squeeze %dma_start3A_217 : memref<1x100xi32, #tpu.memory_space<vmem>> -> memref<100xi32, #tpu.memory_space<vmem>>
    %dma_start3A_219 = arith.constant 0 : i32
    %dma_start3A_220 = arith.constant 0 : i32
    %dma_start3A_221 = tpu.memref_slice %arg3[%dma_start3A_219, %dma_start3A_220] : memref<10000x16xf32, #tpu.memory_space<hbm>> -> memref<10000x16xf32, #tpu.memory_space<hbm>>
    tpu.enqueue_indirect_dma source(%dma_start3A_221 : memref<10000x16xf32, #tpu.memory_space<hbm>>) target(%arg12 : memref<100x16xf32, #tpu.memory_space<vmem>>) offsets(%dma_start3A_218 : memref<100xi32, #tpu.memory_space<vmem>>) semaphore(%arg23 : memref<!tpu.dma_semaphore, #tpu.memory_space<semaphore_mem>>)
    %dma_start3A_222 = arith.constant 6 : i32
    %dma_start3A_223 = arith.constant 0 : i32
    %dma_start3A_224 = tpu.memref_slice %arg5[%dma_start3A_222, %dma_start3A_223] : memref<100x100xi32, #tpu.memory_space<vmem>> -> memref<1x100xi32, #tpu.memory_space<vmem>>
    %dma_start3A_225 = tpu.memref_squeeze %dma_start3A_224 : memref<1x100xi32, #tpu.memory_space<vmem>> -> memref<100xi32, #tpu.memory_space<vmem>>
    %dma_start3A_226 = arith.constant 0 : i32
    %dma_start3A_227 = arith.constant 0 : i32
    %dma_start3A_228 = tpu.memref_slice %arg3[%dma_start3A_226, %dma_start3A_227] : memref<10000x16xf32, #tpu.memory_space<hbm>> -> memref<10000x16xf32, #tpu.memory_space<hbm>>
    tpu.enqueue_indirect_dma source(%dma_start3A_228 : memref<10000x16xf32, #tpu.memory_space<hbm>>) target(%arg13 : memref<100x16xf32, #tpu.memory_space<vmem>>) offsets(%dma_start3A_225 : memref<100xi32, #tpu.memory_space<vmem>>) semaphore(%arg24 : memref<!tpu.dma_semaphore, #tpu.memory_space<semaphore_mem>>)
    %dma_start3A_229 = arith.constant 7 : i32
    %dma_start3A_230 = arith.constant 0 : i32
    %dma_start3A_231 = tpu.memref_slice %arg5[%dma_start3A_229, %dma_start3A_230] : memref<100x100xi32, #tpu.memory_space<vmem>> -> memref<1x100xi32, #tpu.memory_space<vmem>>
    %dma_start3A_232 = tpu.memref_squeeze %dma_start3A_231 : memref<1x100xi32, #tpu.memory_space<vmem>> -> memref<100xi32, #tpu.memory_space<vmem>>
    %dma_start3A_233 = arith.constant 0 : i32
    %dma_start3A_234 = arith.constant 0 : i32
    %dma_start3A_235 = tpu.memref_slice %arg3[%dma_start3A_233, %dma_start3A_234] : memref<10000x16xf32, #tpu.memory_space<hbm>> -> memref<10000x16xf32, #tpu.memory_space<hbm>>
    tpu.enqueue_indirect_dma source(%dma_start3A_235 : memref<10000x16xf32, #tpu.memory_space<hbm>>) target(%arg14 : memref<100x16xf32, #tpu.memory_space<vmem>>) offsets(%dma_start3A_232 : memref<100xi32, #tpu.memory_space<vmem>>) semaphore(%arg25 : memref<!tpu.dma_semaphore, #tpu.memory_space<semaphore_mem>>)
    %dma_start3A_236 = arith.constant 8 : i32
    %dma_start3A_237 = arith.constant 0 : i32
    %dma_start3A_238 = tpu.memref_slice %arg5[%dma_start3A_236, %dma_start3A_237] : memref<100x100xi32, #tpu.memory_space<vmem>> -> memref<1x100xi32, #tpu.memory_space<vmem>>
    %dma_start3A_239 = tpu.memref_squeeze %dma_start3A_238 : memref<1x100xi32, #tpu.memory_space<vmem>> -> memref<100xi32, #tpu.memory_space<vmem>>
    %dma_start3A_240 = arith.constant 0 : i32
    %dma_start3A_241 = arith.constant 0 : i32
    %dma_start3A_242 = tpu.memref_slice %arg3[%dma_start3A_240, %dma_start3A_241] : memref<10000x16xf32, #tpu.memory_space<hbm>> -> memref<10000x16xf32, #tpu.memory_space<hbm>>
    tpu.enqueue_indirect_dma source(%dma_start3A_242 : memref<10000x16xf32, #tpu.memory_space<hbm>>) target(%arg15 : memref<100x16xf32, #tpu.memory_space<vmem>>) offsets(%dma_start3A_239 : memref<100xi32, #tpu.memory_space<vmem>>) semaphore(%arg26 : memref<!tpu.dma_semaphore, #tpu.memory_space<semaphore_mem>>)
    %dma_start3A_243 = arith.constant 9 : i32
    %dma_start3A_244 = arith.constant 0 : i32
    %dma_start3A_245 = tpu.memref_slice %arg5[%dma_start3A_243, %dma_start3A_244] : memref<100x100xi32, #tpu.memory_space<vmem>> -> memref<1x100xi32, #tpu.memory_space<vmem>>
    %dma_start3A_246 = tpu.memref_squeeze %dma_start3A_245 : memref<1x100xi32, #tpu.memory_space<vmem>> -> memref<100xi32, #tpu.memory_space<vmem>>
    %dma_start3A_247 = arith.constant 0 : i32
    %dma_start3A_248 = arith.constant 0 : i32
    %dma_start3A_249 = tpu.memref_slice %arg3[%dma_start3A_247, %dma_start3A_248] : memref<10000x16xf32, #tpu.memory_space<hbm>> -> memref<10000x16xf32, #tpu.memory_space<hbm>>
    tpu.enqueue_indirect_dma source(%dma_start3A_249 : memref<10000x16xf32, #tpu.memory_space<hbm>>) target(%arg16 : memref<100x16xf32, #tpu.memory_space<vmem>>) offsets(%dma_start3A_246 : memref<100xi32, #tpu.memory_space<vmem>>) semaphore(%arg27 : memref<!tpu.dma_semaphore, #tpu.memory_space<semaphore_mem>>)
    %scan3A_250 = arith.constant 0 : i32
    %scan3A_251 = arith.constant 0 : i32
    %scan3A_252 = arith.constant 10 : i32
    %scan3A_253 = arith.addi %scan3A_251, %scan3A_252 : i32
    %scan3A_254 = arith.constant 1 : i32
    scf.for %scan3A_337 = %scan3A_251 to %scan3A_253 step %scan3A_254  : i32 {
      %mul3A_338 = arith.constant 10 : i32
      %mul3A_339 = arith.muli %scan3A_337, %mul3A_338 : i32
      %add3A_340 = arith.constant 0 : i32
      %add3A_341 = arith.addi %mul3A_339, %add3A_340 : i32
      %dma_wait3A_342 = arith.constant 0 : i32
      %dma_wait3A_343 = tpu.memref_slice %arg5[%add3A_341, %dma_wait3A_342] : memref<100x100xi32, #tpu.memory_space<vmem>> -> memref<1x100xi32, #tpu.memory_space<vmem>>
      %dma_wait3A_344 = tpu.memref_squeeze %dma_wait3A_343 : memref<1x100xi32, #tpu.memory_space<vmem>> -> memref<100xi32, #tpu.memory_space<vmem>>
      %dma_wait3A_345 = arith.constant 0 : i32
      %dma_wait3A_346 = arith.constant 0 : i32
      %dma_wait3A_347 = tpu.memref_slice %arg3[%dma_wait3A_345, %dma_wait3A_346] : memref<10000x16xf32, #tpu.memory_space<hbm>> -> memref<10000x16xf32, #tpu.memory_space<hbm>>
      tpu.wait_indirect_dma semaphore(%arg18 : memref<!tpu.dma_semaphore, #tpu.memory_space<semaphore_mem>>) src(%dma_wait3A_347 : memref<10000x16xf32, #tpu.memory_space<hbm>>) dst(%arg7 : memref<100x16xf32, #tpu.memory_space<vmem>>)
      %dma_start3A_348 = arith.constant 0 : i32
      %dma_start3A_349 = tpu.memref_slice %arg6[%add3A_341, %dma_start3A_348] : memref<100x100xi32, #tpu.memory_space<vmem>> -> memref<1x100xi32, #tpu.memory_space<vmem>>
      %dma_start3A_350 = tpu.memref_squeeze %dma_start3A_349 : memref<1x100xi32, #tpu.memory_space<vmem>> -> memref<100xi32, #tpu.memory_space<vmem>>
      %dma_start3A_351 = arith.constant 0 : i32
      %dma_start3A_352 = arith.constant 0 : i32
      %dma_start3A_353 = tpu.memref_slice %arg17[%dma_start3A_351, %dma_start3A_352] : memref<10000x16xf32, #tpu.memory_space<vmem_shared>> -> memref<10000x16xf32, #tpu.memory_space<vmem_shared>>
      tpu.enqueue_indirect_dma source(%arg7 : memref<100x16xf32, #tpu.memory_space<vmem>>) target(%dma_start3A_353 : memref<10000x16xf32, #tpu.memory_space<vmem_shared>>) offsets(%dma_start3A_350 : memref<100xi32, #tpu.memory_space<vmem>>) semaphore(%arg28 : memref<!tpu.dma_semaphore, #tpu.memory_space<semaphore_mem>>) {add = true}
      %add3A_354 = arith.constant 10 : i32
      %add3A_355 = arith.addi %add3A_341, %add3A_354 : i32
      %lt3A = arith.constant 100 : i32
      %lt3A_356 = arith.cmpi slt, %add3A_355, %lt3A : i32
      %convert_element_type3A_357 = arith.extui %lt3A_356 : i1 to i32
      %cond3A_358 = arith.constant 0 : i32
      %cond3A_359 = arith.cmpi ne, %convert_element_type3A_357, %cond3A_358 : i32
      scf.if %cond3A_359 {
        %dma_wait3A_567 = arith.constant 0 : i32
        %dma_wait3A_568 = tpu.memref_slice %arg6[%add3A_341, %dma_wait3A_567] : memref<100x100xi32, #tpu.memory_space<vmem>> -> memref<1x100xi32, #tpu.memory_space<vmem>>
        %dma_wait3A_569 = tpu.memref_squeeze %dma_wait3A_568 : memref<1x100xi32, #tpu.memory_space<vmem>> -> memref<100xi32, #tpu.memory_space<vmem>>
        %dma_wait3A_570 = arith.constant 0 : i32
        %dma_wait3A_571 = arith.constant 0 : i32
        %dma_wait3A_572 = tpu.memref_slice %arg17[%dma_wait3A_570, %dma_wait3A_571] : memref<10000x16xf32, #tpu.memory_space<vmem_shared>> -> memref<10000x16xf32, #tpu.memory_space<vmem_shared>>
        tpu.wait_indirect_dma semaphore(%arg28 : memref<!tpu.dma_semaphore, #tpu.memory_space<semaphore_mem>>) src(%arg7 : memref<100x16xf32, #tpu.memory_space<vmem>>) dst(%dma_wait3A_572 : memref<10000x16xf32, #tpu.memory_space<vmem_shared>>)
        %add3A_573 = arith.constant 10 : i32
        %add3A_574 = arith.addi %add3A_341, %add3A_573 : i32
        %dma_start3A_575 = arith.constant 0 : i32
        %dma_start3A_576 = tpu.memref_slice %arg5[%add3A_574, %dma_start3A_575] : memref<100x100xi32, #tpu.memory_space<vmem>> -> memref<1x100xi32, #tpu.memory_space<vmem>>
        %dma_start3A_577 = tpu.memref_squeeze %dma_start3A_576 : memref<1x100xi32, #tpu.memory_space<vmem>> -> memref<100xi32, #tpu.memory_space<vmem>>
        %dma_start3A_578 = arith.constant 0 : i32
        %dma_start3A_579 = arith.constant 0 : i32
        %dma_start3A_580 = tpu.memref_slice %arg3[%dma_start3A_578, %dma_start3A_579] : memref<10000x16xf32, #tpu.memory_space<hbm>> -> memref<10000x16xf32, #tpu.memory_space<hbm>>
        tpu.enqueue_indirect_dma source(%dma_start3A_580 : memref<10000x16xf32, #tpu.memory_space<hbm>>) target(%arg7 : memref<100x16xf32, #tpu.memory_space<vmem>>) offsets(%dma_start3A_577 : memref<100xi32, #tpu.memory_space<vmem>>) semaphore(%arg18 : memref<!tpu.dma_semaphore, #tpu.memory_space<semaphore_mem>>)
      } else {
      }
      %mul3A_360 = arith.constant 10 : i32
      %mul3A_361 = arith.muli %scan3A_337, %mul3A_360 : i32
      %add3A_362 = arith.constant 1 : i32
      %add3A_363 = arith.addi %mul3A_361, %add3A_362 : i32
      %dma_wait3A_364 = arith.constant 0 : i32
      %dma_wait3A_365 = tpu.memref_slice %arg5[%add3A_363, %dma_wait3A_364] : memref<100x100xi32, #tpu.memory_space<vmem>> -> memref<1x100xi32, #tpu.memory_space<vmem>>
      %dma_wait3A_366 = tpu.memref_squeeze %dma_wait3A_365 : memref<1x100xi32, #tpu.memory_space<vmem>> -> memref<100xi32, #tpu.memory_space<vmem>>
      %dma_wait3A_367 = arith.constant 0 : i32
      %dma_wait3A_368 = arith.constant 0 : i32
      %dma_wait3A_369 = tpu.memref_slice %arg3[%dma_wait3A_367, %dma_wait3A_368] : memref<10000x16xf32, #tpu.memory_space<hbm>> -> memref<10000x16xf32, #tpu.memory_space<hbm>>
      tpu.wait_indirect_dma semaphore(%arg19 : memref<!tpu.dma_semaphore, #tpu.memory_space<semaphore_mem>>) src(%dma_wait3A_369 : memref<10000x16xf32, #tpu.memory_space<hbm>>) dst(%arg8 : memref<100x16xf32, #tpu.memory_space<vmem>>)
      %dma_start3A_370 = arith.constant 0 : i32
      %dma_start3A_371 = tpu.memref_slice %arg6[%add3A_363, %dma_start3A_370] : memref<100x100xi32, #tpu.memory_space<vmem>> -> memref<1x100xi32, #tpu.memory_space<vmem>>
      %dma_start3A_372 = tpu.memref_squeeze %dma_start3A_371 : memref<1x100xi32, #tpu.memory_space<vmem>> -> memref<100xi32, #tpu.memory_space<vmem>>
      %dma_start3A_373 = arith.constant 0 : i32
      %dma_start3A_374 = arith.constant 0 : i32
      %dma_start3A_375 = tpu.memref_slice %arg17[%dma_start3A_373, %dma_start3A_374] : memref<10000x16xf32, #tpu.memory_space<vmem_shared>> -> memref<10000x16xf32, #tpu.memory_space<vmem_shared>>
      tpu.enqueue_indirect_dma source(%arg8 : memref<100x16xf32, #tpu.memory_space<vmem>>) target(%dma_start3A_375 : memref<10000x16xf32, #tpu.memory_space<vmem_shared>>) offsets(%dma_start3A_372 : memref<100xi32, #tpu.memory_space<vmem>>) semaphore(%arg29 : memref<!tpu.dma_semaphore, #tpu.memory_space<semaphore_mem>>) {add = true}
      %add3A_376 = arith.constant 10 : i32
      %add3A_377 = arith.addi %add3A_363, %add3A_376 : i32
      %lt3A_378 = arith.constant 100 : i32
      %lt3A_379 = arith.cmpi slt, %add3A_377, %lt3A_378 : i32
      %convert_element_type3A_380 = arith.extui %lt3A_379 : i1 to i32
      %cond3A_381 = arith.constant 0 : i32
      %cond3A_382 = arith.cmpi ne, %convert_element_type3A_380, %cond3A_381 : i32
      scf.if %cond3A_382 {
        %dma_wait3A_567 = arith.constant 0 : i32
        %dma_wait3A_568 = tpu.memref_slice %arg6[%add3A_363, %dma_wait3A_567] : memref<100x100xi32, #tpu.memory_space<vmem>> -> memref<1x100xi32, #tpu.memory_space<vmem>>
        %dma_wait3A_569 = tpu.memref_squeeze %dma_wait3A_568 : memref<1x100xi32, #tpu.memory_space<vmem>> -> memref<100xi32, #tpu.memory_space<vmem>>
        %dma_wait3A_570 = arith.constant 0 : i32
        %dma_wait3A_571 = arith.constant 0 : i32
        %dma_wait3A_572 = tpu.memref_slice %arg17[%dma_wait3A_570, %dma_wait3A_571] : memref<10000x16xf32, #tpu.memory_space<vmem_shared>> -> memref<10000x16xf32, #tpu.memory_space<vmem_shared>>
        tpu.wait_indirect_dma semaphore(%arg29 : memref<!tpu.dma_semaphore, #tpu.memory_space<semaphore_mem>>) src(%arg8 : memref<100x16xf32, #tpu.memory_space<vmem>>) dst(%dma_wait3A_572 : memref<10000x16xf32, #tpu.memory_space<vmem_shared>>)
        %add3A_573 = arith.constant 10 : i32
        %add3A_574 = arith.addi %add3A_363, %add3A_573 : i32
        %dma_start3A_575 = arith.constant 0 : i32
        %dma_start3A_576 = tpu.memref_slice %arg5[%add3A_574, %dma_start3A_575] : memref<100x100xi32, #tpu.memory_space<vmem>> -> memref<1x100xi32, #tpu.memory_space<vmem>>
        %dma_start3A_577 = tpu.memref_squeeze %dma_start3A_576 : memref<1x100xi32, #tpu.memory_space<vmem>> -> memref<100xi32, #tpu.memory_space<vmem>>
        %dma_start3A_578 = arith.constant 0 : i32
        %dma_start3A_579 = arith.constant 0 : i32
        %dma_start3A_580 = tpu.memref_slice %arg3[%dma_start3A_578, %dma_start3A_579] : memref<10000x16xf32, #tpu.memory_space<hbm>> -> memref<10000x16xf32, #tpu.memory_space<hbm>>
        tpu.enqueue_indirect_dma source(%dma_start3A_580 : memref<10000x16xf32, #tpu.memory_space<hbm>>) target(%arg8 : memref<100x16xf32, #tpu.memory_space<vmem>>) offsets(%dma_start3A_577 : memref<100xi32, #tpu.memory_space<vmem>>) semaphore(%arg19 : memref<!tpu.dma_semaphore, #tpu.memory_space<semaphore_mem>>)
      } else {
      }
      %mul3A_383 = arith.constant 10 : i32
      %mul3A_384 = arith.muli %scan3A_337, %mul3A_383 : i32
      %add3A_385 = arith.constant 2 : i32
      %add3A_386 = arith.addi %mul3A_384, %add3A_385 : i32
      %dma_wait3A_387 = arith.constant 0 : i32
      %dma_wait3A_388 = tpu.memref_slice %arg5[%add3A_386, %dma_wait3A_387] : memref<100x100xi32, #tpu.memory_space<vmem>> -> memref<1x100xi32, #tpu.memory_space<vmem>>
      %dma_wait3A_389 = tpu.memref_squeeze %dma_wait3A_388 : memref<1x100xi32, #tpu.memory_space<vmem>> -> memref<100xi32, #tpu.memory_space<vmem>>
      %dma_wait3A_390 = arith.constant 0 : i32
      %dma_wait3A_391 = arith.constant 0 : i32
      %dma_wait3A_392 = tpu.memref_slice %arg3[%dma_wait3A_390, %dma_wait3A_391] : memref<10000x16xf32, #tpu.memory_space<hbm>> -> memref<10000x16xf32, #tpu.memory_space<hbm>>
      tpu.wait_indirect_dma semaphore(%arg20 : memref<!tpu.dma_semaphore, #tpu.memory_space<semaphore_mem>>) src(%dma_wait3A_392 : memref<10000x16xf32, #tpu.memory_space<hbm>>) dst(%arg9 : memref<100x16xf32, #tpu.memory_space<vmem>>)
      %dma_start3A_393 = arith.constant 0 : i32
      %dma_start3A_394 = tpu.memref_slice %arg6[%add3A_386, %dma_start3A_393] : memref<100x100xi32, #tpu.memory_space<vmem>> -> memref<1x100xi32, #tpu.memory_space<vmem>>
      %dma_start3A_395 = tpu.memref_squeeze %dma_start3A_394 : memref<1x100xi32, #tpu.memory_space<vmem>> -> memref<100xi32, #tpu.memory_space<vmem>>
      %dma_start3A_396 = arith.constant 0 : i32
      %dma_start3A_397 = arith.constant 0 : i32
      %dma_start3A_398 = tpu.memref_slice %arg17[%dma_start3A_396, %dma_start3A_397] : memref<10000x16xf32, #tpu.memory_space<vmem_shared>> -> memref<10000x16xf32, #tpu.memory_space<vmem_shared>>
      tpu.enqueue_indirect_dma source(%arg9 : memref<100x16xf32, #tpu.memory_space<vmem>>) target(%dma_start3A_398 : memref<10000x16xf32, #tpu.memory_space<vmem_shared>>) offsets(%dma_start3A_395 : memref<100xi32, #tpu.memory_space<vmem>>) semaphore(%arg30 : memref<!tpu.dma_semaphore, #tpu.memory_space<semaphore_mem>>) {add = true}
      %add3A_399 = arith.constant 10 : i32
      %add3A_400 = arith.addi %add3A_386, %add3A_399 : i32
      %lt3A_401 = arith.constant 100 : i32
      %lt3A_402 = arith.cmpi slt, %add3A_400, %lt3A_401 : i32
      %convert_element_type3A_403 = arith.extui %lt3A_402 : i1 to i32
      %cond3A_404 = arith.constant 0 : i32
      %cond3A_405 = arith.cmpi ne, %convert_element_type3A_403, %cond3A_404 : i32
      scf.if %cond3A_405 {
        %dma_wait3A_567 = arith.constant 0 : i32
        %dma_wait3A_568 = tpu.memref_slice %arg6[%add3A_386, %dma_wait3A_567] : memref<100x100xi32, #tpu.memory_space<vmem>> -> memref<1x100xi32, #tpu.memory_space<vmem>>
        %dma_wait3A_569 = tpu.memref_squeeze %dma_wait3A_568 : memref<1x100xi32, #tpu.memory_space<vmem>> -> memref<100xi32, #tpu.memory_space<vmem>>
        %dma_wait3A_570 = arith.constant 0 : i32
        %dma_wait3A_571 = arith.constant 0 : i32
        %dma_wait3A_572 = tpu.memref_slice %arg17[%dma_wait3A_570, %dma_wait3A_571] : memref<10000x16xf32, #tpu.memory_space<vmem_shared>> -> memref<10000x16xf32, #tpu.memory_space<vmem_shared>>
        tpu.wait_indirect_dma semaphore(%arg30 : memref<!tpu.dma_semaphore, #tpu.memory_space<semaphore_mem>>) src(%arg9 : memref<100x16xf32, #tpu.memory_space<vmem>>) dst(%dma_wait3A_572 : memref<10000x16xf32, #tpu.memory_space<vmem_shared>>)
        %add3A_573 = arith.constant 10 : i32
        %add3A_574 = arith.addi %add3A_386, %add3A_573 : i32
        %dma_start3A_575 = arith.constant 0 : i32
        %dma_start3A_576 = tpu.memref_slice %arg5[%add3A_574, %dma_start3A_575] : memref<100x100xi32, #tpu.memory_space<vmem>> -> memref<1x100xi32, #tpu.memory_space<vmem>>
        %dma_start3A_577 = tpu.memref_squeeze %dma_start3A_576 : memref<1x100xi32, #tpu.memory_space<vmem>> -> memref<100xi32, #tpu.memory_space<vmem>>
        %dma_start3A_578 = arith.constant 0 : i32
        %dma_start3A_579 = arith.constant 0 : i32
        %dma_start3A_580 = tpu.memref_slice %arg3[%dma_start3A_578, %dma_start3A_579] : memref<10000x16xf32, #tpu.memory_space<hbm>> -> memref<10000x16xf32, #tpu.memory_space<hbm>>
        tpu.enqueue_indirect_dma source(%dma_start3A_580 : memref<10000x16xf32, #tpu.memory_space<hbm>>) target(%arg9 : memref<100x16xf32, #tpu.memory_space<vmem>>) offsets(%dma_start3A_577 : memref<100xi32, #tpu.memory_space<vmem>>) semaphore(%arg20 : memref<!tpu.dma_semaphore, #tpu.memory_space<semaphore_mem>>)
      } else {
      }
      %mul3A_406 = arith.constant 10 : i32
      %mul3A_407 = arith.muli %scan3A_337, %mul3A_406 : i32
      %add3A_408 = arith.constant 3 : i32
      %add3A_409 = arith.addi %mul3A_407, %add3A_408 : i32
      %dma_wait3A_410 = arith.constant 0 : i32
      %dma_wait3A_411 = tpu.memref_slice %arg5[%add3A_409, %dma_wait3A_410] : memref<100x100xi32, #tpu.memory_space<vmem>> -> memref<1x100xi32, #tpu.memory_space<vmem>>
      %dma_wait3A_412 = tpu.memref_squeeze %dma_wait3A_411 : memref<1x100xi32, #tpu.memory_space<vmem>> -> memref<100xi32, #tpu.memory_space<vmem>>
      %dma_wait3A_413 = arith.constant 0 : i32
      %dma_wait3A_414 = arith.constant 0 : i32
      %dma_wait3A_415 = tpu.memref_slice %arg3[%dma_wait3A_413, %dma_wait3A_414] : memref<10000x16xf32, #tpu.memory_space<hbm>> -> memref<10000x16xf32, #tpu.memory_space<hbm>>
      tpu.wait_indirect_dma semaphore(%arg21 : memref<!tpu.dma_semaphore, #tpu.memory_space<semaphore_mem>>) src(%dma_wait3A_415 : memref<10000x16xf32, #tpu.memory_space<hbm>>) dst(%arg10 : memref<100x16xf32, #tpu.memory_space<vmem>>)
      %dma_start3A_416 = arith.constant 0 : i32
      %dma_start3A_417 = tpu.memref_slice %arg6[%add3A_409, %dma_start3A_416] : memref<100x100xi32, #tpu.memory_space<vmem>> -> memref<1x100xi32, #tpu.memory_space<vmem>>
      %dma_start3A_418 = tpu.memref_squeeze %dma_start3A_417 : memref<1x100xi32, #tpu.memory_space<vmem>> -> memref<100xi32, #tpu.memory_space<vmem>>
      %dma_start3A_419 = arith.constant 0 : i32
      %dma_start3A_420 = arith.constant 0 : i32
      %dma_start3A_421 = tpu.memref_slice %arg17[%dma_start3A_419, %dma_start3A_420] : memref<10000x16xf32, #tpu.memory_space<vmem_shared>> -> memref<10000x16xf32, #tpu.memory_space<vmem_shared>>
      tpu.enqueue_indirect_dma source(%arg10 : memref<100x16xf32, #tpu.memory_space<vmem>>) target(%dma_start3A_421 : memref<10000x16xf32, #tpu.memory_space<vmem_shared>>) offsets(%dma_start3A_418 : memref<100xi32, #tpu.memory_space<vmem>>) semaphore(%arg31 : memref<!tpu.dma_semaphore, #tpu.memory_space<semaphore_mem>>) {add = true}
      %add3A_422 = arith.constant 10 : i32
      %add3A_423 = arith.addi %add3A_409, %add3A_422 : i32
      %lt3A_424 = arith.constant 100 : i32
      %lt3A_425 = arith.cmpi slt, %add3A_423, %lt3A_424 : i32
      %convert_element_type3A_426 = arith.extui %lt3A_425 : i1 to i32
      %cond3A_427 = arith.constant 0 : i32
      %cond3A_428 = arith.cmpi ne, %convert_element_type3A_426, %cond3A_427 : i32
      scf.if %cond3A_428 {
        %dma_wait3A_567 = arith.constant 0 : i32
        %dma_wait3A_568 = tpu.memref_slice %arg6[%add3A_409, %dma_wait3A_567] : memref<100x100xi32, #tpu.memory_space<vmem>> -> memref<1x100xi32, #tpu.memory_space<vmem>>
        %dma_wait3A_569 = tpu.memref_squeeze %dma_wait3A_568 : memref<1x100xi32, #tpu.memory_space<vmem>> -> memref<100xi32, #tpu.memory_space<vmem>>
        %dma_wait3A_570 = arith.constant 0 : i32
        %dma_wait3A_571 = arith.constant 0 : i32
        %dma_wait3A_572 = tpu.memref_slice %arg17[%dma_wait3A_570, %dma_wait3A_571] : memref<10000x16xf32, #tpu.memory_space<vmem_shared>> -> memref<10000x16xf32, #tpu.memory_space<vmem_shared>>
        tpu.wait_indirect_dma semaphore(%arg31 : memref<!tpu.dma_semaphore, #tpu.memory_space<semaphore_mem>>) src(%arg10 : memref<100x16xf32, #tpu.memory_space<vmem>>) dst(%dma_wait3A_572 : memref<10000x16xf32, #tpu.memory_space<vmem_shared>>)
        %add3A_573 = arith.constant 10 : i32
        %add3A_574 = arith.addi %add3A_409, %add3A_573 : i32
        %dma_start3A_575 = arith.constant 0 : i32
        %dma_start3A_576 = tpu.memref_slice %arg5[%add3A_574, %dma_start3A_575] : memref<100x100xi32, #tpu.memory_space<vmem>> -> memref<1x100xi32, #tpu.memory_space<vmem>>
        %dma_start3A_577 = tpu.memref_squeeze %dma_start3A_576 : memref<1x100xi32, #tpu.memory_space<vmem>> -> memref<100xi32, #tpu.memory_space<vmem>>
        %dma_start3A_578 = arith.constant 0 : i32
        %dma_start3A_579 = arith.constant 0 : i32
        %dma_start3A_580 = tpu.memref_slice %arg3[%dma_start3A_578, %dma_start3A_579] : memref<10000x16xf32, #tpu.memory_space<hbm>> -> memref<10000x16xf32, #tpu.memory_space<hbm>>
        tpu.enqueue_indirect_dma source(%dma_start3A_580 : memref<10000x16xf32, #tpu.memory_space<hbm>>) target(%arg10 : memref<100x16xf32, #tpu.memory_space<vmem>>) offsets(%dma_start3A_577 : memref<100xi32, #tpu.memory_space<vmem>>) semaphore(%arg21 : memref<!tpu.dma_semaphore, #tpu.memory_space<semaphore_mem>>)
      } else {
      }
      %mul3A_429 = arith.constant 10 : i32
      %mul3A_430 = arith.muli %scan3A_337, %mul3A_429 : i32
      %add3A_431 = arith.constant 4 : i32
      %add3A_432 = arith.addi %mul3A_430, %add3A_431 : i32
      %dma_wait3A_433 = arith.constant 0 : i32
      %dma_wait3A_434 = tpu.memref_slice %arg5[%add3A_432, %dma_wait3A_433] : memref<100x100xi32, #tpu.memory_space<vmem>> -> memref<1x100xi32, #tpu.memory_space<vmem>>
      %dma_wait3A_435 = tpu.memref_squeeze %dma_wait3A_434 : memref<1x100xi32, #tpu.memory_space<vmem>> -> memref<100xi32, #tpu.memory_space<vmem>>
      %dma_wait3A_436 = arith.constant 0 : i32
      %dma_wait3A_437 = arith.constant 0 : i32
      %dma_wait3A_438 = tpu.memref_slice %arg3[%dma_wait3A_436, %dma_wait3A_437] : memref<10000x16xf32, #tpu.memory_space<hbm>> -> memref<10000x16xf32, #tpu.memory_space<hbm>>
      tpu.wait_indirect_dma semaphore(%arg22 : memref<!tpu.dma_semaphore, #tpu.memory_space<semaphore_mem>>) src(%dma_wait3A_438 : memref<10000x16xf32, #tpu.memory_space<hbm>>) dst(%arg11 : memref<100x16xf32, #tpu.memory_space<vmem>>)
      %dma_start3A_439 = arith.constant 0 : i32
      %dma_start3A_440 = tpu.memref_slice %arg6[%add3A_432, %dma_start3A_439] : memref<100x100xi32, #tpu.memory_space<vmem>> -> memref<1x100xi32, #tpu.memory_space<vmem>>
      %dma_start3A_441 = tpu.memref_squeeze %dma_start3A_440 : memref<1x100xi32, #tpu.memory_space<vmem>> -> memref<100xi32, #tpu.memory_space<vmem>>
      %dma_start3A_442 = arith.constant 0 : i32
      %dma_start3A_443 = arith.constant 0 : i32
      %dma_start3A_444 = tpu.memref_slice %arg17[%dma_start3A_442, %dma_start3A_443] : memref<10000x16xf32, #tpu.memory_space<vmem_shared>> -> memref<10000x16xf32, #tpu.memory_space<vmem_shared>>
      tpu.enqueue_indirect_dma source(%arg11 : memref<100x16xf32, #tpu.memory_space<vmem>>) target(%dma_start3A_444 : memref<10000x16xf32, #tpu.memory_space<vmem_shared>>) offsets(%dma_start3A_441 : memref<100xi32, #tpu.memory_space<vmem>>) semaphore(%arg32 : memref<!tpu.dma_semaphore, #tpu.memory_space<semaphore_mem>>) {add = true}
      %add3A_445 = arith.constant 10 : i32
      %add3A_446 = arith.addi %add3A_432, %add3A_445 : i32
      %lt3A_447 = arith.constant 100 : i32
      %lt3A_448 = arith.cmpi slt, %add3A_446, %lt3A_447 : i32
      %convert_element_type3A_449 = arith.extui %lt3A_448 : i1 to i32
      %cond3A_450 = arith.constant 0 : i32
      %cond3A_451 = arith.cmpi ne, %convert_element_type3A_449, %cond3A_450 : i32
      scf.if %cond3A_451 {
        %dma_wait3A_567 = arith.constant 0 : i32
        %dma_wait3A_568 = tpu.memref_slice %arg6[%add3A_432, %dma_wait3A_567] : memref<100x100xi32, #tpu.memory_space<vmem>> -> memref<1x100xi32, #tpu.memory_space<vmem>>
        %dma_wait3A_569 = tpu.memref_squeeze %dma_wait3A_568 : memref<1x100xi32, #tpu.memory_space<vmem>> -> memref<100xi32, #tpu.memory_space<vmem>>
        %dma_wait3A_570 = arith.constant 0 : i32
        %dma_wait3A_571 = arith.constant 0 : i32
        %dma_wait3A_572 = tpu.memref_slice %arg17[%dma_wait3A_570, %dma_wait3A_571] : memref<10000x16xf32, #tpu.memory_space<vmem_shared>> -> memref<10000x16xf32, #tpu.memory_space<vmem_shared>>
        tpu.wait_indirect_dma semaphore(%arg32 : memref<!tpu.dma_semaphore, #tpu.memory_space<semaphore_mem>>) src(%arg11 : memref<100x16xf32, #tpu.memory_space<vmem>>) dst(%dma_wait3A_572 : memref<10000x16xf32, #tpu.memory_space<vmem_shared>>)
        %add3A_573 = arith.constant 10 : i32
        %add3A_574 = arith.addi %add3A_432, %add3A_573 : i32
        %dma_start3A_575 = arith.constant 0 : i32
        %dma_start3A_576 = tpu.memref_slice %arg5[%add3A_574, %dma_start3A_575] : memref<100x100xi32, #tpu.memory_space<vmem>> -> memref<1x100xi32, #tpu.memory_space<vmem>>
        %dma_start3A_577 = tpu.memref_squeeze %dma_start3A_576 : memref<1x100xi32, #tpu.memory_space<vmem>> -> memref<100xi32, #tpu.memory_space<vmem>>
        %dma_start3A_578 = arith.constant 0 : i32
        %dma_start3A_579 = arith.constant 0 : i32
        %dma_start3A_580 = tpu.memref_slice %arg3[%dma_start3A_578, %dma_start3A_579] : memref<10000x16xf32, #tpu.memory_space<hbm>> -> memref<10000x16xf32, #tpu.memory_space<hbm>>
        tpu.enqueue_indirect_dma source(%dma_start3A_580 : memref<10000x16xf32, #tpu.memory_space<hbm>>) target(%arg11 : memref<100x16xf32, #tpu.memory_space<vmem>>) offsets(%dma_start3A_577 : memref<100xi32, #tpu.memory_space<vmem>>) semaphore(%arg22 : memref<!tpu.dma_semaphore, #tpu.memory_space<semaphore_mem>>)
      } else {
      }
      %mul3A_452 = arith.constant 10 : i32
      %mul3A_453 = arith.muli %scan3A_337, %mul3A_452 : i32
      %add3A_454 = arith.constant 5 : i32
      %add3A_455 = arith.addi %mul3A_453, %add3A_454 : i32
      %dma_wait3A_456 = arith.constant 0 : i32
      %dma_wait3A_457 = tpu.memref_slice %arg5[%add3A_455, %dma_wait3A_456] : memref<100x100xi32, #tpu.memory_space<vmem>> -> memref<1x100xi32, #tpu.memory_space<vmem>>
      %dma_wait3A_458 = tpu.memref_squeeze %dma_wait3A_457 : memref<1x100xi32, #tpu.memory_space<vmem>> -> memref<100xi32, #tpu.memory_space<vmem>>
      %dma_wait3A_459 = arith.constant 0 : i32
      %dma_wait3A_460 = arith.constant 0 : i32
      %dma_wait3A_461 = tpu.memref_slice %arg3[%dma_wait3A_459, %dma_wait3A_460] : memref<10000x16xf32, #tpu.memory_space<hbm>> -> memref<10000x16xf32, #tpu.memory_space<hbm>>
      tpu.wait_indirect_dma semaphore(%arg23 : memref<!tpu.dma_semaphore, #tpu.memory_space<semaphore_mem>>) src(%dma_wait3A_461 : memref<10000x16xf32, #tpu.memory_space<hbm>>) dst(%arg12 : memref<100x16xf32, #tpu.memory_space<vmem>>)
      %dma_start3A_462 = arith.constant 0 : i32
      %dma_start3A_463 = tpu.memref_slice %arg6[%add3A_455, %dma_start3A_462] : memref<100x100xi32, #tpu.memory_space<vmem>> -> memref<1x100xi32, #tpu.memory_space<vmem>>
      %dma_start3A_464 = tpu.memref_squeeze %dma_start3A_463 : memref<1x100xi32, #tpu.memory_space<vmem>> -> memref<100xi32, #tpu.memory_space<vmem>>
      %dma_start3A_465 = arith.constant 0 : i32
      %dma_start3A_466 = arith.constant 0 : i32
      %dma_start3A_467 = tpu.memref_slice %arg17[%dma_start3A_465, %dma_start3A_466] : memref<10000x16xf32, #tpu.memory_space<vmem_shared>> -> memref<10000x16xf32, #tpu.memory_space<vmem_shared>>
      tpu.enqueue_indirect_dma source(%arg12 : memref<100x16xf32, #tpu.memory_space<vmem>>) target(%dma_start3A_467 : memref<10000x16xf32, #tpu.memory_space<vmem_shared>>) offsets(%dma_start3A_464 : memref<100xi32, #tpu.memory_space<vmem>>) semaphore(%arg33 : memref<!tpu.dma_semaphore, #tpu.memory_space<semaphore_mem>>) {add = true}
      %add3A_468 = arith.constant 10 : i32
      %add3A_469 = arith.addi %add3A_455, %add3A_468 : i32
      %lt3A_470 = arith.constant 100 : i32
      %lt3A_471 = arith.cmpi slt, %add3A_469, %lt3A_470 : i32
      %convert_element_type3A_472 = arith.extui %lt3A_471 : i1 to i32
      %cond3A_473 = arith.constant 0 : i32
      %cond3A_474 = arith.cmpi ne, %convert_element_type3A_472, %cond3A_473 : i32
      scf.if %cond3A_474 {
        %dma_wait3A_567 = arith.constant 0 : i32
        %dma_wait3A_568 = tpu.memref_slice %arg6[%add3A_455, %dma_wait3A_567] : memref<100x100xi32, #tpu.memory_space<vmem>> -> memref<1x100xi32, #tpu.memory_space<vmem>>
        %dma_wait3A_569 = tpu.memref_squeeze %dma_wait3A_568 : memref<1x100xi32, #tpu.memory_space<vmem>> -> memref<100xi32, #tpu.memory_space<vmem>>
        %dma_wait3A_570 = arith.constant 0 : i32
        %dma_wait3A_571 = arith.constant 0 : i32
        %dma_wait3A_572 = tpu.memref_slice %arg17[%dma_wait3A_570, %dma_wait3A_571] : memref<10000x16xf32, #tpu.memory_space<vmem_shared>> -> memref<10000x16xf32, #tpu.memory_space<vmem_shared>>
        tpu.wait_indirect_dma semaphore(%arg33 : memref<!tpu.dma_semaphore, #tpu.memory_space<semaphore_mem>>) src(%arg12 : memref<100x16xf32, #tpu.memory_space<vmem>>) dst(%dma_wait3A_572 : memref<10000x16xf32, #tpu.memory_space<vmem_shared>>)
        %add3A_573 = arith.constant 10 : i32
        %add3A_574 = arith.addi %add3A_455, %add3A_573 : i32
        %dma_start3A_575 = arith.constant 0 : i32
        %dma_start3A_576 = tpu.memref_slice %arg5[%add3A_574, %dma_start3A_575] : memref<100x100xi32, #tpu.memory_space<vmem>> -> memref<1x100xi32, #tpu.memory_space<vmem>>
        %dma_start3A_577 = tpu.memref_squeeze %dma_start3A_576 : memref<1x100xi32, #tpu.memory_space<vmem>> -> memref<100xi32, #tpu.memory_space<vmem>>
        %dma_start3A_578 = arith.constant 0 : i32
        %dma_start3A_579 = arith.constant 0 : i32
        %dma_start3A_580 = tpu.memref_slice %arg3[%dma_start3A_578, %dma_start3A_579] : memref<10000x16xf32, #tpu.memory_space<hbm>> -> memref<10000x16xf32, #tpu.memory_space<hbm>>
        tpu.enqueue_indirect_dma source(%dma_start3A_580 : memref<10000x16xf32, #tpu.memory_space<hbm>>) target(%arg12 : memref<100x16xf32, #tpu.memory_space<vmem>>) offsets(%dma_start3A_577 : memref<100xi32, #tpu.memory_space<vmem>>) semaphore(%arg23 : memref<!tpu.dma_semaphore, #tpu.memory_space<semaphore_mem>>)
      } else {
      }
      %mul3A_475 = arith.constant 10 : i32
      %mul3A_476 = arith.muli %scan3A_337, %mul3A_475 : i32
      %add3A_477 = arith.constant 6 : i32
      %add3A_478 = arith.addi %mul3A_476, %add3A_477 : i32
      %dma_wait3A_479 = arith.constant 0 : i32
      %dma_wait3A_480 = tpu.memref_slice %arg5[%add3A_478, %dma_wait3A_479] : memref<100x100xi32, #tpu.memory_space<vmem>> -> memref<1x100xi32, #tpu.memory_space<vmem>>
      %dma_wait3A_481 = tpu.memref_squeeze %dma_wait3A_480 : memref<1x100xi32, #tpu.memory_space<vmem>> -> memref<100xi32, #tpu.memory_space<vmem>>
      %dma_wait3A_482 = arith.constant 0 : i32
      %dma_wait3A_483 = arith.constant 0 : i32
      %dma_wait3A_484 = tpu.memref_slice %arg3[%dma_wait3A_482, %dma_wait3A_483] : memref<10000x16xf32, #tpu.memory_space<hbm>> -> memref<10000x16xf32, #tpu.memory_space<hbm>>
      tpu.wait_indirect_dma semaphore(%arg24 : memref<!tpu.dma_semaphore, #tpu.memory_space<semaphore_mem>>) src(%dma_wait3A_484 : memref<10000x16xf32, #tpu.memory_space<hbm>>) dst(%arg13 : memref<100x16xf32, #tpu.memory_space<vmem>>)
      %dma_start3A_485 = arith.constant 0 : i32
      %dma_start3A_486 = tpu.memref_slice %arg6[%add3A_478, %dma_start3A_485] : memref<100x100xi32, #tpu.memory_space<vmem>> -> memref<1x100xi32, #tpu.memory_space<vmem>>
      %dma_start3A_487 = tpu.memref_squeeze %dma_start3A_486 : memref<1x100xi32, #tpu.memory_space<vmem>> -> memref<100xi32, #tpu.memory_space<vmem>>
      %dma_start3A_488 = arith.constant 0 : i32
      %dma_start3A_489 = arith.constant 0 : i32
      %dma_start3A_490 = tpu.memref_slice %arg17[%dma_start3A_488, %dma_start3A_489] : memref<10000x16xf32, #tpu.memory_space<vmem_shared>> -> memref<10000x16xf32, #tpu.memory_space<vmem_shared>>
      tpu.enqueue_indirect_dma source(%arg13 : memref<100x16xf32, #tpu.memory_space<vmem>>) target(%dma_start3A_490 : memref<10000x16xf32, #tpu.memory_space<vmem_shared>>) offsets(%dma_start3A_487 : memref<100xi32, #tpu.memory_space<vmem>>) semaphore(%arg34 : memref<!tpu.dma_semaphore, #tpu.memory_space<semaphore_mem>>) {add = true}
      %add3A_491 = arith.constant 10 : i32
      %add3A_492 = arith.addi %add3A_478, %add3A_491 : i32
      %lt3A_493 = arith.constant 100 : i32
      %lt3A_494 = arith.cmpi slt, %add3A_492, %lt3A_493 : i32
      %convert_element_type3A_495 = arith.extui %lt3A_494 : i1 to i32
      %cond3A_496 = arith.constant 0 : i32
      %cond3A_497 = arith.cmpi ne, %convert_element_type3A_495, %cond3A_496 : i32
      scf.if %cond3A_497 {
        %dma_wait3A_567 = arith.constant 0 : i32
        %dma_wait3A_568 = tpu.memref_slice %arg6[%add3A_478, %dma_wait3A_567] : memref<100x100xi32, #tpu.memory_space<vmem>> -> memref<1x100xi32, #tpu.memory_space<vmem>>
        %dma_wait3A_569 = tpu.memref_squeeze %dma_wait3A_568 : memref<1x100xi32, #tpu.memory_space<vmem>> -> memref<100xi32, #tpu.memory_space<vmem>>
        %dma_wait3A_570 = arith.constant 0 : i32
        %dma_wait3A_571 = arith.constant 0 : i32
        %dma_wait3A_572 = tpu.memref_slice %arg17[%dma_wait3A_570, %dma_wait3A_571] : memref<10000x16xf32, #tpu.memory_space<vmem_shared>> -> memref<10000x16xf32, #tpu.memory_space<vmem_shared>>
        tpu.wait_indirect_dma semaphore(%arg34 : memref<!tpu.dma_semaphore, #tpu.memory_space<semaphore_mem>>) src(%arg13 : memref<100x16xf32, #tpu.memory_space<vmem>>) dst(%dma_wait3A_572 : memref<10000x16xf32, #tpu.memory_space<vmem_shared>>)
        %add3A_573 = arith.constant 10 : i32
        %add3A_574 = arith.addi %add3A_478, %add3A_573 : i32
        %dma_start3A_575 = arith.constant 0 : i32
        %dma_start3A_576 = tpu.memref_slice %arg5[%add3A_574, %dma_start3A_575] : memref<100x100xi32, #tpu.memory_space<vmem>> -> memref<1x100xi32, #tpu.memory_space<vmem>>
        %dma_start3A_577 = tpu.memref_squeeze %dma_start3A_576 : memref<1x100xi32, #tpu.memory_space<vmem>> -> memref<100xi32, #tpu.memory_space<vmem>>
        %dma_start3A_578 = arith.constant 0 : i32
        %dma_start3A_579 = arith.constant 0 : i32
        %dma_start3A_580 = tpu.memref_slice %arg3[%dma_start3A_578, %dma_start3A_579] : memref<10000x16xf32, #tpu.memory_space<hbm>> -> memref<10000x16xf32, #tpu.memory_space<hbm>>
        tpu.enqueue_indirect_dma source(%dma_start3A_580 : memref<10000x16xf32, #tpu.memory_space<hbm>>) target(%arg13 : memref<100x16xf32, #tpu.memory_space<vmem>>) offsets(%dma_start3A_577 : memref<100xi32, #tpu.memory_space<vmem>>) semaphore(%arg24 : memref<!tpu.dma_semaphore, #tpu.memory_space<semaphore_mem>>)
      } else {
      }
      %mul3A_498 = arith.constant 10 : i32
      %mul3A_499 = arith.muli %scan3A_337, %mul3A_498 : i32
      %add3A_500 = arith.constant 7 : i32
      %add3A_501 = arith.addi %mul3A_499, %add3A_500 : i32
      %dma_wait3A_502 = arith.constant 0 : i32
      %dma_wait3A_503 = tpu.memref_slice %arg5[%add3A_501, %dma_wait3A_502] : memref<100x100xi32, #tpu.memory_space<vmem>> -> memref<1x100xi32, #tpu.memory_space<vmem>>
      %dma_wait3A_504 = tpu.memref_squeeze %dma_wait3A_503 : memref<1x100xi32, #tpu.memory_space<vmem>> -> memref<100xi32, #tpu.memory_space<vmem>>
      %dma_wait3A_505 = arith.constant 0 : i32
      %dma_wait3A_506 = arith.constant 0 : i32
      %dma_wait3A_507 = tpu.memref_slice %arg3[%dma_wait3A_505, %dma_wait3A_506] : memref<10000x16xf32, #tpu.memory_space<hbm>> -> memref<10000x16xf32, #tpu.memory_space<hbm>>
      tpu.wait_indirect_dma semaphore(%arg25 : memref<!tpu.dma_semaphore, #tpu.memory_space<semaphore_mem>>) src(%dma_wait3A_507 : memref<10000x16xf32, #tpu.memory_space<hbm>>) dst(%arg14 : memref<100x16xf32, #tpu.memory_space<vmem>>)
      %dma_start3A_508 = arith.constant 0 : i32
      %dma_start3A_509 = tpu.memref_slice %arg6[%add3A_501, %dma_start3A_508] : memref<100x100xi32, #tpu.memory_space<vmem>> -> memref<1x100xi32, #tpu.memory_space<vmem>>
      %dma_start3A_510 = tpu.memref_squeeze %dma_start3A_509 : memref<1x100xi32, #tpu.memory_space<vmem>> -> memref<100xi32, #tpu.memory_space<vmem>>
      %dma_start3A_511 = arith.constant 0 : i32
      %dma_start3A_512 = arith.constant 0 : i32
      %dma_start3A_513 = tpu.memref_slice %arg17[%dma_start3A_511, %dma_start3A_512] : memref<10000x16xf32, #tpu.memory_space<vmem_shared>> -> memref<10000x16xf32, #tpu.memory_space<vmem_shared>>
      tpu.enqueue_indirect_dma source(%arg14 : memref<100x16xf32, #tpu.memory_space<vmem>>) target(%dma_start3A_513 : memref<10000x16xf32, #tpu.memory_space<vmem_shared>>) offsets(%dma_start3A_510 : memref<100xi32, #tpu.memory_space<vmem>>) semaphore(%arg35 : memref<!tpu.dma_semaphore, #tpu.memory_space<semaphore_mem>>) {add = true}
      %add3A_514 = arith.constant 10 : i32
      %add3A_515 = arith.addi %add3A_501, %add3A_514 : i32
      %lt3A_516 = arith.constant 100 : i32
      %lt3A_517 = arith.cmpi slt, %add3A_515, %lt3A_516 : i32
      %convert_element_type3A_518 = arith.extui %lt3A_517 : i1 to i32
      %cond3A_519 = arith.constant 0 : i32
      %cond3A_520 = arith.cmpi ne, %convert_element_type3A_518, %cond3A_519 : i32
      scf.if %cond3A_520 {
        %dma_wait3A_567 = arith.constant 0 : i32
        %dma_wait3A_568 = tpu.memref_slice %arg6[%add3A_501, %dma_wait3A_567] : memref<100x100xi32, #tpu.memory_space<vmem>> -> memref<1x100xi32, #tpu.memory_space<vmem>>
        %dma_wait3A_569 = tpu.memref_squeeze %dma_wait3A_568 : memref<1x100xi32, #tpu.memory_space<vmem>> -> memref<100xi32, #tpu.memory_space<vmem>>
        %dma_wait3A_570 = arith.constant 0 : i32
        %dma_wait3A_571 = arith.constant 0 : i32
        %dma_wait3A_572 = tpu.memref_slice %arg17[%dma_wait3A_570, %dma_wait3A_571] : memref<10000x16xf32, #tpu.memory_space<vmem_shared>> -> memref<10000x16xf32, #tpu.memory_space<vmem_shared>>
        tpu.wait_indirect_dma semaphore(%arg35 : memref<!tpu.dma_semaphore, #tpu.memory_space<semaphore_mem>>) src(%arg14 : memref<100x16xf32, #tpu.memory_space<vmem>>) dst(%dma_wait3A_572 : memref<10000x16xf32, #tpu.memory_space<vmem_shared>>)
        %add3A_573 = arith.constant 10 : i32
        %add3A_574 = arith.addi %add3A_501, %add3A_573 : i32
        %dma_start3A_575 = arith.constant 0 : i32
        %dma_start3A_576 = tpu.memref_slice %arg5[%add3A_574, %dma_start3A_575] : memref<100x100xi32, #tpu.memory_space<vmem>> -> memref<1x100xi32, #tpu.memory_space<vmem>>
        %dma_start3A_577 = tpu.memref_squeeze %dma_start3A_576 : memref<1x100xi32, #tpu.memory_space<vmem>> -> memref<100xi32, #tpu.memory_space<vmem>>
        %dma_start3A_578 = arith.constant 0 : i32
        %dma_start3A_579 = arith.constant 0 : i32
        %dma_start3A_580 = tpu.memref_slice %arg3[%dma_start3A_578, %dma_start3A_579] : memref<10000x16xf32, #tpu.memory_space<hbm>> -> memref<10000x16xf32, #tpu.memory_space<hbm>>
        tpu.enqueue_indirect_dma source(%dma_start3A_580 : memref<10000x16xf32, #tpu.memory_space<hbm>>) target(%arg14 : memref<100x16xf32, #tpu.memory_space<vmem>>) offsets(%dma_start3A_577 : memref<100xi32, #tpu.memory_space<vmem>>) semaphore(%arg25 : memref<!tpu.dma_semaphore, #tpu.memory_space<semaphore_mem>>)
      } else {
      }
      %mul3A_521 = arith.constant 10 : i32
      %mul3A_522 = arith.muli %scan3A_337, %mul3A_521 : i32
      %add3A_523 = arith.constant 8 : i32
      %add3A_524 = arith.addi %mul3A_522, %add3A_523 : i32
      %dma_wait3A_525 = arith.constant 0 : i32
      %dma_wait3A_526 = tpu.memref_slice %arg5[%add3A_524, %dma_wait3A_525] : memref<100x100xi32, #tpu.memory_space<vmem>> -> memref<1x100xi32, #tpu.memory_space<vmem>>
      %dma_wait3A_527 = tpu.memref_squeeze %dma_wait3A_526 : memref<1x100xi32, #tpu.memory_space<vmem>> -> memref<100xi32, #tpu.memory_space<vmem>>
      %dma_wait3A_528 = arith.constant 0 : i32
      %dma_wait3A_529 = arith.constant 0 : i32
      %dma_wait3A_530 = tpu.memref_slice %arg3[%dma_wait3A_528, %dma_wait3A_529] : memref<10000x16xf32, #tpu.memory_space<hbm>> -> memref<10000x16xf32, #tpu.memory_space<hbm>>
      tpu.wait_indirect_dma semaphore(%arg26 : memref<!tpu.dma_semaphore, #tpu.memory_space<semaphore_mem>>) src(%dma_wait3A_530 : memref<10000x16xf32, #tpu.memory_space<hbm>>) dst(%arg15 : memref<100x16xf32, #tpu.memory_space<vmem>>)
      %dma_start3A_531 = arith.constant 0 : i32
      %dma_start3A_532 = tpu.memref_slice %arg6[%add3A_524, %dma_start3A_531] : memref<100x100xi32, #tpu.memory_space<vmem>> -> memref<1x100xi32, #tpu.memory_space<vmem>>
      %dma_start3A_533 = tpu.memref_squeeze %dma_start3A_532 : memref<1x100xi32, #tpu.memory_space<vmem>> -> memref<100xi32, #tpu.memory_space<vmem>>
      %dma_start3A_534 = arith.constant 0 : i32
      %dma_start3A_535 = arith.constant 0 : i32
      %dma_start3A_536 = tpu.memref_slice %arg17[%dma_start3A_534, %dma_start3A_535] : memref<10000x16xf32, #tpu.memory_space<vmem_shared>> -> memref<10000x16xf32, #tpu.memory_space<vmem_shared>>
      tpu.enqueue_indirect_dma source(%arg15 : memref<100x16xf32, #tpu.memory_space<vmem>>) target(%dma_start3A_536 : memref<10000x16xf32, #tpu.memory_space<vmem_shared>>) offsets(%dma_start3A_533 : memref<100xi32, #tpu.memory_space<vmem>>) semaphore(%arg36 : memref<!tpu.dma_semaphore, #tpu.memory_space<semaphore_mem>>) {add = true}
      %add3A_537 = arith.constant 10 : i32
      %add3A_538 = arith.addi %add3A_524, %add3A_537 : i32
      %lt3A_539 = arith.constant 100 : i32
      %lt3A_540 = arith.cmpi slt, %add3A_538, %lt3A_539 : i32
      %convert_element_type3A_541 = arith.extui %lt3A_540 : i1 to i32
      %cond3A_542 = arith.constant 0 : i32
      %cond3A_543 = arith.cmpi ne, %convert_element_type3A_541, %cond3A_542 : i32
      scf.if %cond3A_543 {
        %dma_wait3A_567 = arith.constant 0 : i32
        %dma_wait3A_568 = tpu.memref_slice %arg6[%add3A_524, %dma_wait3A_567] : memref<100x100xi32, #tpu.memory_space<vmem>> -> memref<1x100xi32, #tpu.memory_space<vmem>>
        %dma_wait3A_569 = tpu.memref_squeeze %dma_wait3A_568 : memref<1x100xi32, #tpu.memory_space<vmem>> -> memref<100xi32, #tpu.memory_space<vmem>>
        %dma_wait3A_570 = arith.constant 0 : i32
        %dma_wait3A_571 = arith.constant 0 : i32
        %dma_wait3A_572 = tpu.memref_slice %arg17[%dma_wait3A_570, %dma_wait3A_571] : memref<10000x16xf32, #tpu.memory_space<vmem_shared>> -> memref<10000x16xf32, #tpu.memory_space<vmem_shared>>
        tpu.wait_indirect_dma semaphore(%arg36 : memref<!tpu.dma_semaphore, #tpu.memory_space<semaphore_mem>>) src(%arg15 : memref<100x16xf32, #tpu.memory_space<vmem>>) dst(%dma_wait3A_572 : memref<10000x16xf32, #tpu.memory_space<vmem_shared>>)
        %add3A_573 = arith.constant 10 : i32
        %add3A_574 = arith.addi %add3A_524, %add3A_573 : i32
        %dma_start3A_575 = arith.constant 0 : i32
        %dma_start3A_576 = tpu.memref_slice %arg5[%add3A_574, %dma_start3A_575] : memref<100x100xi32, #tpu.memory_space<vmem>> -> memref<1x100xi32, #tpu.memory_space<vmem>>
        %dma_start3A_577 = tpu.memref_squeeze %dma_start3A_576 : memref<1x100xi32, #tpu.memory_space<vmem>> -> memref<100xi32, #tpu.memory_space<vmem>>
        %dma_start3A_578 = arith.constant 0 : i32
        %dma_start3A_579 = arith.constant 0 : i32
        %dma_start3A_580 = tpu.memref_slice %arg3[%dma_start3A_578, %dma_start3A_579] : memref<10000x16xf32, #tpu.memory_space<hbm>> -> memref<10000x16xf32, #tpu.memory_space<hbm>>
        tpu.enqueue_indirect_dma source(%dma_start3A_580 : memref<10000x16xf32, #tpu.memory_space<hbm>>) target(%arg15 : memref<100x16xf32, #tpu.memory_space<vmem>>) offsets(%dma_start3A_577 : memref<100xi32, #tpu.memory_space<vmem>>) semaphore(%arg26 : memref<!tpu.dma_semaphore, #tpu.memory_space<semaphore_mem>>)
      } else {
      }
      %mul3A_544 = arith.constant 10 : i32
      %mul3A_545 = arith.muli %scan3A_337, %mul3A_544 : i32
      %add3A_546 = arith.constant 9 : i32
      %add3A_547 = arith.addi %mul3A_545, %add3A_546 : i32
      %dma_wait3A_548 = arith.constant 0 : i32
      %dma_wait3A_549 = tpu.memref_slice %arg5[%add3A_547, %dma_wait3A_548] : memref<100x100xi32, #tpu.memory_space<vmem>> -> memref<1x100xi32, #tpu.memory_space<vmem>>
      %dma_wait3A_550 = tpu.memref_squeeze %dma_wait3A_549 : memref<1x100xi32, #tpu.memory_space<vmem>> -> memref<100xi32, #tpu.memory_space<vmem>>
      %dma_wait3A_551 = arith.constant 0 : i32
      %dma_wait3A_552 = arith.constant 0 : i32
      %dma_wait3A_553 = tpu.memref_slice %arg3[%dma_wait3A_551, %dma_wait3A_552] : memref<10000x16xf32, #tpu.memory_space<hbm>> -> memref<10000x16xf32, #tpu.memory_space<hbm>>
      tpu.wait_indirect_dma semaphore(%arg27 : memref<!tpu.dma_semaphore, #tpu.memory_space<semaphore_mem>>) src(%dma_wait3A_553 : memref<10000x16xf32, #tpu.memory_space<hbm>>) dst(%arg16 : memref<100x16xf32, #tpu.memory_space<vmem>>)
      %dma_start3A_554 = arith.constant 0 : i32
      %dma_start3A_555 = tpu.memref_slice %arg6[%add3A_547, %dma_start3A_554] : memref<100x100xi32, #tpu.memory_space<vmem>> -> memref<1x100xi32, #tpu.memory_space<vmem>>
      %dma_start3A_556 = tpu.memref_squeeze %dma_start3A_555 : memref<1x100xi32, #tpu.memory_space<vmem>> -> memref<100xi32, #tpu.memory_space<vmem>>
      %dma_start3A_557 = arith.constant 0 : i32
      %dma_start3A_558 = arith.constant 0 : i32
      %dma_start3A_559 = tpu.memref_slice %arg17[%dma_start3A_557, %dma_start3A_558] : memref<10000x16xf32, #tpu.memory_space<vmem_shared>> -> memref<10000x16xf32, #tpu.memory_space<vmem_shared>>
      tpu.enqueue_indirect_dma source(%arg16 : memref<100x16xf32, #tpu.memory_space<vmem>>) target(%dma_start3A_559 : memref<10000x16xf32, #tpu.memory_space<vmem_shared>>) offsets(%dma_start3A_556 : memref<100xi32, #tpu.memory_space<vmem>>) semaphore(%arg37 : memref<!tpu.dma_semaphore, #tpu.memory_space<semaphore_mem>>) {add = true}
      %add3A_560 = arith.constant 10 : i32
      %add3A_561 = arith.addi %add3A_547, %add3A_560 : i32
      %lt3A_562 = arith.constant 100 : i32
      %lt3A_563 = arith.cmpi slt, %add3A_561, %lt3A_562 : i32
      %convert_element_type3A_564 = arith.extui %lt3A_563 : i1 to i32
      %cond3A_565 = arith.constant 0 : i32
      %cond3A_566 = arith.cmpi ne, %convert_element_type3A_564, %cond3A_565 : i32
      scf.if %cond3A_566 {
        %dma_wait3A_567 = arith.constant 0 : i32
        %dma_wait3A_568 = tpu.memref_slice %arg6[%add3A_547, %dma_wait3A_567] : memref<100x100xi32, #tpu.memory_space<vmem>> -> memref<1x100xi32, #tpu.memory_space<vmem>>
        %dma_wait3A_569 = tpu.memref_squeeze %dma_wait3A_568 : memref<1x100xi32, #tpu.memory_space<vmem>> -> memref<100xi32, #tpu.memory_space<vmem>>
        %dma_wait3A_570 = arith.constant 0 : i32
        %dma_wait3A_571 = arith.constant 0 : i32
        %dma_wait3A_572 = tpu.memref_slice %arg17[%dma_wait3A_570, %dma_wait3A_571] : memref<10000x16xf32, #tpu.memory_space<vmem_shared>> -> memref<10000x16xf32, #tpu.memory_space<vmem_shared>>
        tpu.wait_indirect_dma semaphore(%arg37 : memref<!tpu.dma_semaphore, #tpu.memory_space<semaphore_mem>>) src(%arg16 : memref<100x16xf32, #tpu.memory_space<vmem>>) dst(%dma_wait3A_572 : memref<10000x16xf32, #tpu.memory_space<vmem_shared>>)
        %add3A_573 = arith.constant 10 : i32
        %add3A_574 = arith.addi %add3A_547, %add3A_573 : i32
        %dma_start3A_575 = arith.constant 0 : i32
        %dma_start3A_576 = tpu.memref_slice %arg5[%add3A_574, %dma_start3A_575] : memref<100x100xi32, #tpu.memory_space<vmem>> -> memref<1x100xi32, #tpu.memory_space<vmem>>
        %dma_start3A_577 = tpu.memref_squeeze %dma_start3A_576 : memref<1x100xi32, #tpu.memory_space<vmem>> -> memref<100xi32, #tpu.memory_space<vmem>>
        %dma_start3A_578 = arith.constant 0 : i32
        %dma_start3A_579 = arith.constant 0 : i32
        %dma_start3A_580 = tpu.memref_slice %arg3[%dma_start3A_578, %dma_start3A_579] : memref<10000x16xf32, #tpu.memory_space<hbm>> -> memref<10000x16xf32, #tpu.memory_space<hbm>>
        tpu.enqueue_indirect_dma source(%dma_start3A_580 : memref<10000x16xf32, #tpu.memory_space<hbm>>) target(%arg16 : memref<100x16xf32, #tpu.memory_space<vmem>>) offsets(%dma_start3A_577 : memref<100xi32, #tpu.memory_space<vmem>>) semaphore(%arg27 : memref<!tpu.dma_semaphore, #tpu.memory_space<semaphore_mem>>)
      } else {
      }
    }
    %scan3A_255 = arith.constant 10 : i32
    %dma_wait3A_256 = arith.constant 90 : i32
    %dma_wait3A_257 = arith.constant 0 : i32
    %dma_wait3A_258 = tpu.memref_slice %arg6[%dma_wait3A_256, %dma_wait3A_257] : memref<100x100xi32, #tpu.memory_space<vmem>> -> memref<1x100xi32, #tpu.memory_space<vmem>>
    %dma_wait3A_259 = tpu.memref_squeeze %dma_wait3A_258 : memref<1x100xi32, #tpu.memory_space<vmem>> -> memref<100xi32, #tpu.memory_space<vmem>>
    %dma_wait3A_260 = arith.constant 0 : i32
    %dma_wait3A_261 = arith.constant 0 : i32
    %dma_wait3A_262 = tpu.memref_slice %arg17[%dma_wait3A_260, %dma_wait3A_261] : memref<10000x16xf32, #tpu.memory_space<vmem_shared>> -> memref<10000x16xf32, #tpu.memory_space<vmem_shared>>
    tpu.wait_indirect_dma semaphore(%arg28 : memref<!tpu.dma_semaphore, #tpu.memory_space<semaphore_mem>>) src(%arg7 : memref<100x16xf32, #tpu.memory_space<vmem>>) dst(%dma_wait3A_262 : memref<10000x16xf32, #tpu.memory_space<vmem_shared>>)
    %dma_wait3A_263 = arith.constant 91 : i32
    %dma_wait3A_264 = arith.constant 0 : i32
    %dma_wait3A_265 = tpu.memref_slice %arg6[%dma_wait3A_263, %dma_wait3A_264] : memref<100x100xi32, #tpu.memory_space<vmem>> -> memref<1x100xi32, #tpu.memory_space<vmem>>
    %dma_wait3A_266 = tpu.memref_squeeze %dma_wait3A_265 : memref<1x100xi32, #tpu.memory_space<vmem>> -> memref<100xi32, #tpu.memory_space<vmem>>
    %dma_wait3A_267 = arith.constant 0 : i32
    %dma_wait3A_268 = arith.constant 0 : i32
    %dma_wait3A_269 = tpu.memref_slice %arg17[%dma_wait3A_267, %dma_wait3A_268] : memref<10000x16xf32, #tpu.memory_space<vmem_shared>> -> memref<10000x16xf32, #tpu.memory_space<vmem_shared>>
    tpu.wait_indirect_dma semaphore(%arg29 : memref<!tpu.dma_semaphore, #tpu.memory_space<semaphore_mem>>) src(%arg8 : memref<100x16xf32, #tpu.memory_space<vmem>>) dst(%dma_wait3A_269 : memref<10000x16xf32, #tpu.memory_space<vmem_shared>>)
    %dma_wait3A_270 = arith.constant 92 : i32
    %dma_wait3A_271 = arith.constant 0 : i32
    %dma_wait3A_272 = tpu.memref_slice %arg6[%dma_wait3A_270, %dma_wait3A_271] : memref<100x100xi32, #tpu.memory_space<vmem>> -> memref<1x100xi32, #tpu.memory_space<vmem>>
    %dma_wait3A_273 = tpu.memref_squeeze %dma_wait3A_272 : memref<1x100xi32, #tpu.memory_space<vmem>> -> memref<100xi32, #tpu.memory_space<vmem>>
    %dma_wait3A_274 = arith.constant 0 : i32
    %dma_wait3A_275 = arith.constant 0 : i32
    %dma_wait3A_276 = tpu.memref_slice %arg17[%dma_wait3A_274, %dma_wait3A_275] : memref<10000x16xf32, #tpu.memory_space<vmem_shared>> -> memref<10000x16xf32, #tpu.memory_space<vmem_shared>>
    tpu.wait_indirect_dma semaphore(%arg30 : memref<!tpu.dma_semaphore, #tpu.memory_space<semaphore_mem>>) src(%arg9 : memref<100x16xf32, #tpu.memory_space<vmem>>) dst(%dma_wait3A_276 : memref<10000x16xf32, #tpu.memory_space<vmem_shared>>)
    %dma_wait3A_277 = arith.constant 93 : i32
    %dma_wait3A_278 = arith.constant 0 : i32
    %dma_wait3A_279 = tpu.memref_slice %arg6[%dma_wait3A_277, %dma_wait3A_278] : memref<100x100xi32, #tpu.memory_space<vmem>> -> memref<1x100xi32, #tpu.memory_space<vmem>>
    %dma_wait3A_280 = tpu.memref_squeeze %dma_wait3A_279 : memref<1x100xi32, #tpu.memory_space<vmem>> -> memref<100xi32, #tpu.memory_space<vmem>>
    %dma_wait3A_281 = arith.constant 0 : i32
    %dma_wait3A_282 = arith.constant 0 : i32
    %dma_wait3A_283 = tpu.memref_slice %arg17[%dma_wait3A_281, %dma_wait3A_282] : memref<10000x16xf32, #tpu.memory_space<vmem_shared>> -> memref<10000x16xf32, #tpu.memory_space<vmem_shared>>
    tpu.wait_indirect_dma semaphore(%arg31 : memref<!tpu.dma_semaphore, #tpu.memory_space<semaphore_mem>>) src(%arg10 : memref<100x16xf32, #tpu.memory_space<vmem>>) dst(%dma_wait3A_283 : memref<10000x16xf32, #tpu.memory_space<vmem_shared>>)
    %dma_wait3A_284 = arith.constant 94 : i32
    %dma_wait3A_285 = arith.constant 0 : i32
    %dma_wait3A_286 = tpu.memref_slice %arg6[%dma_wait3A_284, %dma_wait3A_285] : memref<100x100xi32, #tpu.memory_space<vmem>> -> memref<1x100xi32, #tpu.memory_space<vmem>>
    %dma_wait3A_287 = tpu.memref_squeeze %dma_wait3A_286 : memref<1x100xi32, #tpu.memory_space<vmem>> -> memref<100xi32, #tpu.memory_space<vmem>>
    %dma_wait3A_288 = arith.constant 0 : i32
    %dma_wait3A_289 = arith.constant 0 : i32
    %dma_wait3A_290 = tpu.memref_slice %arg17[%dma_wait3A_288, %dma_wait3A_289] : memref<10000x16xf32, #tpu.memory_space<vmem_shared>> -> memref<10000x16xf32, #tpu.memory_space<vmem_shared>>
    tpu.wait_indirect_dma semaphore(%arg32 : memref<!tpu.dma_semaphore, #tpu.memory_space<semaphore_mem>>) src(%arg11 : memref<100x16xf32, #tpu.memory_space<vmem>>) dst(%dma_wait3A_290 : memref<10000x16xf32, #tpu.memory_space<vmem_shared>>)
    %dma_wait3A_291 = arith.constant 95 : i32
    %dma_wait3A_292 = arith.constant 0 : i32
    %dma_wait3A_293 = tpu.memref_slice %arg6[%dma_wait3A_291, %dma_wait3A_292] : memref<100x100xi32, #tpu.memory_space<vmem>> -> memref<1x100xi32, #tpu.memory_space<vmem>>
    %dma_wait3A_294 = tpu.memref_squeeze %dma_wait3A_293 : memref<1x100xi32, #tpu.memory_space<vmem>> -> memref<100xi32, #tpu.memory_space<vmem>>
    %dma_wait3A_295 = arith.constant 0 : i32
    %dma_wait3A_296 = arith.constant 0 : i32
    %dma_wait3A_297 = tpu.memref_slice %arg17[%dma_wait3A_295, %dma_wait3A_296] : memref<10000x16xf32, #tpu.memory_space<vmem_shared>> -> memref<10000x16xf32, #tpu.memory_space<vmem_shared>>
    tpu.wait_indirect_dma semaphore(%arg33 : memref<!tpu.dma_semaphore, #tpu.memory_space<semaphore_mem>>) src(%arg12 : memref<100x16xf32, #tpu.memory_space<vmem>>) dst(%dma_wait3A_297 : memref<10000x16xf32, #tpu.memory_space<vmem_shared>>)
    %dma_wait3A_298 = arith.constant 96 : i32
    %dma_wait3A_299 = arith.constant 0 : i32
    %dma_wait3A_300 = tpu.memref_slice %arg6[%dma_wait3A_298, %dma_wait3A_299] : memref<100x100xi32, #tpu.memory_space<vmem>> -> memref<1x100xi32, #tpu.memory_space<vmem>>
    %dma_wait3A_301 = tpu.memref_squeeze %dma_wait3A_300 : memref<1x100xi32, #tpu.memory_space<vmem>> -> memref<100xi32, #tpu.memory_space<vmem>>
    %dma_wait3A_302 = arith.constant 0 : i32
    %dma_wait3A_303 = arith.constant 0 : i32
    %dma_wait3A_304 = tpu.memref_slice %arg17[%dma_wait3A_302, %dma_wait3A_303] : memref<10000x16xf32, #tpu.memory_space<vmem_shared>> -> memref<10000x16xf32, #tpu.memory_space<vmem_shared>>
    tpu.wait_indirect_dma semaphore(%arg34 : memref<!tpu.dma_semaphore, #tpu.memory_space<semaphore_mem>>) src(%arg13 : memref<100x16xf32, #tpu.memory_space<vmem>>) dst(%dma_wait3A_304 : memref<10000x16xf32, #tpu.memory_space<vmem_shared>>)
    %dma_wait3A_305 = arith.constant 97 : i32
    %dma_wait3A_306 = arith.constant 0 : i32
    %dma_wait3A_307 = tpu.memref_slice %arg6[%dma_wait3A_305, %dma_wait3A_306] : memref<100x100xi32, #tpu.memory_space<vmem>> -> memref<1x100xi32, #tpu.memory_space<vmem>>
    %dma_wait3A_308 = tpu.memref_squeeze %dma_wait3A_307 : memref<1x100xi32, #tpu.memory_space<vmem>> -> memref<100xi32, #tpu.memory_space<vmem>>
    %dma_wait3A_309 = arith.constant 0 : i32
    %dma_wait3A_310 = arith.constant 0 : i32
    %dma_wait3A_311 = tpu.memref_slice %arg17[%dma_wait3A_309, %dma_wait3A_310] : memref<10000x16xf32, #tpu.memory_space<vmem_shared>> -> memref<10000x16xf32, #tpu.memory_space<vmem_shared>>
    tpu.wait_indirect_dma semaphore(%arg35 : memref<!tpu.dma_semaphore, #tpu.memory_space<semaphore_mem>>) src(%arg14 : memref<100x16xf32, #tpu.memory_space<vmem>>) dst(%dma_wait3A_311 : memref<10000x16xf32, #tpu.memory_space<vmem_shared>>)
    %dma_wait3A_312 = arith.constant 98 : i32
    %dma_wait3A_313 = arith.constant 0 : i32
    %dma_wait3A_314 = tpu.memref_slice %arg6[%dma_wait3A_312, %dma_wait3A_313] : memref<100x100xi32, #tpu.memory_space<vmem>> -> memref<1x100xi32, #tpu.memory_space<vmem>>
    %dma_wait3A_315 = tpu.memref_squeeze %dma_wait3A_314 : memref<1x100xi32, #tpu.memory_space<vmem>> -> memref<100xi32, #tpu.memory_space<vmem>>
    %dma_wait3A_316 = arith.constant 0 : i32
    %dma_wait3A_317 = arith.constant 0 : i32
    %dma_wait3A_318 = tpu.memref_slice %arg17[%dma_wait3A_316, %dma_wait3A_317] : memref<10000x16xf32, #tpu.memory_space<vmem_shared>> -> memref<10000x16xf32, #tpu.memory_space<vmem_shared>>
    tpu.wait_indirect_dma semaphore(%arg36 : memref<!tpu.dma_semaphore, #tpu.memory_space<semaphore_mem>>) src(%arg15 : memref<100x16xf32, #tpu.memory_space<vmem>>) dst(%dma_wait3A_318 : memref<10000x16xf32, #tpu.memory_space<vmem_shared>>)
    %dma_wait3A_319 = arith.constant 99 : i32
    %dma_wait3A_320 = arith.constant 0 : i32
    %dma_wait3A_321 = tpu.memref_slice %arg6[%dma_wait3A_319, %dma_wait3A_320] : memref<100x100xi32, #tpu.memory_space<vmem>> -> memref<1x100xi32, #tpu.memory_space<vmem>>
    %dma_wait3A_322 = tpu.memref_squeeze %dma_wait3A_321 : memref<1x100xi32, #tpu.memory_space<vmem>> -> memref<100xi32, #tpu.memory_space<vmem>>
    %dma_wait3A_323 = arith.constant 0 : i32
    %dma_wait3A_324 = arith.constant 0 : i32
    %dma_wait3A_325 = tpu.memref_slice %arg17[%dma_wait3A_323, %dma_wait3A_324] : memref<10000x16xf32, #tpu.memory_space<vmem_shared>> -> memref<10000x16xf32, #tpu.memory_space<vmem_shared>>
    tpu.wait_indirect_dma semaphore(%arg37 : memref<!tpu.dma_semaphore, #tpu.memory_space<semaphore_mem>>) src(%arg16 : memref<100x16xf32, #tpu.memory_space<vmem>>) dst(%dma_wait3A_325 : memref<10000x16xf32, #tpu.memory_space<vmem_shared>>)
    %barrier3A_326 = arith.constant 0 : index
    tpu.barrier barrier_id(%barrier3A_326)
    %eq3A_327 = arith.constant 0 : i32
    %eq3A_328 = arith.cmpi eq, %arg0, %eq3A_327 : i32
    %convert_element_type3A_329 = arith.extui %eq3A_328 : i1 to i32
    %cond3A_330 = arith.constant 0 : i32
    %cond3A_331 = arith.cmpi ne, %convert_element_type3A_329, %cond3A_330 : i32
    scf.if %cond3A_331 {
      %mul3A_337 = arith.constant 624 : i32
      %mul3A_338 = arith.muli %arg1, %mul3A_337 : i32
      %mul3A_339 = arith.constant 624 : i32
      %mul3A_340 = arith.muli %arg1, %mul3A_339 : i32
      "tpu.region"() ({
        %run_scoped3A_346 = tpu.sem_alloc : memref<!tpu.dma_semaphore, #tpu.memory_space<semaphore_mem>>
        %dma_start3A_347 = arith.constant 0 : i32
        %dma_start3A_348 = tpu.memref_slice %arg4[%mul3A_340, %dma_start3A_347] : memref<10000x128xf32, #tpu.memory_space<hbm>> -> memref<624x16xf32, #tpu.memory_space<hbm>>
        %dma_start3A_349 = arith.constant 0 : i32
        %dma_start3A_350 = tpu.memref_slice %arg17[%mul3A_338, %dma_start3A_349] : memref<10000x16xf32, #tpu.memory_space<vmem_shared>> -> memref<624x16xf32, #tpu.memory_space<vmem_shared>>
        tpu.enqueue_dma source(%dma_start3A_350 : memref<624x16xf32, #tpu.memory_space<vmem_shared>>) target(%dma_start3A_348 : memref<624x16xf32, #tpu.memory_space<hbm>>) target_semaphore(%run_scoped3A_346 : memref<!tpu.dma_semaphore, #tpu.memory_space<semaphore_mem>>)
        %dma_wait3A_351 = arith.constant 0 : i32
        %dma_wait3A_352 = tpu.memref_slice %arg4[%mul3A_340, %dma_wait3A_351] : memref<10000x128xf32, #tpu.memory_space<hbm>> -> memref<624x16xf32, #tpu.memory_space<hbm>>
        %dma_wait3A_353 = arith.constant 0 : i32
        %dma_wait3A_354 = tpu.memref_slice %arg17[%mul3A_338, %dma_wait3A_353] : memref<10000x16xf32, #tpu.memory_space<vmem_shared>> -> memref<624x16xf32, #tpu.memory_space<vmem_shared>>
        tpu.wait_dma2 semaphore(%run_scoped3A_346 : memref<!tpu.dma_semaphore, #tpu.memory_space<semaphore_mem>>) src(%dma_wait3A_354 : memref<624x16xf32, #tpu.memory_space<vmem_shared>>) dst(%dma_wait3A_352 : memref<624x16xf32, #tpu.memory_space<hbm>>)
        tpu.yield
      }) : () -> ()
      %eq3A_341 = arith.constant 15 : i32
      %eq3A_342 = arith.cmpi eq, %arg1, %eq3A_341 : i32
      %convert_element_type3A_343 = arith.extui %eq3A_342 : i1 to i32
      %cond3A_344 = arith.constant 0 : i32
      %cond3A_345 = arith.cmpi ne, %convert_element_type3A_343, %cond3A_344 : i32
      scf.if %cond3A_345 {
        "tpu.region"() ({
          %run_scoped3A_346 = tpu.sem_alloc : memref<!tpu.dma_semaphore, #tpu.memory_space<semaphore_mem>>
          %dma_start3A_347 = arith.constant 9984 : i32
          %dma_start3A_348 = arith.constant 0 : i32
          %dma_start3A_349 = tpu.memref_slice %arg4[%dma_start3A_347, %dma_start3A_348] : memref<10000x128xf32, #tpu.memory_space<hbm>> -> memref<16x16xf32, #tpu.memory_space<hbm>>
          %dma_start3A_350 = arith.constant 9984 : i32
          %dma_start3A_351 = arith.constant 0 : i32
          %dma_start3A_352 = tpu.memref_slice %arg17[%dma_start3A_350, %dma_start3A_351] : memref<10000x16xf32, #tpu.memory_space<vmem_shared>> -> memref<16x16xf32, #tpu.memory_space<vmem_shared>>
          tpu.enqueue_dma source(%dma_start3A_352 : memref<16x16xf32, #tpu.memory_space<vmem_shared>>) target(%dma_start3A_349 : memref<16x16xf32, #tpu.memory_space<hbm>>) target_semaphore(%run_scoped3A_346 : memref<!tpu.dma_semaphore, #tpu.memory_space<semaphore_mem>>)
          %dma_wait3A_353 = arith.constant 9984 : i32
          %dma_wait3A_354 = arith.constant 0 : i32
          %dma_wait3A_355 = tpu.memref_slice %arg4[%dma_wait3A_353, %dma_wait3A_354] : memref<10000x128xf32, #tpu.memory_space<hbm>> -> memref<16x16xf32, #tpu.memory_space<hbm>>
          %dma_wait3A_356 = arith.constant 9984 : i32
          %dma_wait3A_357 = arith.constant 0 : i32
          %dma_wait3A_358 = tpu.memref_slice %arg17[%dma_wait3A_356, %dma_wait3A_357] : memref<10000x16xf32, #tpu.memory_space<vmem_shared>> -> memref<16x16xf32, #tpu.memory_space<vmem_shared>>
          tpu.wait_dma2 semaphore(%run_scoped3A_346 : memref<!tpu.dma_semaphore, #tpu.memory_space<semaphore_mem>>) src(%dma_wait3A_358 : memref<16x16xf32, #tpu.memory_space<vmem_shared>>) dst(%dma_wait3A_355 : memref<16x16xf32, #tpu.memory_space<hbm>>)
          tpu.yield
        }) : () -> ()
      } else {
      }
    } else {
    }
    %eq3A_332 = arith.constant 1 : i32
    %eq3A_333 = arith.cmpi eq, %arg0, %eq3A_332 : i32
    %convert_element_type3A_334 = arith.extui %eq3A_333 : i1 to i32
    %cond3A_335 = arith.constant 0 : i32
    %cond3A_336 = arith.cmpi ne, %convert_element_type3A_334, %cond3A_335 : i32
    scf.if %cond3A_336 {
      %mul3A_337 = arith.constant 624 : i32
      %mul3A_338 = arith.muli %arg1, %mul3A_337 : i32
      %mul3A_339 = arith.constant 624 : i32
      %mul3A_340 = arith.muli %arg1, %mul3A_339 : i32
      "tpu.region"() ({
        %run_scoped3A_346 = tpu.sem_alloc : memref<!tpu.dma_semaphore, #tpu.memory_space<semaphore_mem>>
        %dma_start3A_347 = arith.constant 16 : i32
        %dma_start3A_348 = tpu.memref_slice %arg4[%mul3A_340, %dma_start3A_347] : memref<10000x128xf32, #tpu.memory_space<hbm>> -> memref<624x16xf32, #tpu.memory_space<hbm>>
        %dma_start3A_349 = arith.constant 0 : i32
        %dma_start3A_350 = tpu.memref_slice %arg17[%mul3A_338, %dma_start3A_349] : memref<10000x16xf32, #tpu.memory_space<vmem_shared>> -> memref<624x16xf32, #tpu.memory_space<vmem_shared>>
        tpu.enqueue_dma source(%dma_start3A_350 : memref<624x16xf32, #tpu.memory_space<vmem_shared>>) target(%dma_start3A_348 : memref<624x16xf32, #tpu.memory_space<hbm>>) target_semaphore(%run_scoped3A_346 : memref<!tpu.dma_semaphore, #tpu.memory_space<semaphore_mem>>)
        %dma_wait3A_351 = arith.constant 16 : i32
        %dma_wait3A_352 = tpu.memref_slice %arg4[%mul3A_340, %dma_wait3A_351] : memref<10000x128xf32, #tpu.memory_space<hbm>> -> memref<624x16xf32, #tpu.memory_space<hbm>>
        %dma_wait3A_353 = arith.constant 0 : i32
        %dma_wait3A_354 = tpu.memref_slice %arg17[%mul3A_338, %dma_wait3A_353] : memref<10000x16xf32, #tpu.memory_space<vmem_shared>> -> memref<624x16xf32, #tpu.memory_space<vmem_shared>>
        tpu.wait_dma2 semaphore(%run_scoped3A_346 : memref<!tpu.dma_semaphore, #tpu.memory_space<semaphore_mem>>) src(%dma_wait3A_354 : memref<624x16xf32, #tpu.memory_space<vmem_shared>>) dst(%dma_wait3A_352 : memref<624x16xf32, #tpu.memory_space<hbm>>)
        tpu.yield
      }) : () -> ()
      %eq3A_341 = arith.constant 15 : i32
      %eq3A_342 = arith.cmpi eq, %arg1, %eq3A_341 : i32
      %convert_element_type3A_343 = arith.extui %eq3A_342 : i1 to i32
      %cond3A_344 = arith.constant 0 : i32
      %cond3A_345 = arith.cmpi ne, %convert_element_type3A_343, %cond3A_344 : i32
      scf.if %cond3A_345 {
        "tpu.region"() ({
          %run_scoped3A_346 = tpu.sem_alloc : memref<!tpu.dma_semaphore, #tpu.memory_space<semaphore_mem>>
          %dma_start3A_347 = arith.constant 9984 : i32
          %dma_start3A_348 = arith.constant 16 : i32
          %dma_start3A_349 = tpu.memref_slice %arg4[%dma_start3A_347, %dma_start3A_348] : memref<10000x128xf32, #tpu.memory_space<hbm>> -> memref<16x16xf32, #tpu.memory_space<hbm>>
          %dma_start3A_350 = arith.constant 9984 : i32
          %dma_start3A_351 = arith.constant 0 : i32
          %dma_start3A_352 = tpu.memref_slice %arg17[%dma_start3A_350, %dma_start3A_351] : memref<10000x16xf32, #tpu.memory_space<vmem_shared>> -> memref<16x16xf32, #tpu.memory_space<vmem_shared>>
          tpu.enqueue_dma source(%dma_start3A_352 : memref<16x16xf32, #tpu.memory_space<vmem_shared>>) target(%dma_start3A_349 : memref<16x16xf32, #tpu.memory_space<hbm>>) target_semaphore(%run_scoped3A_346 : memref<!tpu.dma_semaphore, #tpu.memory_space<semaphore_mem>>)
          %dma_wait3A_353 = arith.constant 9984 : i32
          %dma_wait3A_354 = arith.constant 16 : i32
          %dma_wait3A_355 = tpu.memref_slice %arg4[%dma_wait3A_353, %dma_wait3A_354] : memref<10000x128xf32, #tpu.memory_space<hbm>> -> memref<16x16xf32, #tpu.memory_space<hbm>>
          %dma_wait3A_356 = arith.constant 9984 : i32
          %dma_wait3A_357 = arith.constant 0 : i32
          %dma_wait3A_358 = tpu.memref_slice %arg17[%dma_wait3A_356, %dma_wait3A_357] : memref<10000x16xf32, #tpu.memory_space<vmem_shared>> -> memref<16x16xf32, #tpu.memory_space<vmem_shared>>
          tpu.wait_dma2 semaphore(%run_scoped3A_346 : memref<!tpu.dma_semaphore, #tpu.memory_space<semaphore_mem>>) src(%dma_wait3A_358 : memref<16x16xf32, #tpu.memory_space<vmem_shared>>) dst(%dma_wait3A_355 : memref<16x16xf32, #tpu.memory_space<hbm>>)
          tpu.yield
        }) : () -> ()
      } else {
      }
    } else {
    }
    return
  }
}

module attributes {stable_mosaic.version = 14 : i64} {
  func.func @body(%arg0: i32, %arg1: memref<2000x128xf32, #tpu.memory_space<vmem>>, %arg2: memref<2000x128xf32, #tpu.memory_space<vmem>>, %arg3: memref<128x128xf32, #tpu.memory_space<vmem>>, %arg4: memref<2000x128xf32, #tpu.memory_space<vmem>>, %arg5: memref<2000x1xf32, #tpu.memory_space<vmem>>) attributes {dimension_semantics = [#tpu.dimension_semantics<arbitrary>], iteration_bounds = array<i64: 5>, scalar_prefetch = 0 : i64, scratch_operands = 0 : i64, tpu.core_type = #tpu.core_type<tc>, window_params = [{transform_indices = @transform_0, window_bounds = array<i64: 2000, 128>}, {transform_indices = @transform_1, window_bounds = array<i64: 2000, 128>}, {pipeline_mode = #tpu.pipeline_mode<synchronous>, transform_indices = @transform_2, window_bounds = array<i64: 128, 128>}, {transform_indices = @transform_3, window_bounds = array<i64: 2000, 128>}, {transform_indices = @transform_4, window_bounds = array<i64: 2000, 1>}]} {
    %get3A = arith.constant 0 : index
    %get3A_0 = arith.constant 0 : index
    %get3A_1 = vector.load %arg1[%get3A, %get3A_0] : memref<2000x128xf32, #tpu.memory_space<vmem>>, vector<2000x1xf32>
    %get3A_2 = arith.constant 0 : index
    %get3A_3 = arith.constant 16 : index
    %get3A_4 = vector.load %arg1[%get3A_2, %get3A_3] : memref<2000x128xf32, #tpu.memory_space<vmem>>, vector<2000x1xf32>
    %add3A = arith.addf %get3A_1, %get3A_4 : vector<2000x1xf32>
    %add3A_5 = arith.constant 1.000000e+00 : f32
    %add3A_6 = vector.broadcast %add3A_5 : f32 to vector<2000x1xf32>
    %add3A_7 = arith.addf %add3A, %add3A_6 : vector<2000x1xf32>
    %rsqrt3A = math.rsqrt %add3A_7 : vector<2000x1xf32>
    %get3A_8 = arith.constant 0 : index
    %get3A_9 = arith.constant 0 : index
    %get3A_10 = vector.load %arg2[%get3A_8, %get3A_9] : memref<2000x128xf32, #tpu.memory_space<vmem>>, vector<2000x128xf32>
    %get3A_11 = arith.constant 0 : index
    %get3A_12 = arith.constant 0 : index
    %get3A_13 = vector.load %arg3[%get3A_11, %get3A_12] : memref<128x128xf32, #tpu.memory_space<vmem>>, vector<128x128xf32>
    %dot_general3A = arith.constant dense<0.000000e+00> : vector<2000x128xf32>
    %dot_general3A_14 = tpu.matmul %get3A_10, %get3A_13, %dot_general3A {dimension_numbers = #tpu.dot_dimension_numbers<[1], [0], [0], [1], [0, 0, 1, 1], [], []>, transpose_lhs_hint = false} : vector<2000x128xf32>, vector<128x128xf32>, vector<2000x128xf32> -> vector<2000x128xf32>
    %mul3A = vector.broadcast %rsqrt3A : vector<2000x1xf32> to vector<2000x128xf32>
    %mul3A_15 = arith.mulf %dot_general3A_14, %mul3A : vector<2000x128xf32>
    %swap3A = arith.constant 0 : index
    %swap3A_16 = arith.constant 0 : index
    %swap3A_17 = vector.load %arg4[%swap3A, %swap3A_16] : memref<2000x128xf32, #tpu.memory_space<vmem>>, vector<2000x128xf32>
    tpu.vector_store %arg4[%swap3A, %swap3A_16], %mul3A_15 {strides = array<i32>} : memref<2000x128xf32, #tpu.memory_space<vmem>>, vector<2000x128xf32>,
    %swap3A_18 = arith.constant 0 : index
    %swap3A_19 = arith.constant 0 : index
    %swap3A_20 = vector.load %arg5[%swap3A_18, %swap3A_19] : memref<2000x1xf32, #tpu.memory_space<vmem>>, vector<2000x1xf32>
    tpu.vector_store %arg5[%swap3A_18, %swap3A_19], %rsqrt3A {strides = array<i32>} : memref<2000x1xf32, #tpu.memory_space<vmem>>, vector<2000x1xf32>,
    return
  }
  func.func @transform_0(%arg0: i32) -> (i32, i32) {
    %c0_i32 = arith.constant 0 : i32
    %c0_i32_0 = arith.constant 0 : i32
    return %arg0, %c0_i32 : i32, i32
  }
  func.func @transform_1(%arg0: i32) -> (i32, i32) {
    %c0_i32 = arith.constant 0 : i32
    %c0_i32_0 = arith.constant 0 : i32
    return %arg0, %c0_i32 : i32, i32
  }
  func.func @transform_2(%arg0: i32) -> (i32, i32) {
    %c0_i32 = arith.constant 0 : i32
    %c0_i32_0 = arith.constant 0 : i32
    %c0_i32_1 = arith.constant 0 : i32
    return %c0_i32, %c0_i32_0 : i32, i32
  }
  func.func @transform_3(%arg0: i32) -> (i32, i32) {
    %c0_i32 = arith.constant 0 : i32
    %c0_i32_0 = arith.constant 0 : i32
    return %arg0, %c0_i32 : i32, i32
  }
  func.func @transform_4(%arg0: i32) -> (i32, i32) {
    %c0_i32 = arith.constant 0 : i32
    %c0_i32_0 = arith.constant 0 : i32
    return %arg0, %c0_i32 : i32, i32
  }
}

module attributes {stable_mosaic.version = 14 : i64} {
  func.func @body(%arg0: i32, %arg1: memref<2000x128xf32, #tpu.memory_space<vmem>>, %arg2: memref<2000x128xf32, #tpu.memory_space<vmem>>, %arg3: memref<2000x128xf32, #tpu.memory_space<vmem>>, %arg4: memref<2000x1xf32, #tpu.memory_space<vmem>>, %arg5: memref<1x128xf32, #tpu.memory_space<vmem>>, %arg6: memref<128x64xf32, #tpu.memory_space<vmem>>, %arg7: memref<64x2xf32, #tpu.memory_space<vmem>>, %arg8: memref<2000x16xf32, #tpu.memory_space<vmem>>) attributes {dimension_semantics = [#tpu.dimension_semantics<arbitrary>], iteration_bounds = array<i64: 5>, scalar_prefetch = 0 : i64, scratch_operands = 0 : i64, tpu.core_type = #tpu.core_type<tc>, window_params = [{transform_indices = @transform_0, window_bounds = array<i64: 2000, 128>}, {transform_indices = @transform_1, window_bounds = array<i64: 2000, 128>}, {transform_indices = @transform_2, window_bounds = array<i64: 2000, 128>}, {transform_indices = @transform_3, window_bounds = array<i64: 2000, 1>}, {pipeline_mode = #tpu.pipeline_mode<synchronous>, transform_indices = @transform_4, window_bounds = array<i64: 1, 128>}, {pipeline_mode = #tpu.pipeline_mode<synchronous>, transform_indices = @transform_5, window_bounds = array<i64: 128, 64>}, {pipeline_mode = #tpu.pipeline_mode<synchronous>, transform_indices = @transform_6, window_bounds = array<i64: 64, 2>}, {transform_indices = @transform_7, window_bounds = array<i64: 2000, 16>}]} {
    %get3A = arith.constant 0 : index
    %get3A_0 = arith.constant 0 : index
    %get3A_1 = vector.load %arg4[%get3A, %get3A_0] : memref<2000x1xf32, #tpu.memory_space<vmem>>, vector<2000x1xf32>
    %get3A_2 = arith.constant 0 : index
    %get3A_3 = arith.constant 0 : index
    %get3A_4 = vector.load %arg1[%get3A_2, %get3A_3] : memref<2000x128xf32, #tpu.memory_space<vmem>>, vector<2000x128xf32>
    %get3A_5 = arith.constant 0 : index
    %get3A_6 = arith.constant 0 : index
    %get3A_7 = vector.load %arg2[%get3A_5, %get3A_6] : memref<2000x128xf32, #tpu.memory_space<vmem>>, vector<2000x128xf32>
    %add3A = arith.addf %get3A_4, %get3A_7 : vector<2000x128xf32>
    %get3A_8 = arith.constant 0 : index
    %get3A_9 = arith.constant 0 : index
    %get3A_10 = vector.load %arg3[%get3A_8, %get3A_9] : memref<2000x128xf32, #tpu.memory_space<vmem>>, vector<2000x128xf32>
    %add3A_11 = arith.addf %add3A, %get3A_10 : vector<2000x128xf32>
    %mul3A = vector.broadcast %get3A_1 : vector<2000x1xf32> to vector<2000x128xf32>
    %mul3A_12 = arith.mulf %add3A_11, %mul3A : vector<2000x128xf32>
    %get3A_13 = arith.constant 0 : index
    %get3A_14 = arith.constant 0 : index
    %get3A_15 = vector.load %arg5[%get3A_13, %get3A_14] : memref<1x128xf32, #tpu.memory_space<vmem>>, vector<1x128xf32>
    %add3A_16 = vector.broadcast %get3A_15 : vector<1x128xf32> to vector<2000x128xf32>
    %add3A_17 = arith.addf %mul3A_12, %add3A_16 : vector<2000x128xf32>
    %max3A = arith.constant 0.000000e+00 : f32
    %max3A_18 = vector.broadcast %max3A : f32 to vector<2000x128xf32>
    %max3A_19 = arith.maximumf %add3A_17, %max3A_18 : vector<2000x128xf32>
    %get3A_20 = arith.constant 0 : index
    %get3A_21 = arith.constant 0 : index
    %get3A_22 = vector.load %arg6[%get3A_20, %get3A_21] : memref<128x64xf32, #tpu.memory_space<vmem>>, vector<128x64xf32>
    %dot_general3A = arith.constant dense<0.000000e+00> : vector<2000x64xf32>
    %dot_general3A_23 = tpu.matmul %max3A_19, %get3A_22, %dot_general3A {dimension_numbers = #tpu.dot_dimension_numbers<[1], [0], [0], [1], [0, 0, 1, 1], [], []>, transpose_lhs_hint = false} : vector<2000x128xf32>, vector<128x64xf32>, vector<2000x64xf32> -> vector<2000x64xf32>
    %get3A_24 = arith.constant 0 : index
    %get3A_25 = arith.constant 0 : index
    %get3A_26 = vector.load %arg7[%get3A_24, %get3A_25] : memref<64x2xf32, #tpu.memory_space<vmem>>, vector<64x2xf32>
    %dot_general3A_27 = arith.constant dense<0.000000e+00> : vector<2000x2xf32>
    %dot_general3A_28 = tpu.matmul %dot_general3A_23, %get3A_26, %dot_general3A_27 {dimension_numbers = #tpu.dot_dimension_numbers<[1], [0], [0], [1], [0, 0, 1, 1], [], []>, transpose_lhs_hint = false} : vector<2000x64xf32>, vector<64x2xf32>, vector<2000x2xf32> -> vector<2000x2xf32>
    %mul3A_29 = vector.broadcast %get3A_1 : vector<2000x1xf32> to vector<2000x2xf32>
    %mul3A_30 = arith.mulf %dot_general3A_28, %mul3A_29 : vector<2000x2xf32>
    %jit3A = arith.constant 0 : i32
    %convert_element_type3A = arith.sitofp %jit3A : i32 to f32
    %pad3A = vector.broadcast %convert_element_type3A : f32 to vector<2000x14xf32>
    %pad3A_31 = tpu.concatenate %mul3A_30, %pad3A in 1 : vector<2000x2xf32>, vector<2000x14xf32> -> vector<2000x16xf32>
    %swap3A = arith.constant 0 : index
    %swap3A_32 = arith.constant 0 : index
    %swap3A_33 = vector.load %arg8[%swap3A, %swap3A_32] : memref<2000x16xf32, #tpu.memory_space<vmem>>, vector<2000x16xf32>
    tpu.vector_store %arg8[%swap3A, %swap3A_32], %pad3A_31 {strides = array<i32>} : memref<2000x16xf32, #tpu.memory_space<vmem>>, vector<2000x16xf32>,
    return
  }
  func.func @transform_0(%arg0: i32) -> (i32, i32) {
    %c0_i32 = arith.constant 0 : i32
    %c0_i32_0 = arith.constant 0 : i32
    return %arg0, %c0_i32 : i32, i32
  }
  func.func @transform_1(%arg0: i32) -> (i32, i32) {
    %c0_i32 = arith.constant 0 : i32
    %c0_i32_0 = arith.constant 0 : i32
    return %arg0, %c0_i32 : i32, i32
  }
  func.func @transform_2(%arg0: i32) -> (i32, i32) {
    %c0_i32 = arith.constant 0 : i32
    %c0_i32_0 = arith.constant 0 : i32
    return %arg0, %c0_i32 : i32, i32
  }
  func.func @transform_3(%arg0: i32) -> (i32, i32) {
    %c0_i32 = arith.constant 0 : i32
    %c0_i32_0 = arith.constant 0 : i32
    return %arg0, %c0_i32 : i32, i32
  }
  func.func @transform_4(%arg0: i32) -> (i32, i32) {
    %c0_i32 = arith.constant 0 : i32
    %c0_i32_0 = arith.constant 0 : i32
    %c0_i32_1 = arith.constant 0 : i32
    return %c0_i32, %c0_i32_0 : i32, i32
  }
  func.func @transform_5(%arg0: i32) -> (i32, i32) {
    %c0_i32 = arith.constant 0 : i32
    %c0_i32_0 = arith.constant 0 : i32
    %c0_i32_1 = arith.constant 0 : i32
    return %c0_i32, %c0_i32_0 : i32, i32
  }
  func.func @transform_6(%arg0: i32) -> (i32, i32) {
    %c0_i32 = arith.constant 0 : i32
    %c0_i32_0 = arith.constant 0 : i32
    %c0_i32_1 = arith.constant 0 : i32
    return %c0_i32, %c0_i32_0 : i32, i32
  }
  func.func @transform_7(%arg0: i32) -> (i32, i32) {
    %c0_i32 = arith.constant 0 : i32
    %c0_i32_0 = arith.constant 0 : i32
    return %arg0, %c0_i32 : i32, i32
  }
}

module attributes {stable_mosaic.version = 14 : i64} {
  func.func @body(%arg0: i32, %arg1: memref<2000x128xf32, #tpu.memory_space<vmem>>, %arg2: memref<2000x16xf32, #tpu.memory_space<vmem>>, %arg3: memref<2000x1xf32, #tpu.memory_space<vmem>>, %arg4: memref<1x64xf32, #tpu.memory_space<vmem>>, %arg5: memref<64x2xf32, #tpu.memory_space<vmem>>, %arg6: memref<1x2xf32, #tpu.memory_space<vmem>>, %arg7: memref<2000x2xf32, #tpu.memory_space<vmem>>) attributes {dimension_semantics = [#tpu.dimension_semantics<arbitrary>], iteration_bounds = array<i64: 5>, scalar_prefetch = 0 : i64, scratch_operands = 0 : i64, tpu.core_type = #tpu.core_type<tc>, window_params = [{transform_indices = @transform_0, window_bounds = array<i64: 2000, 128>}, {transform_indices = @transform_1, window_bounds = array<i64: 2000, 16>}, {transform_indices = @transform_2, window_bounds = array<i64: 2000, 1>}, {pipeline_mode = #tpu.pipeline_mode<synchronous>, transform_indices = @transform_3, window_bounds = array<i64: 1, 64>}, {pipeline_mode = #tpu.pipeline_mode<synchronous>, transform_indices = @transform_4, window_bounds = array<i64: 64, 2>}, {pipeline_mode = #tpu.pipeline_mode<synchronous>, transform_indices = @transform_5, window_bounds = array<i64: 1, 2>}, {transform_indices = @transform_6, window_bounds = array<i64: 2000, 2>}]} {
    %get3A = arith.constant 0 : index
    %get3A_0 = arith.constant 0 : index
    %get3A_1 = vector.load %arg1[%get3A, %get3A_0] : memref<2000x128xf32, #tpu.memory_space<vmem>>, vector<2000x8xf32>
    %get3A_2 = arith.constant 0 : index
    %get3A_3 = arith.constant 16 : index
    %get3A_4 = vector.load %arg1[%get3A_2, %get3A_3] : memref<2000x128xf32, #tpu.memory_space<vmem>>, vector<2000x8xf32>
    %add3A = arith.addf %get3A_1, %get3A_4 : vector<2000x8xf32>
    %get3A_5 = arith.constant 0 : index
    %get3A_6 = arith.constant 0 : index
    %get3A_7 = vector.load %arg2[%get3A_5, %get3A_6] : memref<2000x16xf32, #tpu.memory_space<vmem>>, vector<2000x8xf32>
    %add3A_8 = arith.addf %add3A, %get3A_7 : vector<2000x8xf32>
    %get3A_9 = arith.constant 0 : index
    %get3A_10 = arith.constant 0 : index
    %get3A_11 = vector.load %arg3[%get3A_9, %get3A_10] : memref<2000x1xf32, #tpu.memory_space<vmem>>, vector<2000x1xf32>
    %mul3A = vector.broadcast %get3A_11 : vector<2000x1xf32> to vector<2000x8xf32>
    %mul3A_12 = arith.mulf %add3A_8, %mul3A : vector<2000x8xf32>
    %get3A_13 = arith.constant 0 : index
    %get3A_14 = arith.constant 0 : index
    %get3A_15 = vector.load %arg4[%get3A_13, %get3A_14] : memref<1x64xf32, #tpu.memory_space<vmem>>, vector<1x64xf32>
    %get3A_16 = arith.constant 0 : index
    %get3A_17 = arith.constant 0 : index
    %get3A_18 = vector.load %arg5[%get3A_16, %get3A_17] : memref<64x2xf32, #tpu.memory_space<vmem>>, vector<64x2xf32>
    %dot_general3A = arith.constant dense<0.000000e+00> : vector<1x2xf32>
    %dot_general3A_19 = tpu.matmul %get3A_15, %get3A_18, %dot_general3A {dimension_numbers = #tpu.dot_dimension_numbers<[1], [0], [0], [1], [0, 0, 1, 1], [], []>, transpose_lhs_hint = false} : vector<1x64xf32>, vector<64x2xf32>, vector<1x2xf32> -> vector<1x2xf32>
    %get3A_20 = arith.constant 0 : index
    %get3A_21 = arith.constant 0 : index
    %get3A_22 = vector.load %arg6[%get3A_20, %get3A_21] : memref<1x2xf32, #tpu.memory_space<vmem>>, vector<1x2xf32>
    %add3A_23 = arith.addf %dot_general3A_19, %get3A_22 : vector<1x2xf32>
    %slice3A = vector.extract_strided_slice %mul3A_12 {offsets = [0, 0], sizes = [2000, 2], strides = [1, 1]} : vector<2000x8xf32> to vector<2000x2xf32>
    %add3A_24 = vector.broadcast %add3A_23 : vector<1x2xf32> to vector<2000x2xf32>
    %add3A_25 = arith.addf %slice3A, %add3A_24 : vector<2000x2xf32>
    %swap3A = arith.constant 0 : index
    %swap3A_26 = arith.constant 0 : index
    %swap3A_27 = vector.load %arg7[%swap3A, %swap3A_26] : memref<2000x2xf32, #tpu.memory_space<vmem>>, vector<2000x2xf32>
    tpu.vector_store %arg7[%swap3A, %swap3A_26], %add3A_25 {strides = array<i32>} : memref<2000x2xf32, #tpu.memory_space<vmem>>, vector<2000x2xf32>,
    return
  }
  func.func @transform_0(%arg0: i32) -> (i32, i32) {
    %c0_i32 = arith.constant 0 : i32
    %c0_i32_0 = arith.constant 0 : i32
    return %arg0, %c0_i32 : i32, i32
  }
  func.func @transform_1(%arg0: i32) -> (i32, i32) {
    %c0_i32 = arith.constant 0 : i32
    %c0_i32_0 = arith.constant 0 : i32
    return %arg0, %c0_i32 : i32, i32
  }
  func.func @transform_2(%arg0: i32) -> (i32, i32) {
    %c0_i32 = arith.constant 0 : i32
    %c0_i32_0 = arith.constant 0 : i32
    return %arg0, %c0_i32 : i32, i32
  }
  func.func @transform_3(%arg0: i32) -> (i32, i32) {
    %c0_i32 = arith.constant 0 : i32
    %c0_i32_0 = arith.constant 0 : i32
    %c0_i32_1 = arith.constant 0 : i32
    return %c0_i32, %c0_i32_0 : i32, i32
  }
  func.func @transform_4(%arg0: i32) -> (i32, i32) {
    %c0_i32 = arith.constant 0 : i32
    %c0_i32_0 = arith.constant 0 : i32
    %c0_i32_1 = arith.constant 0 : i32
    return %c0_i32, %c0_i32_0 : i32, i32
  }
  func.func @transform_5(%arg0: i32) -> (i32, i32) {
    %c0_i32 = arith.constant 0 : i32
    %c0_i32_0 = arith.constant 0 : i32
    %c0_i32_1 = arith.constant 0 : i32
    return %c0_i32, %c0_i32_0 : i32, i32
  }
  func.func @transform_6(%arg0: i32) -> (i32, i32) {
    %c0_i32 = arith.constant 0 : i32
    %c0_i32_0 = arith.constant 0 : i32
    return %arg0, %c0_i32 : i32, i32
  }
}

</mosaic_0001>

<sc_bundles>
// kernel: kernel.11.cloned.1.call-start
scs
__scs_entry_jumppad:
0x0: {  	(pc) =	sbr.rel $0x88, $3  }
0x1: {  	(tag) =	ssettag $0x0;
	lr =	simm.s32 $0x1  }
0x2: {  	[smem:$0x3F99] =	sst lr;
	_ =	strace $0xD0000000  }
0x3: {  	_ = 	snop  }
0x4: {  	_ = 	snop  }
0x5: {  	_ = 	snop  }
0x6: {  	_ = 	snop  }
0x7: {  	_ = 	snop  }
__scs_overlays_trampoline_lowered:
0x8: {  	[smem:$0x3FA8] =	sst s0  }
0x9: {  	[smem:$0x3FA9] =	sst s1  }
0xa: {  	[smem:$0x3FAA] =	sst s2  }
0xb: {  	[smem:$0x3FAB] =	sst s3  }
0xc: {  	[smem:$0x3FAC] =	sst s4  }
0xd: {  	[smem:$0x3FAD] =	sst s5  }
0xe: {  	[smem:$0x3FAE] =	sst s6  }
0xf: {  	[smem:$0x3FAF] =	sst s7  }
0x10: {  	[smem:$0x3FB0] =	sst s8  }
0x11: {  	[smem:$0x3FB1] =	sst s9;
	s0 =	simm.s32 @!p0 $0x0  }
0x12: {  	s1 =	sld [smem:$0x3F97];
	s0 =	simm.s32 @p0 $0x1  }
0x13: {  	[smem:$0x3FB2] =	sst s0;
	s0 =	simm.s32 @!p1 $0x0  }
0x14: {  	s2 =	sld [smem:$0x3F96];
	s0 =	simm.s32 @p1 $0x1  }
0x15: {  	[smem:$0x3FB3] =	sst s0;
	s0 =	simm.s32 @!p2 $0x0  }
0x16: {  	s3 =	sld [smem:$0x3FDB];
	s0 =	simm.s32 @p2 $0x1  }
0x17: {  	s4 =	simm.s32 $0x1BF5;
	[smem:$0x3FB5] =	sst s0  }
0x18: {  	s0 =	sld [smem:$0x3F98];
	_ =	swait.ge [sflag:s4], $0x0  }
0x19: {  	s7 =	sld [smem:$0x3F99]  }
0x1a: {  	s8 =	sadd.s32 $0xFFFFE003, lr  }
0x1b: {  	s9 =	sadd.s32 $0xFFFFFEF7, lr;
	s5 =	simm.s32 $0xFFFFFFFF;
	p2 =	slt.u32 s8, $0xFFFFF086  }
0x1c: {  	p1 =	slt.u32 s9, $0xF7A;
	s5 =	simm.s32 @!p2 $0x0  }
0x1d: {  	s5 =	simm.s32 @p1 $0x1;
	p0 =	seq.s32 s7, s2  }
0x1e: {  	s7 =	smul.u32 @!p0 $0xF7A, s2;
	p2 =	seq.s32 @!p0 s5, $0x0  }
0x1f: {  	s9 =	smul.u32 $0xF7A, s1;
	s8 =	simm.s32 @!p0 $0x1BF5;
	p2 =	por !p2, p0  }
0x20: {  	[sflag:s8] =	ssyncset.s32 @!p0 $0xFFFFF086;
	s6 =	sadd.s32 @!p0 s3, s7;
	s7 =	simm.s32 @!p0 $0x108  }
0x21: {  	s3 =	sadd.s32 s3, s9;
	s6 =	sadd.s32 @!p0 $0x88, s6;
	s7 =	simm.s32 @p2 $0x1082  }
0x22: {  	[simem:s7], [sflag:s8] =	dma.local @!p0 [hbm:s6], $0xF7A  }
0x23: {  	s9 =	sor.u32 $0xD0000000, s2;
	s6 =	simm.s32 $0x108;
	_ =	swait.ge @!p0 [sflag:s8], $0x0  }
0x24: {  	s3 =	sadd.s32 $0x88, s3;
	s6 =	simm.s32 @!p1 $0x1082;
	[sflag:s4] =	ssyncset.s32 $0xFFFFF086  }
0x25: {  	[simem:s6], [sflag:s4] =	dma.local [hbm:s3], $0xF7A  }
0x26: {  	[smem:$0x3F99] =	sst s1;
	(tag) =	ssettag s2;
	_ =	strace s9  }
0x27: {  	s1 =	sld [smem:$0x3FA9]  }
0x28: {  	s2 =	sld [smem:$0x3FAA]  }
0x29: {  	s4 =	sld [smem:$0x3FAC]  }
0x2a: {  	p0 =	seq.s32 s5, $0x0;
	s5 =	sld [smem:$0x3FAD]  }
0x2b: {  	s6 =	sld [smem:$0x3FAE]  }
0x2c: {  	s7 =	sld [smem:$0x3FAF]  }
0x2d: {  	s3 =	simm.s32 $0x108;
	s8 =	sld [smem:$0x3FB0]  }
0x2e: {  	s3 =	simm.s32 @!p0 $0x1082;
	s9 =	sld [smem:$0x3FB1]  }
0x2f: {  	lr =	sadd.s32 s0, s3;
	s0 =	sld [smem:$0x3FA8]  }
0x30: {  	s3 =	sld [smem:$0x3FAB]  }
0x31: {  	[smem:$0x3FB4] =	sst s10  }
0x32: {  	s10 =	sld [smem:$0x3FB2];
	_ =	sdelay $0x3  }
0x33: {  	p0 =	seq.s32 s10, $0x1;
	s10 =	sld [smem:$0x3FB4];
	_ =	sdelay $0x3  }
0x34: {  	[smem:$0x3FB4] =	sst s10  }
0x35: {  	s10 =	sld [smem:$0x3FB3];
	_ =	sdelay $0x3  }
0x36: {  	p1 =	seq.s32 s10, $0x1;
	s10 =	sld [smem:$0x3FB4];
	_ =	sdelay $0x3  }
0x37: {  	[smem:$0x3FB4] =	sst s10  }
0x38: {  	s10 =	sld [smem:$0x3FB5]  }
0x39: {  	_ = 	snop;
	(pc) =	sbr.ind lr, $3  }
0x3a: {  	_ = 	snop  }
0x3b: {  	_ = 	snop  }
0x3c: {  	p2 =	seq.s32 s10, $0x1;
	s10 =	sld [smem:$0x3FB4]  }
0x3d: {  	_ =	shalt  }
0x3e: {  	_ =	shalt  }
0x3f: {  	_ =	shalt  }
0x40: {  	_ =	shalt  }
0x41: {  	_ =	shalt  }
0x42: {  	_ =	shalt  }
0x43: {  	_ =	shalt  }
0x44: {  	_ =	shalt  }
0x45: {  	_ =	shalt  }
0x46: {  	_ =	shalt  }
0x47: {  	_ =	shalt  }
0x48: {  	_ =	shalt  }
0x49: {  	_ =	shalt  }
0x4a: {  	_ =	shalt  }
0x4b: {  	_ =	shalt  }
0x4c: {  	_ =	shalt  }
0x4d: {  	_ =	shalt  }
0x4e: {  	_ =	shalt  }
0x4f: {  	_ =	shalt  }
0x50: {  	_ =	shalt  }
0x51: {  	_ =	shalt  }
0x52: {  	_ =	shalt  }
0x53: {  	_ =	shalt  }
0x54: {  	_ =	shalt  }
0x55: {  	_ =	shalt  }
0x56: {  	_ =	shalt  }
0x57: {  	_ =	shalt  }
0x58: {  	_ =	shalt  }
0x59: {  	_ =	shalt  }
0x5a: {  	_ =	shalt  }
0x5b: {  	_ =	shalt  }
0x5c: {  	_ =	shalt  }
0x5d: {  	_ =	shalt  }
0x5e: {  	_ =	shalt  }
0x5f: {  	_ =	shalt  }
0x60: {  	_ =	shalt  }
0x61: {  	_ =	shalt  }
0x62: {  	_ =	shalt  }
0x63: {  	_ =	shalt  }
0x64: {  	_ =	shalt  }
0x65: {  	_ =	shalt  }
0x66: {  	_ =	shalt  }
0x67: {  	_ =	shalt  }
0x68: {  	_ =	shalt  }
0x69: {  	_ =	shalt  }
0x6a: {  	_ =	shalt  }
0x6b: {  	_ =	shalt  }
0x6c: {  	_ =	shalt  }
0x6d: {  	_ =	shalt  }
0x6e: {  	_ =	shalt  }
0x6f: {  	_ =	shalt  }
0x70: {  	_ =	shalt  }
0x71: {  	_ =	shalt  }
0x72: {  	_ =	shalt  }
0x73: {  	_ =	shalt  }
0x74: {  	_ =	shalt  }
0x75: {  	_ =	shalt  }
0x76: {  	_ =	shalt  }
0x77: {  	_ =	shalt  }
0x78: {  	_ =	shalt  }
0x79: {  	_ =	shalt  }
0x7a: {  	_ =	shalt  }
0x7b: {  	_ =	shalt  }
0x7c: {  	_ =	shalt  }
0x7d: {  	_ =	shalt  }
0x7e: {  	_ =	shalt  }
0x7f: {  	_ =	shalt  }
0x80: {  	_ =	shalt  }
0x81: {  	_ =	shalt  }
0x82: {  	_ =	shalt  }
0x83: {  	_ =	shalt  }
0x84: {  	_ =	shalt  }
0x85: {  	_ =	shalt  }
0x86: {  	_ =	shalt  }
0x87: {  	_ =	shalt  }
.Lfunc_end0:
.L_simem_size_0:
called_computation.1_lowered:
.L_overlay_start_0:
0x88: {  	s2 =	sld [smem:$0x3FD9]  }
0x89: {  	s3 =	sld [smem:$0x3FFE];
	_ =	sdelay $0x1  }
0x8a: {  	s1 =	srdreg.scid  }
0x8b: {  	s0 =	sand.u32 $0x1, s1  }
0x8c: {  	s16 =	sshll.u32 s0, $0xA;
	s2 =	sadd.s32 s3, s2  }
0x8d: {  	s2 =	sadd.s32 s2, s16  }
0x8e: {  	[smem:$0x3FC0] =	sst s2  }
0x8f: {  	_ = 	snop  }
0x90: {  	(tm) =	ssettm $0x1  }
0x91: {  	s17 =	sld [smem:$0x3FFB];
	_ =	sdelay $0x3  }
0x92: {  	_ =	strace s17  }
0x93: {  	s2 =	sld [smem:$0x3FFC];
	_ =	sdelay $0x3  }
0x94: {  	_ =	strace s2  }
0x95: {  	s2 =	sld [smem:$0x3FFD];
	_ =	sdelay $0x3  }
0x96: {  	_ =	strace s2  }
0x97: {  	_ =	strace $0x8FFFFFFF  }
0x98: {  	s18 =	sld [smem:$0x3FDB];
	_ =	sdelay $0x1  }
0x99: {  	s19 =	simm.s32 $_scs_section_size  }
0x9a: {  	s4 =	simm.s32 $_size__tile_overlayer_lowered;
	s5 =	simm.s32 $_tile_overlayer_lowered  }
0x9b: {  	s22 =	simm.s32 $0x1BFF;
	s21 =	sshll.u32 s5, $0x1;
	s2 =	sadd.s32 s19, s18  }
0x9c: {  	s6 =	simm.s32 $0x0;
	s20 =	sshll.u32 s4, $0x1;
	s4 =	sadd.s32 s21, s2  }
0x9d: {  	[timem:s6], [sflag:s22] =	dma.local [hbm:s4], s20  }
0x9e: {  	_ =	swait.ge [sflag:s22], s20  }
0x9f: {  	s3 =	ssub.s32 $0x0, s20;
	[sflag:s22] =	ssyncset.done $0x0  }
0xa0: {  	[sflag:s22] =	ssyncadd.s32 s3;
	_ =	sdelay $0x1  }
0xa1: {  	s23 =	simm.s32 $0x1B8B  }
0xa2: {  	_ =	swait.ge [sflag:s23], $0x1  }
0xa3: {  	[sflag:s23] =	ssyncset.done $0x0  }
0xa4: {  	s25 =	simm.s32 $0x1B8E;
	s24 =	sld [smem:$0x3FFE];
	[sflag:s23] =	ssyncadd.s32 $0xFFFFFFFF  }
0xa5: {  	s26 =	simm.s32 $execute0_lowered;
	[smem:$0x3FD2] =	sst s25  }
0xa6: {  	s4 =	sshll.u32 s26, $0x1;
	_ =	strace $0x80000049;
	[dreg:$0x1] =	wrdreg $0xFFFFFFFF  }
0xa7: {  	s28 =	simm.s32 $_size_execute0_lowered;
	s2 =	sadd.s32 s2, s4;
	[dreg:$0x0] =	wrdreg $0x0  }
0xa8: {  	s4 =	sshll.u32 s28, $0x1;
	[dreg:$0x2] =	wrdreg s2  }
0xa9: {  	[dreg:$0x3] =	wrdreg s4  }
0xaa: {  	[dreg:$0x4] =	wrdreg $0xC0  }
0xab: {  	_ =	task [dreg:s6], $0x5FFFF  }
0xac: {  	[dreg:$0x1] =	wrdreg $0xFFFFFFFF  }
0xad: {  	[dreg:$0x0] =	wrdreg $0x60  }
0xae: {  	[dreg:$0x2] =	wrdreg s24  }
0xaf: {  	[dreg:$0x3] =	wrdreg $0xB2200  }
0xb0: {  	[dreg:$0x4] =	wrdreg $0x9  }
0xb1: {  	_ =	task.clear_ibuf [dreg:s6], $0x5FFFF;
	_ =	strace $0x90000049  }
0xb2: {  	s29 =	simm.s32 $0x9;
	_ =	strace $0x8000004B  }
0xb3: {  	_ =	swait.ge [sflag:s29], $0x1  }
0xb4: {  	[sflag:s29] =	ssyncadd.s32 $0xFFFFFFFF  }
0xb5: {  	_ =	strace $0x9000004B  }
0xb6: {  	_ =	sfence  }
0xb7: {  	s30 =	sld [smem:$0x0];
	_ =	sdelay $0x2  }
0xb8: {  	s31 =	sshll.u32 s1, $0xD;
	s1 =	sshrl.u32 s1, $0x2  }
0xb9: {  	s3 =	sand.u32 $0x4000, s31;
	s1 =	sadd.s32 s1, s30  }
0xba: {  	s0 =	sor.u32 s3, s0;
	s1 =	sshll.u32 s1, $0x11  }
0xbb: {  	s0 =	sor.u32 s1, s0  }
0xbc: {  	s0 =	sadd.s32 $0x8F2B, s0  }
0xbd: {  	[sflag:s0] =	ssyncadd.remote.s32 $0x1  }
0xbe: {  	_ =	sfence.sel $0xFFFF  }
0xbf: {  	[dreg:$0x0] =	wrdreg $0xFFFFFFFF;
	(pc) =	sbr.abs _section_cstart, $3  }
0xc0: {  	[dreg:$0x1] =	wrdreg $0xFFFFFFFF  }
0xc1: {  	_ =	task.clear_ibuf [dreg:s6], $0x2FFFF;
	_ =	strace $0x9FFFFFFF  }
0xc2: {  	(tm) =	ssettm $0x7FFFFFFF  }
0xc3: {  	_ =	shalt  }
tec
execute0_lowered:
.L_overlay_start_1:
0x0: {  	(tag) =	ssettag $0x1  }
0x1: {  	s0 =	srdreg.scid;
	s1 =	rddreg [dreg:$0x0]  }
0x2: {  	s9 =	stileid.u32;
	s2 =	rddreg [dreg:$0x1];
	s30 =	simm.s32 $0x4E20  }
0x3: {  	s31 =	simm.s32 $0xB;
	s0 =	sand.u32 $0x1, s0;
	s6 =	smul.u32 $0x4E000, s9  }
0x4: {  	s3 =	sshll.u32 s9, $0x1;
	s10 =	sadd.s32 $0x7A200, s1;
	s8 =	smul.u32 $0x13800, s9  }
0x5: {  	s11 =	sadd.s32 $0xA1400, s1;
	p1 =	sne.s32 s9, $0xF;
	p2 =	seq.s32 s9, $0xF  }
0x6: {  	s29 =	sadd.s32 $0x138000, s2;
	s4 =	sor.u32 s0, s3;
	s3 =	simm.s32 $0x0  }
0x7: {  	s7 =	ssub.s32 $0x2, s0;
	p0 =	seq.s32 s0, $0x1;
	[smem:$0x7FF] =	sst s3  }
0x8: {  	s25 =	sshrl.u32 s8, $0x3;
	_ =	strace $0x8000004A;
	[dreg:$0x3] =	wrdreg s10  }
0x9: {  	s6 =	sshrl.u32 s6, $0x2;
	s26 =	sadd.s32 s10, s25;
	[dreg:$0x4] =	wrdreg s11  }
0xa: {  	s6 =	sadd.s32 s6, s2;
	s0 =	sadd.s32 s11, s25;
	[dreg:$0x11] =	wrdreg s26  }
0xb: {  	s9 =	simm.s32 $0x7620;
	s12 =	sadd.s32 $0x1400, s6;
	[dreg:$0x12] =	wrdreg s0  }
0xc: {  	s4 =	smul.u32 $0x2710, s4;
	s14 =	sadd.s32 $0x2800, s6;
	[dreg:$0x5] =	wrdreg s12  }
0xd: {  	s13 =	sshrl.u32 s7, $0x1;
	s15 =	sadd.s32 $0x3C00, s6;
	[dreg:$0x6] =	wrdreg s14  }
0xe: {  	s25 =	simm.s32 $0x8;
	s16 =	sadd.s32 $0x5000, s6;
	[dreg:$0x7] =	wrdreg s15  }
0xf: {  	s10 =	simm.s32 $0x8A20;
	s17 =	sadd.s32 $0x6400, s6;
	[dreg:$0x8] =	wrdreg s16  }
0x10: {  	s11 =	simm.s32 $0x9E20;
	s18 =	sadd.s32 $0x7800, s6;
	[dreg:$0x9] =	wrdreg s17  }
0x11: {  	s4 =	sshrl.u32 s4, $0x3;
	s19 =	sadd.s32 $0x8C00, s6;
	[dreg:$0xa] =	wrdreg s18  }
0x12: {  	s20 =	sadd.s32 $0xA000, s6;
	s21 =	sadd.s32 $0xB400, s6;
	[dreg:$0xb] =	wrdreg s19  }
0x13: {  	s22 =	sadd.s32 $0xC800, s6;
	s23 =	sadd.s32 $0xDC00, s6;
	[dreg:$0xc] =	wrdreg s20  }
0x14: {  	s24 =	sadd.s32 $0xF000, s6;
	s26 =	simm.s32 $0x9;
	[dreg:$0xd] =	wrdreg s21  }
0x15: {  	s0 =	simm.s32 $0x28;
	s5 =	sadd.s32 s4, s1;
	[dreg:$0xe] =	wrdreg s22  }
0x16: {  	s4 =	sadd.s32 $0x18400, s1;
	s1 =	ssub.s32 s7, s13;
	[dreg:$0xf] =	wrdreg s23  }
0x17: {  	s7 =	sadd.s32 s8, s2;
	[dreg:$0x10] =	wrdreg s24;
	s20 =	sadd.s32 $0x10400, s6  }
.Ltmp0:
0x18: {  	s21 =	sadd.s32 $0x11800, s6;
	s22 =	sadd.s32 $0x12C00, s6;
	(pc) =	sbr.rel .LBB2_1-.Ltmp0, $4  }
0x19: {  	s6 =	simm.s32 $0xA;
	s8 =	simm.s32 $0x6220;
	s12 =	simm.s32 $0x1  }
0x1a: {  	s13 =	simm.s32 $0x2;
	s14 =	simm.s32 $0x3;
	s15 =	simm.s32 $0x4  }
0x1b: {  	s16 =	simm.s32 $0x5;
	s23 =	sadd.s32 $0x49240, s5;
	s24 =	sadd.s32 $0x3F600, s5  }
0x1c: {  	v0 =	vimm.f32 $0.0e+00;
	s28 =	smax.u32 s1, $0x1;
	s1 =	simm.s32 $0x6;
	s5 =	simm.s32 $0x7  }
.LBB2_8:
0x1d: {  	s18 =	sadd.s32 $0x27000, s18;
	s19 =	sshrl.u32 s29, $0x3  }
0x1e: {  	[hbm:s18], [sflag:s17] =	dma.local [spmem:s19], $0x100  }
0x1f: {  	_ =	swait.ge [sflag:s31], $0x100  }
0x20: {  	[sflag:s31] =	ssyncset.done $0x0  }
0x21: {  	[sflag:s31] =	ssyncadd.s32 $0xFFFFFF00  }
.LBB2_9:
0x22: {  	s3 =	sadd.s32 $0x1, s3  }
0x23: {  	p3 =	sne.s32 s3, s28  }
.Ltmp1:
0x24: {  	_ = 	snop;
	(pc) =	sbr.rel @!p3 .LBB2_10-.Ltmp1, $1  }
0x25: {  	_ =	sdelay $0x3  }
.LBB2_1:
0x26: {  	s17 =	simm.s32 $0x0;
	s18 =	simm.s32 $0x200  }
.LBB2_2:
0x27: {  	p3 =	sne.s32 s18, $0x4E00;
	[tilespmem:s17+$0x4E90] =	vst v0  }
0x28: {  	[tilespmem:s17+$0x4E20] =	vst v0  }
0x29: {  	[tilespmem:s17+$0x4E30] =	vst v0  }
.Ltmp2:
0x2a: {  	[tilespmem:s17+$0x4E40] =	vst v0;
	(pc) =	sbr.rel @p3 .LBB2_2-.Ltmp2, $4  }
0x2b: {  	[tilespmem:s17+$0x4E50] =	vst v0  }
0x2c: {  	[tilespmem:s17+$0x4E60] =	vst v0  }
0x2d: {  	[tilespmem:s17+$0x4E70] =	vst v0  }
0x2e: {  	[tilespmem:s17+$0x4E80] =	vst v0;
	s17 =	sshra.s32 s18, $0x2;
	s18 =	sadd.s32 $0x200, s18  }
0x2f: {  	[tilespmem:s17+$0x4E90] =	vst v0  }
0x30: {  	[tilespmem:s17+$0x4E20] =	vst v0  }
0x31: {  	[tilespmem:s17+$0x4E30] =	vst v0  }
0x32: {  	[tilespmem:s17+$0x4E40] =	vst v0  }
0x33: {  	[tilespmem:s17+$0x4E50] =	vst v0  }
0x34: {  	[tilespmem:s17+$0x4E60] =	vst v0  }
0x35: {  	[tilespmem:s17+$0x4E70] =	vst v0  }
0x36: {  	[tilespmem:s17+$0x4E80] =	vst v0  }
0x37: {  	[spmem:s7] =	stream.linear.scatter [tilespmem:s30], [sflag:$0x6], $0x1400, $0x38;
	[tilespmem:$0x1EAA0] =	vst v63  }
0x38: {  	s19 =	rddreg [dreg:$0x5]  }
0x39: {  	[spmem:s19] =	stream.linear.scatter [tilespmem:s30], [sflag:$0x7], $0x1400, $0x38;
	[tilespmem:$0x1EAA0] =	vst v63  }
0x3a: {  	s18 =	rddreg [dreg:$0x6]  }
0x3b: {  	[spmem:s18] =	stream.linear.scatter [tilespmem:s30], [sflag:$0x8], $0x1400, $0x38;
	[tilespmem:$0x1EAA0] =	vst v63  }
0x3c: {  	s19 =	rddreg [dreg:$0x7]  }
0x3d: {  	[spmem:s19] =	stream.linear.scatter [tilespmem:s30], [sflag:$0x9], $0x1400, $0x38;
	[tilespmem:$0x1EAA0] =	vst v63  }
0x3e: {  	s18 =	rddreg [dreg:$0x8]  }
0x3f: {  	[spmem:s18] =	stream.linear.scatter [tilespmem:s30], [sflag:$0xA], $0x1400, $0x38;
	[tilespmem:$0x1EAA0] =	vst v63  }
0x40: {  	s19 =	rddreg [dreg:$0x9]  }
0x41: {  	[spmem:s19] =	stream.linear.scatter [tilespmem:s30], [sflag:$0x6], $0x1400, $0x38;
	[tilespmem:$0x1EAA0] =	vst v63  }
0x42: {  	s18 =	rddreg [dreg:$0xa]  }
0x43: {  	[spmem:s18] =	stream.linear.scatter [tilespmem:s30], [sflag:$0x7], $0x1400, $0x38;
	[tilespmem:$0x1EAA0] =	vst v63  }
0x44: {  	s19 =	rddreg [dreg:$0xb]  }
0x45: {  	[spmem:s19] =	stream.linear.scatter [tilespmem:s30], [sflag:$0x8], $0x1400, $0x38;
	[tilespmem:$0x1EAA0] =	vst v63  }
0x46: {  	s18 =	rddreg [dreg:$0xc]  }
0x47: {  	[spmem:s18] =	stream.linear.scatter [tilespmem:s30], [sflag:$0x9], $0x1400, $0x38;
	[tilespmem:$0x1EAA0] =	vst v63  }
0x48: {  	s19 =	rddreg [dreg:$0xd]  }
0x49: {  	[spmem:s19] =	stream.linear.scatter [tilespmem:s30], [sflag:$0xA], $0x1400, $0x38;
	[tilespmem:$0x1EAA0] =	vst v63  }
0x4a: {  	s18 =	rddreg [dreg:$0xe]  }
0x4b: {  	[spmem:s18] =	stream.linear.scatter [tilespmem:s30], [sflag:$0x6], $0x1400, $0x38;
	[tilespmem:$0x1EAA0] =	vst v63  }
0x4c: {  	s19 =	rddreg [dreg:$0xf]  }
0x4d: {  	[spmem:s19] =	stream.linear.scatter [tilespmem:s30], [sflag:$0x7], $0x1400, $0x38;
	[tilespmem:$0x1EAA0] =	vst v63  }
0x4e: {  	s18 =	rddreg [dreg:$0x10]  }
0x4f: {  	[spmem:s18] =	stream.linear.scatter [tilespmem:s30], [sflag:$0x8], $0x1400, $0x38;
	[tilespmem:$0x1EAA0] =	vst v63  }
0x50: {  	_ = 	snop  }
0x51: {  	[spmem:s20] =	stream.linear.scatter [tilespmem:s30], [sflag:$0x9], $0x1400, $0x38;
	[tilespmem:$0x1EAA0] =	vst v63  }
0x52: {  	_ = 	snop  }
0x53: {  	[spmem:s21] =	stream.linear.scatter [tilespmem:s30], [sflag:$0xA], $0x1400, $0x38;
	[tilespmem:$0x1EAA0] =	vst v63  }
0x54: {  	_ = 	snop  }
0x55: {  	[spmem:s22] =	stream.linear.scatter [tilespmem:s30], [sflag:$0xB], $0xC00, $0x38;
	[tilespmem:$0x1EAA0] =	vst v63  }
0x56: {  	_ =	swait.ge [sflag:s31], $0xC00  }
0x57: {  	[sflag:s31] =	ssyncset.done $0x0  }
0x58: {  	s17 =	simm.s32 @!p1 $0x4E20;
	[sflag:s31] =	ssyncadd.s32 $0xFFFFF400  }
0x59: {  	[spmem:s29] =	stream.linear.scatter @!p1 [tilespmem:s17], [sflag:$0xB], $0x800, $0x38;
	[tilespmem:$0x1EAA0] =	vst v63  }
0x5a: {  	s17 =	simm.s32 @!p1 $0xB  }
0x5b: {  	_ =	swait.ge @!p1 [sflag:s17], $0x800  }
0x5c: {  	[sflag:s17] =	ssyncset.done @!p1 $0x0  }
0x5d: {  	s19 =	simm.s32 $0x0;
	s18 =	simm.s32 $0x2710;
	[sflag:s17] =	ssyncadd.s32 @!p1 $0xFFFFF800  }
0x5e: {  	[tilespmem:s18], [sflag:$0xB] =	stream.linear.gather [hbm4b:s23+s19], $0x2710, $0x38;
	[tilespmem:$0x1EAA0] =	vst v63  }
0x5f: {  	_ =	swait.ge [sflag:s31], $0x2710  }
0x60: {  	[sflag:s31] =	ssyncset.done $0x0  }
0x61: {  	[sflag:s31] =	ssyncadd.s32 $0xFFFFD8F0  }
0x62: {  	[tilespmem:s19], [sflag:$0xB] =	stream.linear.gather [hbm4b:s24+s19], $0x2710, $0x38;
	[tilespmem:$0x1EAA0] =	vst v63  }
0x63: {  	_ =	swait.ge [sflag:s31], $0x2710  }
0x64: {  	[sflag:s31] =	ssyncset.done $0x0  }
0x65: {  	[sflag:s31] =	ssyncadd.s32 $0xFFFFD8F0  }
0x66: {  	_ =	swait.ge [sflag:s1], $0x1400  }
0x67: {  	[sflag:s1] =	ssyncset.done $0x0  }
0x68: {  	[sflag:s1] =	ssyncadd.s32 $0xFFFFEC00  }
0x69: {  	_ =	swait.ge [sflag:s5], $0x1400  }
0x6a: {  	[sflag:s5] =	ssyncset.done $0x0  }
0x6b: {  	[sflag:s5] =	ssyncadd.s32 $0xFFFFEC00  }
0x6c: {  	_ =	swait.ge [sflag:s25], $0x1400  }
0x6d: {  	[sflag:s25] =	ssyncset.done $0x0  }
0x6e: {  	[sflag:s25] =	ssyncadd.s32 $0xFFFFEC00  }
0x6f: {  	_ =	swait.ge [sflag:s26], $0x1400  }
0x70: {  	[sflag:s26] =	ssyncset.done $0x0  }
0x71: {  	[sflag:s26] =	ssyncadd.s32 $0xFFFFEC00  }
0x72: {  	_ =	swait.ge [sflag:s6], $0x1400  }
0x73: {  	[sflag:s6] =	ssyncset.done $0x0  }
0x74: {  	[sflag:s6] =	ssyncadd.s32 $0xFFFFEC00  }
0x75: {  	_ =	swait.ge [sflag:s1], $0x1400  }
0x76: {  	[sflag:s1] =	ssyncset.done $0x0  }
0x77: {  	[sflag:s1] =	ssyncadd.s32 $0xFFFFEC00  }
0x78: {  	_ =	swait.ge [sflag:s5], $0x1400  }
0x79: {  	[sflag:s5] =	ssyncset.done $0x0  }
0x7a: {  	[sflag:s5] =	ssyncadd.s32 $0xFFFFEC00  }
0x7b: {  	_ =	swait.ge [sflag:s25], $0x1400  }
0x7c: {  	[sflag:s25] =	ssyncset.done $0x0  }
0x7d: {  	[sflag:s25] =	ssyncadd.s32 $0xFFFFEC00  }
0x7e: {  	_ =	swait.ge [sflag:s26], $0x1400  }
0x7f: {  	[sflag:s26] =	ssyncset.done $0x0  }
0x80: {  	[sflag:s26] =	ssyncadd.s32 $0xFFFFEC00  }
0x81: {  	_ =	swait.ge [sflag:s6], $0x1400  }
0x82: {  	[sflag:s6] =	ssyncset.done $0x0  }
0x83: {  	[sflag:s6] =	ssyncadd.s32 $0xFFFFEC00  }
0x84: {  	_ =	swait.ge [sflag:s1], $0x1400  }
0x85: {  	[sflag:s1] =	ssyncset.done $0x0  }
0x86: {  	[sflag:s1] =	ssyncadd.s32 $0xFFFFEC00  }
0x87: {  	_ =	swait.ge [sflag:s5], $0x1400  }
0x88: {  	[sflag:s5] =	ssyncset.done $0x0  }
0x89: {  	[sflag:s5] =	ssyncadd.s32 $0xFFFFEC00  }
0x8a: {  	_ =	swait.ge [sflag:s25], $0x1400  }
0x8b: {  	[sflag:s25] =	ssyncset.done $0x0  }
0x8c: {  	[sflag:s25] =	ssyncadd.s32 $0xFFFFEC00  }
0x8d: {  	_ =	swait.ge [sflag:s26], $0x1400  }
0x8e: {  	[sflag:s26] =	ssyncset.done $0x0  }
0x8f: {  	[sflag:s26] =	ssyncadd.s32 $0xFFFFEC00  }
0x90: {  	_ =	swait.ge [sflag:s6], $0x1400  }
0x91: {  	[sflag:s6] =	ssyncset.done $0x0  }
0x92: {  	[sflag:s6] =	ssyncadd.s32 $0xFFFFEC00  }
0x93: {  	[bflag:$0x0] =	sbarrier.arrive $0xFFFF  }
0x94: {  	[tilespmem:s30], [sflag:$0x1] =	stream.indirect.gather [hbm4b:s4+s0], $0x80, s19, s0, $0xb8;
	[tilespmem:$0x1EAA0] =	vst v63  }
0x95: {  	_ = 	snop  }
0x96: {  	[tilespmem:s8], [sflag:$0x2] =	stream.indirect.gather [hbm4b:s4+s0], $0x80, s0, s0, $0xb8;
	[tilespmem:$0x1EAA0] =	vst v63  }
0x97: {  	s18 =	simm.s32 $0x50  }
0x98: {  	[tilespmem:s9], [sflag:$0x3] =	stream.indirect.gather [hbm4b:s4+s0], $0x80, s18, s0, $0xb8;
	[tilespmem:$0x1EAA0] =	vst v63  }
0x99: {  	s19 =	simm.s32 $0x78  }
0x9a: {  	[tilespmem:s10], [sflag:$0x4] =	stream.indirect.gather [hbm4b:s4+s0], $0x80, s19, s0, $0xb8;
	[tilespmem:$0x1EAA0] =	vst v63  }
0x9b: {  	s18 =	simm.s32 $0xA0  }
0x9c: {  	[tilespmem:s11], [sflag:$0x5] =	stream.indirect.gather [hbm4b:s4+s0], $0x80, s18, s0, $0xb8;
	[tilespmem:$0x1EAA0] =	vst v63  }
0x9d: {  	_ =	swait.ge [sflag:s12], $0x1400  }
0x9e: {  	[sflag:s12] =	ssyncset.done $0x0  }
0x9f: {  	s19 =	simm.s32 $0x2710;
	[sflag:s12] =	ssyncadd.s32 $0xFFFFEC00  }
0xa0: {  	[spmem:s2] =	stream.indirect.scatter.add.f32 [tilespmem:s30], [sflag:$0x6], $0x80, s19, s0, $0xb8;
	[tilespmem:$0x1EAA0] =	vst v63  }
0xa1: {  	_ =	swait.ge [sflag:s1], $0x1400  }
0xa2: {  	[sflag:s1] =	ssyncset.done $0x0  }
0xa3: {  	s18 =	simm.s32 $0xC8;
	[sflag:s1] =	ssyncadd.s32 $0xFFFFEC00  }
0xa4: {  	[tilespmem:s30], [sflag:$0x1] =	stream.indirect.gather [hbm4b:s4+s0], $0x80, s18, s0, $0xb8;
	[tilespmem:$0x1EAA0] =	vst v63  }
0xa5: {  	_ =	swait.ge [sflag:s13], $0x1400  }
0xa6: {  	[sflag:s13] =	ssyncset.done $0x0  }
0xa7: {  	s19 =	simm.s32 $0x2738;
	[sflag:s13] =	ssyncadd.s32 $0xFFFFEC00  }
0xa8: {  	[spmem:s2] =	stream.indirect.scatter.add.f32 [tilespmem:s8], [sflag:$0x7], $0x80, s19, s0, $0xb8;
	[tilespmem:$0x1EAA0] =	vst v63  }
0xa9: {  	_ =	swait.ge [sflag:s5], $0x1400  }
0xaa: {  	[sflag:s5] =	ssyncset.done $0x0  }
0xab: {  	s18 =	simm.s32 $0xF0;
	[sflag:s5] =	ssyncadd.s32 $0xFFFFEC00  }
0xac: {  	[tilespmem:s8], [sflag:$0x2] =	stream.indirect.gather [hbm4b:s4+s0], $0x80, s18, s0, $0xb8;
	[tilespmem:$0x1EAA0] =	vst v63  }
0xad: {  	_ =	swait.ge [sflag:s14], $0x1400  }
0xae: {  	[sflag:s14] =	ssyncset.done $0x0  }
0xaf: {  	s19 =	simm.s32 $0x2760;
	[sflag:s14] =	ssyncadd.s32 $0xFFFFEC00  }
0xb0: {  	[spmem:s2] =	stream.indirect.scatter.add.f32 [tilespmem:s9], [sflag:$0x8], $0x80, s19, s0, $0xb8;
	[tilespmem:$0x1EAA0] =	vst v63  }
0xb1: {  	_ =	swait.ge [sflag:s25], $0x1400  }
0xb2: {  	[sflag:s25] =	ssyncset.done $0x0  }
0xb3: {  	s18 =	simm.s32 $0x118;
	[sflag:s25] =	ssyncadd.s32 $0xFFFFEC00  }
0xb4: {  	[tilespmem:s9], [sflag:$0x3] =	stream.indirect.gather [hbm4b:s4+s0], $0x80, s18, s0, $0xb8;
	[tilespmem:$0x1EAA0] =	vst v63  }
0xb5: {  	_ =	swait.ge [sflag:s15], $0x1400  }
0xb6: {  	[sflag:s15] =	ssyncset.done $0x0  }
0xb7: {  	s19 =	simm.s32 $0x2788;
	[sflag:s15] =	ssyncadd.s32 $0xFFFFEC00  }
0xb8: {  	[spmem:s2] =	stream.indirect.scatter.add.f32 [tilespmem:s10], [sflag:$0x9], $0x80, s19, s0, $0xb8;
	[tilespmem:$0x1EAA0] =	vst v63  }
0xb9: {  	_ =	swait.ge [sflag:s26], $0x1400  }
0xba: {  	[sflag:s26] =	ssyncset.done $0x0  }
0xbb: {  	s18 =	simm.s32 $0x140;
	[sflag:s26] =	ssyncadd.s32 $0xFFFFEC00  }
0xbc: {  	[tilespmem:s10], [sflag:$0x4] =	stream.indirect.gather [hbm4b:s4+s0], $0x80, s18, s0, $0xb8;
	[tilespmem:$0x1EAA0] =	vst v63  }
0xbd: {  	_ =	swait.ge [sflag:s16], $0x1400  }
0xbe: {  	[sflag:s16] =	ssyncset.done $0x0  }
0xbf: {  	s19 =	simm.s32 $0x27B0;
	[sflag:s16] =	ssyncadd.s32 $0xFFFFEC00  }
0xc0: {  	[spmem:s2] =	stream.indirect.scatter.add.f32 [tilespmem:s11], [sflag:$0xA], $0x80, s19, s0, $0xb8;
	[tilespmem:$0x1EAA0] =	vst v63  }
0xc1: {  	_ =	swait.ge [sflag:s6], $0x1400  }
0xc2: {  	[sflag:s6] =	ssyncset.done $0x0  }
0xc3: {  	s17 =	simm.s32 $0x320;
	s18 =	simm.s32 $0x168;
	[sflag:s6] =	ssyncadd.s32 $0xFFFFEC00  }
.LBB2_4:
0xc4: {  	[tilespmem:s11], [sflag:$0x5] =	stream.indirect.gather [hbm4b:s4+s0], $0x80, s18, s0, $0xb8;
	[tilespmem:$0x1EAA0] =	vst v63  }
0xc5: {  	s18 =	smov.u32 s17  }
0xc6: {  	p3 =	sne.s32 s17, $0x9600;
	s17 =	sadd.s32 $0x320, s17;
	_ =	swait.ge [sflag:s12], $0x1400  }
0xc7: {  	s18 =	sshra.s32 s18, $0x2;
	[sflag:s12] =	ssyncset.done $0x0  }
0xc8: {  	s19 =	sadd.s32 $0x2710, s18;
	[sflag:s12] =	ssyncadd.s32 $0xFFFFEC00  }
0xc9: {  	[spmem:s2] =	stream.indirect.scatter.add.f32 [tilespmem:s30], [sflag:$0x6], $0x80, s19, s0, $0xb8;
	[tilespmem:$0x1EAA0] =	vst v63  }
0xca: {  	_ =	swait.ge [sflag:s1], $0x1400  }
0xcb: {  	[sflag:s1] =	ssyncset.done $0x0  }
0xcc: {  	s19 =	sadd.s32 $0xC8, s18;
	[sflag:s1] =	ssyncadd.s32 $0xFFFFEC00  }
0xcd: {  	[tilespmem:s30], [sflag:$0x1] =	stream.indirect.gather [hbm4b:s4+s0], $0x80, s19, s0, $0xb8;
	[tilespmem:$0x1EAA0] =	vst v63  }
0xce: {  	_ =	swait.ge [sflag:s13], $0x1400  }
0xcf: {  	[sflag:s13] =	ssyncset.done $0x0  }
0xd0: {  	s19 =	sadd.s32 $0x2738, s18;
	[sflag:s13] =	ssyncadd.s32 $0xFFFFEC00  }
0xd1: {  	[spmem:s2] =	stream.indirect.scatter.add.f32 [tilespmem:s8], [sflag:$0x7], $0x80, s19, s0, $0xb8;
	[tilespmem:$0x1EAA0] =	vst v63  }
0xd2: {  	_ =	swait.ge [sflag:s5], $0x1400  }
0xd3: {  	[sflag:s5] =	ssyncset.done $0x0  }
0xd4: {  	s19 =	sadd.s32 $0xF0, s18;
	[sflag:s5] =	ssyncadd.s32 $0xFFFFEC00  }
0xd5: {  	[tilespmem:s8], [sflag:$0x2] =	stream.indirect.gather [hbm4b:s4+s0], $0x80, s19, s0, $0xb8;
	[tilespmem:$0x1EAA0] =	vst v63  }
0xd6: {  	_ =	swait.ge [sflag:s14], $0x1400  }
0xd7: {  	[sflag:s14] =	ssyncset.done $0x0  }
0xd8: {  	s19 =	sadd.s32 $0x2760, s18;
	[sflag:s14] =	ssyncadd.s32 $0xFFFFEC00  }
0xd9: {  	[spmem:s2] =	stream.indirect.scatter.add.f32 [tilespmem:s9], [sflag:$0x8], $0x80, s19, s0, $0xb8;
	[tilespmem:$0x1EAA0] =	vst v63  }
0xda: {  	_ =	swait.ge [sflag:s25], $0x1400  }
0xdb: {  	[sflag:s25] =	ssyncset.done $0x0  }
0xdc: {  	s19 =	sadd.s32 $0x118, s18;
	[sflag:s25] =	ssyncadd.s32 $0xFFFFEC00  }
0xdd: {  	[tilespmem:s9], [sflag:$0x3] =	stream.indirect.gather [hbm4b:s4+s0], $0x80, s19, s0, $0xb8;
	[tilespmem:$0x1EAA0] =	vst v63  }
0xde: {  	_ =	swait.ge [sflag:s15], $0x1400  }
0xdf: {  	[sflag:s15] =	ssyncset.done $0x0  }
0xe0: {  	s19 =	sadd.s32 $0x2788, s18;
	[sflag:s15] =	ssyncadd.s32 $0xFFFFEC00  }
0xe1: {  	[spmem:s2] =	stream.indirect.scatter.add.f32 [tilespmem:s10], [sflag:$0x9], $0x80, s19, s0, $0xb8;
	[tilespmem:$0x1EAA0] =	vst v63  }
0xe2: {  	_ =	swait.ge [sflag:s26], $0x1400  }
0xe3: {  	[sflag:s26] =	ssyncset.done $0x0  }
0xe4: {  	s19 =	sadd.s32 $0x140, s18;
	[sflag:s26] =	ssyncadd.s32 $0xFFFFEC00  }
0xe5: {  	[tilespmem:s10], [sflag:$0x4] =	stream.indirect.gather [hbm4b:s4+s0], $0x80, s19, s0, $0xb8;
	[tilespmem:$0x1EAA0] =	vst v63  }
0xe6: {  	_ =	swait.ge [sflag:s16], $0x1400  }
0xe7: {  	[sflag:s16] =	ssyncset.done $0x0  }
.Ltmp3:
0xe8: {  	s19 =	sadd.s32 $0x27B0, s18;
	[sflag:s16] =	ssyncadd.s32 $0xFFFFEC00;
	(pc) =	sbr.rel @p3 .LBB2_4-.Ltmp3, $4  }
0xe9: {  	[spmem:s2] =	stream.indirect.scatter.add.f32 [tilespmem:s11], [sflag:$0xA], $0x80, s19, s0, $0xb8;
	[tilespmem:$0x1EAA0] =	vst v63  }
0xea: {  	_ =	swait.ge [sflag:s6], $0x1400  }
0xeb: {  	[sflag:s6] =	ssyncset.done $0x0  }
0xec: {  	s18 =	sadd.s32 $0x168, s18;
	[sflag:s6] =	ssyncadd.s32 $0xFFFFEC00  }
0xed: {  	[tilespmem:s11], [sflag:$0x5] =	stream.indirect.gather [hbm4b:s4+s0], $0x80, s18, s0, $0xb8;
	[tilespmem:$0x1EAA0] =	vst v63  }
0xee: {  	_ =	swait.ge [sflag:s12], $0x1400  }
0xef: {  	[sflag:s12] =	ssyncset.done $0x0  }
0xf0: {  	s17 =	simm.s32 $0x4D58;
	[sflag:s12] =	ssyncadd.s32 $0xFFFFEC00  }
0xf1: {  	[spmem:s2] =	stream.indirect.scatter.add.f32 [tilespmem:s30], [sflag:$0x6], $0x80, s17, s0, $0xb8;
	[tilespmem:$0x1EAA0] =	vst v63  }
0xf2: {  	_ =	swait.ge [sflag:s13], $0x1400  }
0xf3: {  	[sflag:s13] =	ssyncset.done $0x0  }
0xf4: {  	s19 =	simm.s32 $0x4D80;
	[sflag:s13] =	ssyncadd.s32 $0xFFFFEC00  }
0xf5: {  	[spmem:s2] =	stream.indirect.scatter.add.f32 [tilespmem:s8], [sflag:$0x7], $0x80, s19, s0, $0xb8;
	[tilespmem:$0x1EAA0] =	vst v63  }
0xf6: {  	_ =	swait.ge [sflag:s14], $0x1400  }
0xf7: {  	[sflag:s14] =	ssyncset.done $0x0  }
0xf8: {  	s18 =	simm.s32 $0x4DA8;
	[sflag:s14] =	ssyncadd.s32 $0xFFFFEC00  }
0xf9: {  	[spmem:s2] =	stream.indirect.scatter.add.f32 [tilespmem:s9], [sflag:$0x8], $0x80, s18, s0, $0xb8;
	[tilespmem:$0x1EAA0] =	vst v63  }
0xfa: {  	_ =	swait.ge [sflag:s15], $0x1400  }
0xfb: {  	[sflag:s15] =	ssyncset.done $0x0  }
0xfc: {  	s19 =	simm.s32 $0x4DD0;
	[sflag:s15] =	ssyncadd.s32 $0xFFFFEC00  }
0xfd: {  	[spmem:s2] =	stream.indirect.scatter.add.f32 [tilespmem:s10], [sflag:$0x9], $0x80, s19, s0, $0xb8;
	[tilespmem:$0x1EAA0] =	vst v63  }
0xfe: {  	_ =	swait.ge [sflag:s16], $0x1400  }
0xff: {  	[sflag:s16] =	ssyncset.done $0x0  }
0x100: {  	s18 =	simm.s32 $0x4DF8;
	[sflag:s16] =	ssyncadd.s32 $0xFFFFEC00  }
0x101: {  	[spmem:s2] =	stream.indirect.scatter.add.f32 [tilespmem:s11], [sflag:$0xA], $0x80, s18, s0, $0xb8;
	[tilespmem:$0x1EAA0] =	vst v63  }
0x102: {  	_ =	swait.ge [sflag:s1], $0x1400  }
0x103: {  	[sflag:s1] =	ssyncset.done $0x0  }
0x104: {  	[sflag:s1] =	ssyncadd.s32 $0xFFFFEC00  }
0x105: {  	_ =	swait.ge [sflag:s5], $0x1400  }
0x106: {  	[sflag:s5] =	ssyncset.done $0x0  }
0x107: {  	[sflag:s5] =	ssyncadd.s32 $0xFFFFEC00  }
0x108: {  	_ =	swait.ge [sflag:s25], $0x1400  }
0x109: {  	[sflag:s25] =	ssyncset.done $0x0  }
0x10a: {  	[sflag:s25] =	ssyncadd.s32 $0xFFFFEC00  }
0x10b: {  	_ =	swait.ge [sflag:s26], $0x1400  }
0x10c: {  	[sflag:s26] =	ssyncset.done $0x0  }
0x10d: {  	[sflag:s26] =	ssyncadd.s32 $0xFFFFEC00  }
.Ltmp4:
0x10e: {  	_ =	swait.ge [sflag:s6], $0x1400;
	(pc) =	sbr.rel @!p0 .LBB2_6-.Ltmp4, $4  }
0x10f: {  	[sflag:s6] =	ssyncset.done $0x0  }
0x110: {  	s19 =	stileid.u32;
	[sflag:s6] =	ssyncadd.s32 $0xFFFFEC00  }
0x111: {  	s19 =	sshll.u32 s19, $0x6;
	[bflag:$0x0] =	sbarrier.arrive $0xFFFF  }
0x112: {  	s17 =	sor.u32 $0x1C0B, s19;
	s18 =	sshrl.u32 s7, $0x3  }
0x113: {  	s17 =	sor.u32 $0x1C0B, s19;
	s19 =	rddreg [dreg:$0x12]  }
0x114: {  	[hbm:s19], [sflag:s17] =	dma.local [spmem:s18], $0x2700  }
.Ltmp5:
0x115: {  	_ = 	snop;
	(pc) =	sbr.rel @p1 .LBB2_9-.Ltmp5, $4  }
.Ltmp6:
0x116: {  	_ = 	snop;
	(pc) =	sbr.rel @!p1 .LBB2_8-.Ltmp6, $4  }
0x117: {  	_ =	swait.ge [sflag:s31], $0x2700  }
0x118: {  	[sflag:s31] =	ssyncset.done $0x0  }
0x119: {  	s18 =	rddreg [dreg:$0x4];
	[sflag:s31] =	ssyncadd.s32 $0xFFFFD900  }
0x11a: {  	_ = 	snop  }
.LBB2_6:
0x11b: {  	s19 =	rddreg [dreg:$0x11]  }
0x11c: {  	[hbm:s19], [sflag:s17] =	dma.local [spmem:s18], $0x2700  }
.Ltmp7:
0x11d: {  	_ = 	snop;
	(pc) =	sbr.rel @p2 .LBB2_8-.Ltmp7, $4  }
.Ltmp8:
0x11e: {  	_ = 	snop;
	(pc) =	sbr.rel @!p2 .LBB2_9-.Ltmp8, $4  }
0x11f: {  	_ =	swait.ge [sflag:s31], $0x2700  }
0x120: {  	[sflag:s31] =	ssyncset.done $0x0  }
0x121: {  	s18 =	rddreg [dreg:$0x3];
	[sflag:s31] =	ssyncadd.s32 $0xFFFFD900  }
0x122: {  	_ = 	snop  }
.LBB2_10:
0x123: {  	_ =	sfence.sel $0x180000  }
0x124: {  	[bflag:$0x0] =	sbarrier.arrive $0xFFFF  }
0x125: {  	_ =	strace $0x9000004A  }
0x126: {  	s0 =	stileid.u32;
	[bflag:$0x2] =	sbarrier.arrive $0xFFFF  }
0x127: {  	p0 =	sne.s32 s0, $0x0;
	s0 =	rddreg [dreg:$0x2]  }
0x128: {  	s0 =	sadd.s32 @!p0 $0x100000, s0  }
0x129: {  	[sflag:s0] =	ssyncadd.tile.s32 @!p0 $0x1;
	_ =	shalt  }
.Lfunc_end2:
_tile_overlayer_lowered:
.L_overlay_start_2:
0x12a: {  	(tag) =	ssettag $0x2  }
0x12b: {  	s0 =	rddreg [dreg:$0x0];
	s2 =	stileid.u32  }
0x12c: {  	s1 =	rddreg [dreg:$0x1];
	p0 =	sne.s32 s2, $0x0  }
0x12d: {  	s3 =	rddreg [dreg:$0x2];
	[bflag:$0x3] =	sbarrier.arrive $0xFFFF;
	s2 =	simm.s32 @!p0 $0x1C0B  }
0x12e: {  	[timem:s3], [sflag:s2] =	dma.local @!p0 [hbm:s0], s1  }
0x12f: {  	s0 =	simm.s32 @!p0 $0xB  }
0x130: {  	_ =	swait.ge @!p0 [sflag:s0], s1  }
0x131: {  	s1 =	ssub.s32 @!p0 $0x0, s1;
	[sflag:s0] =	ssyncset.done @!p0 $0x0  }
0x132: {  	[sflag:s0] =	ssyncadd.s32 @!p0 s1  }
0x133: {  	[bflag:$0x3] =	sbarrier.arrive $0xFFFF  }
0x134: {  	_ =	shalt  }

// kernel: kernel.14.cloned.1.call-start
scs
__scs_entry_jumppad:
0x0: {  	(pc) =	sbr.rel $0x88, $3  }
0x1: {  	(tag) =	ssettag $0x0;
	lr =	simm.s32 $0x1  }
0x2: {  	[smem:$0x3F99] =	sst lr;
	_ =	strace $0xD0000000  }
0x3: {  	_ = 	snop  }
0x4: {  	_ = 	snop  }
0x5: {  	_ = 	snop  }
0x6: {  	_ = 	snop  }
0x7: {  	_ = 	snop  }
__scs_overlays_trampoline_lowered:
0x8: {  	[smem:$0x3FA8] =	sst s0  }
0x9: {  	[smem:$0x3FA9] =	sst s1  }
0xa: {  	[smem:$0x3FAA] =	sst s2  }
0xb: {  	[smem:$0x3FAB] =	sst s3  }
0xc: {  	[smem:$0x3FAC] =	sst s4  }
0xd: {  	[smem:$0x3FAD] =	sst s5  }
0xe: {  	[smem:$0x3FAE] =	sst s6  }
0xf: {  	[smem:$0x3FAF] =	sst s7  }
0x10: {  	[smem:$0x3FB0] =	sst s8  }
0x11: {  	[smem:$0x3FB1] =	sst s9;
	s0 =	simm.s32 @!p0 $0x0  }
0x12: {  	s1 =	sld [smem:$0x3F97];
	s0 =	simm.s32 @p0 $0x1  }
0x13: {  	[smem:$0x3FB2] =	sst s0;
	s0 =	simm.s32 @!p1 $0x0  }
0x14: {  	s2 =	sld [smem:$0x3F96];
	s0 =	simm.s32 @p1 $0x1  }
0x15: {  	[smem:$0x3FB3] =	sst s0;
	s0 =	simm.s32 @!p2 $0x0  }
0x16: {  	s3 =	sld [smem:$0x3FDB];
	s0 =	simm.s32 @p2 $0x1  }
0x17: {  	s4 =	simm.s32 $0x1BF5;
	[smem:$0x3FB5] =	sst s0  }
0x18: {  	s0 =	sld [smem:$0x3F98];
	_ =	swait.ge [sflag:s4], $0x0  }
0x19: {  	s7 =	sld [smem:$0x3F99]  }
0x1a: {  	s8 =	sadd.s32 $0xFFFFE003, lr  }
0x1b: {  	s9 =	sadd.s32 $0xFFFFFEF7, lr;
	s5 =	simm.s32 $0xFFFFFFFF;
	p2 =	slt.u32 s8, $0xFFFFF086  }
0x1c: {  	p1 =	slt.u32 s9, $0xF7A;
	s5 =	simm.s32 @!p2 $0x0  }
0x1d: {  	s5 =	simm.s32 @p1 $0x1;
	p0 =	seq.s32 s7, s2  }
0x1e: {  	s7 =	smul.u32 @!p0 $0xF7A, s2;
	p2 =	seq.s32 @!p0 s5, $0x0  }
0x1f: {  	s9 =	smul.u32 $0xF7A, s1;
	s8 =	simm.s32 @!p0 $0x1BF5;
	p2 =	por !p2, p0  }
0x20: {  	[sflag:s8] =	ssyncset.s32 @!p0 $0xFFFFF086;
	s6 =	sadd.s32 @!p0 s3, s7;
	s7 =	simm.s32 @!p0 $0x108  }
0x21: {  	s3 =	sadd.s32 s3, s9;
	s6 =	sadd.s32 @!p0 $0x88, s6;
	s7 =	simm.s32 @p2 $0x1082  }
0x22: {  	[simem:s7], [sflag:s8] =	dma.local @!p0 [hbm:s6], $0xF7A  }
0x23: {  	s9 =	sor.u32 $0xD0000000, s2;
	s6 =	simm.s32 $0x108;
	_ =	swait.ge @!p0 [sflag:s8], $0x0  }
0x24: {  	s3 =	sadd.s32 $0x88, s3;
	s6 =	simm.s32 @!p1 $0x1082;
	[sflag:s4] =	ssyncset.s32 $0xFFFFF086  }
0x25: {  	[simem:s6], [sflag:s4] =	dma.local [hbm:s3], $0xF7A  }
0x26: {  	[smem:$0x3F99] =	sst s1;
	(tag) =	ssettag s2;
	_ =	strace s9  }
0x27: {  	s1 =	sld [smem:$0x3FA9]  }
0x28: {  	s2 =	sld [smem:$0x3FAA]  }
0x29: {  	s4 =	sld [smem:$0x3FAC]  }
0x2a: {  	p0 =	seq.s32 s5, $0x0;
	s5 =	sld [smem:$0x3FAD]  }
0x2b: {  	s6 =	sld [smem:$0x3FAE]  }
0x2c: {  	s7 =	sld [smem:$0x3FAF]  }
0x2d: {  	s3 =	simm.s32 $0x108;
	s8 =	sld [smem:$0x3FB0]  }
0x2e: {  	s3 =	simm.s32 @!p0 $0x1082;
	s9 =	sld [smem:$0x3FB1]  }
0x2f: {  	lr =	sadd.s32 s0, s3;
	s0 =	sld [smem:$0x3FA8]  }
0x30: {  	s3 =	sld [smem:$0x3FAB]  }
0x31: {  	[smem:$0x3FB4] =	sst s10  }
0x32: {  	s10 =	sld [smem:$0x3FB2];
	_ =	sdelay $0x3  }
0x33: {  	p0 =	seq.s32 s10, $0x1;
	s10 =	sld [smem:$0x3FB4];
	_ =	sdelay $0x3  }
0x34: {  	[smem:$0x3FB4] =	sst s10  }
0x35: {  	s10 =	sld [smem:$0x3FB3];
	_ =	sdelay $0x3  }
0x36: {  	p1 =	seq.s32 s10, $0x1;
	s10 =	sld [smem:$0x3FB4];
	_ =	sdelay $0x3  }
0x37: {  	[smem:$0x3FB4] =	sst s10  }
0x38: {  	s10 =	sld [smem:$0x3FB5]  }
0x39: {  	_ = 	snop;
	(pc) =	sbr.ind lr, $3  }
0x3a: {  	_ = 	snop  }
0x3b: {  	_ = 	snop  }
0x3c: {  	p2 =	seq.s32 s10, $0x1;
	s10 =	sld [smem:$0x3FB4]  }
0x3d: {  	_ =	shalt  }
0x3e: {  	_ =	shalt  }
0x3f: {  	_ =	shalt  }
0x40: {  	_ =	shalt  }
0x41: {  	_ =	shalt  }
0x42: {  	_ =	shalt  }
0x43: {  	_ =	shalt  }
0x44: {  	_ =	shalt  }
0x45: {  	_ =	shalt  }
0x46: {  	_ =	shalt  }
0x47: {  	_ =	shalt  }
0x48: {  	_ =	shalt  }
0x49: {  	_ =	shalt  }
0x4a: {  	_ =	shalt  }
0x4b: {  	_ =	shalt  }
0x4c: {  	_ =	shalt  }
0x4d: {  	_ =	shalt  }
0x4e: {  	_ =	shalt  }
0x4f: {  	_ =	shalt  }
0x50: {  	_ =	shalt  }
0x51: {  	_ =	shalt  }
0x52: {  	_ =	shalt  }
0x53: {  	_ =	shalt  }
0x54: {  	_ =	shalt  }
0x55: {  	_ =	shalt  }
0x56: {  	_ =	shalt  }
0x57: {  	_ =	shalt  }
0x58: {  	_ =	shalt  }
0x59: {  	_ =	shalt  }
0x5a: {  	_ =	shalt  }
0x5b: {  	_ =	shalt  }
0x5c: {  	_ =	shalt  }
0x5d: {  	_ =	shalt  }
0x5e: {  	_ =	shalt  }
0x5f: {  	_ =	shalt  }
0x60: {  	_ =	shalt  }
0x61: {  	_ =	shalt  }
0x62: {  	_ =	shalt  }
0x63: {  	_ =	shalt  }
0x64: {  	_ =	shalt  }
0x65: {  	_ =	shalt  }
0x66: {  	_ =	shalt  }
0x67: {  	_ =	shalt  }
0x68: {  	_ =	shalt  }
0x69: {  	_ =	shalt  }
0x6a: {  	_ =	shalt  }
0x6b: {  	_ =	shalt  }
0x6c: {  	_ =	shalt  }
0x6d: {  	_ =	shalt  }
0x6e: {  	_ =	shalt  }
0x6f: {  	_ =	shalt  }
0x70: {  	_ =	shalt  }
0x71: {  	_ =	shalt  }
0x72: {  	_ =	shalt  }
0x73: {  	_ =	shalt  }
0x74: {  	_ =	shalt  }
0x75: {  	_ =	shalt  }
0x76: {  	_ =	shalt  }
0x77: {  	_ =	shalt  }
0x78: {  	_ =	shalt  }
0x79: {  	_ =	shalt  }
0x7a: {  	_ =	shalt  }
0x7b: {  	_ =	shalt  }
0x7c: {  	_ =	shalt  }
0x7d: {  	_ =	shalt  }
0x7e: {  	_ =	shalt  }
0x7f: {  	_ =	shalt  }
0x80: {  	_ =	shalt  }
0x81: {  	_ =	shalt  }
0x82: {  	_ =	shalt  }
0x83: {  	_ =	shalt  }
0x84: {  	_ =	shalt  }
0x85: {  	_ =	shalt  }
0x86: {  	_ =	shalt  }
0x87: {  	_ =	shalt  }
.Lfunc_end0:
.L_simem_size_0:
called_computation.2_lowered:
.L_overlay_start_0:
0x88: {  	s2 =	sld [smem:$0x3FD9]  }
0x89: {  	s3 =	sld [smem:$0x3FFE];
	_ =	sdelay $0x1  }
0x8a: {  	s1 =	srdreg.scid  }
0x8b: {  	s0 =	sand.u32 $0x1, s1  }
0x8c: {  	s16 =	sshll.u32 s0, $0xA;
	s2 =	sadd.s32 s3, s2  }
0x8d: {  	s2 =	sadd.s32 s2, s16  }
0x8e: {  	[smem:$0x3FC0] =	sst s2  }
0x8f: {  	_ = 	snop  }
0x90: {  	(tm) =	ssettm $0x1  }
0x91: {  	s17 =	sld [smem:$0x3FFB];
	_ =	sdelay $0x3  }
0x92: {  	_ =	strace s17  }
0x93: {  	s2 =	sld [smem:$0x3FFC];
	_ =	sdelay $0x3  }
0x94: {  	_ =	strace s2  }
0x95: {  	s2 =	sld [smem:$0x3FFD];
	_ =	sdelay $0x3  }
0x96: {  	_ =	strace s2  }
0x97: {  	_ =	strace $0x8FFFFFFF  }
0x98: {  	s18 =	sld [smem:$0x3FDB];
	_ =	sdelay $0x1  }
0x99: {  	s19 =	simm.s32 $_scs_section_size  }
0x9a: {  	s4 =	simm.s32 $_size__tile_overlayer_lowered;
	s5 =	simm.s32 $_tile_overlayer_lowered  }
0x9b: {  	s22 =	simm.s32 $0x1BFF;
	s21 =	sshll.u32 s5, $0x1;
	s2 =	sadd.s32 s19, s18  }
0x9c: {  	s6 =	simm.s32 $0x0;
	s20 =	sshll.u32 s4, $0x1;
	s4 =	sadd.s32 s21, s2  }
0x9d: {  	[timem:s6], [sflag:s22] =	dma.local [hbm:s4], s20  }
0x9e: {  	_ =	swait.ge [sflag:s22], s20  }
0x9f: {  	s3 =	ssub.s32 $0x0, s20;
	[sflag:s22] =	ssyncset.done $0x0  }
0xa0: {  	[sflag:s22] =	ssyncadd.s32 s3;
	_ =	sdelay $0x1  }
0xa1: {  	s23 =	simm.s32 $0x1B8B  }
0xa2: {  	_ =	swait.ge [sflag:s23], $0x1  }
0xa3: {  	[sflag:s23] =	ssyncset.done $0x0  }
0xa4: {  	s25 =	simm.s32 $0x1B8E;
	s24 =	sld [smem:$0x3FFE];
	[sflag:s23] =	ssyncadd.s32 $0xFFFFFFFF  }
0xa5: {  	s26 =	simm.s32 $execute0_lowered;
	[smem:$0x3FD2] =	sst s25  }
0xa6: {  	s4 =	sshll.u32 s26, $0x1;
	_ =	strace $0x8000004C;
	[dreg:$0x1] =	wrdreg $0xFFFFFFFF  }
0xa7: {  	s28 =	simm.s32 $_size_execute0_lowered;
	s2 =	sadd.s32 s2, s4;
	[dreg:$0x0] =	wrdreg $0x0  }
0xa8: {  	s4 =	sshll.u32 s28, $0x1;
	[dreg:$0x2] =	wrdreg s2  }
0xa9: {  	[dreg:$0x3] =	wrdreg s4  }
0xaa: {  	[dreg:$0x4] =	wrdreg $0xC0  }
0xab: {  	_ =	task [dreg:s6], $0x5FFFF  }
0xac: {  	[dreg:$0x1] =	wrdreg $0xFFFFFFFF  }
0xad: {  	[dreg:$0x0] =	wrdreg $0x60  }
0xae: {  	[dreg:$0x2] =	wrdreg s24  }
0xaf: {  	[dreg:$0x3] =	wrdreg $0x8FC00  }
0xb0: {  	[dreg:$0x4] =	wrdreg $0x9  }
0xb1: {  	_ =	task.clear_ibuf [dreg:s6], $0x5FFFF;
	_ =	strace $0x9000004C  }
0xb2: {  	s29 =	simm.s32 $0x9;
	_ =	strace $0x8000004E  }
0xb3: {  	_ =	swait.ge [sflag:s29], $0x1  }
0xb4: {  	[sflag:s29] =	ssyncadd.s32 $0xFFFFFFFF  }
0xb5: {  	_ =	strace $0x9000004E  }
0xb6: {  	_ =	sfence  }
0xb7: {  	s30 =	sld [smem:$0x0];
	_ =	sdelay $0x2  }
0xb8: {  	s31 =	sshll.u32 s1, $0xD;
	s1 =	sshrl.u32 s1, $0x2  }
0xb9: {  	s3 =	sand.u32 $0x4000, s31;
	s1 =	sadd.s32 s1, s30  }
0xba: {  	s0 =	sor.u32 s3, s0;
	s1 =	sshll.u32 s1, $0x11  }
0xbb: {  	s0 =	sor.u32 s1, s0  }
0xbc: {  	s0 =	sadd.s32 $0x8F2B, s0  }
0xbd: {  	[sflag:s0] =	ssyncadd.remote.s32 $0x1  }
0xbe: {  	_ =	sfence.sel $0xFFFF  }
0xbf: {  	[dreg:$0x0] =	wrdreg $0xFFFFFFFF;
	(pc) =	sbr.abs _section_cstart, $3  }
0xc0: {  	[dreg:$0x1] =	wrdreg $0xFFFFFFFF  }
0xc1: {  	_ =	task.clear_ibuf [dreg:s6], $0x2FFFF;
	_ =	strace $0x9FFFFFFF  }
0xc2: {  	(tm) =	ssettm $0x7FFFFFFF  }
0xc3: {  	_ =	shalt  }
tec
execute0_lowered:
.L_overlay_start_1:
0x0: {  	(tag) =	ssettag $0x1  }
0x1: {  	s0 =	srdreg.scid;
	s5 =	rddreg [dreg:$0x0]  }
0x2: {  	s10 =	stileid.u32;
	s2 =	rddreg [dreg:$0x1];
	s3 =	simm.s32 $0x0  }
0x3: {  	s28 =	simm.s32 $0xF;
	s29 =	simm.s32 $0x10;
	s30 =	simm.s32 $0x64  }
0x4: {  	s31 =	simm.s32 $0x8980;
	s11 =	simm.s32 $0x13;
	s0 =	sand.u32 $0x1, s0  }
0x5: {  	s1 =	sshll.u32 s10, $0x1;
	[smem:$0x7FF] =	sst s3;
	s6 =	smul.u32 $0x9C00, s10  }
0x6: {  	s7 =	smul.u32 $0x2700, s10;
	s4 =	sadd.s32 $0x18400, s5;
	s20 =	sadd.s32 $0x27000, s2  }
0x7: {  	s23 =	sadd.s32 $0x44400, s5;
	s25 =	sadd.s32 $0x44402, s5;
	p1 =	sne.s32 s10, $0xF  }
0x8: {  	p2 =	seq.s32 s10, $0xF;
	_ =	strace $0x8000004D;
	[dreg:$0xa] =	wrdreg s20  }
0x9: {  	s1 =	sor.u32 s0, s1;
	s8 =	ssub.s32 $0x2, s0;
	[dreg:$0xe] =	wrdreg s23  }
0xa: {  	p0 =	seq.s32 s0, $0x1;
	[dreg:$0x10] =	wrdreg s25;
	s20 =	simm.s32 $0x5140  }
0xb: {  	s23 =	simm.s32 $0xC;
	s25 =	simm.s32 $0xD;
	s7 =	sadd.s32 s7, s5  }
0xc: {  	s0 =	simm.s32 $0x8340;
	s1 =	smul.u32 $0x28A0, s1;
	s22 =	sadd.s32 $0x1D400, s7  }
0xd: {  	s6 =	sshrl.u32 s6, $0x2;
	s24 =	sadd.s32 $0x1D402, s7;
	[dreg:$0xd] =	wrdreg s22  }
0xe: {  	s9 =	sshrl.u32 s8, $0x1;
	s12 =	sadd.s32 s6, s2;
	[dreg:$0xf] =	wrdreg s24  }
0xf: {  	s13 =	ssub.s32 s8, s9;
	s14 =	sadd.s32 $0x640, s12;
	[dreg:$0x3] =	wrdreg s12  }
0x10: {  	s6 =	simm.s32 $0x7;
	s15 =	sadd.s32 $0xC80, s12;
	[dreg:$0x4] =	wrdreg s14  }
0x11: {  	s7 =	simm.s32 $0x9;
	s16 =	sadd.s32 $0x12C0, s12;
	[dreg:$0x5] =	wrdreg s15  }
0x12: {  	s8 =	simm.s32 $0xA;
	s17 =	sadd.s32 $0x1900, s12;
	[dreg:$0x6] =	wrdreg s16  }
0x13: {  	s1 =	sshrl.u32 s1, $0x3;
	s18 =	sadd.s32 $0x1F40, s12;
	[dreg:$0x7] =	wrdreg s17  }
0x14: {  	s19 =	sadd.s32 $0x2580, s12;
	s26 =	smax.u32 s13, $0x1;
	[dreg:$0x8] =	wrdreg s18  }
0x15: {  	s22 =	simm.s32 $0x3;
	s13 =	simm.s32 $0x14;
	[dreg:$0x9] =	wrdreg s19  }
.Ltmp0:
0x16: {  	s1 =	sadd.s32 s1, s5;
	[dreg:$0x11] =	wrdreg s26;
	(pc) =	sbr.rel .LBB2_1-.Ltmp0, $4  }
0x17: {  	s19 =	simm.s32 $0xB;
	s26 =	simm.s32 $0xE;
	s15 =	simm.s32 $0x5DC0  }
0x18: {  	s18 =	simm.s32 $0x6A40;
	s16 =	simm.s32 $0x76C0;
	s21 =	sadd.s32 $0xE080, s1  }
0x19: {  	s17 =	simm.s32 $0x5;
	s1 =	sadd.s32 $0x3E00, s1;
	[dreg:$0xb] =	wrdreg s21  }
0x1a: {  	v0 =	vimm.f32 $0.0e+00;
	[dreg:$0xc] =	wrdreg s1;
	s21 =	simm.s32 $0x15;
	s1 =	simm.s32 $0x1  }
.LBB2_9:
0x1b: {  	s10 =	rddreg [dreg:$0xa]  }
0x1c: {  	s14 =	simm.s32 $0x2;
	s10 =	sshrl.u32 s10, $0x3  }
0x1d: {  	[hbm:s9@s29], [sflag:s5] =	dma.strided [spmem:s10@s14], $0x20, s1, $0x2   }
0x1e: {  	_ =	swait.ge [sflag:s21], $0x20  }
0x1f: {  	[sflag:s21] =	ssyncset.done $0x0  }
0x20: {  	[sflag:s21] =	ssyncadd.s32 $0xFFFFFFE0  }
.LBB2_10:
0x21: {  	s3 =	sadd.s32 $0x1, s3;
	s5 =	rddreg [dreg:$0x11]  }
0x22: {  	p3 =	sne.s32 s3, s5  }
.Ltmp1:
0x23: {  	_ = 	snop;
	(pc) =	sbr.rel @!p3 .LBB2_11-.Ltmp1, $1  }
0x24: {  	_ =	sdelay $0x3  }
.LBB2_1:
0x25: {  	s5 =	simm.s32 $0x40;
	s9 =	simm.s32 $0x0  }
.LBB2_2:
0x26: {  	p3 =	sne.s32 s5, $0x18C0;
	[tilespmem:s9+$0x5140] =	vst v0;
	s9 =	smov.u32 s5;
	s5 =	sadd.s32 $0x40, s5  }
.Ltmp2:
0x27: {  	(pc) =	sbr.rel @p3 .LBB2_2-.Ltmp2, $2  }
0x28: {  	_ =	sdelay $0x2  }
0x29: {  	s9 =	sshra.s32 s9, $0x2  }
0x2a: {  	[tilespmem:s9+$0x5140] =	vst v0  }
0x2b: {  	[spmem:s12] =	stream.linear.scatter [tilespmem:s20], [sflag:$0xB], $0x640, $0x38;
	[tilespmem:$0xB6D0] =	vst v63  }
0x2c: {  	s5 =	rddreg [dreg:$0x4]  }
0x2d: {  	[spmem:s5] =	stream.linear.scatter [tilespmem:s20], [sflag:$0xC], $0x640, $0x38;
	[tilespmem:$0xB6D0] =	vst v63  }
0x2e: {  	s9 =	rddreg [dreg:$0x5]  }
0x2f: {  	[spmem:s9] =	stream.linear.scatter [tilespmem:s20], [sflag:$0xD], $0x640, $0x38;
	[tilespmem:$0xB6D0] =	vst v63  }
0x30: {  	s10 =	rddreg [dreg:$0x6]  }
0x31: {  	[spmem:s10] =	stream.linear.scatter [tilespmem:s20], [sflag:$0xE], $0x640, $0x38;
	[tilespmem:$0xB6D0] =	vst v63  }
0x32: {  	s12 =	rddreg [dreg:$0x7]  }
0x33: {  	[spmem:s12] =	stream.linear.scatter [tilespmem:s20], [sflag:$0xF], $0x640, $0x38;
	[tilespmem:$0xB6D0] =	vst v63  }
0x34: {  	s14 =	rddreg [dreg:$0x8]  }
0x35: {  	[spmem:s14] =	stream.linear.scatter [tilespmem:s20], [sflag:$0x10], $0x640, $0x38;
	[tilespmem:$0xB6D0] =	vst v63  }
0x36: {  	s24 =	rddreg [dreg:$0x9]  }
0x37: {  	[spmem:s24] =	stream.linear.scatter [tilespmem:s20], [sflag:$0x15], $0x180, $0x38;
	[tilespmem:$0xB6D0] =	vst v63  }
0x38: {  	_ =	swait.ge [sflag:s21], $0x180  }
0x39: {  	[sflag:s21] =	ssyncset.done $0x0  }
0x3a: {  	s5 =	simm.s32 @!p1 $0x5140;
	s9 =	rddreg [dreg:$0xa];
	[sflag:s21] =	ssyncadd.s32 $0xFFFFFE80  }
0x3b: {  	[spmem:s9] =	stream.linear.scatter @!p1 [tilespmem:s5], [sflag:$0x15], $0x100, $0x38;
	[tilespmem:$0xB6D0] =	vst v63  }
0x3c: {  	s5 =	simm.s32 @!p1 $0x15  }
0x3d: {  	_ =	swait.ge @!p1 [sflag:s5], $0x100  }
0x3e: {  	s10 =	simm.s32 $0x28A0;
	[sflag:s5] =	ssyncset.done @!p1 $0x0  }
0x3f: {  	s14 =	simm.s32 $0x0;
	s9 =	rddreg [dreg:$0xb];
	[sflag:s5] =	ssyncadd.s32 @!p1 $0xFFFFFF00  }
0x40: {  	[tilespmem:s10], [sflag:$0x15] =	stream.linear.gather [hbm4b:s9+s14], $0x28A0, $0x38;
	[tilespmem:$0xB6D0] =	vst v63  }
0x41: {  	_ =	swait.ge [sflag:s21], $0x28A0  }
0x42: {  	[sflag:s21] =	ssyncset.done $0x0  }
0x43: {  	s12 =	rddreg [dreg:$0xc];
	[sflag:s21] =	ssyncadd.s32 $0xFFFFD760  }
0x44: {  	[tilespmem:s14], [sflag:$0x15] =	stream.linear.gather [hbm4b:s12+s14], $0x28A0, $0x38;
	[tilespmem:$0xB6D0] =	vst v63  }
0x45: {  	_ =	swait.ge [sflag:s21], $0x28A0  }
0x46: {  	[sflag:s21] =	ssyncset.done $0x0  }
0x47: {  	[sflag:s21] =	ssyncadd.s32 $0xFFFFD760  }
0x48: {  	_ =	swait.ge [sflag:s19], $0x640  }
0x49: {  	[sflag:s19] =	ssyncset.done $0x0  }
0x4a: {  	[sflag:s19] =	ssyncadd.s32 $0xFFFFF9C0  }
0x4b: {  	_ =	swait.ge [sflag:s23], $0x640  }
0x4c: {  	[sflag:s23] =	ssyncset.done $0x0  }
0x4d: {  	[sflag:s23] =	ssyncadd.s32 $0xFFFFF9C0  }
0x4e: {  	_ =	swait.ge [sflag:s25], $0x640  }
0x4f: {  	[sflag:s25] =	ssyncset.done $0x0  }
0x50: {  	[sflag:s25] =	ssyncadd.s32 $0xFFFFF9C0  }
0x51: {  	_ =	swait.ge [sflag:s26], $0x640  }
0x52: {  	[sflag:s26] =	ssyncset.done $0x0  }
0x53: {  	[sflag:s26] =	ssyncadd.s32 $0xFFFFF9C0  }
0x54: {  	_ =	swait.ge [sflag:s28], $0x640  }
0x55: {  	[sflag:s28] =	ssyncset.done $0x0  }
0x56: {  	[sflag:s28] =	ssyncadd.s32 $0xFFFFF9C0  }
0x57: {  	_ =	swait.ge [sflag:s29], $0x640  }
0x58: {  	[sflag:s29] =	ssyncset.done $0x0  }
0x59: {  	[sflag:s29] =	ssyncadd.s32 $0xFFFFF9C0  }
0x5a: {  	[bflag:$0x0] =	sbarrier.arrive $0xFFFF  }
0x5b: {  	[tilespmem:s20], [sflag:$0x1] =	stream.indirect.gather [hbm4b:s4+s30], $0x10, s14, s30, $0xb8;
	[tilespmem:$0xB6D0] =	vst v63  }
0x5c: {  	s24 =	simm.s32 $0x5780;
	s23 =	simm.s32 $0x68  }
0x5d: {  	[tilespmem:s24], [sflag:$0x2] =	stream.indirect.gather [hbm4b:s4+s30], $0x10, s23, s30, $0xb8;
	[tilespmem:$0xB6D0] =	vst v63  }
0x5e: {  	s9 =	simm.s32 $0xD0  }
0x5f: {  	[tilespmem:s15], [sflag:$0x3] =	stream.indirect.gather [hbm4b:s4+s30], $0x10, s9, s30, $0xb8;
	[tilespmem:$0xB6D0] =	vst v63  }
0x60: {  	s10 =	simm.s32 $0x138;
	s12 =	simm.s32 $0x6400  }
0x61: {  	[tilespmem:s12], [sflag:$0x4] =	stream.indirect.gather [hbm4b:s4+s30], $0x10, s10, s30, $0xb8;
	[tilespmem:$0xB6D0] =	vst v63  }
0x62: {  	s19 =	simm.s32 $0x1A0  }
0x63: {  	[tilespmem:s18], [sflag:$0x5] =	stream.indirect.gather [hbm4b:s4+s30], $0x10, s19, s30, $0xb8;
	[tilespmem:$0xB6D0] =	vst v63  }
0x64: {  	s23 =	simm.s32 $0x208;
	s24 =	simm.s32 $0x7080  }
0x65: {  	[tilespmem:s24], [sflag:$0x6] =	stream.indirect.gather [hbm4b:s4+s30], $0x10, s23, s30, $0xb8;
	[tilespmem:$0xB6D0] =	vst v63  }
0x66: {  	s10 =	simm.s32 $0x270  }
0x67: {  	[tilespmem:s16], [sflag:$0x7] =	stream.indirect.gather [hbm4b:s4+s30], $0x10, s10, s30, $0xb8;
	[tilespmem:$0xB6D0] =	vst v63  }
0x68: {  	s12 =	simm.s32 $0x2D8;
	s19 =	simm.s32 $0x7D00  }
0x69: {  	[tilespmem:s19], [sflag:$0x8] =	stream.indirect.gather [hbm4b:s4+s30], $0x10, s12, s30, $0xb8;
	[tilespmem:$0xB6D0] =	vst v63  }
0x6a: {  	s23 =	simm.s32 $0x340  }
0x6b: {  	[tilespmem:s0], [sflag:$0x9] =	stream.indirect.gather [hbm4b:s4+s30], $0x10, s23, s30, $0xb8;
	[tilespmem:$0xB6D0] =	vst v63  }
0x6c: {  	s24 =	simm.s32 $0x3A8  }
0x6d: {  	[tilespmem:s31], [sflag:$0xA] =	stream.indirect.gather [hbm4b:s4+s30], $0x10, s24, s30, $0xb8;
	[tilespmem:$0xB6D0] =	vst v63  }
.LBB2_4:
0x6e: {  	_ =	swait.ge [sflag:s1], $0x640  }
0x6f: {  	s19 =	sshra.s32 s14, $0x2;
	[sflag:s1] =	ssyncset.done $0x0  }
0x70: {  	p3 =	seq.s32 s14, $0x9240;
	s5 =	sadd.s32 $0x28A0, s19;
	[sflag:s1] =	ssyncadd.s32 $0xFFFFF9C0  }
0x71: {  	[spmem:s2] =	stream.indirect.scatter.add.f32 [tilespmem:s20], [sflag:$0xB], $0x10, s5, s30, $0xb8;
	[tilespmem:$0xB6D0] =	vst v63  }
0x72: {  	s5 =	simm.s32 @p3 $0x2  }
0x73: {  	_ =	swait.ge @p3 [sflag:s5], $0x640  }
0x74: {  	s10 =	sshra.s32 @p3 s14, $0x2;
	s12 =	simm.s32 @p3 $0x5780;
	[sflag:s5] =	ssyncset.done @p3 $0x0  }
0x75: {  	s9 =	sadd.s32 @p3 $0x2908, s10;
	[sflag:s5] =	ssyncadd.s32 @p3 $0xFFFFF9C0;
	s5 =	simm.s32 @p3 $0x64  }
0x76: {  	[spmem:s2] =	stream.indirect.scatter.add.f32 @p3 [tilespmem:s12], [sflag:$0xC], $0x10, s9, s5, $0xb8;
	[tilespmem:$0xB6D0] =	vst v63  }
0x77: {  	s9 =	simm.s32 @!p3 $0xB  }
0x78: {  	_ =	swait.ge @!p3 [sflag:s9], $0x640  }
0x79: {  	s24 =	simm.s32 @!p3 $0x5140;
	s12 =	sshra.s32 @!p3 s14, $0x2;
	[sflag:s9] =	ssyncset.done @!p3 $0x0  }
0x7a: {  	s23 =	sadd.s32 @!p3 $0x410, s12;
	[sflag:s9] =	ssyncadd.s32 @!p3 $0xFFFFF9C0;
	s9 =	simm.s32 @!p3 $0x64  }
0x7b: {  	[tilespmem:s24], [sflag:$0x1] =	stream.indirect.gather @!p3 [hbm4b:s4+s9], $0x10, s23, s9, $0xb8;
	[tilespmem:$0xB6D0] =	vst v63  }
0x7c: {  	s23 =	simm.s32 @!p3 $0x2  }
0x7d: {  	_ =	swait.ge @!p3 [sflag:s23], $0x640  }
0x7e: {  	[sflag:s23] =	ssyncset.done @!p3 $0x0  }
0x7f: {  	s24 =	simm.s32 @!p3 $0x5780;
	[sflag:s23] =	ssyncadd.s32 @!p3 $0xFFFFF9C0;
	s23 =	sadd.s32 @!p3 $0x2908, s12  }
0x80: {  	[spmem:s2] =	stream.indirect.scatter.add.f32 @!p3 [tilespmem:s24], [sflag:$0xC], $0x10, s23, s9, $0xb8;
	[tilespmem:$0xB6D0] =	vst v63  }
0x81: {  	s23 =	simm.s32 @!p3 $0xC  }
0x82: {  	_ =	swait.ge @!p3 [sflag:s23], $0x640  }
0x83: {  	[sflag:s23] =	ssyncset.done @!p3 $0x0  }
0x84: {  	[sflag:s23] =	ssyncadd.s32 @!p3 $0xFFFFF9C0;
	s23 =	sadd.s32 @!p3 $0x478, s12  }
0x85: {  	[tilespmem:s24], [sflag:$0x2] =	stream.indirect.gather @!p3 [hbm4b:s4+s9], $0x10, s23, s9, $0xb8;
	[tilespmem:$0xB6D0] =	vst v63  }
0x86: {  	_ =	swait.ge [sflag:s22], $0x640  }
0x87: {  	[sflag:s22] =	ssyncset.done $0x0  }
0x88: {  	s24 =	sadd.s32 $0x2970, s19;
	s23 =	simm.s32 @p3 $0x4;
	[sflag:s22] =	ssyncadd.s32 $0xFFFFF9C0  }
0x89: {  	[spmem:s2] =	stream.indirect.scatter.add.f32 [tilespmem:s15], [sflag:$0xD], $0x10, s24, s30, $0xb8;
	[tilespmem:$0xB6D0] =	vst v63  }
0x8a: {  	_ =	swait.ge @p3 [sflag:s23], $0x640  }
0x8b: {  	[sflag:s23] =	ssyncset.done @p3 $0x0  }
0x8c: {  	s24 =	simm.s32 @p3 $0x6400;
	[sflag:s23] =	ssyncadd.s32 @p3 $0xFFFFF9C0;
	s23 =	sadd.s32 @p3 $0x29D8, s10  }
0x8d: {  	[spmem:s2] =	stream.indirect.scatter.add.f32 @p3 [tilespmem:s24], [sflag:$0xE], $0x10, s23, s5, $0xb8;
	[tilespmem:$0xB6D0] =	vst v63  }
0x8e: {  	s23 =	simm.s32 @!p3 $0xD  }
0x8f: {  	_ =	swait.ge @!p3 [sflag:s23], $0x640  }
0x90: {  	[sflag:s23] =	ssyncset.done @!p3 $0x0  }
0x91: {  	s24 =	simm.s32 @!p3 $0x5DC0;
	[sflag:s23] =	ssyncadd.s32 @!p3 $0xFFFFF9C0;
	s23 =	sadd.s32 @!p3 $0x4E0, s12  }
0x92: {  	[tilespmem:s24], [sflag:$0x3] =	stream.indirect.gather @!p3 [hbm4b:s4+s9], $0x10, s23, s9, $0xb8;
	[tilespmem:$0xB6D0] =	vst v63  }
0x93: {  	s23 =	simm.s32 @!p3 $0x4  }
0x94: {  	_ =	swait.ge @!p3 [sflag:s23], $0x640  }
0x95: {  	[sflag:s23] =	ssyncset.done @!p3 $0x0  }
0x96: {  	s24 =	simm.s32 @!p3 $0x6400;
	[sflag:s23] =	ssyncadd.s32 @!p3 $0xFFFFF9C0;
	s23 =	sadd.s32 @!p3 $0x29D8, s12  }
0x97: {  	[spmem:s2] =	stream.indirect.scatter.add.f32 @!p3 [tilespmem:s24], [sflag:$0xE], $0x10, s23, s9, $0xb8;
	[tilespmem:$0xB6D0] =	vst v63  }
0x98: {  	s23 =	simm.s32 @!p3 $0xE  }
0x99: {  	_ =	swait.ge @!p3 [sflag:s23], $0x640  }
0x9a: {  	[sflag:s23] =	ssyncset.done @!p3 $0x0  }
0x9b: {  	[sflag:s23] =	ssyncadd.s32 @!p3 $0xFFFFF9C0;
	s23 =	sadd.s32 @!p3 $0x548, s12  }
0x9c: {  	[tilespmem:s24], [sflag:$0x4] =	stream.indirect.gather @!p3 [hbm4b:s4+s9], $0x10, s23, s9, $0xb8;
	[tilespmem:$0xB6D0] =	vst v63  }
0x9d: {  	_ =	swait.ge [sflag:s17], $0x640  }
0x9e: {  	[sflag:s17] =	ssyncset.done $0x0  }
0x9f: {  	s24 =	sadd.s32 $0x2A40, s19;
	s23 =	simm.s32 @p3 $0x6;
	[sflag:s17] =	ssyncadd.s32 $0xFFFFF9C0  }
0xa0: {  	[spmem:s2] =	stream.indirect.scatter.add.f32 [tilespmem:s18], [sflag:$0xF], $0x10, s24, s30, $0xb8;
	[tilespmem:$0xB6D0] =	vst v63  }
0xa1: {  	_ =	swait.ge @p3 [sflag:s23], $0x640  }
0xa2: {  	[sflag:s23] =	ssyncset.done @p3 $0x0  }
0xa3: {  	s24 =	simm.s32 @p3 $0x7080;
	[sflag:s23] =	ssyncadd.s32 @p3 $0xFFFFF9C0;
	s23 =	sadd.s32 @p3 $0x2AA8, s10  }
0xa4: {  	[spmem:s2] =	stream.indirect.scatter.add.f32 @p3 [tilespmem:s24], [sflag:$0x10], $0x10, s23, s5, $0xb8;
	[tilespmem:$0xB6D0] =	vst v63  }
0xa5: {  	s23 =	simm.s32 @!p3 $0xF  }
0xa6: {  	_ =	swait.ge @!p3 [sflag:s23], $0x640  }
0xa7: {  	[sflag:s23] =	ssyncset.done @!p3 $0x0  }
0xa8: {  	s24 =	simm.s32 @!p3 $0x6A40;
	[sflag:s23] =	ssyncadd.s32 @!p3 $0xFFFFF9C0;
	s23 =	sadd.s32 @!p3 $0x5B0, s12  }
0xa9: {  	[tilespmem:s24], [sflag:$0x5] =	stream.indirect.gather @!p3 [hbm4b:s4+s9], $0x10, s23, s9, $0xb8;
	[tilespmem:$0xB6D0] =	vst v63  }
0xaa: {  	s23 =	simm.s32 @!p3 $0x6  }
0xab: {  	_ =	swait.ge @!p3 [sflag:s23], $0x640  }
0xac: {  	[sflag:s23] =	ssyncset.done @!p3 $0x0  }
0xad: {  	s24 =	simm.s32 @!p3 $0x7080;
	[sflag:s23] =	ssyncadd.s32 @!p3 $0xFFFFF9C0;
	s23 =	sadd.s32 @!p3 $0x2AA8, s12  }
0xae: {  	[spmem:s2] =	stream.indirect.scatter.add.f32 @!p3 [tilespmem:s24], [sflag:$0x10], $0x10, s23, s9, $0xb8;
	[tilespmem:$0xB6D0] =	vst v63  }
0xaf: {  	s23 =	simm.s32 @!p3 $0x10  }
0xb0: {  	_ =	swait.ge @!p3 [sflag:s23], $0x640  }
0xb1: {  	[sflag:s23] =	ssyncset.done @!p3 $0x0  }
0xb2: {  	[sflag:s23] =	ssyncadd.s32 @!p3 $0xFFFFF9C0;
	s23 =	sadd.s32 @!p3 $0x618, s12  }
0xb3: {  	[tilespmem:s24], [sflag:$0x6] =	stream.indirect.gather @!p3 [hbm4b:s4+s9], $0x10, s23, s9, $0xb8;
	[tilespmem:$0xB6D0] =	vst v63  }
0xb4: {  	_ =	swait.ge [sflag:s6], $0x640  }
0xb5: {  	[sflag:s6] =	ssyncset.done $0x0  }
0xb6: {  	s24 =	sadd.s32 $0x2B10, s19;
	s23 =	simm.s32 @p3 $0x8;
	[sflag:s6] =	ssyncadd.s32 $0xFFFFF9C0  }
0xb7: {  	[spmem:s2] =	stream.indirect.scatter.add.f32 [tilespmem:s16], [sflag:$0x11], $0x10, s24, s30, $0xb8;
	[tilespmem:$0xB6D0] =	vst v63  }
0xb8: {  	_ =	swait.ge @p3 [sflag:s23], $0x640  }
0xb9: {  	[sflag:s23] =	ssyncset.done @p3 $0x0  }
0xba: {  	s10 =	sadd.s32 @p3 $0x2B78, s10;
	[sflag:s23] =	ssyncadd.s32 @p3 $0xFFFFF9C0;
	s23 =	simm.s32 @p3 $0x7D00  }
0xbb: {  	[spmem:s2] =	stream.indirect.scatter.add.f32 @p3 [tilespmem:s23], [sflag:$0x12], $0x10, s10, s5, $0xb8;
	[tilespmem:$0xB6D0] =	vst v63  }
0xbc: {  	s5 =	simm.s32 @!p3 $0x11  }
0xbd: {  	_ =	swait.ge @!p3 [sflag:s5], $0x640  }
0xbe: {  	[sflag:s5] =	ssyncset.done @!p3 $0x0  }
0xbf: {  	s10 =	simm.s32 @!p3 $0x76C0;
	[sflag:s5] =	ssyncadd.s32 @!p3 $0xFFFFF9C0;
	s5 =	sadd.s32 @!p3 $0x680, s12  }
0xc0: {  	[tilespmem:s10], [sflag:$0x7] =	stream.indirect.gather @!p3 [hbm4b:s4+s9], $0x10, s5, s9, $0xb8;
	[tilespmem:$0xB6D0] =	vst v63  }
0xc1: {  	s5 =	simm.s32 @!p3 $0x8  }
0xc2: {  	_ =	swait.ge @!p3 [sflag:s5], $0x640  }
0xc3: {  	[sflag:s5] =	ssyncset.done @!p3 $0x0  }
0xc4: {  	s10 =	simm.s32 @!p3 $0x7D00;
	[sflag:s5] =	ssyncadd.s32 @!p3 $0xFFFFF9C0;
	s5 =	sadd.s32 @!p3 $0x2B78, s12  }
0xc5: {  	[spmem:s2] =	stream.indirect.scatter.add.f32 @!p3 [tilespmem:s10], [sflag:$0x12], $0x10, s5, s9, $0xb8;
	[tilespmem:$0xB6D0] =	vst v63  }
0xc6: {  	s5 =	simm.s32 @!p3 $0x12  }
0xc7: {  	_ =	swait.ge @!p3 [sflag:s5], $0x640  }
0xc8: {  	[sflag:s5] =	ssyncset.done @!p3 $0x0  }
0xc9: {  	[sflag:s5] =	ssyncadd.s32 @!p3 $0xFFFFF9C0;
	s5 =	sadd.s32 @!p3 $0x6E8, s12  }
0xca: {  	[tilespmem:s10], [sflag:$0x8] =	stream.indirect.gather @!p3 [hbm4b:s4+s9], $0x10, s5, s9, $0xb8;
	[tilespmem:$0xB6D0] =	vst v63  }
.Ltmp3:
0xcb: {  	_ = 	snop;
	(pc) =	sbr.rel @p3 .LBB2_6-.Ltmp3, $4  }
0xcc: {  	_ =	swait.ge [sflag:s7], $0x640  }
0xcd: {  	[sflag:s7] =	ssyncset.done $0x0  }
0xce: {  	s24 =	sadd.s32 $0x2BE0, s19;
	s5 =	sadd.s32 $0x2C48, s19;
	[sflag:s7] =	ssyncadd.s32 $0xFFFFF9C0  }
0xcf: {  	[spmem:s2] =	stream.indirect.scatter.add.f32 [tilespmem:s0], [sflag:$0x13], $0x10, s24, s30, $0xb8;
	[tilespmem:$0xB6D0] =	vst v63  }
0xd0: {  	_ =	swait.ge [sflag:s11], $0x640  }
0xd1: {  	[sflag:s11] =	ssyncset.done $0x0  }
0xd2: {  	s9 =	sadd.s32 $0x750, s19;
	[sflag:s11] =	ssyncadd.s32 $0xFFFFF9C0  }
0xd3: {  	[tilespmem:s0], [sflag:$0x9] =	stream.indirect.gather [hbm4b:s4+s30], $0x10, s9, s30, $0xb8;
	[tilespmem:$0xB6D0] =	vst v63  }
0xd4: {  	_ =	swait.ge [sflag:s8], $0x640  }
0xd5: {  	[sflag:s8] =	ssyncset.done $0x0  }
0xd6: {  	[sflag:s8] =	ssyncadd.s32 $0xFFFFF9C0  }
0xd7: {  	[spmem:s2] =	stream.indirect.scatter.add.f32 [tilespmem:s31], [sflag:$0x14], $0x10, s5, s30, $0xb8;
	[tilespmem:$0xB6D0] =	vst v63  }
.Ltmp4:
0xd8: {  	_ = 	snop;
	(pc) =	sbr.rel .LBB2_4-.Ltmp4, $4  }
0xd9: {  	_ =	swait.ge [sflag:s13], $0x640  }
0xda: {  	[sflag:s13] =	ssyncset.done $0x0  }
0xdb: {  	s24 =	sadd.s32 $0x7B8, s19;
	s14 =	sadd.s32 $0x1040, s14;
	[sflag:s13] =	ssyncadd.s32 $0xFFFFF9C0  }
0xdc: {  	[tilespmem:s31], [sflag:$0xA] =	stream.indirect.gather [hbm4b:s4+s30], $0x10, s24, s30, $0xb8;
	[tilespmem:$0xB6D0] =	vst v63  }
.LBB2_6:
0xdd: {  	_ =	swait.ge [sflag:s8], $0x640  }
0xde: {  	[sflag:s8] =	ssyncset.done $0x0  }
0xdf: {  	s19 =	simm.s32 $0xB;
	[sflag:s8] =	ssyncadd.s32 $0xFFFFF9C0  }
0xe0: {  	[spmem:s2] =	stream.indirect.scatter.add.f32 [tilespmem:s31], [sflag:$0x14], $0x10, s5, s30, $0xb8;
	[tilespmem:$0xB6D0] =	vst v63  }
0xe1: {  	_ =	swait.ge [sflag:s19], $0x640  }
0xe2: {  	[sflag:s19] =	ssyncset.done $0x0  }
0xe3: {  	s23 =	simm.s32 $0xC;
	[sflag:s19] =	ssyncadd.s32 $0xFFFFF9C0  }
0xe4: {  	_ =	swait.ge [sflag:s23], $0x640  }
0xe5: {  	[sflag:s23] =	ssyncset.done $0x0  }
0xe6: {  	[sflag:s23] =	ssyncadd.s32 $0xFFFFF9C0  }
0xe7: {  	_ =	swait.ge [sflag:s25], $0x640  }
0xe8: {  	[sflag:s25] =	ssyncset.done $0x0  }
0xe9: {  	[sflag:s25] =	ssyncadd.s32 $0xFFFFF9C0  }
0xea: {  	_ =	swait.ge [sflag:s26], $0x640  }
0xeb: {  	[sflag:s26] =	ssyncset.done $0x0  }
0xec: {  	[sflag:s26] =	ssyncadd.s32 $0xFFFFF9C0  }
0xed: {  	_ =	swait.ge [sflag:s28], $0x640  }
0xee: {  	[sflag:s28] =	ssyncset.done $0x0  }
0xef: {  	[sflag:s28] =	ssyncadd.s32 $0xFFFFF9C0  }
0xf0: {  	_ =	swait.ge [sflag:s29], $0x640  }
0xf1: {  	[sflag:s29] =	ssyncset.done $0x0  }
0xf2: {  	s12 =	simm.s32 $0x11;
	[sflag:s29] =	ssyncadd.s32 $0xFFFFF9C0  }
0xf3: {  	_ =	swait.ge [sflag:s12], $0x640  }
0xf4: {  	[sflag:s12] =	ssyncset.done $0x0  }
0xf5: {  	s14 =	simm.s32 $0x12;
	[sflag:s12] =	ssyncadd.s32 $0xFFFFF9C0  }
0xf6: {  	_ =	swait.ge [sflag:s14], $0x640  }
0xf7: {  	[sflag:s14] =	ssyncset.done $0x0  }
0xf8: {  	[sflag:s14] =	ssyncadd.s32 $0xFFFFF9C0  }
0xf9: {  	_ =	swait.ge [sflag:s11], $0x640  }
0xfa: {  	[sflag:s11] =	ssyncset.done $0x0  }
0xfb: {  	[sflag:s11] =	ssyncadd.s32 $0xFFFFF9C0  }
0xfc: {  	_ =	swait.ge [sflag:s13], $0x640  }
.Ltmp5:
0xfd: {  	[sflag:s13] =	ssyncset.done $0x0;
	(pc) =	sbr.rel @!p0 .LBB2_7-.Ltmp5, $4  }
0xfe: {  	[sflag:s13] =	ssyncadd.s32 $0xFFFFF9C0  }
0xff: {  	s24 =	stileid.u32;
	[bflag:$0x0] =	sbarrier.arrive $0xFFFF  }
0x100: {  	s10 =	sshll.u32 s24, $0x6;
	s12 =	rddreg [dreg:$0x3]  }
0x101: {  	s5 =	sor.u32 $0x1C15, s10;
	s9 =	sshrl.u32 s12, $0x3  }
0x102: {  	s5 =	sor.u32 $0x1C15, s10;
	s24 =	rddreg [dreg:$0xf];
	s14 =	simm.s32 $0x2  }
0x103: {  	[hbm:s24@s29], [sflag:s5] =	dma.strided [spmem:s9@s14], $0x4E0, s1, $0x2   }
.Ltmp6:
0x104: {  	_ = 	snop;
	(pc) =	sbr.rel @p1 .LBB2_10-.Ltmp6, $4  }
.Ltmp7:
0x105: {  	_ = 	snop;
	(pc) =	sbr.rel @!p1 .LBB2_9-.Ltmp7, $4  }
0x106: {  	_ =	swait.ge [sflag:s21], $0x4E0  }
0x107: {  	[sflag:s21] =	ssyncset.done $0x0  }
0x108: {  	s9 =	rddreg [dreg:$0x10];
	[sflag:s21] =	ssyncadd.s32 $0xFFFFFB20  }
0x109: {  	_ = 	snop  }
.LBB2_7:
0x10a: {  	s10 =	rddreg [dreg:$0xd];
	s14 =	simm.s32 $0x2  }
0x10b: {  	[hbm:s10@s29], [sflag:s5] =	dma.strided [spmem:s9@s14], $0x4E0, s1, $0x2   }
.Ltmp8:
0x10c: {  	_ = 	snop;
	(pc) =	sbr.rel @p2 .LBB2_9-.Ltmp8, $4  }
.Ltmp9:
0x10d: {  	_ = 	snop;
	(pc) =	sbr.rel @!p2 .LBB2_10-.Ltmp9, $4  }
0x10e: {  	_ =	swait.ge [sflag:s21], $0x4E0  }
0x10f: {  	[sflag:s21] =	ssyncset.done $0x0  }
0x110: {  	s9 =	rddreg [dreg:$0xe];
	[sflag:s21] =	ssyncadd.s32 $0xFFFFFB20  }
0x111: {  	_ = 	snop  }
.LBB2_11:
0x112: {  	_ =	sfence.sel $0x180000  }
0x113: {  	[bflag:$0x0] =	sbarrier.arrive $0xFFFF  }
0x114: {  	_ =	strace $0x9000004D  }
0x115: {  	s0 =	stileid.u32;
	[bflag:$0x2] =	sbarrier.arrive $0xFFFF  }
0x116: {  	p0 =	sne.s32 s0, $0x0;
	s0 =	rddreg [dreg:$0x2]  }
0x117: {  	s0 =	sadd.s32 @!p0 $0x100000, s0  }
0x118: {  	[sflag:s0] =	ssyncadd.tile.s32 @!p0 $0x1;
	_ =	shalt  }
.Lfunc_end2:
_tile_overlayer_lowered:
.L_overlay_start_2:
0x119: {  	(tag) =	ssettag $0x2  }
0x11a: {  	s0 =	rddreg [dreg:$0x0];
	s2 =	stileid.u32  }
0x11b: {  	s1 =	rddreg [dreg:$0x1];
	p0 =	sne.s32 s2, $0x0  }
0x11c: {  	s3 =	rddreg [dreg:$0x2];
	[bflag:$0x3] =	sbarrier.arrive $0xFFFF;
	s2 =	simm.s32 @!p0 $0x1C15  }
0x11d: {  	[timem:s3], [sflag:s2] =	dma.local @!p0 [hbm:s0], s1  }
0x11e: {  	s0 =	simm.s32 @!p0 $0x15  }
0x11f: {  	_ =	swait.ge @!p0 [sflag:s0], s1  }
0x120: {  	s1 =	ssub.s32 @!p0 $0x0, s1;
	[sflag:s0] =	ssyncset.done @!p0 $0x0  }
0x121: {  	[sflag:s0] =	ssyncadd.s32 @!p0 s1  }
0x122: {  	[bflag:$0x3] =	sbarrier.arrive $0xFFFF  }
0x123: {  	_ =	shalt  }

// kernel: kernel.8.cloned.1.call-start
scs
__scs_entry_jumppad:
0x0: {  	(pc) =	sbr.rel $0x88, $3  }
0x1: {  	(tag) =	ssettag $0x0;
	lr =	simm.s32 $0x1  }
0x2: {  	[smem:$0x3F99] =	sst lr;
	_ =	strace $0xD0000000  }
0x3: {  	_ = 	snop  }
0x4: {  	_ = 	snop  }
0x5: {  	_ = 	snop  }
0x6: {  	_ = 	snop  }
0x7: {  	_ = 	snop  }
__scs_overlays_trampoline_lowered:
0x8: {  	[smem:$0x3FA8] =	sst s0  }
0x9: {  	[smem:$0x3FA9] =	sst s1  }
0xa: {  	[smem:$0x3FAA] =	sst s2  }
0xb: {  	[smem:$0x3FAB] =	sst s3  }
0xc: {  	[smem:$0x3FAC] =	sst s4  }
0xd: {  	[smem:$0x3FAD] =	sst s5  }
0xe: {  	[smem:$0x3FAE] =	sst s6  }
0xf: {  	[smem:$0x3FAF] =	sst s7  }
0x10: {  	[smem:$0x3FB0] =	sst s8  }
0x11: {  	[smem:$0x3FB1] =	sst s9;
	s0 =	simm.s32 @!p0 $0x0  }
0x12: {  	s1 =	sld [smem:$0x3F97];
	s0 =	simm.s32 @p0 $0x1  }
0x13: {  	[smem:$0x3FB2] =	sst s0;
	s0 =	simm.s32 @!p1 $0x0  }
0x14: {  	s2 =	sld [smem:$0x3F96];
	s0 =	simm.s32 @p1 $0x1  }
0x15: {  	[smem:$0x3FB3] =	sst s0;
	s0 =	simm.s32 @!p2 $0x0  }
0x16: {  	s3 =	sld [smem:$0x3FDB];
	s0 =	simm.s32 @p2 $0x1  }
0x17: {  	s4 =	simm.s32 $0x1BF5;
	[smem:$0x3FB5] =	sst s0  }
0x18: {  	s0 =	sld [smem:$0x3F98];
	_ =	swait.ge [sflag:s4], $0x0  }
0x19: {  	s7 =	sld [smem:$0x3F99]  }
0x1a: {  	s8 =	sadd.s32 $0xFFFFE003, lr  }
0x1b: {  	s9 =	sadd.s32 $0xFFFFFEF7, lr;
	s5 =	simm.s32 $0xFFFFFFFF;
	p2 =	slt.u32 s8, $0xFFFFF086  }
0x1c: {  	p1 =	slt.u32 s9, $0xF7A;
	s5 =	simm.s32 @!p2 $0x0  }
0x1d: {  	s5 =	simm.s32 @p1 $0x1;
	p0 =	seq.s32 s7, s2  }
0x1e: {  	s7 =	smul.u32 @!p0 $0xF7A, s2;
	p2 =	seq.s32 @!p0 s5, $0x0  }
0x1f: {  	s9 =	smul.u32 $0xF7A, s1;
	s8 =	simm.s32 @!p0 $0x1BF5;
	p2 =	por !p2, p0  }
0x20: {  	[sflag:s8] =	ssyncset.s32 @!p0 $0xFFFFF086;
	s6 =	sadd.s32 @!p0 s3, s7;
	s7 =	simm.s32 @!p0 $0x108  }
0x21: {  	s3 =	sadd.s32 s3, s9;
	s6 =	sadd.s32 @!p0 $0x88, s6;
	s7 =	simm.s32 @p2 $0x1082  }
0x22: {  	[simem:s7], [sflag:s8] =	dma.local @!p0 [hbm:s6], $0xF7A  }
0x23: {  	s9 =	sor.u32 $0xD0000000, s2;
	s6 =	simm.s32 $0x108;
	_ =	swait.ge @!p0 [sflag:s8], $0x0  }
0x24: {  	s3 =	sadd.s32 $0x88, s3;
	s6 =	simm.s32 @!p1 $0x1082;
	[sflag:s4] =	ssyncset.s32 $0xFFFFF086  }
0x25: {  	[simem:s6], [sflag:s4] =	dma.local [hbm:s3], $0xF7A  }
0x26: {  	[smem:$0x3F99] =	sst s1;
	(tag) =	ssettag s2;
	_ =	strace s9  }
0x27: {  	s1 =	sld [smem:$0x3FA9]  }
0x28: {  	s2 =	sld [smem:$0x3FAA]  }
0x29: {  	s4 =	sld [smem:$0x3FAC]  }
0x2a: {  	p0 =	seq.s32 s5, $0x0;
	s5 =	sld [smem:$0x3FAD]  }
0x2b: {  	s6 =	sld [smem:$0x3FAE]  }
0x2c: {  	s7 =	sld [smem:$0x3FAF]  }
0x2d: {  	s3 =	simm.s32 $0x108;
	s8 =	sld [smem:$0x3FB0]  }
0x2e: {  	s3 =	simm.s32 @!p0 $0x1082;
	s9 =	sld [smem:$0x3FB1]  }
0x2f: {  	lr =	sadd.s32 s0, s3;
	s0 =	sld [smem:$0x3FA8]  }
0x30: {  	s3 =	sld [smem:$0x3FAB]  }
0x31: {  	[smem:$0x3FB4] =	sst s10  }
0x32: {  	s10 =	sld [smem:$0x3FB2];
	_ =	sdelay $0x3  }
0x33: {  	p0 =	seq.s32 s10, $0x1;
	s10 =	sld [smem:$0x3FB4];
	_ =	sdelay $0x3  }
0x34: {  	[smem:$0x3FB4] =	sst s10  }
0x35: {  	s10 =	sld [smem:$0x3FB3];
	_ =	sdelay $0x3  }
0x36: {  	p1 =	seq.s32 s10, $0x1;
	s10 =	sld [smem:$0x3FB4];
	_ =	sdelay $0x3  }
0x37: {  	[smem:$0x3FB4] =	sst s10  }
0x38: {  	s10 =	sld [smem:$0x3FB5]  }
0x39: {  	_ = 	snop;
	(pc) =	sbr.ind lr, $3  }
0x3a: {  	_ = 	snop  }
0x3b: {  	_ = 	snop  }
0x3c: {  	p2 =	seq.s32 s10, $0x1;
	s10 =	sld [smem:$0x3FB4]  }
0x3d: {  	_ =	shalt  }
0x3e: {  	_ =	shalt  }
0x3f: {  	_ =	shalt  }
0x40: {  	_ =	shalt  }
0x41: {  	_ =	shalt  }
0x42: {  	_ =	shalt  }
0x43: {  	_ =	shalt  }
0x44: {  	_ =	shalt  }
0x45: {  	_ =	shalt  }
0x46: {  	_ =	shalt  }
0x47: {  	_ =	shalt  }
0x48: {  	_ =	shalt  }
0x49: {  	_ =	shalt  }
0x4a: {  	_ =	shalt  }
0x4b: {  	_ =	shalt  }
0x4c: {  	_ =	shalt  }
0x4d: {  	_ =	shalt  }
0x4e: {  	_ =	shalt  }
0x4f: {  	_ =	shalt  }
0x50: {  	_ =	shalt  }
0x51: {  	_ =	shalt  }
0x52: {  	_ =	shalt  }
0x53: {  	_ =	shalt  }
0x54: {  	_ =	shalt  }
0x55: {  	_ =	shalt  }
0x56: {  	_ =	shalt  }
0x57: {  	_ =	shalt  }
0x58: {  	_ =	shalt  }
0x59: {  	_ =	shalt  }
0x5a: {  	_ =	shalt  }
0x5b: {  	_ =	shalt  }
0x5c: {  	_ =	shalt  }
0x5d: {  	_ =	shalt  }
0x5e: {  	_ =	shalt  }
0x5f: {  	_ =	shalt  }
0x60: {  	_ =	shalt  }
0x61: {  	_ =	shalt  }
0x62: {  	_ =	shalt  }
0x63: {  	_ =	shalt  }
0x64: {  	_ =	shalt  }
0x65: {  	_ =	shalt  }
0x66: {  	_ =	shalt  }
0x67: {  	_ =	shalt  }
0x68: {  	_ =	shalt  }
0x69: {  	_ =	shalt  }
0x6a: {  	_ =	shalt  }
0x6b: {  	_ =	shalt  }
0x6c: {  	_ =	shalt  }
0x6d: {  	_ =	shalt  }
0x6e: {  	_ =	shalt  }
0x6f: {  	_ =	shalt  }
0x70: {  	_ =	shalt  }
0x71: {  	_ =	shalt  }
0x72: {  	_ =	shalt  }
0x73: {  	_ =	shalt  }
0x74: {  	_ =	shalt  }
0x75: {  	_ =	shalt  }
0x76: {  	_ =	shalt  }
0x77: {  	_ =	shalt  }
0x78: {  	_ =	shalt  }
0x79: {  	_ =	shalt  }
0x7a: {  	_ =	shalt  }
0x7b: {  	_ =	shalt  }
0x7c: {  	_ =	shalt  }
0x7d: {  	_ =	shalt  }
0x7e: {  	_ =	shalt  }
0x7f: {  	_ =	shalt  }
0x80: {  	_ =	shalt  }
0x81: {  	_ =	shalt  }
0x82: {  	_ =	shalt  }
0x83: {  	_ =	shalt  }
0x84: {  	_ =	shalt  }
0x85: {  	_ =	shalt  }
0x86: {  	_ =	shalt  }
0x87: {  	_ =	shalt  }
.Lfunc_end0:
.L_simem_size_0:
called_computation_lowered:
.L_overlay_start_0:
0x88: {  	s2 =	sld [smem:$0x3FD9]  }
0x89: {  	s3 =	sld [smem:$0x3FFE];
	_ =	sdelay $0x1  }
0x8a: {  	s1 =	srdreg.scid  }
0x8b: {  	s0 =	sand.u32 $0x1, s1  }
0x8c: {  	s16 =	sshll.u32 s0, $0xA;
	s2 =	sadd.s32 s3, s2  }
0x8d: {  	s2 =	sadd.s32 s2, s16  }
0x8e: {  	[smem:$0x3FC0] =	sst s2  }
0x8f: {  	_ = 	snop  }
0x90: {  	(tm) =	ssettm $0x1  }
0x91: {  	s17 =	sld [smem:$0x3FFB];
	_ =	sdelay $0x3  }
0x92: {  	_ =	strace s17  }
0x93: {  	s2 =	sld [smem:$0x3FFC];
	_ =	sdelay $0x3  }
0x94: {  	_ =	strace s2  }
0x95: {  	s2 =	sld [smem:$0x3FFD];
	_ =	sdelay $0x3  }
0x96: {  	_ =	strace s2  }
0x97: {  	_ =	strace $0x8FFFFFFF  }
0x98: {  	s18 =	sld [smem:$0x3FDB];
	_ =	sdelay $0x1  }
0x99: {  	s19 =	simm.s32 $_scs_section_size  }
0x9a: {  	s4 =	simm.s32 $_size__tile_overlayer_lowered;
	s5 =	simm.s32 $_tile_overlayer_lowered  }
0x9b: {  	s22 =	simm.s32 $0x1BFF;
	s21 =	sshll.u32 s5, $0x1;
	s2 =	sadd.s32 s19, s18  }
0x9c: {  	s6 =	simm.s32 $0x0;
	s20 =	sshll.u32 s4, $0x1;
	s4 =	sadd.s32 s21, s2  }
0x9d: {  	[timem:s6], [sflag:s22] =	dma.local [hbm:s4], s20  }
0x9e: {  	_ =	swait.ge [sflag:s22], s20  }
0x9f: {  	s3 =	ssub.s32 $0x0, s20;
	[sflag:s22] =	ssyncset.done $0x0  }
0xa0: {  	[sflag:s22] =	ssyncadd.s32 s3;
	_ =	sdelay $0x1  }
0xa1: {  	s23 =	simm.s32 $0x1B8B  }
0xa2: {  	_ =	swait.ge [sflag:s23], $0x1  }
0xa3: {  	[sflag:s23] =	ssyncset.done $0x0  }
0xa4: {  	s25 =	simm.s32 $0x1B8E;
	s24 =	sld [smem:$0x3FFE];
	[sflag:s23] =	ssyncadd.s32 $0xFFFFFFFF  }
0xa5: {  	s26 =	simm.s32 $execute0_lowered;
	[smem:$0x3FD2] =	sst s25  }
0xa6: {  	s4 =	sshll.u32 s26, $0x1;
	_ =	strace $0x80000046;
	[dreg:$0x1] =	wrdreg $0xFFFFFFFF  }
0xa7: {  	s28 =	simm.s32 $_size_execute0_lowered;
	s2 =	sadd.s32 s2, s4;
	[dreg:$0x0] =	wrdreg $0x0  }
0xa8: {  	s4 =	sshll.u32 s28, $0x1;
	[dreg:$0x2] =	wrdreg s2  }
0xa9: {  	[dreg:$0x3] =	wrdreg s4  }
0xaa: {  	[dreg:$0x4] =	wrdreg $0xC0  }
0xab: {  	_ =	task [dreg:s6], $0x5FFFF  }
0xac: {  	[dreg:$0x1] =	wrdreg $0xFFFFFFFF  }
0xad: {  	[dreg:$0x0] =	wrdreg $0x60  }
0xae: {  	[dreg:$0x2] =	wrdreg s24  }
0xaf: {  	[dreg:$0x3] =	wrdreg $0x67200  }
0xb0: {  	[dreg:$0x4] =	wrdreg $0x9  }
0xb1: {  	_ =	task.clear_ibuf [dreg:s6], $0x5FFFF;
	_ =	strace $0x90000046  }
0xb2: {  	s29 =	simm.s32 $0x9;
	_ =	strace $0x80000048  }
0xb3: {  	_ =	swait.ge [sflag:s29], $0x1  }
0xb4: {  	[sflag:s29] =	ssyncadd.s32 $0xFFFFFFFF  }
0xb5: {  	_ =	strace $0x90000048  }
0xb6: {  	_ =	sfence  }
0xb7: {  	s30 =	sld [smem:$0x0];
	_ =	sdelay $0x2  }
0xb8: {  	s31 =	sshll.u32 s1, $0xD;
	s1 =	sshrl.u32 s1, $0x2  }
0xb9: {  	s3 =	sand.u32 $0x4000, s31;
	s1 =	sadd.s32 s1, s30  }
0xba: {  	s0 =	sor.u32 s3, s0;
	s1 =	sshll.u32 s1, $0x11  }
0xbb: {  	s0 =	sor.u32 s1, s0  }
0xbc: {  	s0 =	sadd.s32 $0x8F2B, s0  }
0xbd: {  	[sflag:s0] =	ssyncadd.remote.s32 $0x1  }
0xbe: {  	_ =	sfence.sel $0xFFFF  }
0xbf: {  	[dreg:$0x0] =	wrdreg $0xFFFFFFFF;
	(pc) =	sbr.abs _section_cstart, $3  }
0xc0: {  	[dreg:$0x1] =	wrdreg $0xFFFFFFFF  }
0xc1: {  	_ =	task.clear_ibuf [dreg:s6], $0x2FFFF;
	_ =	strace $0x9FFFFFFF  }
0xc2: {  	(tm) =	ssettm $0x7FFFFFFF  }
0xc3: {  	_ =	shalt  }
tec
execute0_lowered:
.L_overlay_start_1:
0x0: {  	(tag) =	ssettag $0x1  }
0x1: {  	s0 =	rddreg [dreg:$0x0]  }
0x2: {  	s2 =	rddreg [dreg:$0x1]  }
0x3: {  	s3 =	simm.s32 $0x0;
	s9 =	stileid.u32;
	s4 =	srdreg.scid  }
0x4: {  	s29 =	simm.s32 $0x2EE0;
	s31 =	simm.s32 $0x3520;
	s13 =	simm.s32 $0x3B60  }
0x5: {  	s28 =	simm.s32 $0x41A0;
	s30 =	simm.s32 $0x47E0;
	s1 =	smul.u32 $0x2700, s9  }
0x6: {  	s14 =	simm.s32 $0x5460;
	[smem:$0x7FF] =	sst s3;
	s5 =	smul.u32 $0x9C00, s9  }
0x7: {  	s6 =	sand.u32 $0x1, s4;
	s15 =	sshll.u32 s9, $0x1;
	s11 =	sadd.s32 $0x27000, s2  }
0x8: {  	s26 =	sadd.s32 $0x3F400, s0;
	p1 =	sne.s32 s9, $0xF;
	p2 =	seq.s32 s9, $0xF  }
0x9: {  	_ =	strace $0x80000047;
	s7 =	ssub.s32 $0x2, s6;
	s8 =	sor.u32 s6, s15  }
0xa: {  	p0 =	seq.s32 s6, $0x1;
	[dreg:$0xa] =	wrdreg s26;
	s26 =	simm.s32 $0x64  }
0xb: {  	s15 =	simm.s32 $0x5AA0;
	s6 =	simm.s32 $0x9;
	s1 =	sadd.s32 s1, s0  }
0xc: {  	s16 =	sshrl.u32 s5, $0x2;
	s17 =	sshrl.u32 s7, $0x1;
	s25 =	sadd.s32 $0x18400, s1  }
0xd: {  	s4 =	sadd.s32 s16, s2;
	s1 =	sadd.s32 $0x18402, s1;
	[dreg:$0x9] =	wrdreg s25  }
0xe: {  	s8 =	smul.u32 $0x28A0, s8;
	s18 =	sadd.s32 $0x640, s4;
	[dreg:$0xb] =	wrdreg s1  }
0xf: {  	s5 =	ssub.s32 s7, s17;
	s19 =	sadd.s32 $0xC80, s4;
	[dreg:$0x3] =	wrdreg s18  }
0x10: {  	s16 =	simm.s32 $0x60E0;
	s20 =	sadd.s32 $0x12C0, s4;
	[dreg:$0x4] =	wrdreg s19  }
0x11: {  	s21 =	sadd.s32 $0x1900, s4;
	s22 =	sshrl.u32 s8, $0x3;
	[dreg:$0x5] =	wrdreg s20  }
0x12: {  	s23 =	sadd.s32 $0x1F40, s4;
	s24 =	sadd.s32 $0x2580, s4;
	[dreg:$0x6] =	wrdreg s21  }
0x13: {  	s17 =	smax.u32 s5, $0x1;
	s25 =	simm.s32 $0x6;
	[dreg:$0x7] =	wrdreg s23  }
0x14: {  	s1 =	simm.s32 $0x7;
	s5 =	simm.s32 $0x8;
	[dreg:$0x8] =	wrdreg s24  }
.Ltmp0:
0x15: {  	s7 =	sadd.s32 s0, s22;
	s0 =	sadd.s32 $0x3F402, s0;
	(pc) =	sbr.rel .LBB2_1-.Ltmp0, $4  }
0x16: {  	s18 =	simm.s32 $0x28A0;
	s19 =	simm.s32 $0xB;
	s20 =	simm.s32 $0x1  }
0x17: {  	s21 =	simm.s32 $0x2;
	s22 =	simm.s32 $0x3;
	s23 =	simm.s32 $0x4  }
0x18: {  	s24 =	simm.s32 $0x5;
	s7 =	sadd.s32 $0xE080, s7;
	[dreg:$0xc] =	wrdreg s0  }
0x19: {  	v0 =	vimm.f32 $0.0e+00;
	v1 =	vimm.f32 $1.000000000e+00;
	s0 =	simm.s32 $0x4E20;
	[dreg:$0xd] =	wrdreg s7;
	s7 =	simm.s32 $0xA  }
.LBB2_10:
0x1a: {  	s10 =	sshrl.u32 s11, $0x3;
	s12 =	simm.s32 $0x10  }
0x1b: {  	[hbm:s9@s12], [sflag:s8] =	dma.strided [spmem:s10@s21], $0x20, s20, $0x2   }
0x1c: {  	_ =	swait.ge [sflag:s19], $0x20  }
0x1d: {  	[sflag:s19] =	ssyncset.done $0x0  }
0x1e: {  	[sflag:s19] =	ssyncadd.s32 $0xFFFFFFE0  }
.LBB2_11:
0x1f: {  	s3 =	sadd.s32 $0x1, s3  }
0x20: {  	p3 =	sne.s32 s3, s17  }
.Ltmp1:
0x21: {  	_ = 	snop;
	(pc) =	sbr.rel @!p3 .LBB2_12-.Ltmp1, $1  }
0x22: {  	_ =	sdelay $0x3  }
.LBB2_1:
0x23: {  	s8 =	simm.s32 $0x40;
	s9 =	simm.s32 $0x0  }
.LBB2_2:
0x24: {  	p3 =	sne.s32 s8, $0x18C0;
	[tilespmem:s9+$0x28A0] =	vst v0;
	s9 =	smov.u32 s8;
	s8 =	sadd.s32 $0x40, s8  }
.Ltmp2:
0x25: {  	(pc) =	sbr.rel @p3 .LBB2_2-.Ltmp2, $2  }
0x26: {  	_ =	sdelay $0x2  }
0x27: {  	s9 =	sshra.s32 s9, $0x2  }
0x28: {  	[tilespmem:s9+$0x28A0] =	vst v0  }
0x29: {  	[spmem:s4] =	stream.linear.scatter [tilespmem:s18], [sflag:$0x1], $0x640, $0x38;
	[tilespmem:$0x8E30] =	vst v63  }
0x2a: {  	s8 =	rddreg [dreg:$0x3]  }
0x2b: {  	[spmem:s8] =	stream.linear.scatter [tilespmem:s18], [sflag:$0x2], $0x640, $0x38;
	[tilespmem:$0x8E30] =	vst v63  }
0x2c: {  	s12 =	rddreg [dreg:$0x4]  }
0x2d: {  	[spmem:s12] =	stream.linear.scatter [tilespmem:s18], [sflag:$0x3], $0x640, $0x38;
	[tilespmem:$0x8E30] =	vst v63  }
0x2e: {  	s9 =	rddreg [dreg:$0x5]  }
0x2f: {  	[spmem:s9] =	stream.linear.scatter [tilespmem:s18], [sflag:$0x4], $0x640, $0x38;
	[tilespmem:$0x8E30] =	vst v63  }
0x30: {  	s10 =	rddreg [dreg:$0x6]  }
0x31: {  	[spmem:s10] =	stream.linear.scatter [tilespmem:s18], [sflag:$0x5], $0x640, $0x38;
	[tilespmem:$0x8E30] =	vst v63  }
0x32: {  	s12 =	rddreg [dreg:$0x7]  }
0x33: {  	[spmem:s12] =	stream.linear.scatter [tilespmem:s18], [sflag:$0x6], $0x640, $0x38;
	[tilespmem:$0x8E30] =	vst v63  }
0x34: {  	s9 =	rddreg [dreg:$0x8]  }
0x35: {  	[spmem:s9] =	stream.linear.scatter [tilespmem:s18], [sflag:$0xB], $0x180, $0x38;
	[tilespmem:$0x8E30] =	vst v63  }
0x36: {  	_ =	swait.ge [sflag:s19], $0x180  }
0x37: {  	[sflag:s19] =	ssyncset.done $0x0  }
0x38: {  	s8 =	simm.s32 @!p1 $0x28A0;
	[sflag:s19] =	ssyncadd.s32 $0xFFFFFE80  }
0x39: {  	[spmem:s11] =	stream.linear.scatter @!p1 [tilespmem:s8], [sflag:$0xB], $0x100, $0x38;
	[tilespmem:$0x8E30] =	vst v63  }
0x3a: {  	s8 =	simm.s32 @!p1 $0xB  }
0x3b: {  	_ =	swait.ge @!p1 [sflag:s8], $0x100  }
0x3c: {  	[sflag:s8] =	ssyncset.done @!p1 $0x0  }
0x3d: {  	s10 =	simm.s32 $0x0;
	s12 =	rddreg [dreg:$0xd];
	[sflag:s8] =	ssyncadd.s32 @!p1 $0xFFFFFF00  }
0x3e: {  	[tilespmem:s10], [sflag:$0xB] =	stream.linear.gather [hbm4b:s12+s10], $0x28A0, $0x38;
	[tilespmem:$0x8E30] =	vst v63  }
0x3f: {  	_ =	swait.ge [sflag:s19], $0x28A0  }
0x40: {  	[sflag:s19] =	ssyncset.done $0x0  }
0x41: {  	[sflag:s19] =	ssyncadd.s32 $0xFFFFD760  }
0x42: {  	_ =	swait.ge [sflag:s20], $0x640  }
0x43: {  	[sflag:s20] =	ssyncset.done $0x0  }
0x44: {  	[sflag:s20] =	ssyncadd.s32 $0xFFFFF9C0  }
0x45: {  	_ =	swait.ge [sflag:s21], $0x640  }
0x46: {  	[sflag:s21] =	ssyncset.done $0x0  }
0x47: {  	[sflag:s21] =	ssyncadd.s32 $0xFFFFF9C0  }
0x48: {  	_ =	swait.ge [sflag:s22], $0x640  }
0x49: {  	[sflag:s22] =	ssyncset.done $0x0  }
0x4a: {  	[sflag:s22] =	ssyncadd.s32 $0xFFFFF9C0  }
0x4b: {  	_ =	swait.ge [sflag:s23], $0x640  }
0x4c: {  	[sflag:s23] =	ssyncset.done $0x0  }
0x4d: {  	[sflag:s23] =	ssyncadd.s32 $0xFFFFF9C0  }
0x4e: {  	_ =	swait.ge [sflag:s24], $0x640  }
0x4f: {  	[sflag:s24] =	ssyncset.done $0x0  }
0x50: {  	[sflag:s24] =	ssyncadd.s32 $0xFFFFF9C0  }
0x51: {  	_ =	swait.ge [sflag:s25], $0x640  }
0x52: {  	[sflag:s25] =	ssyncset.done $0x0  }
0x53: {  	s9 =	simm.s32 $0x40;
	s8 =	simm.s32 $0x0;
	[sflag:s25] =	ssyncadd.s32 $0xFFFFF9C0  }
.LBB2_4:
0x54: {  	p3 =	sne.s32 s9, $0x18C0;
	[tilespmem:s8+$0x60E0] =	vst v1  }
0x55: {  	[tilespmem:s8+$0x28A0] =	vst v1  }
0x56: {  	[tilespmem:s8+$0x2EE0] =	vst v1  }
0x57: {  	[tilespmem:s8+$0x3520] =	vst v1  }
0x58: {  	[tilespmem:s8+$0x3B60] =	vst v1  }
.Ltmp3:
0x59: {  	[tilespmem:s8+$0x41A0] =	vst v1;
	(pc) =	sbr.rel @p3 .LBB2_4-.Ltmp3, $4  }
0x5a: {  	[tilespmem:s8+$0x47E0] =	vst v1  }
0x5b: {  	[tilespmem:s8+$0x4E20] =	vst v1  }
0x5c: {  	[tilespmem:s8+$0x5460] =	vst v1  }
0x5d: {  	[tilespmem:s8+$0x5AA0] =	vst v1;
	s8 =	sshra.s32 s9, $0x2;
	s9 =	sadd.s32 $0x40, s9  }
0x5e: {  	[tilespmem:s8+$0x60E0] =	vst v1  }
0x5f: {  	[tilespmem:s8+$0x28A0] =	vst v1  }
0x60: {  	[tilespmem:s8+$0x2EE0] =	vst v1  }
0x61: {  	[tilespmem:s8+$0x3520] =	vst v1  }
0x62: {  	[tilespmem:s8+$0x3B60] =	vst v1  }
0x63: {  	[tilespmem:s8+$0x41A0] =	vst v1  }
0x64: {  	[tilespmem:s8+$0x47E0] =	vst v1  }
0x65: {  	[tilespmem:s8+$0x4E20] =	vst v1  }
0x66: {  	[tilespmem:s8+$0x5460] =	vst v1  }
0x67: {  	[tilespmem:s8+$0x5AA0] =	vst v1  }
0x68: {  	s12 =	simm.s32 $0x0;
	[bflag:$0x0] =	sbarrier.arrive $0xFFFF  }
0x69: {  	[spmem:s2] =	stream.indirect.scatter.add.f32 [tilespmem:s18], [sflag:$0x1], $0x10, s12, s26, $0xb8;
	[tilespmem:$0x8E30] =	vst v63  }
0x6a: {  	s9 =	simm.s32 $0x68  }
0x6b: {  	[spmem:s2] =	stream.indirect.scatter.add.f32 [tilespmem:s29], [sflag:$0x2], $0x10, s9, s26, $0xb8;
	[tilespmem:$0x8E30] =	vst v63  }
0x6c: {  	s10 =	simm.s32 $0xD0  }
0x6d: {  	[spmem:s2] =	stream.indirect.scatter.add.f32 [tilespmem:s31], [sflag:$0x3], $0x10, s10, s26, $0xb8;
	[tilespmem:$0x8E30] =	vst v63  }
0x6e: {  	s12 =	simm.s32 $0x138  }
0x6f: {  	[spmem:s2] =	stream.indirect.scatter.add.f32 [tilespmem:s13], [sflag:$0x4], $0x10, s12, s26, $0xb8;
	[tilespmem:$0x8E30] =	vst v63  }
0x70: {  	s9 =	simm.s32 $0x1A0  }
0x71: {  	[spmem:s2] =	stream.indirect.scatter.add.f32 [tilespmem:s28], [sflag:$0x5], $0x10, s9, s26, $0xb8;
	[tilespmem:$0x8E30] =	vst v63  }
0x72: {  	s10 =	simm.s32 $0x208  }
0x73: {  	[spmem:s2] =	stream.indirect.scatter.add.f32 [tilespmem:s30], [sflag:$0x6], $0x10, s10, s26, $0xb8;
	[tilespmem:$0x8E30] =	vst v63  }
0x74: {  	s12 =	simm.s32 $0x270  }
0x75: {  	[spmem:s2] =	stream.indirect.scatter.add.f32 [tilespmem:s0], [sflag:$0x7], $0x10, s12, s26, $0xb8;
	[tilespmem:$0x8E30] =	vst v63  }
0x76: {  	s9 =	simm.s32 $0x2D8  }
0x77: {  	[spmem:s2] =	stream.indirect.scatter.add.f32 [tilespmem:s14], [sflag:$0x8], $0x10, s9, s26, $0xb8;
	[tilespmem:$0x8E30] =	vst v63  }
0x78: {  	s10 =	simm.s32 $0x340  }
0x79: {  	[spmem:s2] =	stream.indirect.scatter.add.f32 [tilespmem:s15], [sflag:$0x9], $0x10, s10, s26, $0xb8;
	[tilespmem:$0x8E30] =	vst v63  }
0x7a: {  	s12 =	simm.s32 $0x3A8  }
0x7b: {  	[spmem:s2] =	stream.indirect.scatter.add.f32 [tilespmem:s16], [sflag:$0xA], $0x10, s12, s26, $0xb8;
	[tilespmem:$0x8E30] =	vst v63  }
0x7c: {  	_ =	swait.ge [sflag:s20], $0x640  }
0x7d: {  	[sflag:s20] =	ssyncset.done $0x0  }
0x7e: {  	s9 =	simm.s32 $0x410;
	[sflag:s20] =	ssyncadd.s32 $0xFFFFF9C0  }
0x7f: {  	[spmem:s2] =	stream.indirect.scatter.add.f32 [tilespmem:s18], [sflag:$0x1], $0x10, s9, s26, $0xb8;
	[tilespmem:$0x8E30] =	vst v63  }
0x80: {  	_ =	swait.ge [sflag:s21], $0x640  }
0x81: {  	[sflag:s21] =	ssyncset.done $0x0  }
0x82: {  	s10 =	simm.s32 $0x478;
	[sflag:s21] =	ssyncadd.s32 $0xFFFFF9C0  }
0x83: {  	[spmem:s2] =	stream.indirect.scatter.add.f32 [tilespmem:s29], [sflag:$0x2], $0x10, s10, s26, $0xb8;
	[tilespmem:$0x8E30] =	vst v63  }
0x84: {  	_ =	swait.ge [sflag:s22], $0x640  }
0x85: {  	[sflag:s22] =	ssyncset.done $0x0  }
0x86: {  	s12 =	simm.s32 $0x4E0;
	[sflag:s22] =	ssyncadd.s32 $0xFFFFF9C0  }
0x87: {  	[spmem:s2] =	stream.indirect.scatter.add.f32 [tilespmem:s31], [sflag:$0x3], $0x10, s12, s26, $0xb8;
	[tilespmem:$0x8E30] =	vst v63  }
0x88: {  	_ =	swait.ge [sflag:s23], $0x640  }
0x89: {  	[sflag:s23] =	ssyncset.done $0x0  }
0x8a: {  	s9 =	simm.s32 $0x548;
	[sflag:s23] =	ssyncadd.s32 $0xFFFFF9C0  }
0x8b: {  	[spmem:s2] =	stream.indirect.scatter.add.f32 [tilespmem:s13], [sflag:$0x4], $0x10, s9, s26, $0xb8;
	[tilespmem:$0x8E30] =	vst v63  }
0x8c: {  	_ =	swait.ge [sflag:s24], $0x640  }
0x8d: {  	[sflag:s24] =	ssyncset.done $0x0  }
0x8e: {  	s10 =	simm.s32 $0x5B0;
	[sflag:s24] =	ssyncadd.s32 $0xFFFFF9C0  }
0x8f: {  	[spmem:s2] =	stream.indirect.scatter.add.f32 [tilespmem:s28], [sflag:$0x5], $0x10, s10, s26, $0xb8;
	[tilespmem:$0x8E30] =	vst v63  }
0x90: {  	_ =	swait.ge [sflag:s25], $0x640  }
0x91: {  	[sflag:s25] =	ssyncset.done $0x0  }
0x92: {  	s12 =	simm.s32 $0x618;
	[sflag:s25] =	ssyncadd.s32 $0xFFFFF9C0  }
0x93: {  	[spmem:s2] =	stream.indirect.scatter.add.f32 [tilespmem:s30], [sflag:$0x6], $0x10, s12, s26, $0xb8;
	[tilespmem:$0x8E30] =	vst v63  }
0x94: {  	_ =	swait.ge [sflag:s1], $0x640  }
0x95: {  	[sflag:s1] =	ssyncset.done $0x0  }
0x96: {  	s9 =	simm.s32 $0x680;
	[sflag:s1] =	ssyncadd.s32 $0xFFFFF9C0  }
0x97: {  	[spmem:s2] =	stream.indirect.scatter.add.f32 [tilespmem:s0], [sflag:$0x7], $0x10, s9, s26, $0xb8;
	[tilespmem:$0x8E30] =	vst v63  }
0x98: {  	_ =	swait.ge [sflag:s5], $0x640  }
0x99: {  	[sflag:s5] =	ssyncset.done $0x0  }
0x9a: {  	s10 =	simm.s32 $0x6E8;
	[sflag:s5] =	ssyncadd.s32 $0xFFFFF9C0  }
0x9b: {  	[spmem:s2] =	stream.indirect.scatter.add.f32 [tilespmem:s14], [sflag:$0x8], $0x10, s10, s26, $0xb8;
	[tilespmem:$0x8E30] =	vst v63  }
0x9c: {  	_ =	swait.ge [sflag:s6], $0x640  }
0x9d: {  	[sflag:s6] =	ssyncset.done $0x0  }
0x9e: {  	s12 =	simm.s32 $0x750;
	[sflag:s6] =	ssyncadd.s32 $0xFFFFF9C0  }
0x9f: {  	[spmem:s2] =	stream.indirect.scatter.add.f32 [tilespmem:s15], [sflag:$0x9], $0x10, s12, s26, $0xb8;
	[tilespmem:$0x8E30] =	vst v63  }
0xa0: {  	_ =	swait.ge [sflag:s7], $0x640  }
0xa1: {  	[sflag:s7] =	ssyncset.done $0x0  }
0xa2: {  	s8 =	simm.s32 $0x1040;
	s9 =	simm.s32 $0x7B8;
	[sflag:s7] =	ssyncadd.s32 $0xFFFFF9C0  }
.LBB2_6:
0xa3: {  	[spmem:s2] =	stream.indirect.scatter.add.f32 [tilespmem:s16], [sflag:$0xA], $0x10, s9, s26, $0xb8;
	[tilespmem:$0x8E30] =	vst v63  }
0xa4: {  	s9 =	smov.u32 s8  }
0xa5: {  	p3 =	sne.s32 s8, $0x8200;
	s8 =	sadd.s32 $0x1040, s8;
	_ =	swait.ge [sflag:s20], $0x640  }
0xa6: {  	s9 =	sshra.s32 s9, $0x2;
	[sflag:s20] =	ssyncset.done $0x0  }
0xa7: {  	s10 =	sadd.s32 $0x410, s9;
	[sflag:s20] =	ssyncadd.s32 $0xFFFFF9C0  }
0xa8: {  	[spmem:s2] =	stream.indirect.scatter.add.f32 [tilespmem:s18], [sflag:$0x1], $0x10, s10, s26, $0xb8;
	[tilespmem:$0x8E30] =	vst v63  }
0xa9: {  	_ =	swait.ge [sflag:s21], $0x640  }
0xaa: {  	[sflag:s21] =	ssyncset.done $0x0  }
0xab: {  	s10 =	sadd.s32 $0x478, s9;
	[sflag:s21] =	ssyncadd.s32 $0xFFFFF9C0  }
0xac: {  	[spmem:s2] =	stream.indirect.scatter.add.f32 [tilespmem:s29], [sflag:$0x2], $0x10, s10, s26, $0xb8;
	[tilespmem:$0x8E30] =	vst v63  }
0xad: {  	_ =	swait.ge [sflag:s22], $0x640  }
0xae: {  	[sflag:s22] =	ssyncset.done $0x0  }
0xaf: {  	s10 =	sadd.s32 $0x4E0, s9;
	[sflag:s22] =	ssyncadd.s32 $0xFFFFF9C0  }
0xb0: {  	[spmem:s2] =	stream.indirect.scatter.add.f32 [tilespmem:s31], [sflag:$0x3], $0x10, s10, s26, $0xb8;
	[tilespmem:$0x8E30] =	vst v63  }
0xb1: {  	_ =	swait.ge [sflag:s23], $0x640  }
0xb2: {  	[sflag:s23] =	ssyncset.done $0x0  }
0xb3: {  	s10 =	sadd.s32 $0x548, s9;
	[sflag:s23] =	ssyncadd.s32 $0xFFFFF9C0  }
0xb4: {  	[spmem:s2] =	stream.indirect.scatter.add.f32 [tilespmem:s13], [sflag:$0x4], $0x10, s10, s26, $0xb8;
	[tilespmem:$0x8E30] =	vst v63  }
0xb5: {  	_ =	swait.ge [sflag:s24], $0x640  }
0xb6: {  	[sflag:s24] =	ssyncset.done $0x0  }
0xb7: {  	s10 =	sadd.s32 $0x5B0, s9;
	[sflag:s24] =	ssyncadd.s32 $0xFFFFF9C0  }
0xb8: {  	[spmem:s2] =	stream.indirect.scatter.add.f32 [tilespmem:s28], [sflag:$0x5], $0x10, s10, s26, $0xb8;
	[tilespmem:$0x8E30] =	vst v63  }
0xb9: {  	_ =	swait.ge [sflag:s25], $0x640  }
0xba: {  	[sflag:s25] =	ssyncset.done $0x0  }
0xbb: {  	s10 =	sadd.s32 $0x618, s9;
	[sflag:s25] =	ssyncadd.s32 $0xFFFFF9C0  }
0xbc: {  	[spmem:s2] =	stream.indirect.scatter.add.f32 [tilespmem:s30], [sflag:$0x6], $0x10, s10, s26, $0xb8;
	[tilespmem:$0x8E30] =	vst v63  }
0xbd: {  	_ =	swait.ge [sflag:s1], $0x640  }
0xbe: {  	[sflag:s1] =	ssyncset.done $0x0  }
0xbf: {  	s10 =	sadd.s32 $0x680, s9;
	[sflag:s1] =	ssyncadd.s32 $0xFFFFF9C0  }
0xc0: {  	[spmem:s2] =	stream.indirect.scatter.add.f32 [tilespmem:s0], [sflag:$0x7], $0x10, s10, s26, $0xb8;
	[tilespmem:$0x8E30] =	vst v63  }
0xc1: {  	_ =	swait.ge [sflag:s5], $0x640  }
0xc2: {  	[sflag:s5] =	ssyncset.done $0x0  }
0xc3: {  	s10 =	sadd.s32 $0x6E8, s9;
	[sflag:s5] =	ssyncadd.s32 $0xFFFFF9C0  }
0xc4: {  	[spmem:s2] =	stream.indirect.scatter.add.f32 [tilespmem:s14], [sflag:$0x8], $0x10, s10, s26, $0xb8;
	[tilespmem:$0x8E30] =	vst v63  }
0xc5: {  	_ =	swait.ge [sflag:s6], $0x640  }
0xc6: {  	[sflag:s6] =	ssyncset.done $0x0  }
.Ltmp4:
0xc7: {  	s10 =	sadd.s32 $0x750, s9;
	[sflag:s6] =	ssyncadd.s32 $0xFFFFF9C0;
	(pc) =	sbr.rel @p3 .LBB2_6-.Ltmp4, $4  }
0xc8: {  	[spmem:s2] =	stream.indirect.scatter.add.f32 [tilespmem:s15], [sflag:$0x9], $0x10, s10, s26, $0xb8;
	[tilespmem:$0x8E30] =	vst v63  }
0xc9: {  	_ =	swait.ge [sflag:s7], $0x640  }
0xca: {  	[sflag:s7] =	ssyncset.done $0x0  }
0xcb: {  	s9 =	sadd.s32 $0x7B8, s9;
	[sflag:s7] =	ssyncadd.s32 $0xFFFFF9C0  }
0xcc: {  	[spmem:s2] =	stream.indirect.scatter.add.f32 [tilespmem:s16], [sflag:$0xA], $0x10, s9, s26, $0xb8;
	[tilespmem:$0x8E30] =	vst v63  }
0xcd: {  	_ =	swait.ge [sflag:s20], $0x640  }
0xce: {  	[sflag:s20] =	ssyncset.done $0x0  }
0xcf: {  	[sflag:s20] =	ssyncadd.s32 $0xFFFFF9C0  }
0xd0: {  	_ =	swait.ge [sflag:s21], $0x640  }
0xd1: {  	[sflag:s21] =	ssyncset.done $0x0  }
0xd2: {  	[sflag:s21] =	ssyncadd.s32 $0xFFFFF9C0  }
0xd3: {  	_ =	swait.ge [sflag:s22], $0x640  }
0xd4: {  	[sflag:s22] =	ssyncset.done $0x0  }
0xd5: {  	[sflag:s22] =	ssyncadd.s32 $0xFFFFF9C0  }
0xd6: {  	_ =	swait.ge [sflag:s23], $0x640  }
0xd7: {  	[sflag:s23] =	ssyncset.done $0x0  }
0xd8: {  	[sflag:s23] =	ssyncadd.s32 $0xFFFFF9C0  }
0xd9: {  	_ =	swait.ge [sflag:s24], $0x640  }
0xda: {  	[sflag:s24] =	ssyncset.done $0x0  }
0xdb: {  	[sflag:s24] =	ssyncadd.s32 $0xFFFFF9C0  }
0xdc: {  	_ =	swait.ge [sflag:s25], $0x640  }
0xdd: {  	[sflag:s25] =	ssyncset.done $0x0  }
0xde: {  	[sflag:s25] =	ssyncadd.s32 $0xFFFFF9C0  }
0xdf: {  	_ =	swait.ge [sflag:s1], $0x640  }
0xe0: {  	[sflag:s1] =	ssyncset.done $0x0  }
0xe1: {  	[sflag:s1] =	ssyncadd.s32 $0xFFFFF9C0  }
0xe2: {  	_ =	swait.ge [sflag:s5], $0x640  }
0xe3: {  	[sflag:s5] =	ssyncset.done $0x0  }
0xe4: {  	[sflag:s5] =	ssyncadd.s32 $0xFFFFF9C0  }
0xe5: {  	_ =	swait.ge [sflag:s6], $0x640  }
0xe6: {  	[sflag:s6] =	ssyncset.done $0x0  }
0xe7: {  	[sflag:s6] =	ssyncadd.s32 $0xFFFFF9C0  }
.Ltmp5:
0xe8: {  	_ =	swait.ge [sflag:s7], $0x640;
	(pc) =	sbr.rel @!p0 .LBB2_8-.Ltmp5, $4  }
0xe9: {  	[sflag:s7] =	ssyncset.done $0x0  }
0xea: {  	s8 =	stileid.u32;
	[sflag:s7] =	ssyncadd.s32 $0xFFFFF9C0  }
0xeb: {  	s10 =	sshll.u32 s8, $0x6;
	[bflag:$0x0] =	sbarrier.arrive $0xFFFF  }
0xec: {  	s9 =	sshrl.u32 s4, $0x3;
	s8 =	sor.u32 $0x1C0B, s10  }
0xed: {  	s8 =	sor.u32 $0x1C0B, s10;
	s10 =	rddreg [dreg:$0xb];
	s12 =	simm.s32 $0x10  }
0xee: {  	[hbm:s10@s12], [sflag:s8] =	dma.strided [spmem:s9@s21], $0x4E0, s20, $0x2   }
.Ltmp6:
0xef: {  	_ = 	snop;
	(pc) =	sbr.rel @p1 .LBB2_11-.Ltmp6, $4  }
.Ltmp7:
0xf0: {  	_ = 	snop;
	(pc) =	sbr.rel @!p1 .LBB2_10-.Ltmp7, $4  }
0xf1: {  	_ =	swait.ge [sflag:s19], $0x4E0  }
0xf2: {  	[sflag:s19] =	ssyncset.done $0x0  }
0xf3: {  	s9 =	rddreg [dreg:$0xc];
	[sflag:s19] =	ssyncadd.s32 $0xFFFFFB20  }
0xf4: {  	_ = 	snop  }
.LBB2_8:
0xf5: {  	s10 =	rddreg [dreg:$0x9];
	s12 =	simm.s32 $0x10  }
0xf6: {  	[hbm:s10@s12], [sflag:s8] =	dma.strided [spmem:s9@s21], $0x4E0, s20, $0x2   }
.Ltmp8:
0xf7: {  	_ = 	snop;
	(pc) =	sbr.rel @p2 .LBB2_10-.Ltmp8, $4  }
.Ltmp9:
0xf8: {  	_ = 	snop;
	(pc) =	sbr.rel @!p2 .LBB2_11-.Ltmp9, $4  }
0xf9: {  	_ =	swait.ge [sflag:s19], $0x4E0  }
0xfa: {  	[sflag:s19] =	ssyncset.done $0x0  }
0xfb: {  	s9 =	rddreg [dreg:$0xa];
	[sflag:s19] =	ssyncadd.s32 $0xFFFFFB20  }
0xfc: {  	_ = 	snop  }
.LBB2_12:
0xfd: {  	_ =	sfence.sel $0x180000  }
0xfe: {  	[bflag:$0x0] =	sbarrier.arrive $0xFFFF  }
0xff: {  	_ =	strace $0x90000047  }
0x100: {  	s0 =	stileid.u32;
	[bflag:$0x2] =	sbarrier.arrive $0xFFFF  }
0x101: {  	p0 =	sne.s32 s0, $0x0;
	s0 =	rddreg [dreg:$0x2]  }
0x102: {  	s0 =	sadd.s32 @!p0 $0x100000, s0  }
0x103: {  	[sflag:s0] =	ssyncadd.tile.s32 @!p0 $0x1;
	_ =	shalt  }
.Lfunc_end2:
_tile_overlayer_lowered:
.L_overlay_start_2:
0x104: {  	(tag) =	ssettag $0x2  }
0x105: {  	s0 =	rddreg [dreg:$0x0];
	s2 =	stileid.u32  }
0x106: {  	s1 =	rddreg [dreg:$0x1];
	p0 =	sne.s32 s2, $0x0  }
0x107: {  	s3 =	rddreg [dreg:$0x2];
	[bflag:$0x3] =	sbarrier.arrive $0xFFFF;
	s2 =	simm.s32 @!p0 $0x1C0B  }
0x108: {  	[timem:s3], [sflag:s2] =	dma.local @!p0 [hbm:s0], s1  }
0x109: {  	s0 =	simm.s32 @!p0 $0xB  }
0x10a: {  	_ =	swait.ge @!p0 [sflag:s0], s1  }
0x10b: {  	s1 =	ssub.s32 @!p0 $0x0, s1;
	[sflag:s0] =	ssyncset.done @!p0 $0x0  }
0x10c: {  	[sflag:s0] =	ssyncadd.s32 @!p0 s1  }
0x10d: {  	[bflag:$0x3] =	sbarrier.arrive $0xFFFF  }
0x10e: {  	_ =	shalt  }

</sc_bundles>
